<compile_context>
chip_gen: v7x
topology: tpu7x:2x2x1
jax: 0.10.2.dev20260603
libtpu: 0.0.44.dev20260713+nightly
codegen_flags: <defaults>
</compile_context>

<pallas_src>
import functools

import jax
import jax.numpy as jnp
from jax import lax
from jax.experimental import pallas as pl
from jax.experimental.pallas import tpu as pltpu
from jax.experimental.pallas import tpu_sc as plsc

N = 10000
E = 320000
D = 128
H = 128
C = 64
L = 4
EPS = 1e-5

NC = 2
NS = 16
NW = NC * NS

K = 128
CH = -(-E // (NW * K))
EPT = CH * K
E_PAD = NW * EPT

RPT = 632
N_PAD = NS * RPT

_sc_mesh = plsc.VectorSubcoreMesh(core_axis_name="c", subcore_axis_name="s")



@functools.partial(
    pl.kernel,
    out_type=jax.ShapeDtypeStruct((NC, N_PAD, H), jnp.float32),
    mesh=_sc_mesh,
    scratch_types=[
        pltpu.VMEM((CH + 2, K), jnp.int32),
        pltpu.VMEM((K, H), jnp.float32),
        pltpu.VMEM_SHARED((N_PAD, H), jnp.float32),
    ],
)
def _deg_kernel(idx_hbm, out_hbm, idx_v, rows_v, acc):
    c = lax.axis_index("c")
    s = lax.axis_index("s")
    wid = s * NC + c

    @pl.loop(0, K)
    def _(j):
        for l in range(H // 16):
            rows_v[j, pl.ds(l * 16, 16)] = jnp.zeros((16,), jnp.float32)

    base = s * RPT
    for r in range(RPT // K):
        pltpu.sync_copy(rows_v, acc.at[pl.ds(base + r * K, K)])
    rem = RPT % K
    if rem:
        pltpu.sync_copy(rows_v.at[pl.ds(0, rem)],
                        acc.at[pl.ds(base + (RPT // K) * K, rem)])

    @pl.loop(0, K)
    def _(j):
        for l in range(H // 16):
            rows_v[j, pl.ds(l * 16, 16)] = jnp.full((16,), 1.0, jnp.float32)

    plsc.subcore_barrier()
    pltpu.sync_copy(idx_hbm.at[wid], idx_v.at[pl.ds(0, CH)])

    @pl.loop(0, CH)
    def _(ch):
        pltpu.sync_copy(rows_v, acc.at[idx_v.at[ch]], add=True)

    plsc.subcore_barrier()
    pltpu.sync_copy(acc.at[pl.ds(base, RPT)], out_hbm.at[c, pl.ds(base, RPT)])


K3 = 256
CH3 = 40
EPT3 = CH3 * K3
E_PAD3 = NW * EPT3


@functools.partial(
    pl.kernel,
    out_type=jax.ShapeDtypeStruct((NC, N_PAD, H), jnp.float32),
    mesh=_sc_mesh,
    scratch_types=[
        pltpu.VMEM((CH3 + 2, K3), jnp.int32),
        pltpu.VMEM((K3,), jnp.int32),
        pltpu.VMEM((K3,), jnp.int32),
        pltpu.VMEM((K3, H), jnp.float32),
        pltpu.VMEM_SHARED((N_PAD, H), jnp.float32),
        pltpu.SemaphoreType.DMA,
    ],
)
def _mp_kernel(h_hbm, edge_hbm, out_hbm, pk_v, sidx_v, dstb_v, rows_v,
               acc, sem0):
    c = lax.axis_index("c")
    s = lax.axis_index("s")
    wid = s * NC + c

    @pl.loop(0, K3)
    def _(j):
        for l in range(H // 16):
            rows_v[j, pl.ds(l * 16, 16)] = jnp.zeros((16,), jnp.float32)

    base = s * RPT
    for r in range(RPT // K3):
        pltpu.sync_copy(rows_v, acc.at[pl.ds(base + r * K3, K3)])
    rem = RPT % K3
    if rem:
        pltpu.sync_copy(rows_v.at[pl.ds(0, rem)],
                        acc.at[pl.ds(base + (RPT // K3) * K3, rem)])
    plsc.subcore_barrier()

    pltpu.sync_copy(edge_hbm.at[wid], pk_v.at[pl.ds(0, CH3)])

    @pl.loop(0, CH3)
    def _(ch):
        for l in range(K3 // 16):
            v = pk_v[ch, pl.ds(l * 16, 16)]
            sidx_v[pl.ds(l * 16, 16)] = jnp.bitwise_and(v, 0xFFFF)
            dstb_v[pl.ds(l * 16, 16)] = lax.shift_right_logical(v, 16)
        pltpu.async_copy(h_hbm.at[sidx_v], rows_v, sem0).wait()
        pltpu.sync_copy(rows_v, acc.at[dstb_v], add=True)

    plsc.subcore_barrier()
    pltpu.sync_copy(acc.at[pl.ds(base, RPT)], out_hbm.at[c, pl.ds(base, RPT)])



def _prep_body(x_ref, dego_ref, degi_ref, xs_ref, nin_ref, nout_ref):
    deg_out = dego_ref[0, 0:N, 0:1] + dego_ref[1, 0:N, 0:1]
    deg_in = degi_ref[0, 0:N, 0:1] + degi_ref[1, 0:N, 0:1]
    n_out = lax.rsqrt(jnp.maximum(deg_out, 1.0))
    n_in = lax.rsqrt(jnp.maximum(deg_in, 1.0))
    nout_ref[...] = n_out
    nin_ref[...] = n_in
    xs_ref[...] = x_ref[...] * n_out


def _layer_common(mp_ref, nin_ref, w_ref, b_ref, g_ref, be_ref, hprev_ref):
    m = (mp_ref[0, 0:N, :] + mp_ref[1, 0:N, :]) * nin_ref[...]
    y = jnp.dot(m, w_ref[...], preferred_element_type=jnp.float32) + b_ref[...]
    mean = jnp.mean(y, axis=0, keepdims=True)
    d = y - mean
    var = jnp.mean(d * d, axis=0, keepdims=True)
    hn = d * lax.rsqrt(var + EPS) * g_ref[...] + be_ref[...]
    if hprev_ref is not None:
        hn = hn + hprev_ref[...]
    return jnp.maximum(hn, 0.0)


def _layer0_body(mp_ref, nin_ref, nout_ref, w_ref, b_ref, g_ref, be_ref,
                 h_ref, hs_ref):
    h = _layer_common(mp_ref, nin_ref, w_ref, b_ref, g_ref, be_ref, None)
    h_ref[...] = h
    hs_ref[...] = h * nout_ref[...]


def _layer_body(mp_ref, nin_ref, nout_ref, w_ref, b_ref, g_ref, be_ref,
                hprev_ref, h_ref, hs_ref):
    h = _layer_common(mp_ref, nin_ref, w_ref, b_ref, g_ref, be_ref, hprev_ref)
    h_ref[...] = h
    hs_ref[...] = h * nout_ref[...]


def _final_body(mp_ref, nin_ref, w_ref, b_ref, g_ref, be_ref, hprev_ref,
                wfc_ref, bfc_ref, out_ref):
    h = _layer_common(mp_ref, nin_ref, w_ref, b_ref, g_ref, be_ref, hprev_ref)
    out_ref[...] = (jnp.dot(h, wfc_ref[...], preferred_element_type=jnp.float32)
                    + bfc_ref[...])


_prep_call = pl.pallas_call(
    _prep_body,
    out_shape=(jax.ShapeDtypeStruct((N, H), jnp.float32),
               jax.ShapeDtypeStruct((N, 1), jnp.float32),
               jax.ShapeDtypeStruct((N, 1), jnp.float32)),
)

_layer0_call = pl.pallas_call(
    _layer0_body,
    out_shape=(jax.ShapeDtypeStruct((N, H), jnp.float32),
               jax.ShapeDtypeStruct((N, H), jnp.float32)),
)

_layer_call = pl.pallas_call(
    _layer_body,
    out_shape=(jax.ShapeDtypeStruct((N, H), jnp.float32),
               jax.ShapeDtypeStruct((N, H), jnp.float32)),
)

_final_call = pl.pallas_call(
    _final_body,
    out_shape=jax.ShapeDtypeStruct((N, C), jnp.float32),
)



def kernel(x, edge_index, W, b, gamma, beta, Wfc, bfc):
    src = edge_index[0]
    dst = edge_index[1]
    pad = E_PAD - E
    spread = (jnp.arange(pad, dtype=jnp.int32) % 16)
    src_deg = jnp.concatenate([src, N + spread]).reshape(NW, CH, K)
    dst_pad = jnp.concatenate([dst, N + spread])
    dst_p = dst_pad.reshape(NW, CH, K)
    pad3 = E_PAD3 - E
    spread3 = (jnp.arange(pad3, dtype=jnp.int32) % 16)
    src_pad3 = jnp.concatenate([src, spread3])
    dst_pad3 = jnp.concatenate([dst, N + spread3])
    edges_mp = jnp.bitwise_or(src_pad3,
                              jnp.left_shift(dst_pad3, 16)).reshape(
                                  NW, CH3, K3)

    deg_o = _deg_kernel(src_deg)
    deg_i = _deg_kernel(dst_p)
    xs, n_in, n_out = _prep_call(x, deg_o, deg_i)

    b2 = b.reshape(L, 1, H)
    g2 = gamma.reshape(L, 1, H)
    be2 = beta.reshape(L, 1, H)
    bfc2 = bfc.reshape(1, C)

    h = None
    hs = xs
    for i in range(L):
        mp = _mp_kernel(hs, edges_mp)
        if i == 0:
            h, hs = _layer0_call(mp, n_in, n_out, W[i], b2[i], g2[i], be2[i])
        elif i < L - 1:
            h, hs = _layer_call(mp, n_in, n_out, W[i], b2[i], g2[i], be2[i], h)
        else:
            out = _final_call(mp, n_in, W[i], b2[i], g2[i], be2[i], h,
                              Wfc, bfc2)
    return out

# --- scband reference (transcript-rebuilt; emitter-appended) ---
"""Pipeline reference for scband-res-gcn-19009525252200 (READ-ONLY COPY).

The authoritative reference and input builder live on the scoring server;
editing this copy changes nothing except your own understanding.
"""

import jax, jax.numpy as jnp
import numpy as np

N = 10000
E = 320000
D = 128
H = 128
C = 64
L = 4
EPS = 1e-5


def setup_inputs(seed: int = 0) -> dict:
    key = jax.random.key(seed)
    ks = jax.random.split(key, 10)
    x = jax.random.normal(ks[0], (N, D), dtype=jnp.float32)
    edge_index = jax.random.randint(ks[1], (2, E), 0, N, dtype=jnp.int32)
    # stacked GraphConv weights/biases (layer 0 is D->H with D==H, layers 1..3 H->H)
    W = jax.random.normal(ks[2], (L, H, H), dtype=jnp.float32) * (1.0 / np.sqrt(H))
    b = jax.random.normal(ks[3], (L, H), dtype=jnp.float32) * 0.01
    # BatchNorm affine params
    gamma = 1.0 + 0.1 * jax.random.normal(ks[4], (L, H), dtype=jnp.float32)
    beta = 0.1 * jax.random.normal(ks[5], (L, H), dtype=jnp.float32)
    Wfc = jax.random.normal(ks[6], (H, C), dtype=jnp.float32) * (1.0 / np.sqrt(H))
    bfc = jax.random.normal(ks[7], (C,), dtype=jnp.float32) * 0.01
    return {"x": x, "edge_index": edge_index, "W": W, "b": b,
            "gamma": gamma, "beta": beta, "Wfc": Wfc, "bfc": bfc}


def reference(x, edge_index, W, b, gamma, beta, Wfc, bfc):
    src = edge_index[0]
    dst = edge_index[1]
    ones = jnp.ones((E,), dtype=jnp.float32)
    # DGL GraphConv norm='both': out-degree of src nodes, in-degree of dst nodes, clamped min 1
    deg_out = jnp.zeros((N,), dtype=jnp.float32).at[src].add(ones)
    deg_in = jnp.zeros((N,), dtype=jnp.float32).at[dst].add(ones)
    norm_out = jnp.power(jnp.clip(deg_out, 1.0, None), -0.5)
    norm_in = jnp.power(jnp.clip(deg_in, 1.0, None), -0.5)
    h = x
    for i in range(L):
        hn = h * norm_out[:, None]
        # message passing: gather from src, scatter-add into dst
        m = jax.ops.segment_sum(hn[src], dst, num_segments=N)
        m = m * norm_in[:, None]
        hn = m @ W[i] + b[i]
        # BatchNorm1d with batch statistics (train-mode stats, biased variance)
        mean = jnp.mean(hn, axis=0)
        var = jnp.var(hn, axis=0)
        hn = (hn - mean) / jnp.sqrt(var + EPS) * gamma[i] + beta[i]
        if i > 0:
            hn = hn + h
        h = jax.nn.relu(hn)
        # dropout: identity (eval / deterministic reference)
    out = h @ Wfc + bfc
    return out

if __name__ == "__main__":
    import jax
    _d = setup_inputs()
    print(jax.jit(kernel)(*tuple(_d.values())))

</pallas_src>

<mosaic_0001>
#map = affine_map<(d0, d1) -> (0, 0)>
#map1 = affine_map<(d0, d1) -> (0, 0, 0)>
module attributes {stable_mosaic.version = 14 : i64} {
  func.func @_mp_kernel(%arg0: i32, %arg1: i32, %arg2: memref<10000x128xf32, #tpu.memory_space<hbm>>, %arg3: memref<32x40x256xi32, #tpu.memory_space<hbm>>, %arg4: memref<2x10112x128xf32, #tpu.memory_space<hbm>>, %arg5: memref<42x256xi32, #tpu.memory_space<vmem>>, %arg6: memref<256xi32, #tpu.memory_space<vmem>>, %arg7: memref<256xi32, #tpu.memory_space<vmem>>, %arg8: memref<256x128xf32, #tpu.memory_space<vmem>>, %arg9: memref<10112x128xf32, #tpu.memory_space<vmem_shared>>, %arg10: memref<!tpu.dma_semaphore, #tpu.memory_space<semaphore_mem>>) attributes {dimension_semantics = [#tpu.dimension_semantics<core_parallel>, #tpu.dimension_semantics<subcore_parallel>], iteration_bounds = array<i64: 2, 16>, scalar_prefetch = 0 : i64, scratch_operands = 6 : i64, tpu.core_type = #tpu.core_type<sc_vector_subcore>, window_params = [{transform_indices = #map}, {transform_indices = #map1}, {transform_indices = #map1}]} {
    %mul3A = arith.constant 2 : i32
    %mul3A_0 = arith.muli %arg1, %mul3A : i32
    %add3A = arith.addi %mul3A_0, %arg0 : i32
    %scan3A = arith.constant 0 : i32
    %scan3A_1 = arith.constant 256 : i32
    %scan3A_2 = arith.addi %scan3A, %scan3A_1 : i32
    %scan3A_3 = arith.constant 1 : i32
    scf.for %scan3A_19 = %scan3A to %scan3A_2 step %scan3A_3  : i32 {
      %mul3A_20 = arith.constant 1 : i32
      %mul3A_21 = arith.muli %scan3A_19, %mul3A_20 : i32
      %add3A_22 = arith.constant 0 : i32
      %add3A_23 = arith.addi %add3A_22, %mul3A_21 : i32
      %broadcast_in_dim3A = arith.constant 0.000000e+00 : f32
      %broadcast_in_dim3A_24 = vector.broadcast %broadcast_in_dim3A : f32 to vector<16xf32>
      %swap3A = arith.index_cast %add3A_23 : i32 to index
      %swap3A_25 = arith.constant 0 : index
      %swap3A_26 = tpu.vector_load %arg8[%swap3A, %swap3A_25] {strides = array<i32>} : memref<256x128xf32, #tpu.memory_space<vmem>>, vector<1x16xf32>,
      %swap3A_27 = vector.shape_cast %swap3A_26 : vector<1x16xf32> to vector<16xf32>
      %swap3A_28 = vector.shape_cast %broadcast_in_dim3A_24 : vector<16xf32> to vector<1x16xf32>
      tpu.vector_store %arg8[%swap3A, %swap3A_25], %swap3A_28 {strides = array<i32>} : memref<256x128xf32, #tpu.memory_space<vmem>>, vector<1x16xf32>,
      %broadcast_in_dim3A_29 = arith.constant 0.000000e+00 : f32
      %broadcast_in_dim3A_30 = vector.broadcast %broadcast_in_dim3A_29 : f32 to vector<16xf32>
      %swap3A_31 = arith.index_cast %add3A_23 : i32 to index
      %swap3A_32 = arith.constant 16 : index
      %swap3A_33 = tpu.vector_load %arg8[%swap3A_31, %swap3A_32] {strides = array<i32>} : memref<256x128xf32, #tpu.memory_space<vmem>>, vector<1x16xf32>,
      %swap3A_34 = vector.shape_cast %swap3A_33 : vector<1x16xf32> to vector<16xf32>
      %swap3A_35 = vector.shape_cast %broadcast_in_dim3A_30 : vector<16xf32> to vector<1x16xf32>
      tpu.vector_store %arg8[%swap3A_31, %swap3A_32], %swap3A_35 {strides = array<i32>} : memref<256x128xf32, #tpu.memory_space<vmem>>, vector<1x16xf32>,
      %broadcast_in_dim3A_36 = arith.constant 0.000000e+00 : f32
      %broadcast_in_dim3A_37 = vector.broadcast %broadcast_in_dim3A_36 : f32 to vector<16xf32>
      %swap3A_38 = arith.index_cast %add3A_23 : i32 to index
      %swap3A_39 = arith.constant 32 : index
      %swap3A_40 = tpu.vector_load %arg8[%swap3A_38, %swap3A_39] {strides = array<i32>} : memref<256x128xf32, #tpu.memory_space<vmem>>, vector<1x16xf32>,
      %swap3A_41 = vector.shape_cast %swap3A_40 : vector<1x16xf32> to vector<16xf32>
      %swap3A_42 = vector.shape_cast %broadcast_in_dim3A_37 : vector<16xf32> to vector<1x16xf32>
      tpu.vector_store %arg8[%swap3A_38, %swap3A_39], %swap3A_42 {strides = array<i32>} : memref<256x128xf32, #tpu.memory_space<vmem>>, vector<1x16xf32>,
      %broadcast_in_dim3A_43 = arith.constant 0.000000e+00 : f32
      %broadcast_in_dim3A_44 = vector.broadcast %broadcast_in_dim3A_43 : f32 to vector<16xf32>
      %swap3A_45 = arith.index_cast %add3A_23 : i32 to index
      %swap3A_46 = arith.constant 48 : index
      %swap3A_47 = tpu.vector_load %arg8[%swap3A_45, %swap3A_46] {strides = array<i32>} : memref<256x128xf32, #tpu.memory_space<vmem>>, vector<1x16xf32>,
      %swap3A_48 = vector.shape_cast %swap3A_47 : vector<1x16xf32> to vector<16xf32>
      %swap3A_49 = vector.shape_cast %broadcast_in_dim3A_44 : vector<16xf32> to vector<1x16xf32>
      tpu.vector_store %arg8[%swap3A_45, %swap3A_46], %swap3A_49 {strides = array<i32>} : memref<256x128xf32, #tpu.memory_space<vmem>>, vector<1x16xf32>,
      %broadcast_in_dim3A_50 = arith.constant 0.000000e+00 : f32
      %broadcast_in_dim3A_51 = vector.broadcast %broadcast_in_dim3A_50 : f32 to vector<16xf32>
      %swap3A_52 = arith.index_cast %add3A_23 : i32 to index
      %swap3A_53 = arith.constant 64 : index
      %swap3A_54 = tpu.vector_load %arg8[%swap3A_52, %swap3A_53] {strides = array<i32>} : memref<256x128xf32, #tpu.memory_space<vmem>>, vector<1x16xf32>,
      %swap3A_55 = vector.shape_cast %swap3A_54 : vector<1x16xf32> to vector<16xf32>
      %swap3A_56 = vector.shape_cast %broadcast_in_dim3A_51 : vector<16xf32> to vector<1x16xf32>
      tpu.vector_store %arg8[%swap3A_52, %swap3A_53], %swap3A_56 {strides = array<i32>} : memref<256x128xf32, #tpu.memory_space<vmem>>, vector<1x16xf32>,
      %broadcast_in_dim3A_57 = arith.constant 0.000000e+00 : f32
      %broadcast_in_dim3A_58 = vector.broadcast %broadcast_in_dim3A_57 : f32 to vector<16xf32>
      %swap3A_59 = arith.index_cast %add3A_23 : i32 to index
      %swap3A_60 = arith.constant 80 : index
      %swap3A_61 = tpu.vector_load %arg8[%swap3A_59, %swap3A_60] {strides = array<i32>} : memref<256x128xf32, #tpu.memory_space<vmem>>, vector<1x16xf32>,
      %swap3A_62 = vector.shape_cast %swap3A_61 : vector<1x16xf32> to vector<16xf32>
      %swap3A_63 = vector.shape_cast %broadcast_in_dim3A_58 : vector<16xf32> to vector<1x16xf32>
      tpu.vector_store %arg8[%swap3A_59, %swap3A_60], %swap3A_63 {strides = array<i32>} : memref<256x128xf32, #tpu.memory_space<vmem>>, vector<1x16xf32>,
      %broadcast_in_dim3A_64 = arith.constant 0.000000e+00 : f32
      %broadcast_in_dim3A_65 = vector.broadcast %broadcast_in_dim3A_64 : f32 to vector<16xf32>
      %swap3A_66 = arith.index_cast %add3A_23 : i32 to index
      %swap3A_67 = arith.constant 96 : index
      %swap3A_68 = tpu.vector_load %arg8[%swap3A_66, %swap3A_67] {strides = array<i32>} : memref<256x128xf32, #tpu.memory_space<vmem>>, vector<1x16xf32>,
      %swap3A_69 = vector.shape_cast %swap3A_68 : vector<1x16xf32> to vector<16xf32>
      %swap3A_70 = vector.shape_cast %broadcast_in_dim3A_65 : vector<16xf32> to vector<1x16xf32>
      tpu.vector_store %arg8[%swap3A_66, %swap3A_67], %swap3A_70 {strides = array<i32>} : memref<256x128xf32, #tpu.memory_space<vmem>>, vector<1x16xf32>,
      %broadcast_in_dim3A_71 = arith.constant 0.000000e+00 : f32
      %broadcast_in_dim3A_72 = vector.broadcast %broadcast_in_dim3A_71 : f32 to vector<16xf32>
      %swap3A_73 = arith.index_cast %add3A_23 : i32 to index
      %swap3A_74 = arith.constant 112 : index
      %swap3A_75 = tpu.vector_load %arg8[%swap3A_73, %swap3A_74] {strides = array<i32>} : memref<256x128xf32, #tpu.memory_space<vmem>>, vector<1x16xf32>,
      %swap3A_76 = vector.shape_cast %swap3A_75 : vector<1x16xf32> to vector<16xf32>
      %swap3A_77 = vector.shape_cast %broadcast_in_dim3A_72 : vector<16xf32> to vector<1x16xf32>
      tpu.vector_store %arg8[%swap3A_73, %swap3A_74], %swap3A_77 {strides = array<i32>} : memref<256x128xf32, #tpu.memory_space<vmem>>, vector<1x16xf32>,
    }
    %scan3A_4 = arith.constant 256 : i32
    %mul3A_5 = arith.constant 632 : i32
    %mul3A_6 = arith.muli %arg1, %mul3A_5 : i32
    %add3A_7 = arith.constant 0 : i32
    %add3A_8 = arith.addi %mul3A_6, %add3A_7 : i32
    "tpu.region"() ({
      %run_scoped3A = tpu.sem_alloc : memref<!tpu.dma_semaphore, #tpu.memory_space<semaphore_mem>>
      %dma_start3A = arith.constant 0 : i32
      %dma_start3A_19 = tpu.memref_slice %arg9[%add3A_8, %dma_start3A] : memref<10112x128xf32, #tpu.memory_space<vmem_shared>> -> memref<256x128xf32, #tpu.memory_space<vmem_shared>>
      %dma_start3A_20 = arith.constant 0 : i32
      %dma_start3A_21 = tpu.memref_slice %arg9[%add3A_8, %dma_start3A_20] : memref<10112x128xf32, #tpu.memory_space<vmem_shared>> -> memref<256x128xf32, #tpu.memory_space<vmem_shared>>
      tpu.enqueue_dma source(%arg8 : memref<256x128xf32, #tpu.memory_space<vmem>>) target(%dma_start3A_21 : memref<256x128xf32, #tpu.memory_space<vmem_shared>>) target_semaphore(%run_scoped3A : memref<!tpu.dma_semaphore, #tpu.memory_space<semaphore_mem>>)
      %dma_wait3A = arith.constant 0 : i32
      %dma_wait3A_22 = tpu.memref_slice %arg9[%add3A_8, %dma_wait3A] : memref<10112x128xf32, #tpu.memory_space<vmem_shared>> -> memref<256x128xf32, #tpu.memory_space<vmem_shared>>
      %dma_wait3A_23 = arith.constant 0 : i32
      %dma_wait3A_24 = tpu.memref_slice %arg9[%add3A_8, %dma_wait3A_23] : memref<10112x128xf32, #tpu.memory_space<vmem_shared>> -> memref<256x128xf32, #tpu.memory_space<vmem_shared>>
      tpu.wait_dma2 semaphore(%run_scoped3A : memref<!tpu.dma_semaphore, #tpu.memory_space<semaphore_mem>>) src(%arg8 : memref<256x128xf32, #tpu.memory_space<vmem>>) dst(%dma_wait3A_24 : memref<256x128xf32, #tpu.memory_space<vmem_shared>>)
      tpu.yield
    }) : () -> ()
    %add3A_9 = arith.constant 256 : i32
    %add3A_10 = arith.addi %mul3A_6, %add3A_9 : i32
    "tpu.region"() ({
      %run_scoped3A = tpu.sem_alloc : memref<!tpu.dma_semaphore, #tpu.memory_space<semaphore_mem>>
      %dma_start3A = arith.constant 0 : i32
      %dma_start3A_19 = tpu.memref_slice %arg9[%add3A_10, %dma_start3A] : memref<10112x128xf32, #tpu.memory_space<vmem_shared>> -> memref<256x128xf32, #tpu.memory_space<vmem_shared>>
      %dma_start3A_20 = arith.constant 0 : i32
      %dma_start3A_21 = tpu.memref_slice %arg9[%add3A_10, %dma_start3A_20] : memref<10112x128xf32, #tpu.memory_space<vmem_shared>> -> memref<256x128xf32, #tpu.memory_space<vmem_shared>>
      tpu.enqueue_dma source(%arg8 : memref<256x128xf32, #tpu.memory_space<vmem>>) target(%dma_start3A_21 : memref<256x128xf32, #tpu.memory_space<vmem_shared>>) target_semaphore(%run_scoped3A : memref<!tpu.dma_semaphore, #tpu.memory_space<semaphore_mem>>)
      %dma_wait3A = arith.constant 0 : i32
      %dma_wait3A_22 = tpu.memref_slice %arg9[%add3A_10, %dma_wait3A] : memref<10112x128xf32, #tpu.memory_space<vmem_shared>> -> memref<256x128xf32, #tpu.memory_space<vmem_shared>>
      %dma_wait3A_23 = arith.constant 0 : i32
      %dma_wait3A_24 = tpu.memref_slice %arg9[%add3A_10, %dma_wait3A_23] : memref<10112x128xf32, #tpu.memory_space<vmem_shared>> -> memref<256x128xf32, #tpu.memory_space<vmem_shared>>
      tpu.wait_dma2 semaphore(%run_scoped3A : memref<!tpu.dma_semaphore, #tpu.memory_space<semaphore_mem>>) src(%arg8 : memref<256x128xf32, #tpu.memory_space<vmem>>) dst(%dma_wait3A_24 : memref<256x128xf32, #tpu.memory_space<vmem_shared>>)
      tpu.yield
    }) : () -> ()
    %add3A_11 = arith.constant 512 : i32
    %add3A_12 = arith.addi %mul3A_6, %add3A_11 : i32
    "tpu.region"() ({
      %run_scoped3A = tpu.sem_alloc : memref<!tpu.dma_semaphore, #tpu.memory_space<semaphore_mem>>
      %dma_start3A = arith.constant 0 : i32
      %dma_start3A_19 = arith.constant 0 : i32
      %dma_start3A_20 = tpu.memref_slice %arg8[%dma_start3A, %dma_start3A_19] : memref<256x128xf32, #tpu.memory_space<vmem>> -> memref<120x128xf32, #tpu.memory_space<vmem>>
      %dma_start3A_21 = arith.constant 0 : i32
      %dma_start3A_22 = tpu.memref_slice %arg9[%add3A_12, %dma_start3A_21] : memref<10112x128xf32, #tpu.memory_space<vmem_shared>> -> memref<120x128xf32, #tpu.memory_space<vmem_shared>>
      %dma_start3A_23 = arith.constant 0 : i32
      %dma_start3A_24 = tpu.memref_slice %arg9[%add3A_12, %dma_start3A_23] : memref<10112x128xf32, #tpu.memory_space<vmem_shared>> -> memref<120x128xf32, #tpu.memory_space<vmem_shared>>
      %dma_start3A_25 = arith.constant 0 : i32
      %dma_start3A_26 = arith.constant 0 : i32
      %dma_start3A_27 = tpu.memref_slice %arg8[%dma_start3A_25, %dma_start3A_26] : memref<256x128xf32, #tpu.memory_space<vmem>> -> memref<120x128xf32, #tpu.memory_space<vmem>>
      tpu.enqueue_dma source(%dma_start3A_27 : memref<120x128xf32, #tpu.memory_space<vmem>>) target(%dma_start3A_24 : memref<120x128xf32, #tpu.memory_space<vmem_shared>>) target_semaphore(%run_scoped3A : memref<!tpu.dma_semaphore, #tpu.memory_space<semaphore_mem>>)
      %dma_wait3A = arith.constant 0 : i32
      %dma_wait3A_28 = arith.constant 0 : i32
      %dma_wait3A_29 = tpu.memref_slice %arg8[%dma_wait3A, %dma_wait3A_28] : memref<256x128xf32, #tpu.memory_space<vmem>> -> memref<120x128xf32, #tpu.memory_space<vmem>>
      %dma_wait3A_30 = arith.constant 0 : i32
      %dma_wait3A_31 = tpu.memref_slice %arg9[%add3A_12, %dma_wait3A_30] : memref<10112x128xf32, #tpu.memory_space<vmem_shared>> -> memref<120x128xf32, #tpu.memory_space<vmem_shared>>
      %dma_wait3A_32 = arith.constant 0 : i32
      %dma_wait3A_33 = tpu.memref_slice %arg9[%add3A_12, %dma_wait3A_32] : memref<10112x128xf32, #tpu.memory_space<vmem_shared>> -> memref<120x128xf32, #tpu.memory_space<vmem_shared>>
      %dma_wait3A_34 = arith.constant 0 : i32
      %dma_wait3A_35 = arith.constant 0 : i32
      %dma_wait3A_36 = tpu.memref_slice %arg8[%dma_wait3A_34, %dma_wait3A_35] : memref<256x128xf32, #tpu.memory_space<vmem>> -> memref<120x128xf32, #tpu.memory_space<vmem>>
      tpu.wait_dma2 semaphore(%run_scoped3A : memref<!tpu.dma_semaphore, #tpu.memory_space<semaphore_mem>>) src(%dma_wait3A_36 : memref<120x128xf32, #tpu.memory_space<vmem>>) dst(%dma_wait3A_33 : memref<120x128xf32, #tpu.memory_space<vmem_shared>>)
      tpu.yield
    }) : () -> ()
    %barrier3A = arith.constant 0 : index
    tpu.barrier barrier_id(%barrier3A)
    "tpu.region"() ({
      %run_scoped3A = tpu.sem_alloc : memref<!tpu.dma_semaphore, #tpu.memory_space<semaphore_mem>>
      %dma_start3A = arith.constant 0 : i32
      %dma_start3A_19 = arith.constant 0 : i32
      %dma_start3A_20 = tpu.memref_slice %arg5[%dma_start3A, %dma_start3A_19] : memref<42x256xi32, #tpu.memory_space<vmem>> -> memref<40x256xi32, #tpu.memory_space<vmem>>
      %dma_start3A_21 = arith.constant 0 : i32
      %dma_start3A_22 = arith.constant 0 : i32
      %dma_start3A_23 = tpu.memref_slice %arg3[%add3A, %dma_start3A_21, %dma_start3A_22] : memref<32x40x256xi32, #tpu.memory_space<hbm>> -> memref<1x40x256xi32, #tpu.memory_space<hbm>>
      %dma_start3A_24 = tpu.memref_squeeze %dma_start3A_23 : memref<1x40x256xi32, #tpu.memory_space<hbm>> -> memref<40x256xi32, #tpu.memory_space<hbm>>
      %dma_start3A_25 = arith.constant 0 : i32
      %dma_start3A_26 = arith.constant 0 : i32
      %dma_start3A_27 = tpu.memref_slice %arg5[%dma_start3A_25, %dma_start3A_26] : memref<42x256xi32, #tpu.memory_space<vmem>> -> memref<40x256xi32, #tpu.memory_space<vmem>>
      %dma_start3A_28 = arith.constant 0 : i32
      %dma_start3A_29 = arith.constant 0 : i32
      %dma_start3A_30 = tpu.memref_slice %arg3[%add3A, %dma_start3A_28, %dma_start3A_29] : memref<32x40x256xi32, #tpu.memory_space<hbm>> -> memref<1x40x256xi32, #tpu.memory_space<hbm>>
      %dma_start3A_31 = tpu.memref_squeeze %dma_start3A_30 : memref<1x40x256xi32, #tpu.memory_space<hbm>> -> memref<40x256xi32, #tpu.memory_space<hbm>>
      tpu.enqueue_dma source(%dma_start3A_31 : memref<40x256xi32, #tpu.memory_space<hbm>>) target(%dma_start3A_27 : memref<40x256xi32, #tpu.memory_space<vmem>>) target_semaphore(%run_scoped3A : memref<!tpu.dma_semaphore, #tpu.memory_space<semaphore_mem>>)
      %dma_wait3A = arith.constant 0 : i32
      %dma_wait3A_32 = arith.constant 0 : i32
      %dma_wait3A_33 = tpu.memref_slice %arg5[%dma_wait3A, %dma_wait3A_32] : memref<42x256xi32, #tpu.memory_space<vmem>> -> memref<40x256xi32, #tpu.memory_space<vmem>>
      %dma_wait3A_34 = arith.constant 0 : i32
      %dma_wait3A_35 = arith.constant 0 : i32
      %dma_wait3A_36 = tpu.memref_slice %arg3[%add3A, %dma_wait3A_34, %dma_wait3A_35] : memref<32x40x256xi32, #tpu.memory_space<hbm>> -> memref<1x40x256xi32, #tpu.memory_space<hbm>>
      %dma_wait3A_37 = tpu.memref_squeeze %dma_wait3A_36 : memref<1x40x256xi32, #tpu.memory_space<hbm>> -> memref<40x256xi32, #tpu.memory_space<hbm>>
      %dma_wait3A_38 = arith.constant 0 : i32
      %dma_wait3A_39 = arith.constant 0 : i32
      %dma_wait3A_40 = tpu.memref_slice %arg5[%dma_wait3A_38, %dma_wait3A_39] : memref<42x256xi32, #tpu.memory_space<vmem>> -> memref<40x256xi32, #tpu.memory_space<vmem>>
      %dma_wait3A_41 = arith.constant 0 : i32
      %dma_wait3A_42 = arith.constant 0 : i32
      %dma_wait3A_43 = tpu.memref_slice %arg3[%add3A, %dma_wait3A_41, %dma_wait3A_42] : memref<32x40x256xi32, #tpu.memory_space<hbm>> -> memref<1x40x256xi32, #tpu.memory_space<hbm>>
      %dma_wait3A_44 = tpu.memref_squeeze %dma_wait3A_43 : memref<1x40x256xi32, #tpu.memory_space<hbm>> -> memref<40x256xi32, #tpu.memory_space<hbm>>
      tpu.wait_dma2 semaphore(%run_scoped3A : memref<!tpu.dma_semaphore, #tpu.memory_space<semaphore_mem>>) src(%dma_wait3A_44 : memref<40x256xi32, #tpu.memory_space<hbm>>) dst(%dma_wait3A_40 : memref<40x256xi32, #tpu.memory_space<vmem>>)
      tpu.yield
    }) : () -> ()
    %scan3A_13 = arith.constant 0 : i32
    %scan3A_14 = arith.constant 40 : i32
    %scan3A_15 = arith.addi %scan3A_13, %scan3A_14 : i32
    %scan3A_16 = arith.constant 1 : i32
    scf.for %scan3A_19 = %scan3A_13 to %scan3A_15 step %scan3A_16  : i32 {
      %mul3A_20 = arith.constant 1 : i32
      %mul3A_21 = arith.muli %scan3A_19, %mul3A_20 : i32
      %add3A_22 = arith.constant 0 : i32
      %add3A_23 = arith.addi %add3A_22, %mul3A_21 : i32
      %get3A = arith.index_cast %add3A_23 : i32 to index
      %get3A_24 = arith.constant 0 : index
      %get3A_25 = tpu.vector_load %arg5[%get3A, %get3A_24] {strides = array<i32>} : memref<42x256xi32, #tpu.memory_space<vmem>>, vector<1x16xi32>,
      %get3A_26 = vector.shape_cast %get3A_25 : vector<1x16xi32> to vector<16xi32>
      %and3A = arith.constant 65535 : i32
      %and3A_27 = vector.broadcast %and3A : i32 to vector<16xi32>
      %and3A_28 = arith.andi %get3A_26, %and3A_27 : vector<16xi32>
      %swap3A = arith.constant 0 : index
      %swap3A_29 = tpu.vector_load %arg6[%swap3A] {strides = array<i32>} : memref<256xi32, #tpu.memory_space<vmem>>, vector<16xi32>,
      %swap3A_30 = vector.shape_cast %swap3A_29 : vector<16xi32> to vector<16xi32>
      %swap3A_31 = vector.shape_cast %and3A_28 : vector<16xi32> to vector<16xi32>
      tpu.vector_store %arg6[%swap3A], %swap3A_31 {strides = array<i32>} : memref<256xi32, #tpu.memory_space<vmem>>, vector<16xi32>,
      %shift_right_logical3A = arith.constant 16 : i32
      %shift_right_logical3A_32 = vector.broadcast %shift_right_logical3A : i32 to vector<16xi32>
      %shift_right_logical3A_33 = arith.shrui %get3A_26, %shift_right_logical3A_32 : vector<16xi32>
      %swap3A_34 = arith.constant 0 : index
      %swap3A_35 = tpu.vector_load %arg7[%swap3A_34] {strides = array<i32>} : memref<256xi32, #tpu.memory_space<vmem>>, vector<16xi32>,
      %swap3A_36 = vector.shape_cast %swap3A_35 : vector<16xi32> to vector<16xi32>
      %swap3A_37 = vector.shape_cast %shift_right_logical3A_33 : vector<16xi32> to vector<16xi32>
      tpu.vector_store %arg7[%swap3A_34], %swap3A_37 {strides = array<i32>} : memref<256xi32, #tpu.memory_space<vmem>>, vector<16xi32>,
      %get3A_38 = arith.index_cast %add3A_23 : i32 to index
      %get3A_39 = arith.constant 16 : index
      %get3A_40 = tpu.vector_load %arg5[%get3A_38, %get3A_39] {strides = array<i32>} : memref<42x256xi32, #tpu.memory_space<vmem>>, vector<1x16xi32>,
      %get3A_41 = vector.shape_cast %get3A_40 : vector<1x16xi32> to vector<16xi32>
      %and3A_42 = arith.constant 65535 : i32
      %and3A_43 = vector.broadcast %and3A_42 : i32 to vector<16xi32>
      %and3A_44 = arith.andi %get3A_41, %and3A_43 : vector<16xi32>
      %swap3A_45 = arith.constant 16 : index
      %swap3A_46 = tpu.vector_load %arg6[%swap3A_45] {strides = array<i32>} : memref<256xi32, #tpu.memory_space<vmem>>, vector<16xi32>,
      %swap3A_47 = vector.shape_cast %swap3A_46 : vector<16xi32> to vector<16xi32>
      %swap3A_48 = vector.shape_cast %and3A_44 : vector<16xi32> to vector<16xi32>
      tpu.vector_store %arg6[%swap3A_45], %swap3A_48 {strides = array<i32>} : memref<256xi32, #tpu.memory_space<vmem>>, vector<16xi32>,
      %shift_right_logical3A_49 = arith.constant 16 : i32
      %shift_right_logical3A_50 = vector.broadcast %shift_right_logical3A_49 : i32 to vector<16xi32>
      %shift_right_logical3A_51 = arith.shrui %get3A_41, %shift_right_logical3A_50 : vector<16xi32>
      %swap3A_52 = arith.constant 16 : index
      %swap3A_53 = tpu.vector_load %arg7[%swap3A_52] {strides = array<i32>} : memref<256xi32, #tpu.memory_space<vmem>>, vector<16xi32>,
      %swap3A_54 = vector.shape_cast %swap3A_53 : vector<16xi32> to vector<16xi32>
      %swap3A_55 = vector.shape_cast %shift_right_logical3A_51 : vector<16xi32> to vector<16xi32>
      tpu.vector_store %arg7[%swap3A_52], %swap3A_55 {strides = array<i32>} : memref<256xi32, #tpu.memory_space<vmem>>, vector<16xi32>,
      %get3A_56 = arith.index_cast %add3A_23 : i32 to index
      %get3A_57 = arith.constant 32 : index
      %get3A_58 = tpu.vector_load %arg5[%get3A_56, %get3A_57] {strides = array<i32>} : memref<42x256xi32, #tpu.memory_space<vmem>>, vector<1x16xi32>,
      %get3A_59 = vector.shape_cast %get3A_58 : vector<1x16xi32> to vector<16xi32>
      %and3A_60 = arith.constant 65535 : i32
      %and3A_61 = vector.broadcast %and3A_60 : i32 to vector<16xi32>
      %and3A_62 = arith.andi %get3A_59, %and3A_61 : vector<16xi32>
      %swap3A_63 = arith.constant 32 : index
      %swap3A_64 = tpu.vector_load %arg6[%swap3A_63] {strides = array<i32>} : memref<256xi32, #tpu.memory_space<vmem>>, vector<16xi32>,
      %swap3A_65 = vector.shape_cast %swap3A_64 : vector<16xi32> to vector<16xi32>
      %swap3A_66 = vector.shape_cast %and3A_62 : vector<16xi32> to vector<16xi32>
      tpu.vector_store %arg6[%swap3A_63], %swap3A_66 {strides = array<i32>} : memref<256xi32, #tpu.memory_space<vmem>>, vector<16xi32>,
      %shift_right_logical3A_67 = arith.constant 16 : i32
      %shift_right_logical3A_68 = vector.broadcast %shift_right_logical3A_67 : i32 to vector<16xi32>
      %shift_right_logical3A_69 = arith.shrui %get3A_59, %shift_right_logical3A_68 : vector<16xi32>
      %swap3A_70 = arith.constant 32 : index
      %swap3A_71 = tpu.vector_load %arg7[%swap3A_70] {strides = array<i32>} : memref<256xi32, #tpu.memory_space<vmem>>, vector<16xi32>,
      %swap3A_72 = vector.shape_cast %swap3A_71 : vector<16xi32> to vector<16xi32>
      %swap3A_73 = vector.shape_cast %shift_right_logical3A_69 : vector<16xi32> to vector<16xi32>
      tpu.vector_store %arg7[%swap3A_70], %swap3A_73 {strides = array<i32>} : memref<256xi32, #tpu.memory_space<vmem>>, vector<16xi32>,
      %get3A_74 = arith.index_cast %add3A_23 : i32 to index
      %get3A_75 = arith.constant 48 : index
      %get3A_76 = tpu.vector_load %arg5[%get3A_74, %get3A_75] {strides = array<i32>} : memref<42x256xi32, #tpu.memory_space<vmem>>, vector<1x16xi32>,
      %get3A_77 = vector.shape_cast %get3A_76 : vector<1x16xi32> to vector<16xi32>
      %and3A_78 = arith.constant 65535 : i32
      %and3A_79 = vector.broadcast %and3A_78 : i32 to vector<16xi32>
      %and3A_80 = arith.andi %get3A_77, %and3A_79 : vector<16xi32>
      %swap3A_81 = arith.constant 48 : index
      %swap3A_82 = tpu.vector_load %arg6[%swap3A_81] {strides = array<i32>} : memref<256xi32, #tpu.memory_space<vmem>>, vector<16xi32>,
      %swap3A_83 = vector.shape_cast %swap3A_82 : vector<16xi32> to vector<16xi32>
      %swap3A_84 = vector.shape_cast %and3A_80 : vector<16xi32> to vector<16xi32>
      tpu.vector_store %arg6[%swap3A_81], %swap3A_84 {strides = array<i32>} : memref<256xi32, #tpu.memory_space<vmem>>, vector<16xi32>,
      %shift_right_logical3A_85 = arith.constant 16 : i32
      %shift_right_logical3A_86 = vector.broadcast %shift_right_logical3A_85 : i32 to vector<16xi32>
      %shift_right_logical3A_87 = arith.shrui %get3A_77, %shift_right_logical3A_86 : vector<16xi32>
      %swap3A_88 = arith.constant 48 : index
      %swap3A_89 = tpu.vector_load %arg7[%swap3A_88] {strides = array<i32>} : memref<256xi32, #tpu.memory_space<vmem>>, vector<16xi32>,
      %swap3A_90 = vector.shape_cast %swap3A_89 : vector<16xi32> to vector<16xi32>
      %swap3A_91 = vector.shape_cast %shift_right_logical3A_87 : vector<16xi32> to vector<16xi32>
      tpu.vector_store %arg7[%swap3A_88], %swap3A_91 {strides = array<i32>} : memref<256xi32, #tpu.memory_space<vmem>>, vector<16xi32>,
      %get3A_92 = arith.index_cast %add3A_23 : i32 to index
      %get3A_93 = arith.constant 64 : index
      %get3A_94 = tpu.vector_load %arg5[%get3A_92, %get3A_93] {strides = array<i32>} : memref<42x256xi32, #tpu.memory_space<vmem>>, vector<1x16xi32>,
      %get3A_95 = vector.shape_cast %get3A_94 : vector<1x16xi32> to vector<16xi32>
      %and3A_96 = arith.constant 65535 : i32
      %and3A_97 = vector.broadcast %and3A_96 : i32 to vector<16xi32>
      %and3A_98 = arith.andi %get3A_95, %and3A_97 : vector<16xi32>
      %swap3A_99 = arith.constant 64 : index
      %swap3A_100 = tpu.vector_load %arg6[%swap3A_99] {strides = array<i32>} : memref<256xi32, #tpu.memory_space<vmem>>, vector<16xi32>,
      %swap3A_101 = vector.shape_cast %swap3A_100 : vector<16xi32> to vector<16xi32>
      %swap3A_102 = vector.shape_cast %and3A_98 : vector<16xi32> to vector<16xi32>
      tpu.vector_store %arg6[%swap3A_99], %swap3A_102 {strides = array<i32>} : memref<256xi32, #tpu.memory_space<vmem>>, vector<16xi32>,
      %shift_right_logical3A_103 = arith.constant 16 : i32
      %shift_right_logical3A_104 = vector.broadcast %shift_right_logical3A_103 : i32 to vector<16xi32>
      %shift_right_logical3A_105 = arith.shrui %get3A_95, %shift_right_logical3A_104 : vector<16xi32>
      %swap3A_106 = arith.constant 64 : index
      %swap3A_107 = tpu.vector_load %arg7[%swap3A_106] {strides = array<i32>} : memref<256xi32, #tpu.memory_space<vmem>>, vector<16xi32>,
      %swap3A_108 = vector.shape_cast %swap3A_107 : vector<16xi32> to vector<16xi32>
      %swap3A_109 = vector.shape_cast %shift_right_logical3A_105 : vector<16xi32> to vector<16xi32>
      tpu.vector_store %arg7[%swap3A_106], %swap3A_109 {strides = array<i32>} : memref<256xi32, #tpu.memory_space<vmem>>, vector<16xi32>,
      %get3A_110 = arith.index_cast %add3A_23 : i32 to index
      %get3A_111 = arith.constant 80 : index
      %get3A_112 = tpu.vector_load %arg5[%get3A_110, %get3A_111] {strides = array<i32>} : memref<42x256xi32, #tpu.memory_space<vmem>>, vector<1x16xi32>,
      %get3A_113 = vector.shape_cast %get3A_112 : vector<1x16xi32> to vector<16xi32>
      %and3A_114 = arith.constant 65535 : i32
      %and3A_115 = vector.broadcast %and3A_114 : i32 to vector<16xi32>
      %and3A_116 = arith.andi %get3A_113, %and3A_115 : vector<16xi32>
      %swap3A_117 = arith.constant 80 : index
      %swap3A_118 = tpu.vector_load %arg6[%swap3A_117] {strides = array<i32>} : memref<256xi32, #tpu.memory_space<vmem>>, vector<16xi32>,
      %swap3A_119 = vector.shape_cast %swap3A_118 : vector<16xi32> to vector<16xi32>
      %swap3A_120 = vector.shape_cast %and3A_116 : vector<16xi32> to vector<16xi32>
      tpu.vector_store %arg6[%swap3A_117], %swap3A_120 {strides = array<i32>} : memref<256xi32, #tpu.memory_space<vmem>>, vector<16xi32>,
      %shift_right_logical3A_121 = arith.constant 16 : i32
      %shift_right_logical3A_122 = vector.broadcast %shift_right_logical3A_121 : i32 to vector<16xi32>
      %shift_right_logical3A_123 = arith.shrui %get3A_113, %shift_right_logical3A_122 : vector<16xi32>
      %swap3A_124 = arith.constant 80 : index
      %swap3A_125 = tpu.vector_load %arg7[%swap3A_124] {strides = array<i32>} : memref<256xi32, #tpu.memory_space<vmem>>, vector<16xi32>,
      %swap3A_126 = vector.shape_cast %swap3A_125 : vector<16xi32> to vector<16xi32>
      %swap3A_127 = vector.shape_cast %shift_right_logical3A_123 : vector<16xi32> to vector<16xi32>
      tpu.vector_store %arg7[%swap3A_124], %swap3A_127 {strides = array<i32>} : memref<256xi32, #tpu.memory_space<vmem>>, vector<16xi32>,
      %get3A_128 = arith.index_cast %add3A_23 : i32 to index
      %get3A_129 = arith.constant 96 : index
      %get3A_130 = tpu.vector_load %arg5[%get3A_128, %get3A_129] {strides = array<i32>} : memref<42x256xi32, #tpu.memory_space<vmem>>, vector<1x16xi32>,
      %get3A_131 = vector.shape_cast %get3A_130 : vector<1x16xi32> to vector<16xi32>
      %and3A_132 = arith.constant 65535 : i32
      %and3A_133 = vector.broadcast %and3A_132 : i32 to vector<16xi32>
      %and3A_134 = arith.andi %get3A_131, %and3A_133 : vector<16xi32>
      %swap3A_135 = arith.constant 96 : index
      %swap3A_136 = tpu.vector_load %arg6[%swap3A_135] {strides = array<i32>} : memref<256xi32, #tpu.memory_space<vmem>>, vector<16xi32>,
      %swap3A_137 = vector.shape_cast %swap3A_136 : vector<16xi32> to vector<16xi32>
      %swap3A_138 = vector.shape_cast %and3A_134 : vector<16xi32> to vector<16xi32>
      tpu.vector_store %arg6[%swap3A_135], %swap3A_138 {strides = array<i32>} : memref<256xi32, #tpu.memory_space<vmem>>, vector<16xi32>,
      %shift_right_logical3A_139 = arith.constant 16 : i32
      %shift_right_logical3A_140 = vector.broadcast %shift_right_logical3A_139 : i32 to vector<16xi32>
      %shift_right_logical3A_141 = arith.shrui %get3A_131, %shift_right_logical3A_140 : vector<16xi32>
      %swap3A_142 = arith.constant 96 : index
      %swap3A_143 = tpu.vector_load %arg7[%swap3A_142] {strides = array<i32>} : memref<256xi32, #tpu.memory_space<vmem>>, vector<16xi32>,
      %swap3A_144 = vector.shape_cast %swap3A_143 : vector<16xi32> to vector<16xi32>
      %swap3A_145 = vector.shape_cast %shift_right_logical3A_141 : vector<16xi32> to vector<16xi32>
      tpu.vector_store %arg7[%swap3A_142], %swap3A_145 {strides = array<i32>} : memref<256xi32, #tpu.memory_space<vmem>>, vector<16xi32>,
      %get3A_146 = arith.index_cast %add3A_23 : i32 to index
      %get3A_147 = arith.constant 112 : index
      %get3A_148 = tpu.vector_load %arg5[%get3A_146, %get3A_147] {strides = array<i32>} : memref<42x256xi32, #tpu.memory_space<vmem>>, vector<1x16xi32>,
      %get3A_149 = vector.shape_cast %get3A_148 : vector<1x16xi32> to vector<16xi32>
      %and3A_150 = arith.constant 65535 : i32
      %and3A_151 = vector.broadcast %and3A_150 : i32 to vector<16xi32>
      %and3A_152 = arith.andi %get3A_149, %and3A_151 : vector<16xi32>
      %swap3A_153 = arith.constant 112 : index
      %swap3A_154 = tpu.vector_load %arg6[%swap3A_153] {strides = array<i32>} : memref<256xi32, #tpu.memory_space<vmem>>, vector<16xi32>,
      %swap3A_155 = vector.shape_cast %swap3A_154 : vector<16xi32> to vector<16xi32>
      %swap3A_156 = vector.shape_cast %and3A_152 : vector<16xi32> to vector<16xi32>
      tpu.vector_store %arg6[%swap3A_153], %swap3A_156 {strides = array<i32>} : memref<256xi32, #tpu.memory_space<vmem>>, vector<16xi32>,
      %shift_right_logical3A_157 = arith.constant 16 : i32
      %shift_right_logical3A_158 = vector.broadcast %shift_right_logical3A_157 : i32 to vector<16xi32>
      %shift_right_logical3A_159 = arith.shrui %get3A_149, %shift_right_logical3A_158 : vector<16xi32>
      %swap3A_160 = arith.constant 112 : index
      %swap3A_161 = tpu.vector_load %arg7[%swap3A_160] {strides = array<i32>} : memref<256xi32, #tpu.memory_space<vmem>>, vector<16xi32>,
      %swap3A_162 = vector.shape_cast %swap3A_161 : vector<16xi32> to vector<16xi32>
      %swap3A_163 = vector.shape_cast %shift_right_logical3A_159 : vector<16xi32> to vector<16xi32>
      tpu.vector_store %arg7[%swap3A_160], %swap3A_163 {strides = array<i32>} : memref<256xi32, #tpu.memory_space<vmem>>, vector<16xi32>,
      %get3A_164 = arith.index_cast %add3A_23 : i32 to index
      %get3A_165 = arith.constant 128 : index
      %get3A_166 = tpu.vector_load %arg5[%get3A_164, %get3A_165] {strides = array<i32>} : memref<42x256xi32, #tpu.memory_space<vmem>>, vector<1x16xi32>,
      %get3A_167 = vector.shape_cast %get3A_166 : vector<1x16xi32> to vector<16xi32>
      %and3A_168 = arith.constant 65535 : i32
      %and3A_169 = vector.broadcast %and3A_168 : i32 to vector<16xi32>
      %and3A_170 = arith.andi %get3A_167, %and3A_169 : vector<16xi32>
      %swap3A_171 = arith.constant 128 : index
      %swap3A_172 = tpu.vector_load %arg6[%swap3A_171] {strides = array<i32>} : memref<256xi32, #tpu.memory_space<vmem>>, vector<16xi32>,
      %swap3A_173 = vector.shape_cast %swap3A_172 : vector<16xi32> to vector<16xi32>
      %swap3A_174 = vector.shape_cast %and3A_170 : vector<16xi32> to vector<16xi32>
      tpu.vector_store %arg6[%swap3A_171], %swap3A_174 {strides = array<i32>} : memref<256xi32, #tpu.memory_space<vmem>>, vector<16xi32>,
      %shift_right_logical3A_175 = arith.constant 16 : i32
      %shift_right_logical3A_176 = vector.broadcast %shift_right_logical3A_175 : i32 to vector<16xi32>
      %shift_right_logical3A_177 = arith.shrui %get3A_167, %shift_right_logical3A_176 : vector<16xi32>
      %swap3A_178 = arith.constant 128 : index
      %swap3A_179 = tpu.vector_load %arg7[%swap3A_178] {strides = array<i32>} : memref<256xi32, #tpu.memory_space<vmem>>, vector<16xi32>,
      %swap3A_180 = vector.shape_cast %swap3A_179 : vector<16xi32> to vector<16xi32>
      %swap3A_181 = vector.shape_cast %shift_right_logical3A_177 : vector<16xi32> to vector<16xi32>
      tpu.vector_store %arg7[%swap3A_178], %swap3A_181 {strides = array<i32>} : memref<256xi32, #tpu.memory_space<vmem>>, vector<16xi32>,
      %get3A_182 = arith.index_cast %add3A_23 : i32 to index
      %get3A_183 = arith.constant 144 : index
      %get3A_184 = tpu.vector_load %arg5[%get3A_182, %get3A_183] {strides = array<i32>} : memref<42x256xi32, #tpu.memory_space<vmem>>, vector<1x16xi32>,
      %get3A_185 = vector.shape_cast %get3A_184 : vector<1x16xi32> to vector<16xi32>
      %and3A_186 = arith.constant 65535 : i32
      %and3A_187 = vector.broadcast %and3A_186 : i32 to vector<16xi32>
      %and3A_188 = arith.andi %get3A_185, %and3A_187 : vector<16xi32>
      %swap3A_189 = arith.constant 144 : index
      %swap3A_190 = tpu.vector_load %arg6[%swap3A_189] {strides = array<i32>} : memref<256xi32, #tpu.memory_space<vmem>>, vector<16xi32>,
      %swap3A_191 = vector.shape_cast %swap3A_190 : vector<16xi32> to vector<16xi32>
      %swap3A_192 = vector.shape_cast %and3A_188 : vector<16xi32> to vector<16xi32>
      tpu.vector_store %arg6[%swap3A_189], %swap3A_192 {strides = array<i32>} : memref<256xi32, #tpu.memory_space<vmem>>, vector<16xi32>,
      %shift_right_logical3A_193 = arith.constant 16 : i32
      %shift_right_logical3A_194 = vector.broadcast %shift_right_logical3A_193 : i32 to vector<16xi32>
      %shift_right_logical3A_195 = arith.shrui %get3A_185, %shift_right_logical3A_194 : vector<16xi32>
      %swap3A_196 = arith.constant 144 : index
      %swap3A_197 = tpu.vector_load %arg7[%swap3A_196] {strides = array<i32>} : memref<256xi32, #tpu.memory_space<vmem>>, vector<16xi32>,
      %swap3A_198 = vector.shape_cast %swap3A_197 : vector<16xi32> to vector<16xi32>
      %swap3A_199 = vector.shape_cast %shift_right_logical3A_195 : vector<16xi32> to vector<16xi32>
      tpu.vector_store %arg7[%swap3A_196], %swap3A_199 {strides = array<i32>} : memref<256xi32, #tpu.memory_space<vmem>>, vector<16xi32>,
      %get3A_200 = arith.index_cast %add3A_23 : i32 to index
      %get3A_201 = arith.constant 160 : index
      %get3A_202 = tpu.vector_load %arg5[%get3A_200, %get3A_201] {strides = array<i32>} : memref<42x256xi32, #tpu.memory_space<vmem>>, vector<1x16xi32>,
      %get3A_203 = vector.shape_cast %get3A_202 : vector<1x16xi32> to vector<16xi32>
      %and3A_204 = arith.constant 65535 : i32
      %and3A_205 = vector.broadcast %and3A_204 : i32 to vector<16xi32>
      %and3A_206 = arith.andi %get3A_203, %and3A_205 : vector<16xi32>
      %swap3A_207 = arith.constant 160 : index
      %swap3A_208 = tpu.vector_load %arg6[%swap3A_207] {strides = array<i32>} : memref<256xi32, #tpu.memory_space<vmem>>, vector<16xi32>,
      %swap3A_209 = vector.shape_cast %swap3A_208 : vector<16xi32> to vector<16xi32>
      %swap3A_210 = vector.shape_cast %and3A_206 : vector<16xi32> to vector<16xi32>
      tpu.vector_store %arg6[%swap3A_207], %swap3A_210 {strides = array<i32>} : memref<256xi32, #tpu.memory_space<vmem>>, vector<16xi32>,
      %shift_right_logical3A_211 = arith.constant 16 : i32
      %shift_right_logical3A_212 = vector.broadcast %shift_right_logical3A_211 : i32 to vector<16xi32>
      %shift_right_logical3A_213 = arith.shrui %get3A_203, %shift_right_logical3A_212 : vector<16xi32>
      %swap3A_214 = arith.constant 160 : index
      %swap3A_215 = tpu.vector_load %arg7[%swap3A_214] {strides = array<i32>} : memref<256xi32, #tpu.memory_space<vmem>>, vector<16xi32>,
      %swap3A_216 = vector.shape_cast %swap3A_215 : vector<16xi32> to vector<16xi32>
      %swap3A_217 = vector.shape_cast %shift_right_logical3A_213 : vector<16xi32> to vector<16xi32>
      tpu.vector_store %arg7[%swap3A_214], %swap3A_217 {strides = array<i32>} : memref<256xi32, #tpu.memory_space<vmem>>, vector<16xi32>,
      %get3A_218 = arith.index_cast %add3A_23 : i32 to index
      %get3A_219 = arith.constant 176 : index
      %get3A_220 = tpu.vector_load %arg5[%get3A_218, %get3A_219] {strides = array<i32>} : memref<42x256xi32, #tpu.memory_space<vmem>>, vector<1x16xi32>,
      %get3A_221 = vector.shape_cast %get3A_220 : vector<1x16xi32> to vector<16xi32>
      %and3A_222 = arith.constant 65535 : i32
      %and3A_223 = vector.broadcast %and3A_222 : i32 to vector<16xi32>
      %and3A_224 = arith.andi %get3A_221, %and3A_223 : vector<16xi32>
      %swap3A_225 = arith.constant 176 : index
      %swap3A_226 = tpu.vector_load %arg6[%swap3A_225] {strides = array<i32>} : memref<256xi32, #tpu.memory_space<vmem>>, vector<16xi32>,
      %swap3A_227 = vector.shape_cast %swap3A_226 : vector<16xi32> to vector<16xi32>
      %swap3A_228 = vector.shape_cast %and3A_224 : vector<16xi32> to vector<16xi32>
      tpu.vector_store %arg6[%swap3A_225], %swap3A_228 {strides = array<i32>} : memref<256xi32, #tpu.memory_space<vmem>>, vector<16xi32>,
      %shift_right_logical3A_229 = arith.constant 16 : i32
      %shift_right_logical3A_230 = vector.broadcast %shift_right_logical3A_229 : i32 to vector<16xi32>
      %shift_right_logical3A_231 = arith.shrui %get3A_221, %shift_right_logical3A_230 : vector<16xi32>
      %swap3A_232 = arith.constant 176 : index
      %swap3A_233 = tpu.vector_load %arg7[%swap3A_232] {strides = array<i32>} : memref<256xi32, #tpu.memory_space<vmem>>, vector<16xi32>,
      %swap3A_234 = vector.shape_cast %swap3A_233 : vector<16xi32> to vector<16xi32>
      %swap3A_235 = vector.shape_cast %shift_right_logical3A_231 : vector<16xi32> to vector<16xi32>
      tpu.vector_store %arg7[%swap3A_232], %swap3A_235 {strides = array<i32>} : memref<256xi32, #tpu.memory_space<vmem>>, vector<16xi32>,
      %get3A_236 = arith.index_cast %add3A_23 : i32 to index
      %get3A_237 = arith.constant 192 : index
      %get3A_238 = tpu.vector_load %arg5[%get3A_236, %get3A_237] {strides = array<i32>} : memref<42x256xi32, #tpu.memory_space<vmem>>, vector<1x16xi32>,
      %get3A_239 = vector.shape_cast %get3A_238 : vector<1x16xi32> to vector<16xi32>
      %and3A_240 = arith.constant 65535 : i32
      %and3A_241 = vector.broadcast %and3A_240 : i32 to vector<16xi32>
      %and3A_242 = arith.andi %get3A_239, %and3A_241 : vector<16xi32>
      %swap3A_243 = arith.constant 192 : index
      %swap3A_244 = tpu.vector_load %arg6[%swap3A_243] {strides = array<i32>} : memref<256xi32, #tpu.memory_space<vmem>>, vector<16xi32>,
      %swap3A_245 = vector.shape_cast %swap3A_244 : vector<16xi32> to vector<16xi32>
      %swap3A_246 = vector.shape_cast %and3A_242 : vector<16xi32> to vector<16xi32>
      tpu.vector_store %arg6[%swap3A_243], %swap3A_246 {strides = array<i32>} : memref<256xi32, #tpu.memory_space<vmem>>, vector<16xi32>,
      %shift_right_logical3A_247 = arith.constant 16 : i32
      %shift_right_logical3A_248 = vector.broadcast %shift_right_logical3A_247 : i32 to vector<16xi32>
      %shift_right_logical3A_249 = arith.shrui %get3A_239, %shift_right_logical3A_248 : vector<16xi32>
      %swap3A_250 = arith.constant 192 : index
      %swap3A_251 = tpu.vector_load %arg7[%swap3A_250] {strides = array<i32>} : memref<256xi32, #tpu.memory_space<vmem>>, vector<16xi32>,
      %swap3A_252 = vector.shape_cast %swap3A_251 : vector<16xi32> to vector<16xi32>
      %swap3A_253 = vector.shape_cast %shift_right_logical3A_249 : vector<16xi32> to vector<16xi32>
      tpu.vector_store %arg7[%swap3A_250], %swap3A_253 {strides = array<i32>} : memref<256xi32, #tpu.memory_space<vmem>>, vector<16xi32>,
      %get3A_254 = arith.index_cast %add3A_23 : i32 to index
      %get3A_255 = arith.constant 208 : index
      %get3A_256 = tpu.vector_load %arg5[%get3A_254, %get3A_255] {strides = array<i32>} : memref<42x256xi32, #tpu.memory_space<vmem>>, vector<1x16xi32>,
      %get3A_257 = vector.shape_cast %get3A_256 : vector<1x16xi32> to vector<16xi32>
      %and3A_258 = arith.constant 65535 : i32
      %and3A_259 = vector.broadcast %and3A_258 : i32 to vector<16xi32>
      %and3A_260 = arith.andi %get3A_257, %and3A_259 : vector<16xi32>
      %swap3A_261 = arith.constant 208 : index
      %swap3A_262 = tpu.vector_load %arg6[%swap3A_261] {strides = array<i32>} : memref<256xi32, #tpu.memory_space<vmem>>, vector<16xi32>,
      %swap3A_263 = vector.shape_cast %swap3A_262 : vector<16xi32> to vector<16xi32>
      %swap3A_264 = vector.shape_cast %and3A_260 : vector<16xi32> to vector<16xi32>
      tpu.vector_store %arg6[%swap3A_261], %swap3A_264 {strides = array<i32>} : memref<256xi32, #tpu.memory_space<vmem>>, vector<16xi32>,
      %shift_right_logical3A_265 = arith.constant 16 : i32
      %shift_right_logical3A_266 = vector.broadcast %shift_right_logical3A_265 : i32 to vector<16xi32>
      %shift_right_logical3A_267 = arith.shrui %get3A_257, %shift_right_logical3A_266 : vector<16xi32>
      %swap3A_268 = arith.constant 208 : index
      %swap3A_269 = tpu.vector_load %arg7[%swap3A_268] {strides = array<i32>} : memref<256xi32, #tpu.memory_space<vmem>>, vector<16xi32>,
      %swap3A_270 = vector.shape_cast %swap3A_269 : vector<16xi32> to vector<16xi32>
      %swap3A_271 = vector.shape_cast %shift_right_logical3A_267 : vector<16xi32> to vector<16xi32>
      tpu.vector_store %arg7[%swap3A_268], %swap3A_271 {strides = array<i32>} : memref<256xi32, #tpu.memory_space<vmem>>, vector<16xi32>,
      %get3A_272 = arith.index_cast %add3A_23 : i32 to index
      %get3A_273 = arith.constant 224 : index
      %get3A_274 = tpu.vector_load %arg5[%get3A_272, %get3A_273] {strides = array<i32>} : memref<42x256xi32, #tpu.memory_space<vmem>>, vector<1x16xi32>,
      %get3A_275 = vector.shape_cast %get3A_274 : vector<1x16xi32> to vector<16xi32>
      %and3A_276 = arith.constant 65535 : i32
      %and3A_277 = vector.broadcast %and3A_276 : i32 to vector<16xi32>
      %and3A_278 = arith.andi %get3A_275, %and3A_277 : vector<16xi32>
      %swap3A_279 = arith.constant 224 : index
      %swap3A_280 = tpu.vector_load %arg6[%swap3A_279] {strides = array<i32>} : memref<256xi32, #tpu.memory_space<vmem>>, vector<16xi32>,
      %swap3A_281 = vector.shape_cast %swap3A_280 : vector<16xi32> to vector<16xi32>
      %swap3A_282 = vector.shape_cast %and3A_278 : vector<16xi32> to vector<16xi32>
      tpu.vector_store %arg6[%swap3A_279], %swap3A_282 {strides = array<i32>} : memref<256xi32, #tpu.memory_space<vmem>>, vector<16xi32>,
      %shift_right_logical3A_283 = arith.constant 16 : i32
      %shift_right_logical3A_284 = vector.broadcast %shift_right_logical3A_283 : i32 to vector<16xi32>
      %shift_right_logical3A_285 = arith.shrui %get3A_275, %shift_right_logical3A_284 : vector<16xi32>
      %swap3A_286 = arith.constant 224 : index
      %swap3A_287 = tpu.vector_load %arg7[%swap3A_286] {strides = array<i32>} : memref<256xi32, #tpu.memory_space<vmem>>, vector<16xi32>,
      %swap3A_288 = vector.shape_cast %swap3A_287 : vector<16xi32> to vector<16xi32>
      %swap3A_289 = vector.shape_cast %shift_right_logical3A_285 : vector<16xi32> to vector<16xi32>
      tpu.vector_store %arg7[%swap3A_286], %swap3A_289 {strides = array<i32>} : memref<256xi32, #tpu.memory_space<vmem>>, vector<16xi32>,
      %get3A_290 = arith.index_cast %add3A_23 : i32 to index
      %get3A_291 = arith.constant 240 : index
      %get3A_292 = tpu.vector_load %arg5[%get3A_290, %get3A_291] {strides = array<i32>} : memref<42x256xi32, #tpu.memory_space<vmem>>, vector<1x16xi32>,
      %get3A_293 = vector.shape_cast %get3A_292 : vector<1x16xi32> to vector<16xi32>
      %and3A_294 = arith.constant 65535 : i32
      %and3A_295 = vector.broadcast %and3A_294 : i32 to vector<16xi32>
      %and3A_296 = arith.andi %get3A_293, %and3A_295 : vector<16xi32>
      %swap3A_297 = arith.constant 240 : index
      %swap3A_298 = tpu.vector_load %arg6[%swap3A_297] {strides = array<i32>} : memref<256xi32, #tpu.memory_space<vmem>>, vector<16xi32>,
      %swap3A_299 = vector.shape_cast %swap3A_298 : vector<16xi32> to vector<16xi32>
      %swap3A_300 = vector.shape_cast %and3A_296 : vector<16xi32> to vector<16xi32>
      tpu.vector_store %arg6[%swap3A_297], %swap3A_300 {strides = array<i32>} : memref<256xi32, #tpu.memory_space<vmem>>, vector<16xi32>,
      %shift_right_logical3A_301 = arith.constant 16 : i32
      %shift_right_logical3A_302 = vector.broadcast %shift_right_logical3A_301 : i32 to vector<16xi32>
      %shift_right_logical3A_303 = arith.shrui %get3A_293, %shift_right_logical3A_302 : vector<16xi32>
      %swap3A_304 = arith.constant 240 : index
      %swap3A_305 = tpu.vector_load %arg7[%swap3A_304] {strides = array<i32>} : memref<256xi32, #tpu.memory_space<vmem>>, vector<16xi32>,
      %swap3A_306 = vector.shape_cast %swap3A_305 : vector<16xi32> to vector<16xi32>
      %swap3A_307 = vector.shape_cast %shift_right_logical3A_303 : vector<16xi32> to vector<16xi32>
      tpu.vector_store %arg7[%swap3A_304], %swap3A_307 {strides = array<i32>} : memref<256xi32, #tpu.memory_space<vmem>>, vector<16xi32>,
      %dma_start3A = arith.constant 0 : i32
      %dma_start3A_308 = arith.constant 0 : i32
      %dma_start3A_309 = tpu.memref_slice %arg2[%dma_start3A, %dma_start3A_308] : memref<10000x128xf32, #tpu.memory_space<hbm>> -> memref<10000x128xf32, #tpu.memory_space<hbm>>
      tpu.enqueue_indirect_dma source(%dma_start3A_309 : memref<10000x128xf32, #tpu.memory_space<hbm>>) target(%arg8 : memref<256x128xf32, #tpu.memory_space<vmem>>) offsets(%arg6 : memref<256xi32, #tpu.memory_space<vmem>>) semaphore(%arg10 : memref<!tpu.dma_semaphore, #tpu.memory_space<semaphore_mem>>)
      %dma_wait3A = arith.constant 0 : i32
      %dma_wait3A_310 = arith.constant 0 : i32
      %dma_wait3A_311 = tpu.memref_slice %arg2[%dma_wait3A, %dma_wait3A_310] : memref<10000x128xf32, #tpu.memory_space<hbm>> -> memref<10000x128xf32, #tpu.memory_space<hbm>>
      tpu.wait_indirect_dma semaphore(%arg10 : memref<!tpu.dma_semaphore, #tpu.memory_space<semaphore_mem>>) src(%dma_wait3A_311 : memref<10000x128xf32, #tpu.memory_space<hbm>>) dst(%arg8 : memref<256x128xf32, #tpu.memory_space<vmem>>)
      "tpu.region"() ({
        %run_scoped3A = tpu.sem_alloc : memref<!tpu.dma_semaphore, #tpu.memory_space<semaphore_mem>>
        %dma_start3A_312 = arith.constant 0 : i32
        %dma_start3A_313 = arith.constant 0 : i32
        %dma_start3A_314 = tpu.memref_slice %arg9[%dma_start3A_312, %dma_start3A_313] : memref<10112x128xf32, #tpu.memory_space<vmem_shared>> -> memref<10112x128xf32, #tpu.memory_space<vmem_shared>>
        tpu.enqueue_indirect_dma source(%arg8 : memref<256x128xf32, #tpu.memory_space<vmem>>) target(%dma_start3A_314 : memref<10112x128xf32, #tpu.memory_space<vmem_shared>>) offsets(%arg7 : memref<256xi32, #tpu.memory_space<vmem>>) semaphore(%run_scoped3A : memref<!tpu.dma_semaphore, #tpu.memory_space<semaphore_mem>>) {add = true}
        %dma_wait3A_315 = arith.constant 0 : i32
        %dma_wait3A_316 = arith.constant 0 : i32
        %dma_wait3A_317 = tpu.memref_slice %arg9[%dma_wait3A_315, %dma_wait3A_316] : memref<10112x128xf32, #tpu.memory_space<vmem_shared>> -> memref<10112x128xf32, #tpu.memory_space<vmem_shared>>
        tpu.wait_indirect_dma semaphore(%run_scoped3A : memref<!tpu.dma_semaphore, #tpu.memory_space<semaphore_mem>>) src(%arg8 : memref<256x128xf32, #tpu.memory_space<vmem>>) dst(%dma_wait3A_317 : memref<10112x128xf32, #tpu.memory_space<vmem_shared>>)
        tpu.yield
      }) : () -> ()
    }
    %scan3A_17 = arith.constant 40 : i32
    %barrier3A_18 = arith.constant 0 : index
    tpu.barrier barrier_id(%barrier3A_18)
    "tpu.region"() ({
      %run_scoped3A = tpu.sem_alloc : memref<!tpu.dma_semaphore, #tpu.memory_space<semaphore_mem>>
      %dma_start3A = arith.constant 0 : i32
      %dma_start3A_19 = tpu.memref_slice %arg4[%arg0, %mul3A_6, %dma_start3A] : memref<2x10112x128xf32, #tpu.memory_space<hbm>> -> memref<1x632x128xf32, #tpu.memory_space<hbm>>
      %dma_start3A_20 = tpu.memref_squeeze %dma_start3A_19 : memref<1x632x128xf32, #tpu.memory_space<hbm>> -> memref<632x128xf32, #tpu.memory_space<hbm>>
      %dma_start3A_21 = arith.constant 0 : i32
      %dma_start3A_22 = tpu.memref_slice %arg9[%mul3A_6, %dma_start3A_21] : memref<10112x128xf32, #tpu.memory_space<vmem_shared>> -> memref<632x128xf32, #tpu.memory_space<vmem_shared>>
      tpu.enqueue_dma source(%dma_start3A_22 : memref<632x128xf32, #tpu.memory_space<vmem_shared>>) target(%dma_start3A_20 : memref<632x128xf32, #tpu.memory_space<hbm>>) target_semaphore(%run_scoped3A : memref<!tpu.dma_semaphore, #tpu.memory_space<semaphore_mem>>)
      %dma_wait3A = arith.constant 0 : i32
      %dma_wait3A_23 = tpu.memref_slice %arg4[%arg0, %mul3A_6, %dma_wait3A] : memref<2x10112x128xf32, #tpu.memory_space<hbm>> -> memref<1x632x128xf32, #tpu.memory_space<hbm>>
      %dma_wait3A_24 = tpu.memref_squeeze %dma_wait3A_23 : memref<1x632x128xf32, #tpu.memory_space<hbm>> -> memref<632x128xf32, #tpu.memory_space<hbm>>
      %dma_wait3A_25 = arith.constant 0 : i32
      %dma_wait3A_26 = tpu.memref_slice %arg9[%mul3A_6, %dma_wait3A_25] : memref<10112x128xf32, #tpu.memory_space<vmem_shared>> -> memref<632x128xf32, #tpu.memory_space<vmem_shared>>
      tpu.wait_dma2 semaphore(%run_scoped3A : memref<!tpu.dma_semaphore, #tpu.memory_space<semaphore_mem>>) src(%dma_wait3A_26 : memref<632x128xf32, #tpu.memory_space<vmem_shared>>) dst(%dma_wait3A_24 : memref<632x128xf32, #tpu.memory_space<hbm>>)
      tpu.yield
    }) : () -> ()
    return
  }
}

#map = affine_map<(d0, d1) -> (0, 0, 0)>
module attributes {stable_mosaic.version = 14 : i64} {
  func.func @_deg_kernel(%arg0: i32, %arg1: i32, %arg2: memref<32x79x128xi32, #tpu.memory_space<hbm>>, %arg3: memref<2x10112x128xf32, #tpu.memory_space<hbm>>, %arg4: memref<81x128xi32, #tpu.memory_space<vmem>>, %arg5: memref<128x128xf32, #tpu.memory_space<vmem>>, %arg6: memref<10112x128xf32, #tpu.memory_space<vmem_shared>>) attributes {dimension_semantics = [#tpu.dimension_semantics<core_parallel>, #tpu.dimension_semantics<subcore_parallel>], iteration_bounds = array<i64: 2, 16>, scalar_prefetch = 0 : i64, scratch_operands = 3 : i64, tpu.core_type = #tpu.core_type<sc_vector_subcore>, window_params = [{transform_indices = #map}, {transform_indices = #map}]} {
    %mul3A = arith.constant 2 : i32
    %mul3A_0 = arith.muli %arg1, %mul3A : i32
    %add3A = arith.addi %mul3A_0, %arg0 : i32
    %scan3A = arith.constant 0 : i32
    %scan3A_1 = arith.constant 128 : i32
    %scan3A_2 = arith.addi %scan3A, %scan3A_1 : i32
    %scan3A_3 = arith.constant 1 : i32
    scf.for %scan3A_28 = %scan3A to %scan3A_2 step %scan3A_3  : i32 {
      %mul3A_29 = arith.constant 1 : i32
      %mul3A_30 = arith.muli %scan3A_28, %mul3A_29 : i32
      %add3A_31 = arith.constant 0 : i32
      %add3A_32 = arith.addi %add3A_31, %mul3A_30 : i32
      %broadcast_in_dim3A = arith.constant 0.000000e+00 : f32
      %broadcast_in_dim3A_33 = vector.broadcast %broadcast_in_dim3A : f32 to vector<16xf32>
      %swap3A = arith.index_cast %add3A_32 : i32 to index
      %swap3A_34 = arith.constant 0 : index
      %swap3A_35 = tpu.vector_load %arg5[%swap3A, %swap3A_34] {strides = array<i32>} : memref<128x128xf32, #tpu.memory_space<vmem>>, vector<1x16xf32>,
      %swap3A_36 = vector.shape_cast %swap3A_35 : vector<1x16xf32> to vector<16xf32>
      %swap3A_37 = vector.shape_cast %broadcast_in_dim3A_33 : vector<16xf32> to vector<1x16xf32>
      tpu.vector_store %arg5[%swap3A, %swap3A_34], %swap3A_37 {strides = array<i32>} : memref<128x128xf32, #tpu.memory_space<vmem>>, vector<1x16xf32>,
      %broadcast_in_dim3A_38 = arith.constant 0.000000e+00 : f32
      %broadcast_in_dim3A_39 = vector.broadcast %broadcast_in_dim3A_38 : f32 to vector<16xf32>
      %swap3A_40 = arith.index_cast %add3A_32 : i32 to index
      %swap3A_41 = arith.constant 16 : index
      %swap3A_42 = tpu.vector_load %arg5[%swap3A_40, %swap3A_41] {strides = array<i32>} : memref<128x128xf32, #tpu.memory_space<vmem>>, vector<1x16xf32>,
      %swap3A_43 = vector.shape_cast %swap3A_42 : vector<1x16xf32> to vector<16xf32>
      %swap3A_44 = vector.shape_cast %broadcast_in_dim3A_39 : vector<16xf32> to vector<1x16xf32>
      tpu.vector_store %arg5[%swap3A_40, %swap3A_41], %swap3A_44 {strides = array<i32>} : memref<128x128xf32, #tpu.memory_space<vmem>>, vector<1x16xf32>,
      %broadcast_in_dim3A_45 = arith.constant 0.000000e+00 : f32
      %broadcast_in_dim3A_46 = vector.broadcast %broadcast_in_dim3A_45 : f32 to vector<16xf32>
      %swap3A_47 = arith.index_cast %add3A_32 : i32 to index
      %swap3A_48 = arith.constant 32 : index
      %swap3A_49 = tpu.vector_load %arg5[%swap3A_47, %swap3A_48] {strides = array<i32>} : memref<128x128xf32, #tpu.memory_space<vmem>>, vector<1x16xf32>,
      %swap3A_50 = vector.shape_cast %swap3A_49 : vector<1x16xf32> to vector<16xf32>
      %swap3A_51 = vector.shape_cast %broadcast_in_dim3A_46 : vector<16xf32> to vector<1x16xf32>
      tpu.vector_store %arg5[%swap3A_47, %swap3A_48], %swap3A_51 {strides = array<i32>} : memref<128x128xf32, #tpu.memory_space<vmem>>, vector<1x16xf32>,
      %broadcast_in_dim3A_52 = arith.constant 0.000000e+00 : f32
      %broadcast_in_dim3A_53 = vector.broadcast %broadcast_in_dim3A_52 : f32 to vector<16xf32>
      %swap3A_54 = arith.index_cast %add3A_32 : i32 to index
      %swap3A_55 = arith.constant 48 : index
      %swap3A_56 = tpu.vector_load %arg5[%swap3A_54, %swap3A_55] {strides = array<i32>} : memref<128x128xf32, #tpu.memory_space<vmem>>, vector<1x16xf32>,
      %swap3A_57 = vector.shape_cast %swap3A_56 : vector<1x16xf32> to vector<16xf32>
      %swap3A_58 = vector.shape_cast %broadcast_in_dim3A_53 : vector<16xf32> to vector<1x16xf32>
      tpu.vector_store %arg5[%swap3A_54, %swap3A_55], %swap3A_58 {strides = array<i32>} : memref<128x128xf32, #tpu.memory_space<vmem>>, vector<1x16xf32>,
      %broadcast_in_dim3A_59 = arith.constant 0.000000e+00 : f32
      %broadcast_in_dim3A_60 = vector.broadcast %broadcast_in_dim3A_59 : f32 to vector<16xf32>
      %swap3A_61 = arith.index_cast %add3A_32 : i32 to index
      %swap3A_62 = arith.constant 64 : index
      %swap3A_63 = tpu.vector_load %arg5[%swap3A_61, %swap3A_62] {strides = array<i32>} : memref<128x128xf32, #tpu.memory_space<vmem>>, vector<1x16xf32>,
      %swap3A_64 = vector.shape_cast %swap3A_63 : vector<1x16xf32> to vector<16xf32>
      %swap3A_65 = vector.shape_cast %broadcast_in_dim3A_60 : vector<16xf32> to vector<1x16xf32>
      tpu.vector_store %arg5[%swap3A_61, %swap3A_62], %swap3A_65 {strides = array<i32>} : memref<128x128xf32, #tpu.memory_space<vmem>>, vector<1x16xf32>,
      %broadcast_in_dim3A_66 = arith.constant 0.000000e+00 : f32
      %broadcast_in_dim3A_67 = vector.broadcast %broadcast_in_dim3A_66 : f32 to vector<16xf32>
      %swap3A_68 = arith.index_cast %add3A_32 : i32 to index
      %swap3A_69 = arith.constant 80 : index
      %swap3A_70 = tpu.vector_load %arg5[%swap3A_68, %swap3A_69] {strides = array<i32>} : memref<128x128xf32, #tpu.memory_space<vmem>>, vector<1x16xf32>,
      %swap3A_71 = vector.shape_cast %swap3A_70 : vector<1x16xf32> to vector<16xf32>
      %swap3A_72 = vector.shape_cast %broadcast_in_dim3A_67 : vector<16xf32> to vector<1x16xf32>
      tpu.vector_store %arg5[%swap3A_68, %swap3A_69], %swap3A_72 {strides = array<i32>} : memref<128x128xf32, #tpu.memory_space<vmem>>, vector<1x16xf32>,
      %broadcast_in_dim3A_73 = arith.constant 0.000000e+00 : f32
      %broadcast_in_dim3A_74 = vector.broadcast %broadcast_in_dim3A_73 : f32 to vector<16xf32>
      %swap3A_75 = arith.index_cast %add3A_32 : i32 to index
      %swap3A_76 = arith.constant 96 : index
      %swap3A_77 = tpu.vector_load %arg5[%swap3A_75, %swap3A_76] {strides = array<i32>} : memref<128x128xf32, #tpu.memory_space<vmem>>, vector<1x16xf32>,
      %swap3A_78 = vector.shape_cast %swap3A_77 : vector<1x16xf32> to vector<16xf32>
      %swap3A_79 = vector.shape_cast %broadcast_in_dim3A_74 : vector<16xf32> to vector<1x16xf32>
      tpu.vector_store %arg5[%swap3A_75, %swap3A_76], %swap3A_79 {strides = array<i32>} : memref<128x128xf32, #tpu.memory_space<vmem>>, vector<1x16xf32>,
      %broadcast_in_dim3A_80 = arith.constant 0.000000e+00 : f32
      %broadcast_in_dim3A_81 = vector.broadcast %broadcast_in_dim3A_80 : f32 to vector<16xf32>
      %swap3A_82 = arith.index_cast %add3A_32 : i32 to index
      %swap3A_83 = arith.constant 112 : index
      %swap3A_84 = tpu.vector_load %arg5[%swap3A_82, %swap3A_83] {strides = array<i32>} : memref<128x128xf32, #tpu.memory_space<vmem>>, vector<1x16xf32>,
      %swap3A_85 = vector.shape_cast %swap3A_84 : vector<1x16xf32> to vector<16xf32>
      %swap3A_86 = vector.shape_cast %broadcast_in_dim3A_81 : vector<16xf32> to vector<1x16xf32>
      tpu.vector_store %arg5[%swap3A_82, %swap3A_83], %swap3A_86 {strides = array<i32>} : memref<128x128xf32, #tpu.memory_space<vmem>>, vector<1x16xf32>,
    }
    %scan3A_4 = arith.constant 128 : i32
    %mul3A_5 = arith.constant 632 : i32
    %mul3A_6 = arith.muli %arg1, %mul3A_5 : i32
    %add3A_7 = arith.constant 0 : i32
    %add3A_8 = arith.addi %mul3A_6, %add3A_7 : i32
    "tpu.region"() ({
      %run_scoped3A = tpu.sem_alloc : memref<!tpu.dma_semaphore, #tpu.memory_space<semaphore_mem>>
      %dma_start3A = arith.constant 0 : i32
      %dma_start3A_28 = tpu.memref_slice %arg6[%add3A_8, %dma_start3A] : memref<10112x128xf32, #tpu.memory_space<vmem_shared>> -> memref<128x128xf32, #tpu.memory_space<vmem_shared>>
      %dma_start3A_29 = arith.constant 0 : i32
      %dma_start3A_30 = tpu.memref_slice %arg6[%add3A_8, %dma_start3A_29] : memref<10112x128xf32, #tpu.memory_space<vmem_shared>> -> memref<128x128xf32, #tpu.memory_space<vmem_shared>>
      tpu.enqueue_dma source(%arg5 : memref<128x128xf32, #tpu.memory_space<vmem>>) target(%dma_start3A_30 : memref<128x128xf32, #tpu.memory_space<vmem_shared>>) target_semaphore(%run_scoped3A : memref<!tpu.dma_semaphore, #tpu.memory_space<semaphore_mem>>)
      %dma_wait3A = arith.constant 0 : i32
      %dma_wait3A_31 = tpu.memref_slice %arg6[%add3A_8, %dma_wait3A] : memref<10112x128xf32, #tpu.memory_space<vmem_shared>> -> memref<128x128xf32, #tpu.memory_space<vmem_shared>>
      %dma_wait3A_32 = arith.constant 0 : i32
      %dma_wait3A_33 = tpu.memref_slice %arg6[%add3A_8, %dma_wait3A_32] : memref<10112x128xf32, #tpu.memory_space<vmem_shared>> -> memref<128x128xf32, #tpu.memory_space<vmem_shared>>
      tpu.wait_dma2 semaphore(%run_scoped3A : memref<!tpu.dma_semaphore, #tpu.memory_space<semaphore_mem>>) src(%arg5 : memref<128x128xf32, #tpu.memory_space<vmem>>) dst(%dma_wait3A_33 : memref<128x128xf32, #tpu.memory_space<vmem_shared>>)
      tpu.yield
    }) : () -> ()
    %add3A_9 = arith.constant 128 : i32
    %add3A_10 = arith.addi %mul3A_6, %add3A_9 : i32
    "tpu.region"() ({
      %run_scoped3A = tpu.sem_alloc : memref<!tpu.dma_semaphore, #tpu.memory_space<semaphore_mem>>
      %dma_start3A = arith.constant 0 : i32
      %dma_start3A_28 = tpu.memref_slice %arg6[%add3A_10, %dma_start3A] : memref<10112x128xf32, #tpu.memory_space<vmem_shared>> -> memref<128x128xf32, #tpu.memory_space<vmem_shared>>
      %dma_start3A_29 = arith.constant 0 : i32
      %dma_start3A_30 = tpu.memref_slice %arg6[%add3A_10, %dma_start3A_29] : memref<10112x128xf32, #tpu.memory_space<vmem_shared>> -> memref<128x128xf32, #tpu.memory_space<vmem_shared>>
      tpu.enqueue_dma source(%arg5 : memref<128x128xf32, #tpu.memory_space<vmem>>) target(%dma_start3A_30 : memref<128x128xf32, #tpu.memory_space<vmem_shared>>) target_semaphore(%run_scoped3A : memref<!tpu.dma_semaphore, #tpu.memory_space<semaphore_mem>>)
      %dma_wait3A = arith.constant 0 : i32
      %dma_wait3A_31 = tpu.memref_slice %arg6[%add3A_10, %dma_wait3A] : memref<10112x128xf32, #tpu.memory_space<vmem_shared>> -> memref<128x128xf32, #tpu.memory_space<vmem_shared>>
      %dma_wait3A_32 = arith.constant 0 : i32
      %dma_wait3A_33 = tpu.memref_slice %arg6[%add3A_10, %dma_wait3A_32] : memref<10112x128xf32, #tpu.memory_space<vmem_shared>> -> memref<128x128xf32, #tpu.memory_space<vmem_shared>>
      tpu.wait_dma2 semaphore(%run_scoped3A : memref<!tpu.dma_semaphore, #tpu.memory_space<semaphore_mem>>) src(%arg5 : memref<128x128xf32, #tpu.memory_space<vmem>>) dst(%dma_wait3A_33 : memref<128x128xf32, #tpu.memory_space<vmem_shared>>)
      tpu.yield
    }) : () -> ()
    %add3A_11 = arith.constant 256 : i32
    %add3A_12 = arith.addi %mul3A_6, %add3A_11 : i32
    "tpu.region"() ({
      %run_scoped3A = tpu.sem_alloc : memref<!tpu.dma_semaphore, #tpu.memory_space<semaphore_mem>>
      %dma_start3A = arith.constant 0 : i32
      %dma_start3A_28 = tpu.memref_slice %arg6[%add3A_12, %dma_start3A] : memref<10112x128xf32, #tpu.memory_space<vmem_shared>> -> memref<128x128xf32, #tpu.memory_space<vmem_shared>>
      %dma_start3A_29 = arith.constant 0 : i32
      %dma_start3A_30 = tpu.memref_slice %arg6[%add3A_12, %dma_start3A_29] : memref<10112x128xf32, #tpu.memory_space<vmem_shared>> -> memref<128x128xf32, #tpu.memory_space<vmem_shared>>
      tpu.enqueue_dma source(%arg5 : memref<128x128xf32, #tpu.memory_space<vmem>>) target(%dma_start3A_30 : memref<128x128xf32, #tpu.memory_space<vmem_shared>>) target_semaphore(%run_scoped3A : memref<!tpu.dma_semaphore, #tpu.memory_space<semaphore_mem>>)
      %dma_wait3A = arith.constant 0 : i32
      %dma_wait3A_31 = tpu.memref_slice %arg6[%add3A_12, %dma_wait3A] : memref<10112x128xf32, #tpu.memory_space<vmem_shared>> -> memref<128x128xf32, #tpu.memory_space<vmem_shared>>
      %dma_wait3A_32 = arith.constant 0 : i32
      %dma_wait3A_33 = tpu.memref_slice %arg6[%add3A_12, %dma_wait3A_32] : memref<10112x128xf32, #tpu.memory_space<vmem_shared>> -> memref<128x128xf32, #tpu.memory_space<vmem_shared>>
      tpu.wait_dma2 semaphore(%run_scoped3A : memref<!tpu.dma_semaphore, #tpu.memory_space<semaphore_mem>>) src(%arg5 : memref<128x128xf32, #tpu.memory_space<vmem>>) dst(%dma_wait3A_33 : memref<128x128xf32, #tpu.memory_space<vmem_shared>>)
      tpu.yield
    }) : () -> ()
    %add3A_13 = arith.constant 384 : i32
    %add3A_14 = arith.addi %mul3A_6, %add3A_13 : i32
    "tpu.region"() ({
      %run_scoped3A = tpu.sem_alloc : memref<!tpu.dma_semaphore, #tpu.memory_space<semaphore_mem>>
      %dma_start3A = arith.constant 0 : i32
      %dma_start3A_28 = tpu.memref_slice %arg6[%add3A_14, %dma_start3A] : memref<10112x128xf32, #tpu.memory_space<vmem_shared>> -> memref<128x128xf32, #tpu.memory_space<vmem_shared>>
      %dma_start3A_29 = arith.constant 0 : i32
      %dma_start3A_30 = tpu.memref_slice %arg6[%add3A_14, %dma_start3A_29] : memref<10112x128xf32, #tpu.memory_space<vmem_shared>> -> memref<128x128xf32, #tpu.memory_space<vmem_shared>>
      tpu.enqueue_dma source(%arg5 : memref<128x128xf32, #tpu.memory_space<vmem>>) target(%dma_start3A_30 : memref<128x128xf32, #tpu.memory_space<vmem_shared>>) target_semaphore(%run_scoped3A : memref<!tpu.dma_semaphore, #tpu.memory_space<semaphore_mem>>)
      %dma_wait3A = arith.constant 0 : i32
      %dma_wait3A_31 = tpu.memref_slice %arg6[%add3A_14, %dma_wait3A] : memref<10112x128xf32, #tpu.memory_space<vmem_shared>> -> memref<128x128xf32, #tpu.memory_space<vmem_shared>>
      %dma_wait3A_32 = arith.constant 0 : i32
      %dma_wait3A_33 = tpu.memref_slice %arg6[%add3A_14, %dma_wait3A_32] : memref<10112x128xf32, #tpu.memory_space<vmem_shared>> -> memref<128x128xf32, #tpu.memory_space<vmem_shared>>
      tpu.wait_dma2 semaphore(%run_scoped3A : memref<!tpu.dma_semaphore, #tpu.memory_space<semaphore_mem>>) src(%arg5 : memref<128x128xf32, #tpu.memory_space<vmem>>) dst(%dma_wait3A_33 : memref<128x128xf32, #tpu.memory_space<vmem_shared>>)
      tpu.yield
    }) : () -> ()
    %add3A_15 = arith.constant 512 : i32
    %add3A_16 = arith.addi %mul3A_6, %add3A_15 : i32
    "tpu.region"() ({
      %run_scoped3A = tpu.sem_alloc : memref<!tpu.dma_semaphore, #tpu.memory_space<semaphore_mem>>
      %dma_start3A = arith.constant 0 : i32
      %dma_start3A_28 = arith.constant 0 : i32
      %dma_start3A_29 = tpu.memref_slice %arg5[%dma_start3A, %dma_start3A_28] : memref<128x128xf32, #tpu.memory_space<vmem>> -> memref<120x128xf32, #tpu.memory_space<vmem>>
      %dma_start3A_30 = arith.constant 0 : i32
      %dma_start3A_31 = tpu.memref_slice %arg6[%add3A_16, %dma_start3A_30] : memref<10112x128xf32, #tpu.memory_space<vmem_shared>> -> memref<120x128xf32, #tpu.memory_space<vmem_shared>>
      %dma_start3A_32 = arith.constant 0 : i32
      %dma_start3A_33 = tpu.memref_slice %arg6[%add3A_16, %dma_start3A_32] : memref<10112x128xf32, #tpu.memory_space<vmem_shared>> -> memref<120x128xf32, #tpu.memory_space<vmem_shared>>
      %dma_start3A_34 = arith.constant 0 : i32
      %dma_start3A_35 = arith.constant 0 : i32
      %dma_start3A_36 = tpu.memref_slice %arg5[%dma_start3A_34, %dma_start3A_35] : memref<128x128xf32, #tpu.memory_space<vmem>> -> memref<120x128xf32, #tpu.memory_space<vmem>>
      tpu.enqueue_dma source(%dma_start3A_36 : memref<120x128xf32, #tpu.memory_space<vmem>>) target(%dma_start3A_33 : memref<120x128xf32, #tpu.memory_space<vmem_shared>>) target_semaphore(%run_scoped3A : memref<!tpu.dma_semaphore, #tpu.memory_space<semaphore_mem>>)
      %dma_wait3A = arith.constant 0 : i32
      %dma_wait3A_37 = arith.constant 0 : i32
      %dma_wait3A_38 = tpu.memref_slice %arg5[%dma_wait3A, %dma_wait3A_37] : memref<128x128xf32, #tpu.memory_space<vmem>> -> memref<120x128xf32, #tpu.memory_space<vmem>>
      %dma_wait3A_39 = arith.constant 0 : i32
      %dma_wait3A_40 = tpu.memref_slice %arg6[%add3A_16, %dma_wait3A_39] : memref<10112x128xf32, #tpu.memory_space<vmem_shared>> -> memref<120x128xf32, #tpu.memory_space<vmem_shared>>
      %dma_wait3A_41 = arith.constant 0 : i32
      %dma_wait3A_42 = tpu.memref_slice %arg6[%add3A_16, %dma_wait3A_41] : memref<10112x128xf32, #tpu.memory_space<vmem_shared>> -> memref<120x128xf32, #tpu.memory_space<vmem_shared>>
      %dma_wait3A_43 = arith.constant 0 : i32
      %dma_wait3A_44 = arith.constant 0 : i32
      %dma_wait3A_45 = tpu.memref_slice %arg5[%dma_wait3A_43, %dma_wait3A_44] : memref<128x128xf32, #tpu.memory_space<vmem>> -> memref<120x128xf32, #tpu.memory_space<vmem>>
      tpu.wait_dma2 semaphore(%run_scoped3A : memref<!tpu.dma_semaphore, #tpu.memory_space<semaphore_mem>>) src(%dma_wait3A_45 : memref<120x128xf32, #tpu.memory_space<vmem>>) dst(%dma_wait3A_42 : memref<120x128xf32, #tpu.memory_space<vmem_shared>>)
      tpu.yield
    }) : () -> ()
    %scan3A_17 = arith.constant 0 : i32
    %scan3A_18 = arith.constant 128 : i32
    %scan3A_19 = arith.addi %scan3A_17, %scan3A_18 : i32
    %scan3A_20 = arith.constant 1 : i32
    scf.for %scan3A_28 = %scan3A_17 to %scan3A_19 step %scan3A_20  : i32 {
      %mul3A_29 = arith.constant 1 : i32
      %mul3A_30 = arith.muli %scan3A_28, %mul3A_29 : i32
      %add3A_31 = arith.constant 0 : i32
      %add3A_32 = arith.addi %add3A_31, %mul3A_30 : i32
      %broadcast_in_dim3A = arith.constant 1.000000e+00 : f32
      %broadcast_in_dim3A_33 = vector.broadcast %broadcast_in_dim3A : f32 to vector<16xf32>
      %swap3A = arith.index_cast %add3A_32 : i32 to index
      %swap3A_34 = arith.constant 0 : index
      %swap3A_35 = tpu.vector_load %arg5[%swap3A, %swap3A_34] {strides = array<i32>} : memref<128x128xf32, #tpu.memory_space<vmem>>, vector<1x16xf32>,
      %swap3A_36 = vector.shape_cast %swap3A_35 : vector<1x16xf32> to vector<16xf32>
      %swap3A_37 = vector.shape_cast %broadcast_in_dim3A_33 : vector<16xf32> to vector<1x16xf32>
      tpu.vector_store %arg5[%swap3A, %swap3A_34], %swap3A_37 {strides = array<i32>} : memref<128x128xf32, #tpu.memory_space<vmem>>, vector<1x16xf32>,
      %broadcast_in_dim3A_38 = arith.constant 1.000000e+00 : f32
      %broadcast_in_dim3A_39 = vector.broadcast %broadcast_in_dim3A_38 : f32 to vector<16xf32>
      %swap3A_40 = arith.index_cast %add3A_32 : i32 to index
      %swap3A_41 = arith.constant 16 : index
      %swap3A_42 = tpu.vector_load %arg5[%swap3A_40, %swap3A_41] {strides = array<i32>} : memref<128x128xf32, #tpu.memory_space<vmem>>, vector<1x16xf32>,
      %swap3A_43 = vector.shape_cast %swap3A_42 : vector<1x16xf32> to vector<16xf32>
      %swap3A_44 = vector.shape_cast %broadcast_in_dim3A_39 : vector<16xf32> to vector<1x16xf32>
      tpu.vector_store %arg5[%swap3A_40, %swap3A_41], %swap3A_44 {strides = array<i32>} : memref<128x128xf32, #tpu.memory_space<vmem>>, vector<1x16xf32>,
      %broadcast_in_dim3A_45 = arith.constant 1.000000e+00 : f32
      %broadcast_in_dim3A_46 = vector.broadcast %broadcast_in_dim3A_45 : f32 to vector<16xf32>
      %swap3A_47 = arith.index_cast %add3A_32 : i32 to index
      %swap3A_48 = arith.constant 32 : index
      %swap3A_49 = tpu.vector_load %arg5[%swap3A_47, %swap3A_48] {strides = array<i32>} : memref<128x128xf32, #tpu.memory_space<vmem>>, vector<1x16xf32>,
      %swap3A_50 = vector.shape_cast %swap3A_49 : vector<1x16xf32> to vector<16xf32>
      %swap3A_51 = vector.shape_cast %broadcast_in_dim3A_46 : vector<16xf32> to vector<1x16xf32>
      tpu.vector_store %arg5[%swap3A_47, %swap3A_48], %swap3A_51 {strides = array<i32>} : memref<128x128xf32, #tpu.memory_space<vmem>>, vector<1x16xf32>,
      %broadcast_in_dim3A_52 = arith.constant 1.000000e+00 : f32
      %broadcast_in_dim3A_53 = vector.broadcast %broadcast_in_dim3A_52 : f32 to vector<16xf32>
      %swap3A_54 = arith.index_cast %add3A_32 : i32 to index
      %swap3A_55 = arith.constant 48 : index
      %swap3A_56 = tpu.vector_load %arg5[%swap3A_54, %swap3A_55] {strides = array<i32>} : memref<128x128xf32, #tpu.memory_space<vmem>>, vector<1x16xf32>,
      %swap3A_57 = vector.shape_cast %swap3A_56 : vector<1x16xf32> to vector<16xf32>
      %swap3A_58 = vector.shape_cast %broadcast_in_dim3A_53 : vector<16xf32> to vector<1x16xf32>
      tpu.vector_store %arg5[%swap3A_54, %swap3A_55], %swap3A_58 {strides = array<i32>} : memref<128x128xf32, #tpu.memory_space<vmem>>, vector<1x16xf32>,
      %broadcast_in_dim3A_59 = arith.constant 1.000000e+00 : f32
      %broadcast_in_dim3A_60 = vector.broadcast %broadcast_in_dim3A_59 : f32 to vector<16xf32>
      %swap3A_61 = arith.index_cast %add3A_32 : i32 to index
      %swap3A_62 = arith.constant 64 : index
      %swap3A_63 = tpu.vector_load %arg5[%swap3A_61, %swap3A_62] {strides = array<i32>} : memref<128x128xf32, #tpu.memory_space<vmem>>, vector<1x16xf32>,
      %swap3A_64 = vector.shape_cast %swap3A_63 : vector<1x16xf32> to vector<16xf32>
      %swap3A_65 = vector.shape_cast %broadcast_in_dim3A_60 : vector<16xf32> to vector<1x16xf32>
      tpu.vector_store %arg5[%swap3A_61, %swap3A_62], %swap3A_65 {strides = array<i32>} : memref<128x128xf32, #tpu.memory_space<vmem>>, vector<1x16xf32>,
      %broadcast_in_dim3A_66 = arith.constant 1.000000e+00 : f32
      %broadcast_in_dim3A_67 = vector.broadcast %broadcast_in_dim3A_66 : f32 to vector<16xf32>
      %swap3A_68 = arith.index_cast %add3A_32 : i32 to index
      %swap3A_69 = arith.constant 80 : index
      %swap3A_70 = tpu.vector_load %arg5[%swap3A_68, %swap3A_69] {strides = array<i32>} : memref<128x128xf32, #tpu.memory_space<vmem>>, vector<1x16xf32>,
      %swap3A_71 = vector.shape_cast %swap3A_70 : vector<1x16xf32> to vector<16xf32>
      %swap3A_72 = vector.shape_cast %broadcast_in_dim3A_67 : vector<16xf32> to vector<1x16xf32>
      tpu.vector_store %arg5[%swap3A_68, %swap3A_69], %swap3A_72 {strides = array<i32>} : memref<128x128xf32, #tpu.memory_space<vmem>>, vector<1x16xf32>,
      %broadcast_in_dim3A_73 = arith.constant 1.000000e+00 : f32
      %broadcast_in_dim3A_74 = vector.broadcast %broadcast_in_dim3A_73 : f32 to vector<16xf32>
      %swap3A_75 = arith.index_cast %add3A_32 : i32 to index
      %swap3A_76 = arith.constant 96 : index
      %swap3A_77 = tpu.vector_load %arg5[%swap3A_75, %swap3A_76] {strides = array<i32>} : memref<128x128xf32, #tpu.memory_space<vmem>>, vector<1x16xf32>,
      %swap3A_78 = vector.shape_cast %swap3A_77 : vector<1x16xf32> to vector<16xf32>
      %swap3A_79 = vector.shape_cast %broadcast_in_dim3A_74 : vector<16xf32> to vector<1x16xf32>
      tpu.vector_store %arg5[%swap3A_75, %swap3A_76], %swap3A_79 {strides = array<i32>} : memref<128x128xf32, #tpu.memory_space<vmem>>, vector<1x16xf32>,
      %broadcast_in_dim3A_80 = arith.constant 1.000000e+00 : f32
      %broadcast_in_dim3A_81 = vector.broadcast %broadcast_in_dim3A_80 : f32 to vector<16xf32>
      %swap3A_82 = arith.index_cast %add3A_32 : i32 to index
      %swap3A_83 = arith.constant 112 : index
      %swap3A_84 = tpu.vector_load %arg5[%swap3A_82, %swap3A_83] {strides = array<i32>} : memref<128x128xf32, #tpu.memory_space<vmem>>, vector<1x16xf32>,
      %swap3A_85 = vector.shape_cast %swap3A_84 : vector<1x16xf32> to vector<16xf32>
      %swap3A_86 = vector.shape_cast %broadcast_in_dim3A_81 : vector<16xf32> to vector<1x16xf32>
      tpu.vector_store %arg5[%swap3A_82, %swap3A_83], %swap3A_86 {strides = array<i32>} : memref<128x128xf32, #tpu.memory_space<vmem>>, vector<1x16xf32>,
    }
    %scan3A_21 = arith.constant 128 : i32
    %barrier3A = arith.constant 0 : index
    tpu.barrier barrier_id(%barrier3A)
    "tpu.region"() ({
      %run_scoped3A = tpu.sem_alloc : memref<!tpu.dma_semaphore, #tpu.memory_space<semaphore_mem>>
      %dma_start3A = arith.constant 0 : i32
      %dma_start3A_28 = arith.constant 0 : i32
      %dma_start3A_29 = tpu.memref_slice %arg4[%dma_start3A, %dma_start3A_28] : memref<81x128xi32, #tpu.memory_space<vmem>> -> memref<79x128xi32, #tpu.memory_space<vmem>>
      %dma_start3A_30 = arith.constant 0 : i32
      %dma_start3A_31 = arith.constant 0 : i32
      %dma_start3A_32 = tpu.memref_slice %arg2[%add3A, %dma_start3A_30, %dma_start3A_31] : memref<32x79x128xi32, #tpu.memory_space<hbm>> -> memref<1x79x128xi32, #tpu.memory_space<hbm>>
      %dma_start3A_33 = tpu.memref_squeeze %dma_start3A_32 : memref<1x79x128xi32, #tpu.memory_space<hbm>> -> memref<79x128xi32, #tpu.memory_space<hbm>>
      %dma_start3A_34 = arith.constant 0 : i32
      %dma_start3A_35 = arith.constant 0 : i32
      %dma_start3A_36 = tpu.memref_slice %arg4[%dma_start3A_34, %dma_start3A_35] : memref<81x128xi32, #tpu.memory_space<vmem>> -> memref<79x128xi32, #tpu.memory_space<vmem>>
      %dma_start3A_37 = arith.constant 0 : i32
      %dma_start3A_38 = arith.constant 0 : i32
      %dma_start3A_39 = tpu.memref_slice %arg2[%add3A, %dma_start3A_37, %dma_start3A_38] : memref<32x79x128xi32, #tpu.memory_space<hbm>> -> memref<1x79x128xi32, #tpu.memory_space<hbm>>
      %dma_start3A_40 = tpu.memref_squeeze %dma_start3A_39 : memref<1x79x128xi32, #tpu.memory_space<hbm>> -> memref<79x128xi32, #tpu.memory_space<hbm>>
      tpu.enqueue_dma source(%dma_start3A_40 : memref<79x128xi32, #tpu.memory_space<hbm>>) target(%dma_start3A_36 : memref<79x128xi32, #tpu.memory_space<vmem>>) target_semaphore(%run_scoped3A : memref<!tpu.dma_semaphore, #tpu.memory_space<semaphore_mem>>)
      %dma_wait3A = arith.constant 0 : i32
      %dma_wait3A_41 = arith.constant 0 : i32
      %dma_wait3A_42 = tpu.memref_slice %arg4[%dma_wait3A, %dma_wait3A_41] : memref<81x128xi32, #tpu.memory_space<vmem>> -> memref<79x128xi32, #tpu.memory_space<vmem>>
      %dma_wait3A_43 = arith.constant 0 : i32
      %dma_wait3A_44 = arith.constant 0 : i32
      %dma_wait3A_45 = tpu.memref_slice %arg2[%add3A, %dma_wait3A_43, %dma_wait3A_44] : memref<32x79x128xi32, #tpu.memory_space<hbm>> -> memref<1x79x128xi32, #tpu.memory_space<hbm>>
      %dma_wait3A_46 = tpu.memref_squeeze %dma_wait3A_45 : memref<1x79x128xi32, #tpu.memory_space<hbm>> -> memref<79x128xi32, #tpu.memory_space<hbm>>
      %dma_wait3A_47 = arith.constant 0 : i32
      %dma_wait3A_48 = arith.constant 0 : i32
      %dma_wait3A_49 = tpu.memref_slice %arg4[%dma_wait3A_47, %dma_wait3A_48] : memref<81x128xi32, #tpu.memory_space<vmem>> -> memref<79x128xi32, #tpu.memory_space<vmem>>
      %dma_wait3A_50 = arith.constant 0 : i32
      %dma_wait3A_51 = arith.constant 0 : i32
      %dma_wait3A_52 = tpu.memref_slice %arg2[%add3A, %dma_wait3A_50, %dma_wait3A_51] : memref<32x79x128xi32, #tpu.memory_space<hbm>> -> memref<1x79x128xi32, #tpu.memory_space<hbm>>
      %dma_wait3A_53 = tpu.memref_squeeze %dma_wait3A_52 : memref<1x79x128xi32, #tpu.memory_space<hbm>> -> memref<79x128xi32, #tpu.memory_space<hbm>>
      tpu.wait_dma2 semaphore(%run_scoped3A : memref<!tpu.dma_semaphore, #tpu.memory_space<semaphore_mem>>) src(%dma_wait3A_53 : memref<79x128xi32, #tpu.memory_space<hbm>>) dst(%dma_wait3A_49 : memref<79x128xi32, #tpu.memory_space<vmem>>)
      tpu.yield
    }) : () -> ()
    %scan3A_22 = arith.constant 0 : i32
    %scan3A_23 = arith.constant 79 : i32
    %scan3A_24 = arith.addi %scan3A_22, %scan3A_23 : i32
    %scan3A_25 = arith.constant 1 : i32
    scf.for %scan3A_28 = %scan3A_22 to %scan3A_24 step %scan3A_25  : i32 {
      %mul3A_29 = arith.constant 1 : i32
      %mul3A_30 = arith.muli %scan3A_28, %mul3A_29 : i32
      %add3A_31 = arith.constant 0 : i32
      %add3A_32 = arith.addi %add3A_31, %mul3A_30 : i32
      "tpu.region"() ({
        %run_scoped3A = tpu.sem_alloc : memref<!tpu.dma_semaphore, #tpu.memory_space<semaphore_mem>>
        %dma_start3A = arith.constant 0 : i32
        %dma_start3A_33 = tpu.memref_slice %arg4[%add3A_32, %dma_start3A] : memref<81x128xi32, #tpu.memory_space<vmem>> -> memref<1x128xi32, #tpu.memory_space<vmem>>
        %dma_start3A_34 = tpu.memref_squeeze %dma_start3A_33 : memref<1x128xi32, #tpu.memory_space<vmem>> -> memref<128xi32, #tpu.memory_space<vmem>>
        %dma_start3A_35 = arith.constant 0 : i32
        %dma_start3A_36 = arith.constant 0 : i32
        %dma_start3A_37 = tpu.memref_slice %arg6[%dma_start3A_35, %dma_start3A_36] : memref<10112x128xf32, #tpu.memory_space<vmem_shared>> -> memref<10112x128xf32, #tpu.memory_space<vmem_shared>>
        tpu.enqueue_indirect_dma source(%arg5 : memref<128x128xf32, #tpu.memory_space<vmem>>) target(%dma_start3A_37 : memref<10112x128xf32, #tpu.memory_space<vmem_shared>>) offsets(%dma_start3A_34 : memref<128xi32, #tpu.memory_space<vmem>>) semaphore(%run_scoped3A : memref<!tpu.dma_semaphore, #tpu.memory_space<semaphore_mem>>) {add = true}
        %dma_wait3A = arith.constant 0 : i32
        %dma_wait3A_38 = tpu.memref_slice %arg4[%add3A_32, %dma_wait3A] : memref<81x128xi32, #tpu.memory_space<vmem>> -> memref<1x128xi32, #tpu.memory_space<vmem>>
        %dma_wait3A_39 = tpu.memref_squeeze %dma_wait3A_38 : memref<1x128xi32, #tpu.memory_space<vmem>> -> memref<128xi32, #tpu.memory_space<vmem>>
        %dma_wait3A_40 = arith.constant 0 : i32
        %dma_wait3A_41 = arith.constant 0 : i32
        %dma_wait3A_42 = tpu.memref_slice %arg6[%dma_wait3A_40, %dma_wait3A_41] : memref<10112x128xf32, #tpu.memory_space<vmem_shared>> -> memref<10112x128xf32, #tpu.memory_space<vmem_shared>>
        tpu.wait_indirect_dma semaphore(%run_scoped3A : memref<!tpu.dma_semaphore, #tpu.memory_space<semaphore_mem>>) src(%arg5 : memref<128x128xf32, #tpu.memory_space<vmem>>) dst(%dma_wait3A_42 : memref<10112x128xf32, #tpu.memory_space<vmem_shared>>)
        tpu.yield
      }) : () -> ()
    }
    %scan3A_26 = arith.constant 79 : i32
    %barrier3A_27 = arith.constant 0 : index
    tpu.barrier barrier_id(%barrier3A_27)
    "tpu.region"() ({
      %run_scoped3A = tpu.sem_alloc : memref<!tpu.dma_semaphore, #tpu.memory_space<semaphore_mem>>
      %dma_start3A = arith.constant 0 : i32
      %dma_start3A_28 = tpu.memref_slice %arg3[%arg0, %mul3A_6, %dma_start3A] : memref<2x10112x128xf32, #tpu.memory_space<hbm>> -> memref<1x632x128xf32, #tpu.memory_space<hbm>>
      %dma_start3A_29 = tpu.memref_squeeze %dma_start3A_28 : memref<1x632x128xf32, #tpu.memory_space<hbm>> -> memref<632x128xf32, #tpu.memory_space<hbm>>
      %dma_start3A_30 = arith.constant 0 : i32
      %dma_start3A_31 = tpu.memref_slice %arg6[%mul3A_6, %dma_start3A_30] : memref<10112x128xf32, #tpu.memory_space<vmem_shared>> -> memref<632x128xf32, #tpu.memory_space<vmem_shared>>
      tpu.enqueue_dma source(%dma_start3A_31 : memref<632x128xf32, #tpu.memory_space<vmem_shared>>) target(%dma_start3A_29 : memref<632x128xf32, #tpu.memory_space<hbm>>) target_semaphore(%run_scoped3A : memref<!tpu.dma_semaphore, #tpu.memory_space<semaphore_mem>>)
      %dma_wait3A = arith.constant 0 : i32
      %dma_wait3A_32 = tpu.memref_slice %arg3[%arg0, %mul3A_6, %dma_wait3A] : memref<2x10112x128xf32, #tpu.memory_space<hbm>> -> memref<1x632x128xf32, #tpu.memory_space<hbm>>
      %dma_wait3A_33 = tpu.memref_squeeze %dma_wait3A_32 : memref<1x632x128xf32, #tpu.memory_space<hbm>> -> memref<632x128xf32, #tpu.memory_space<hbm>>
      %dma_wait3A_34 = arith.constant 0 : i32
      %dma_wait3A_35 = tpu.memref_slice %arg6[%mul3A_6, %dma_wait3A_34] : memref<10112x128xf32, #tpu.memory_space<vmem_shared>> -> memref<632x128xf32, #tpu.memory_space<vmem_shared>>
      tpu.wait_dma2 semaphore(%run_scoped3A : memref<!tpu.dma_semaphore, #tpu.memory_space<semaphore_mem>>) src(%dma_wait3A_35 : memref<632x128xf32, #tpu.memory_space<vmem_shared>>) dst(%dma_wait3A_33 : memref<632x128xf32, #tpu.memory_space<hbm>>)
      tpu.yield
    }) : () -> ()
    return
  }
}

#map = affine_map<(d0, d1) -> (0, 0)>
#map1 = affine_map<(d0, d1) -> (0, 0, 0)>
module attributes {stable_mosaic.version = 14 : i64} {
  func.func @_mp_kernel(%arg0: i32, %arg1: i32, %arg2: memref<10000x128xf32, #tpu.memory_space<hbm>>, %arg3: memref<32x40x256xi32, #tpu.memory_space<hbm>>, %arg4: memref<2x10112x128xf32, #tpu.memory_space<hbm>>, %arg5: memref<42x256xi32, #tpu.memory_space<vmem>>, %arg6: memref<256xi32, #tpu.memory_space<vmem>>, %arg7: memref<256xi32, #tpu.memory_space<vmem>>, %arg8: memref<256x128xf32, #tpu.memory_space<vmem>>, %arg9: memref<10112x128xf32, #tpu.memory_space<vmem_shared>>, %arg10: memref<!tpu.dma_semaphore, #tpu.memory_space<semaphore_mem>>) attributes {dimension_semantics = [#tpu.dimension_semantics<core_parallel>, #tpu.dimension_semantics<subcore_parallel>], iteration_bounds = array<i64: 2, 16>, scalar_prefetch = 0 : i64, scratch_operands = 6 : i64, tpu.core_type = #tpu.core_type<sc_vector_subcore>, window_params = [{transform_indices = #map}, {transform_indices = #map1}, {transform_indices = #map1}]} {
    %mul3A = arith.constant 2 : i32
    %mul3A_0 = arith.muli %arg1, %mul3A : i32
    %add3A = arith.addi %mul3A_0, %arg0 : i32
    %scan3A = arith.constant 0 : i32
    %scan3A_1 = arith.constant 256 : i32
    %scan3A_2 = arith.addi %scan3A, %scan3A_1 : i32
    %scan3A_3 = arith.constant 1 : i32
    scf.for %scan3A_19 = %scan3A to %scan3A_2 step %scan3A_3  : i32 {
      %mul3A_20 = arith.constant 1 : i32
      %mul3A_21 = arith.muli %scan3A_19, %mul3A_20 : i32
      %add3A_22 = arith.constant 0 : i32
      %add3A_23 = arith.addi %add3A_22, %mul3A_21 : i32
      %broadcast_in_dim3A = arith.constant 0.000000e+00 : f32
      %broadcast_in_dim3A_24 = vector.broadcast %broadcast_in_dim3A : f32 to vector<16xf32>
      %swap3A = arith.index_cast %add3A_23 : i32 to index
      %swap3A_25 = arith.constant 0 : index
      %swap3A_26 = tpu.vector_load %arg8[%swap3A, %swap3A_25] {strides = array<i32>} : memref<256x128xf32, #tpu.memory_space<vmem>>, vector<1x16xf32>,
      %swap3A_27 = vector.shape_cast %swap3A_26 : vector<1x16xf32> to vector<16xf32>
      %swap3A_28 = vector.shape_cast %broadcast_in_dim3A_24 : vector<16xf32> to vector<1x16xf32>
      tpu.vector_store %arg8[%swap3A, %swap3A_25], %swap3A_28 {strides = array<i32>} : memref<256x128xf32, #tpu.memory_space<vmem>>, vector<1x16xf32>,
      %broadcast_in_dim3A_29 = arith.constant 0.000000e+00 : f32
      %broadcast_in_dim3A_30 = vector.broadcast %broadcast_in_dim3A_29 : f32 to vector<16xf32>
      %swap3A_31 = arith.index_cast %add3A_23 : i32 to index
      %swap3A_32 = arith.constant 16 : index
      %swap3A_33 = tpu.vector_load %arg8[%swap3A_31, %swap3A_32] {strides = array<i32>} : memref<256x128xf32, #tpu.memory_space<vmem>>, vector<1x16xf32>,
      %swap3A_34 = vector.shape_cast %swap3A_33 : vector<1x16xf32> to vector<16xf32>
      %swap3A_35 = vector.shape_cast %broadcast_in_dim3A_30 : vector<16xf32> to vector<1x16xf32>
      tpu.vector_store %arg8[%swap3A_31, %swap3A_32], %swap3A_35 {strides = array<i32>} : memref<256x128xf32, #tpu.memory_space<vmem>>, vector<1x16xf32>,
      %broadcast_in_dim3A_36 = arith.constant 0.000000e+00 : f32
      %broadcast_in_dim3A_37 = vector.broadcast %broadcast_in_dim3A_36 : f32 to vector<16xf32>
      %swap3A_38 = arith.index_cast %add3A_23 : i32 to index
      %swap3A_39 = arith.constant 32 : index
      %swap3A_40 = tpu.vector_load %arg8[%swap3A_38, %swap3A_39] {strides = array<i32>} : memref<256x128xf32, #tpu.memory_space<vmem>>, vector<1x16xf32>,
      %swap3A_41 = vector.shape_cast %swap3A_40 : vector<1x16xf32> to vector<16xf32>
      %swap3A_42 = vector.shape_cast %broadcast_in_dim3A_37 : vector<16xf32> to vector<1x16xf32>
      tpu.vector_store %arg8[%swap3A_38, %swap3A_39], %swap3A_42 {strides = array<i32>} : memref<256x128xf32, #tpu.memory_space<vmem>>, vector<1x16xf32>,
      %broadcast_in_dim3A_43 = arith.constant 0.000000e+00 : f32
      %broadcast_in_dim3A_44 = vector.broadcast %broadcast_in_dim3A_43 : f32 to vector<16xf32>
      %swap3A_45 = arith.index_cast %add3A_23 : i32 to index
      %swap3A_46 = arith.constant 48 : index
      %swap3A_47 = tpu.vector_load %arg8[%swap3A_45, %swap3A_46] {strides = array<i32>} : memref<256x128xf32, #tpu.memory_space<vmem>>, vector<1x16xf32>,
      %swap3A_48 = vector.shape_cast %swap3A_47 : vector<1x16xf32> to vector<16xf32>
      %swap3A_49 = vector.shape_cast %broadcast_in_dim3A_44 : vector<16xf32> to vector<1x16xf32>
      tpu.vector_store %arg8[%swap3A_45, %swap3A_46], %swap3A_49 {strides = array<i32>} : memref<256x128xf32, #tpu.memory_space<vmem>>, vector<1x16xf32>,
      %broadcast_in_dim3A_50 = arith.constant 0.000000e+00 : f32
      %broadcast_in_dim3A_51 = vector.broadcast %broadcast_in_dim3A_50 : f32 to vector<16xf32>
      %swap3A_52 = arith.index_cast %add3A_23 : i32 to index
      %swap3A_53 = arith.constant 64 : index
      %swap3A_54 = tpu.vector_load %arg8[%swap3A_52, %swap3A_53] {strides = array<i32>} : memref<256x128xf32, #tpu.memory_space<vmem>>, vector<1x16xf32>,
      %swap3A_55 = vector.shape_cast %swap3A_54 : vector<1x16xf32> to vector<16xf32>
      %swap3A_56 = vector.shape_cast %broadcast_in_dim3A_51 : vector<16xf32> to vector<1x16xf32>
      tpu.vector_store %arg8[%swap3A_52, %swap3A_53], %swap3A_56 {strides = array<i32>} : memref<256x128xf32, #tpu.memory_space<vmem>>, vector<1x16xf32>,
      %broadcast_in_dim3A_57 = arith.constant 0.000000e+00 : f32
      %broadcast_in_dim3A_58 = vector.broadcast %broadcast_in_dim3A_57 : f32 to vector<16xf32>
      %swap3A_59 = arith.index_cast %add3A_23 : i32 to index
      %swap3A_60 = arith.constant 80 : index
      %swap3A_61 = tpu.vector_load %arg8[%swap3A_59, %swap3A_60] {strides = array<i32>} : memref<256x128xf32, #tpu.memory_space<vmem>>, vector<1x16xf32>,
      %swap3A_62 = vector.shape_cast %swap3A_61 : vector<1x16xf32> to vector<16xf32>
      %swap3A_63 = vector.shape_cast %broadcast_in_dim3A_58 : vector<16xf32> to vector<1x16xf32>
      tpu.vector_store %arg8[%swap3A_59, %swap3A_60], %swap3A_63 {strides = array<i32>} : memref<256x128xf32, #tpu.memory_space<vmem>>, vector<1x16xf32>,
      %broadcast_in_dim3A_64 = arith.constant 0.000000e+00 : f32
      %broadcast_in_dim3A_65 = vector.broadcast %broadcast_in_dim3A_64 : f32 to vector<16xf32>
      %swap3A_66 = arith.index_cast %add3A_23 : i32 to index
      %swap3A_67 = arith.constant 96 : index
      %swap3A_68 = tpu.vector_load %arg8[%swap3A_66, %swap3A_67] {strides = array<i32>} : memref<256x128xf32, #tpu.memory_space<vmem>>, vector<1x16xf32>,
      %swap3A_69 = vector.shape_cast %swap3A_68 : vector<1x16xf32> to vector<16xf32>
      %swap3A_70 = vector.shape_cast %broadcast_in_dim3A_65 : vector<16xf32> to vector<1x16xf32>
      tpu.vector_store %arg8[%swap3A_66, %swap3A_67], %swap3A_70 {strides = array<i32>} : memref<256x128xf32, #tpu.memory_space<vmem>>, vector<1x16xf32>,
      %broadcast_in_dim3A_71 = arith.constant 0.000000e+00 : f32
      %broadcast_in_dim3A_72 = vector.broadcast %broadcast_in_dim3A_71 : f32 to vector<16xf32>
      %swap3A_73 = arith.index_cast %add3A_23 : i32 to index
      %swap3A_74 = arith.constant 112 : index
      %swap3A_75 = tpu.vector_load %arg8[%swap3A_73, %swap3A_74] {strides = array<i32>} : memref<256x128xf32, #tpu.memory_space<vmem>>, vector<1x16xf32>,
      %swap3A_76 = vector.shape_cast %swap3A_75 : vector<1x16xf32> to vector<16xf32>
      %swap3A_77 = vector.shape_cast %broadcast_in_dim3A_72 : vector<16xf32> to vector<1x16xf32>
      tpu.vector_store %arg8[%swap3A_73, %swap3A_74], %swap3A_77 {strides = array<i32>} : memref<256x128xf32, #tpu.memory_space<vmem>>, vector<1x16xf32>,
    }
    %scan3A_4 = arith.constant 256 : i32
    %mul3A_5 = arith.constant 632 : i32
    %mul3A_6 = arith.muli %arg1, %mul3A_5 : i32
    %add3A_7 = arith.constant 0 : i32
    %add3A_8 = arith.addi %mul3A_6, %add3A_7 : i32
    "tpu.region"() ({
      %run_scoped3A = tpu.sem_alloc : memref<!tpu.dma_semaphore, #tpu.memory_space<semaphore_mem>>
      %dma_start3A = arith.constant 0 : i32
      %dma_start3A_19 = tpu.memref_slice %arg9[%add3A_8, %dma_start3A] : memref<10112x128xf32, #tpu.memory_space<vmem_shared>> -> memref<256x128xf32, #tpu.memory_space<vmem_shared>>
      %dma_start3A_20 = arith.constant 0 : i32
      %dma_start3A_21 = tpu.memref_slice %arg9[%add3A_8, %dma_start3A_20] : memref<10112x128xf32, #tpu.memory_space<vmem_shared>> -> memref<256x128xf32, #tpu.memory_space<vmem_shared>>
      tpu.enqueue_dma source(%arg8 : memref<256x128xf32, #tpu.memory_space<vmem>>) target(%dma_start3A_21 : memref<256x128xf32, #tpu.memory_space<vmem_shared>>) target_semaphore(%run_scoped3A : memref<!tpu.dma_semaphore, #tpu.memory_space<semaphore_mem>>)
      %dma_wait3A = arith.constant 0 : i32
      %dma_wait3A_22 = tpu.memref_slice %arg9[%add3A_8, %dma_wait3A] : memref<10112x128xf32, #tpu.memory_space<vmem_shared>> -> memref<256x128xf32, #tpu.memory_space<vmem_shared>>
      %dma_wait3A_23 = arith.constant 0 : i32
      %dma_wait3A_24 = tpu.memref_slice %arg9[%add3A_8, %dma_wait3A_23] : memref<10112x128xf32, #tpu.memory_space<vmem_shared>> -> memref<256x128xf32, #tpu.memory_space<vmem_shared>>
      tpu.wait_dma2 semaphore(%run_scoped3A : memref<!tpu.dma_semaphore, #tpu.memory_space<semaphore_mem>>) src(%arg8 : memref<256x128xf32, #tpu.memory_space<vmem>>) dst(%dma_wait3A_24 : memref<256x128xf32, #tpu.memory_space<vmem_shared>>)
      tpu.yield
    }) : () -> ()
    %add3A_9 = arith.constant 256 : i32
    %add3A_10 = arith.addi %mul3A_6, %add3A_9 : i32
    "tpu.region"() ({
      %run_scoped3A = tpu.sem_alloc : memref<!tpu.dma_semaphore, #tpu.memory_space<semaphore_mem>>
      %dma_start3A = arith.constant 0 : i32
      %dma_start3A_19 = tpu.memref_slice %arg9[%add3A_10, %dma_start3A] : memref<10112x128xf32, #tpu.memory_space<vmem_shared>> -> memref<256x128xf32, #tpu.memory_space<vmem_shared>>
      %dma_start3A_20 = arith.constant 0 : i32
      %dma_start3A_21 = tpu.memref_slice %arg9[%add3A_10, %dma_start3A_20] : memref<10112x128xf32, #tpu.memory_space<vmem_shared>> -> memref<256x128xf32, #tpu.memory_space<vmem_shared>>
      tpu.enqueue_dma source(%arg8 : memref<256x128xf32, #tpu.memory_space<vmem>>) target(%dma_start3A_21 : memref<256x128xf32, #tpu.memory_space<vmem_shared>>) target_semaphore(%run_scoped3A : memref<!tpu.dma_semaphore, #tpu.memory_space<semaphore_mem>>)
      %dma_wait3A = arith.constant 0 : i32
      %dma_wait3A_22 = tpu.memref_slice %arg9[%add3A_10, %dma_wait3A] : memref<10112x128xf32, #tpu.memory_space<vmem_shared>> -> memref<256x128xf32, #tpu.memory_space<vmem_shared>>
      %dma_wait3A_23 = arith.constant 0 : i32
      %dma_wait3A_24 = tpu.memref_slice %arg9[%add3A_10, %dma_wait3A_23] : memref<10112x128xf32, #tpu.memory_space<vmem_shared>> -> memref<256x128xf32, #tpu.memory_space<vmem_shared>>
      tpu.wait_dma2 semaphore(%run_scoped3A : memref<!tpu.dma_semaphore, #tpu.memory_space<semaphore_mem>>) src(%arg8 : memref<256x128xf32, #tpu.memory_space<vmem>>) dst(%dma_wait3A_24 : memref<256x128xf32, #tpu.memory_space<vmem_shared>>)
      tpu.yield
    }) : () -> ()
    %add3A_11 = arith.constant 512 : i32
    %add3A_12 = arith.addi %mul3A_6, %add3A_11 : i32
    "tpu.region"() ({
      %run_scoped3A = tpu.sem_alloc : memref<!tpu.dma_semaphore, #tpu.memory_space<semaphore_mem>>
      %dma_start3A = arith.constant 0 : i32
      %dma_start3A_19 = arith.constant 0 : i32
      %dma_start3A_20 = tpu.memref_slice %arg8[%dma_start3A, %dma_start3A_19] : memref<256x128xf32, #tpu.memory_space<vmem>> -> memref<120x128xf32, #tpu.memory_space<vmem>>
      %dma_start3A_21 = arith.constant 0 : i32
      %dma_start3A_22 = tpu.memref_slice %arg9[%add3A_12, %dma_start3A_21] : memref<10112x128xf32, #tpu.memory_space<vmem_shared>> -> memref<120x128xf32, #tpu.memory_space<vmem_shared>>
      %dma_start3A_23 = arith.constant 0 : i32
      %dma_start3A_24 = tpu.memref_slice %arg9[%add3A_12, %dma_start3A_23] : memref<10112x128xf32, #tpu.memory_space<vmem_shared>> -> memref<120x128xf32, #tpu.memory_space<vmem_shared>>
      %dma_start3A_25 = arith.constant 0 : i32
      %dma_start3A_26 = arith.constant 0 : i32
      %dma_start3A_27 = tpu.memref_slice %arg8[%dma_start3A_25, %dma_start3A_26] : memref<256x128xf32, #tpu.memory_space<vmem>> -> memref<120x128xf32, #tpu.memory_space<vmem>>
      tpu.enqueue_dma source(%dma_start3A_27 : memref<120x128xf32, #tpu.memory_space<vmem>>) target(%dma_start3A_24 : memref<120x128xf32, #tpu.memory_space<vmem_shared>>) target_semaphore(%run_scoped3A : memref<!tpu.dma_semaphore, #tpu.memory_space<semaphore_mem>>)
      %dma_wait3A = arith.constant 0 : i32
      %dma_wait3A_28 = arith.constant 0 : i32
      %dma_wait3A_29 = tpu.memref_slice %arg8[%dma_wait3A, %dma_wait3A_28] : memref<256x128xf32, #tpu.memory_space<vmem>> -> memref<120x128xf32, #tpu.memory_space<vmem>>
      %dma_wait3A_30 = arith.constant 0 : i32
      %dma_wait3A_31 = tpu.memref_slice %arg9[%add3A_12, %dma_wait3A_30] : memref<10112x128xf32, #tpu.memory_space<vmem_shared>> -> memref<120x128xf32, #tpu.memory_space<vmem_shared>>
      %dma_wait3A_32 = arith.constant 0 : i32
      %dma_wait3A_33 = tpu.memref_slice %arg9[%add3A_12, %dma_wait3A_32] : memref<10112x128xf32, #tpu.memory_space<vmem_shared>> -> memref<120x128xf32, #tpu.memory_space<vmem_shared>>
      %dma_wait3A_34 = arith.constant 0 : i32
      %dma_wait3A_35 = arith.constant 0 : i32
      %dma_wait3A_36 = tpu.memref_slice %arg8[%dma_wait3A_34, %dma_wait3A_35] : memref<256x128xf32, #tpu.memory_space<vmem>> -> memref<120x128xf32, #tpu.memory_space<vmem>>
      tpu.wait_dma2 semaphore(%run_scoped3A : memref<!tpu.dma_semaphore, #tpu.memory_space<semaphore_mem>>) src(%dma_wait3A_36 : memref<120x128xf32, #tpu.memory_space<vmem>>) dst(%dma_wait3A_33 : memref<120x128xf32, #tpu.memory_space<vmem_shared>>)
      tpu.yield
    }) : () -> ()
    %barrier3A = arith.constant 0 : index
    tpu.barrier barrier_id(%barrier3A)
    "tpu.region"() ({
      %run_scoped3A = tpu.sem_alloc : memref<!tpu.dma_semaphore, #tpu.memory_space<semaphore_mem>>
      %dma_start3A = arith.constant 0 : i32
      %dma_start3A_19 = arith.constant 0 : i32
      %dma_start3A_20 = tpu.memref_slice %arg5[%dma_start3A, %dma_start3A_19] : memref<42x256xi32, #tpu.memory_space<vmem>> -> memref<40x256xi32, #tpu.memory_space<vmem>>
      %dma_start3A_21 = arith.constant 0 : i32
      %dma_start3A_22 = arith.constant 0 : i32
      %dma_start3A_23 = tpu.memref_slice %arg3[%add3A, %dma_start3A_21, %dma_start3A_22] : memref<32x40x256xi32, #tpu.memory_space<hbm>> -> memref<1x40x256xi32, #tpu.memory_space<hbm>>
      %dma_start3A_24 = tpu.memref_squeeze %dma_start3A_23 : memref<1x40x256xi32, #tpu.memory_space<hbm>> -> memref<40x256xi32, #tpu.memory_space<hbm>>
      %dma_start3A_25 = arith.constant 0 : i32
      %dma_start3A_26 = arith.constant 0 : i32
      %dma_start3A_27 = tpu.memref_slice %arg5[%dma_start3A_25, %dma_start3A_26] : memref<42x256xi32, #tpu.memory_space<vmem>> -> memref<40x256xi32, #tpu.memory_space<vmem>>
      %dma_start3A_28 = arith.constant 0 : i32
      %dma_start3A_29 = arith.constant 0 : i32
      %dma_start3A_30 = tpu.memref_slice %arg3[%add3A, %dma_start3A_28, %dma_start3A_29] : memref<32x40x256xi32, #tpu.memory_space<hbm>> -> memref<1x40x256xi32, #tpu.memory_space<hbm>>
      %dma_start3A_31 = tpu.memref_squeeze %dma_start3A_30 : memref<1x40x256xi32, #tpu.memory_space<hbm>> -> memref<40x256xi32, #tpu.memory_space<hbm>>
      tpu.enqueue_dma source(%dma_start3A_31 : memref<40x256xi32, #tpu.memory_space<hbm>>) target(%dma_start3A_27 : memref<40x256xi32, #tpu.memory_space<vmem>>) target_semaphore(%run_scoped3A : memref<!tpu.dma_semaphore, #tpu.memory_space<semaphore_mem>>)
      %dma_wait3A = arith.constant 0 : i32
      %dma_wait3A_32 = arith.constant 0 : i32
      %dma_wait3A_33 = tpu.memref_slice %arg5[%dma_wait3A, %dma_wait3A_32] : memref<42x256xi32, #tpu.memory_space<vmem>> -> memref<40x256xi32, #tpu.memory_space<vmem>>
      %dma_wait3A_34 = arith.constant 0 : i32
      %dma_wait3A_35 = arith.constant 0 : i32
      %dma_wait3A_36 = tpu.memref_slice %arg3[%add3A, %dma_wait3A_34, %dma_wait3A_35] : memref<32x40x256xi32, #tpu.memory_space<hbm>> -> memref<1x40x256xi32, #tpu.memory_space<hbm>>
      %dma_wait3A_37 = tpu.memref_squeeze %dma_wait3A_36 : memref<1x40x256xi32, #tpu.memory_space<hbm>> -> memref<40x256xi32, #tpu.memory_space<hbm>>
      %dma_wait3A_38 = arith.constant 0 : i32
      %dma_wait3A_39 = arith.constant 0 : i32
      %dma_wait3A_40 = tpu.memref_slice %arg5[%dma_wait3A_38, %dma_wait3A_39] : memref<42x256xi32, #tpu.memory_space<vmem>> -> memref<40x256xi32, #tpu.memory_space<vmem>>
      %dma_wait3A_41 = arith.constant 0 : i32
      %dma_wait3A_42 = arith.constant 0 : i32
      %dma_wait3A_43 = tpu.memref_slice %arg3[%add3A, %dma_wait3A_41, %dma_wait3A_42] : memref<32x40x256xi32, #tpu.memory_space<hbm>> -> memref<1x40x256xi32, #tpu.memory_space<hbm>>
      %dma_wait3A_44 = tpu.memref_squeeze %dma_wait3A_43 : memref<1x40x256xi32, #tpu.memory_space<hbm>> -> memref<40x256xi32, #tpu.memory_space<hbm>>
      tpu.wait_dma2 semaphore(%run_scoped3A : memref<!tpu.dma_semaphore, #tpu.memory_space<semaphore_mem>>) src(%dma_wait3A_44 : memref<40x256xi32, #tpu.memory_space<hbm>>) dst(%dma_wait3A_40 : memref<40x256xi32, #tpu.memory_space<vmem>>)
      tpu.yield
    }) : () -> ()
    %scan3A_13 = arith.constant 0 : i32
    %scan3A_14 = arith.constant 40 : i32
    %scan3A_15 = arith.addi %scan3A_13, %scan3A_14 : i32
    %scan3A_16 = arith.constant 1 : i32
    scf.for %scan3A_19 = %scan3A_13 to %scan3A_15 step %scan3A_16  : i32 {
      %mul3A_20 = arith.constant 1 : i32
      %mul3A_21 = arith.muli %scan3A_19, %mul3A_20 : i32
      %add3A_22 = arith.constant 0 : i32
      %add3A_23 = arith.addi %add3A_22, %mul3A_21 : i32
      %get3A = arith.index_cast %add3A_23 : i32 to index
      %get3A_24 = arith.constant 0 : index
      %get3A_25 = tpu.vector_load %arg5[%get3A, %get3A_24] {strides = array<i32>} : memref<42x256xi32, #tpu.memory_space<vmem>>, vector<1x16xi32>,
      %get3A_26 = vector.shape_cast %get3A_25 : vector<1x16xi32> to vector<16xi32>
      %and3A = arith.constant 65535 : i32
      %and3A_27 = vector.broadcast %and3A : i32 to vector<16xi32>
      %and3A_28 = arith.andi %get3A_26, %and3A_27 : vector<16xi32>
      %swap3A = arith.constant 0 : index
      %swap3A_29 = tpu.vector_load %arg6[%swap3A] {strides = array<i32>} : memref<256xi32, #tpu.memory_space<vmem>>, vector<16xi32>,
      %swap3A_30 = vector.shape_cast %swap3A_29 : vector<16xi32> to vector<16xi32>
      %swap3A_31 = vector.shape_cast %and3A_28 : vector<16xi32> to vector<16xi32>
      tpu.vector_store %arg6[%swap3A], %swap3A_31 {strides = array<i32>} : memref<256xi32, #tpu.memory_space<vmem>>, vector<16xi32>,
      %shift_right_logical3A = arith.constant 16 : i32
      %shift_right_logical3A_32 = vector.broadcast %shift_right_logical3A : i32 to vector<16xi32>
      %shift_right_logical3A_33 = arith.shrui %get3A_26, %shift_right_logical3A_32 : vector<16xi32>
      %swap3A_34 = arith.constant 0 : index
      %swap3A_35 = tpu.vector_load %arg7[%swap3A_34] {strides = array<i32>} : memref<256xi32, #tpu.memory_space<vmem>>, vector<16xi32>,
      %swap3A_36 = vector.shape_cast %swap3A_35 : vector<16xi32> to vector<16xi32>
      %swap3A_37 = vector.shape_cast %shift_right_logical3A_33 : vector<16xi32> to vector<16xi32>
      tpu.vector_store %arg7[%swap3A_34], %swap3A_37 {strides = array<i32>} : memref<256xi32, #tpu.memory_space<vmem>>, vector<16xi32>,
      %get3A_38 = arith.index_cast %add3A_23 : i32 to index
      %get3A_39 = arith.constant 16 : index
      %get3A_40 = tpu.vector_load %arg5[%get3A_38, %get3A_39] {strides = array<i32>} : memref<42x256xi32, #tpu.memory_space<vmem>>, vector<1x16xi32>,
      %get3A_41 = vector.shape_cast %get3A_40 : vector<1x16xi32> to vector<16xi32>
      %and3A_42 = arith.constant 65535 : i32
      %and3A_43 = vector.broadcast %and3A_42 : i32 to vector<16xi32>
      %and3A_44 = arith.andi %get3A_41, %and3A_43 : vector<16xi32>
      %swap3A_45 = arith.constant 16 : index
      %swap3A_46 = tpu.vector_load %arg6[%swap3A_45] {strides = array<i32>} : memref<256xi32, #tpu.memory_space<vmem>>, vector<16xi32>,
      %swap3A_47 = vector.shape_cast %swap3A_46 : vector<16xi32> to vector<16xi32>
      %swap3A_48 = vector.shape_cast %and3A_44 : vector<16xi32> to vector<16xi32>
      tpu.vector_store %arg6[%swap3A_45], %swap3A_48 {strides = array<i32>} : memref<256xi32, #tpu.memory_space<vmem>>, vector<16xi32>,
      %shift_right_logical3A_49 = arith.constant 16 : i32
      %shift_right_logical3A_50 = vector.broadcast %shift_right_logical3A_49 : i32 to vector<16xi32>
      %shift_right_logical3A_51 = arith.shrui %get3A_41, %shift_right_logical3A_50 : vector<16xi32>
      %swap3A_52 = arith.constant 16 : index
      %swap3A_53 = tpu.vector_load %arg7[%swap3A_52] {strides = array<i32>} : memref<256xi32, #tpu.memory_space<vmem>>, vector<16xi32>,
      %swap3A_54 = vector.shape_cast %swap3A_53 : vector<16xi32> to vector<16xi32>
      %swap3A_55 = vector.shape_cast %shift_right_logical3A_51 : vector<16xi32> to vector<16xi32>
      tpu.vector_store %arg7[%swap3A_52], %swap3A_55 {strides = array<i32>} : memref<256xi32, #tpu.memory_space<vmem>>, vector<16xi32>,
      %get3A_56 = arith.index_cast %add3A_23 : i32 to index
      %get3A_57 = arith.constant 32 : index
      %get3A_58 = tpu.vector_load %arg5[%get3A_56, %get3A_57] {strides = array<i32>} : memref<42x256xi32, #tpu.memory_space<vmem>>, vector<1x16xi32>,
      %get3A_59 = vector.shape_cast %get3A_58 : vector<1x16xi32> to vector<16xi32>
      %and3A_60 = arith.constant 65535 : i32
      %and3A_61 = vector.broadcast %and3A_60 : i32 to vector<16xi32>
      %and3A_62 = arith.andi %get3A_59, %and3A_61 : vector<16xi32>
      %swap3A_63 = arith.constant 32 : index
      %swap3A_64 = tpu.vector_load %arg6[%swap3A_63] {strides = array<i32>} : memref<256xi32, #tpu.memory_space<vmem>>, vector<16xi32>,
      %swap3A_65 = vector.shape_cast %swap3A_64 : vector<16xi32> to vector<16xi32>
      %swap3A_66 = vector.shape_cast %and3A_62 : vector<16xi32> to vector<16xi32>
      tpu.vector_store %arg6[%swap3A_63], %swap3A_66 {strides = array<i32>} : memref<256xi32, #tpu.memory_space<vmem>>, vector<16xi32>,
      %shift_right_logical3A_67 = arith.constant 16 : i32
      %shift_right_logical3A_68 = vector.broadcast %shift_right_logical3A_67 : i32 to vector<16xi32>
      %shift_right_logical3A_69 = arith.shrui %get3A_59, %shift_right_logical3A_68 : vector<16xi32>
      %swap3A_70 = arith.constant 32 : index
      %swap3A_71 = tpu.vector_load %arg7[%swap3A_70] {strides = array<i32>} : memref<256xi32, #tpu.memory_space<vmem>>, vector<16xi32>,
      %swap3A_72 = vector.shape_cast %swap3A_71 : vector<16xi32> to vector<16xi32>
      %swap3A_73 = vector.shape_cast %shift_right_logical3A_69 : vector<16xi32> to vector<16xi32>
      tpu.vector_store %arg7[%swap3A_70], %swap3A_73 {strides = array<i32>} : memref<256xi32, #tpu.memory_space<vmem>>, vector<16xi32>,
      %get3A_74 = arith.index_cast %add3A_23 : i32 to index
      %get3A_75 = arith.constant 48 : index
      %get3A_76 = tpu.vector_load %arg5[%get3A_74, %get3A_75] {strides = array<i32>} : memref<42x256xi32, #tpu.memory_space<vmem>>, vector<1x16xi32>,
      %get3A_77 = vector.shape_cast %get3A_76 : vector<1x16xi32> to vector<16xi32>
      %and3A_78 = arith.constant 65535 : i32
      %and3A_79 = vector.broadcast %and3A_78 : i32 to vector<16xi32>
      %and3A_80 = arith.andi %get3A_77, %and3A_79 : vector<16xi32>
      %swap3A_81 = arith.constant 48 : index
      %swap3A_82 = tpu.vector_load %arg6[%swap3A_81] {strides = array<i32>} : memref<256xi32, #tpu.memory_space<vmem>>, vector<16xi32>,
      %swap3A_83 = vector.shape_cast %swap3A_82 : vector<16xi32> to vector<16xi32>
      %swap3A_84 = vector.shape_cast %and3A_80 : vector<16xi32> to vector<16xi32>
      tpu.vector_store %arg6[%swap3A_81], %swap3A_84 {strides = array<i32>} : memref<256xi32, #tpu.memory_space<vmem>>, vector<16xi32>,
      %shift_right_logical3A_85 = arith.constant 16 : i32
      %shift_right_logical3A_86 = vector.broadcast %shift_right_logical3A_85 : i32 to vector<16xi32>
      %shift_right_logical3A_87 = arith.shrui %get3A_77, %shift_right_logical3A_86 : vector<16xi32>
      %swap3A_88 = arith.constant 48 : index
      %swap3A_89 = tpu.vector_load %arg7[%swap3A_88] {strides = array<i32>} : memref<256xi32, #tpu.memory_space<vmem>>, vector<16xi32>,
      %swap3A_90 = vector.shape_cast %swap3A_89 : vector<16xi32> to vector<16xi32>
      %swap3A_91 = vector.shape_cast %shift_right_logical3A_87 : vector<16xi32> to vector<16xi32>
      tpu.vector_store %arg7[%swap3A_88], %swap3A_91 {strides = array<i32>} : memref<256xi32, #tpu.memory_space<vmem>>, vector<16xi32>,
      %get3A_92 = arith.index_cast %add3A_23 : i32 to index
      %get3A_93 = arith.constant 64 : index
      %get3A_94 = tpu.vector_load %arg5[%get3A_92, %get3A_93] {strides = array<i32>} : memref<42x256xi32, #tpu.memory_space<vmem>>, vector<1x16xi32>,
      %get3A_95 = vector.shape_cast %get3A_94 : vector<1x16xi32> to vector<16xi32>
      %and3A_96 = arith.constant 65535 : i32
      %and3A_97 = vector.broadcast %and3A_96 : i32 to vector<16xi32>
      %and3A_98 = arith.andi %get3A_95, %and3A_97 : vector<16xi32>
      %swap3A_99 = arith.constant 64 : index
      %swap3A_100 = tpu.vector_load %arg6[%swap3A_99] {strides = array<i32>} : memref<256xi32, #tpu.memory_space<vmem>>, vector<16xi32>,
      %swap3A_101 = vector.shape_cast %swap3A_100 : vector<16xi32> to vector<16xi32>
      %swap3A_102 = vector.shape_cast %and3A_98 : vector<16xi32> to vector<16xi32>
      tpu.vector_store %arg6[%swap3A_99], %swap3A_102 {strides = array<i32>} : memref<256xi32, #tpu.memory_space<vmem>>, vector<16xi32>,
      %shift_right_logical3A_103 = arith.constant 16 : i32
      %shift_right_logical3A_104 = vector.broadcast %shift_right_logical3A_103 : i32 to vector<16xi32>
      %shift_right_logical3A_105 = arith.shrui %get3A_95, %shift_right_logical3A_104 : vector<16xi32>
      %swap3A_106 = arith.constant 64 : index
      %swap3A_107 = tpu.vector_load %arg7[%swap3A_106] {strides = array<i32>} : memref<256xi32, #tpu.memory_space<vmem>>, vector<16xi32>,
      %swap3A_108 = vector.shape_cast %swap3A_107 : vector<16xi32> to vector<16xi32>
      %swap3A_109 = vector.shape_cast %shift_right_logical3A_105 : vector<16xi32> to vector<16xi32>
      tpu.vector_store %arg7[%swap3A_106], %swap3A_109 {strides = array<i32>} : memref<256xi32, #tpu.memory_space<vmem>>, vector<16xi32>,
      %get3A_110 = arith.index_cast %add3A_23 : i32 to index
      %get3A_111 = arith.constant 80 : index
      %get3A_112 = tpu.vector_load %arg5[%get3A_110, %get3A_111] {strides = array<i32>} : memref<42x256xi32, #tpu.memory_space<vmem>>, vector<1x16xi32>,
      %get3A_113 = vector.shape_cast %get3A_112 : vector<1x16xi32> to vector<16xi32>
      %and3A_114 = arith.constant 65535 : i32
      %and3A_115 = vector.broadcast %and3A_114 : i32 to vector<16xi32>
      %and3A_116 = arith.andi %get3A_113, %and3A_115 : vector<16xi32>
      %swap3A_117 = arith.constant 80 : index
      %swap3A_118 = tpu.vector_load %arg6[%swap3A_117] {strides = array<i32>} : memref<256xi32, #tpu.memory_space<vmem>>, vector<16xi32>,
      %swap3A_119 = vector.shape_cast %swap3A_118 : vector<16xi32> to vector<16xi32>
      %swap3A_120 = vector.shape_cast %and3A_116 : vector<16xi32> to vector<16xi32>
      tpu.vector_store %arg6[%swap3A_117], %swap3A_120 {strides = array<i32>} : memref<256xi32, #tpu.memory_space<vmem>>, vector<16xi32>,
      %shift_right_logical3A_121 = arith.constant 16 : i32
      %shift_right_logical3A_122 = vector.broadcast %shift_right_logical3A_121 : i32 to vector<16xi32>
      %shift_right_logical3A_123 = arith.shrui %get3A_113, %shift_right_logical3A_122 : vector<16xi32>
      %swap3A_124 = arith.constant 80 : index
      %swap3A_125 = tpu.vector_load %arg7[%swap3A_124] {strides = array<i32>} : memref<256xi32, #tpu.memory_space<vmem>>, vector<16xi32>,
      %swap3A_126 = vector.shape_cast %swap3A_125 : vector<16xi32> to vector<16xi32>
      %swap3A_127 = vector.shape_cast %shift_right_logical3A_123 : vector<16xi32> to vector<16xi32>
      tpu.vector_store %arg7[%swap3A_124], %swap3A_127 {strides = array<i32>} : memref<256xi32, #tpu.memory_space<vmem>>, vector<16xi32>,
      %get3A_128 = arith.index_cast %add3A_23 : i32 to index
      %get3A_129 = arith.constant 96 : index
      %get3A_130 = tpu.vector_load %arg5[%get3A_128, %get3A_129] {strides = array<i32>} : memref<42x256xi32, #tpu.memory_space<vmem>>, vector<1x16xi32>,
      %get3A_131 = vector.shape_cast %get3A_130 : vector<1x16xi32> to vector<16xi32>
      %and3A_132 = arith.constant 65535 : i32
      %and3A_133 = vector.broadcast %and3A_132 : i32 to vector<16xi32>
      %and3A_134 = arith.andi %get3A_131, %and3A_133 : vector<16xi32>
      %swap3A_135 = arith.constant 96 : index
      %swap3A_136 = tpu.vector_load %arg6[%swap3A_135] {strides = array<i32>} : memref<256xi32, #tpu.memory_space<vmem>>, vector<16xi32>,
      %swap3A_137 = vector.shape_cast %swap3A_136 : vector<16xi32> to vector<16xi32>
      %swap3A_138 = vector.shape_cast %and3A_134 : vector<16xi32> to vector<16xi32>
      tpu.vector_store %arg6[%swap3A_135], %swap3A_138 {strides = array<i32>} : memref<256xi32, #tpu.memory_space<vmem>>, vector<16xi32>,
      %shift_right_logical3A_139 = arith.constant 16 : i32
      %shift_right_logical3A_140 = vector.broadcast %shift_right_logical3A_139 : i32 to vector<16xi32>
      %shift_right_logical3A_141 = arith.shrui %get3A_131, %shift_right_logical3A_140 : vector<16xi32>
      %swap3A_142 = arith.constant 96 : index
      %swap3A_143 = tpu.vector_load %arg7[%swap3A_142] {strides = array<i32>} : memref<256xi32, #tpu.memory_space<vmem>>, vector<16xi32>,
      %swap3A_144 = vector.shape_cast %swap3A_143 : vector<16xi32> to vector<16xi32>
      %swap3A_145 = vector.shape_cast %shift_right_logical3A_141 : vector<16xi32> to vector<16xi32>
      tpu.vector_store %arg7[%swap3A_142], %swap3A_145 {strides = array<i32>} : memref<256xi32, #tpu.memory_space<vmem>>, vector<16xi32>,
      %get3A_146 = arith.index_cast %add3A_23 : i32 to index
      %get3A_147 = arith.constant 112 : index
      %get3A_148 = tpu.vector_load %arg5[%get3A_146, %get3A_147] {strides = array<i32>} : memref<42x256xi32, #tpu.memory_space<vmem>>, vector<1x16xi32>,
      %get3A_149 = vector.shape_cast %get3A_148 : vector<1x16xi32> to vector<16xi32>
      %and3A_150 = arith.constant 65535 : i32
      %and3A_151 = vector.broadcast %and3A_150 : i32 to vector<16xi32>
      %and3A_152 = arith.andi %get3A_149, %and3A_151 : vector<16xi32>
      %swap3A_153 = arith.constant 112 : index
      %swap3A_154 = tpu.vector_load %arg6[%swap3A_153] {strides = array<i32>} : memref<256xi32, #tpu.memory_space<vmem>>, vector<16xi32>,
      %swap3A_155 = vector.shape_cast %swap3A_154 : vector<16xi32> to vector<16xi32>
      %swap3A_156 = vector.shape_cast %and3A_152 : vector<16xi32> to vector<16xi32>
      tpu.vector_store %arg6[%swap3A_153], %swap3A_156 {strides = array<i32>} : memref<256xi32, #tpu.memory_space<vmem>>, vector<16xi32>,
      %shift_right_logical3A_157 = arith.constant 16 : i32
      %shift_right_logical3A_158 = vector.broadcast %shift_right_logical3A_157 : i32 to vector<16xi32>
      %shift_right_logical3A_159 = arith.shrui %get3A_149, %shift_right_logical3A_158 : vector<16xi32>
      %swap3A_160 = arith.constant 112 : index
      %swap3A_161 = tpu.vector_load %arg7[%swap3A_160] {strides = array<i32>} : memref<256xi32, #tpu.memory_space<vmem>>, vector<16xi32>,
      %swap3A_162 = vector.shape_cast %swap3A_161 : vector<16xi32> to vector<16xi32>
      %swap3A_163 = vector.shape_cast %shift_right_logical3A_159 : vector<16xi32> to vector<16xi32>
      tpu.vector_store %arg7[%swap3A_160], %swap3A_163 {strides = array<i32>} : memref<256xi32, #tpu.memory_space<vmem>>, vector<16xi32>,
      %get3A_164 = arith.index_cast %add3A_23 : i32 to index
      %get3A_165 = arith.constant 128 : index
      %get3A_166 = tpu.vector_load %arg5[%get3A_164, %get3A_165] {strides = array<i32>} : memref<42x256xi32, #tpu.memory_space<vmem>>, vector<1x16xi32>,
      %get3A_167 = vector.shape_cast %get3A_166 : vector<1x16xi32> to vector<16xi32>
      %and3A_168 = arith.constant 65535 : i32
      %and3A_169 = vector.broadcast %and3A_168 : i32 to vector<16xi32>
      %and3A_170 = arith.andi %get3A_167, %and3A_169 : vector<16xi32>
      %swap3A_171 = arith.constant 128 : index
      %swap3A_172 = tpu.vector_load %arg6[%swap3A_171] {strides = array<i32>} : memref<256xi32, #tpu.memory_space<vmem>>, vector<16xi32>,
      %swap3A_173 = vector.shape_cast %swap3A_172 : vector<16xi32> to vector<16xi32>
      %swap3A_174 = vector.shape_cast %and3A_170 : vector<16xi32> to vector<16xi32>
      tpu.vector_store %arg6[%swap3A_171], %swap3A_174 {strides = array<i32>} : memref<256xi32, #tpu.memory_space<vmem>>, vector<16xi32>,
      %shift_right_logical3A_175 = arith.constant 16 : i32
      %shift_right_logical3A_176 = vector.broadcast %shift_right_logical3A_175 : i32 to vector<16xi32>
      %shift_right_logical3A_177 = arith.shrui %get3A_167, %shift_right_logical3A_176 : vector<16xi32>
      %swap3A_178 = arith.constant 128 : index
      %swap3A_179 = tpu.vector_load %arg7[%swap3A_178] {strides = array<i32>} : memref<256xi32, #tpu.memory_space<vmem>>, vector<16xi32>,
      %swap3A_180 = vector.shape_cast %swap3A_179 : vector<16xi32> to vector<16xi32>
      %swap3A_181 = vector.shape_cast %shift_right_logical3A_177 : vector<16xi32> to vector<16xi32>
      tpu.vector_store %arg7[%swap3A_178], %swap3A_181 {strides = array<i32>} : memref<256xi32, #tpu.memory_space<vmem>>, vector<16xi32>,
      %get3A_182 = arith.index_cast %add3A_23 : i32 to index
      %get3A_183 = arith.constant 144 : index
      %get3A_184 = tpu.vector_load %arg5[%get3A_182, %get3A_183] {strides = array<i32>} : memref<42x256xi32, #tpu.memory_space<vmem>>, vector<1x16xi32>,
      %get3A_185 = vector.shape_cast %get3A_184 : vector<1x16xi32> to vector<16xi32>
      %and3A_186 = arith.constant 65535 : i32
      %and3A_187 = vector.broadcast %and3A_186 : i32 to vector<16xi32>
      %and3A_188 = arith.andi %get3A_185, %and3A_187 : vector<16xi32>
      %swap3A_189 = arith.constant 144 : index
      %swap3A_190 = tpu.vector_load %arg6[%swap3A_189] {strides = array<i32>} : memref<256xi32, #tpu.memory_space<vmem>>, vector<16xi32>,
      %swap3A_191 = vector.shape_cast %swap3A_190 : vector<16xi32> to vector<16xi32>
      %swap3A_192 = vector.shape_cast %and3A_188 : vector<16xi32> to vector<16xi32>
      tpu.vector_store %arg6[%swap3A_189], %swap3A_192 {strides = array<i32>} : memref<256xi32, #tpu.memory_space<vmem>>, vector<16xi32>,
      %shift_right_logical3A_193 = arith.constant 16 : i32
      %shift_right_logical3A_194 = vector.broadcast %shift_right_logical3A_193 : i32 to vector<16xi32>
      %shift_right_logical3A_195 = arith.shrui %get3A_185, %shift_right_logical3A_194 : vector<16xi32>
      %swap3A_196 = arith.constant 144 : index
      %swap3A_197 = tpu.vector_load %arg7[%swap3A_196] {strides = array<i32>} : memref<256xi32, #tpu.memory_space<vmem>>, vector<16xi32>,
      %swap3A_198 = vector.shape_cast %swap3A_197 : vector<16xi32> to vector<16xi32>
      %swap3A_199 = vector.shape_cast %shift_right_logical3A_195 : vector<16xi32> to vector<16xi32>
      tpu.vector_store %arg7[%swap3A_196], %swap3A_199 {strides = array<i32>} : memref<256xi32, #tpu.memory_space<vmem>>, vector<16xi32>,
      %get3A_200 = arith.index_cast %add3A_23 : i32 to index
      %get3A_201 = arith.constant 160 : index
      %get3A_202 = tpu.vector_load %arg5[%get3A_200, %get3A_201] {strides = array<i32>} : memref<42x256xi32, #tpu.memory_space<vmem>>, vector<1x16xi32>,
      %get3A_203 = vector.shape_cast %get3A_202 : vector<1x16xi32> to vector<16xi32>
      %and3A_204 = arith.constant 65535 : i32
      %and3A_205 = vector.broadcast %and3A_204 : i32 to vector<16xi32>
      %and3A_206 = arith.andi %get3A_203, %and3A_205 : vector<16xi32>
      %swap3A_207 = arith.constant 160 : index
      %swap3A_208 = tpu.vector_load %arg6[%swap3A_207] {strides = array<i32>} : memref<256xi32, #tpu.memory_space<vmem>>, vector<16xi32>,
      %swap3A_209 = vector.shape_cast %swap3A_208 : vector<16xi32> to vector<16xi32>
      %swap3A_210 = vector.shape_cast %and3A_206 : vector<16xi32> to vector<16xi32>
      tpu.vector_store %arg6[%swap3A_207], %swap3A_210 {strides = array<i32>} : memref<256xi32, #tpu.memory_space<vmem>>, vector<16xi32>,
      %shift_right_logical3A_211 = arith.constant 16 : i32
      %shift_right_logical3A_212 = vector.broadcast %shift_right_logical3A_211 : i32 to vector<16xi32>
      %shift_right_logical3A_213 = arith.shrui %get3A_203, %shift_right_logical3A_212 : vector<16xi32>
      %swap3A_214 = arith.constant 160 : index
      %swap3A_215 = tpu.vector_load %arg7[%swap3A_214] {strides = array<i32>} : memref<256xi32, #tpu.memory_space<vmem>>, vector<16xi32>,
      %swap3A_216 = vector.shape_cast %swap3A_215 : vector<16xi32> to vector<16xi32>
      %swap3A_217 = vector.shape_cast %shift_right_logical3A_213 : vector<16xi32> to vector<16xi32>
      tpu.vector_store %arg7[%swap3A_214], %swap3A_217 {strides = array<i32>} : memref<256xi32, #tpu.memory_space<vmem>>, vector<16xi32>,
      %get3A_218 = arith.index_cast %add3A_23 : i32 to index
      %get3A_219 = arith.constant 176 : index
      %get3A_220 = tpu.vector_load %arg5[%get3A_218, %get3A_219] {strides = array<i32>} : memref<42x256xi32, #tpu.memory_space<vmem>>, vector<1x16xi32>,
      %get3A_221 = vector.shape_cast %get3A_220 : vector<1x16xi32> to vector<16xi32>
      %and3A_222 = arith.constant 65535 : i32
      %and3A_223 = vector.broadcast %and3A_222 : i32 to vector<16xi32>
      %and3A_224 = arith.andi %get3A_221, %and3A_223 : vector<16xi32>
      %swap3A_225 = arith.constant 176 : index
      %swap3A_226 = tpu.vector_load %arg6[%swap3A_225] {strides = array<i32>} : memref<256xi32, #tpu.memory_space<vmem>>, vector<16xi32>,
      %swap3A_227 = vector.shape_cast %swap3A_226 : vector<16xi32> to vector<16xi32>
      %swap3A_228 = vector.shape_cast %and3A_224 : vector<16xi32> to vector<16xi32>
      tpu.vector_store %arg6[%swap3A_225], %swap3A_228 {strides = array<i32>} : memref<256xi32, #tpu.memory_space<vmem>>, vector<16xi32>,
      %shift_right_logical3A_229 = arith.constant 16 : i32
      %shift_right_logical3A_230 = vector.broadcast %shift_right_logical3A_229 : i32 to vector<16xi32>
      %shift_right_logical3A_231 = arith.shrui %get3A_221, %shift_right_logical3A_230 : vector<16xi32>
      %swap3A_232 = arith.constant 176 : index
      %swap3A_233 = tpu.vector_load %arg7[%swap3A_232] {strides = array<i32>} : memref<256xi32, #tpu.memory_space<vmem>>, vector<16xi32>,
      %swap3A_234 = vector.shape_cast %swap3A_233 : vector<16xi32> to vector<16xi32>
      %swap3A_235 = vector.shape_cast %shift_right_logical3A_231 : vector<16xi32> to vector<16xi32>
      tpu.vector_store %arg7[%swap3A_232], %swap3A_235 {strides = array<i32>} : memref<256xi32, #tpu.memory_space<vmem>>, vector<16xi32>,
      %get3A_236 = arith.index_cast %add3A_23 : i32 to index
      %get3A_237 = arith.constant 192 : index
      %get3A_238 = tpu.vector_load %arg5[%get3A_236, %get3A_237] {strides = array<i32>} : memref<42x256xi32, #tpu.memory_space<vmem>>, vector<1x16xi32>,
      %get3A_239 = vector.shape_cast %get3A_238 : vector<1x16xi32> to vector<16xi32>
      %and3A_240 = arith.constant 65535 : i32
      %and3A_241 = vector.broadcast %and3A_240 : i32 to vector<16xi32>
      %and3A_242 = arith.andi %get3A_239, %and3A_241 : vector<16xi32>
      %swap3A_243 = arith.constant 192 : index
      %swap3A_244 = tpu.vector_load %arg6[%swap3A_243] {strides = array<i32>} : memref<256xi32, #tpu.memory_space<vmem>>, vector<16xi32>,
      %swap3A_245 = vector.shape_cast %swap3A_244 : vector<16xi32> to vector<16xi32>
      %swap3A_246 = vector.shape_cast %and3A_242 : vector<16xi32> to vector<16xi32>
      tpu.vector_store %arg6[%swap3A_243], %swap3A_246 {strides = array<i32>} : memref<256xi32, #tpu.memory_space<vmem>>, vector<16xi32>,
      %shift_right_logical3A_247 = arith.constant 16 : i32
      %shift_right_logical3A_248 = vector.broadcast %shift_right_logical3A_247 : i32 to vector<16xi32>
      %shift_right_logical3A_249 = arith.shrui %get3A_239, %shift_right_logical3A_248 : vector<16xi32>
      %swap3A_250 = arith.constant 192 : index
      %swap3A_251 = tpu.vector_load %arg7[%swap3A_250] {strides = array<i32>} : memref<256xi32, #tpu.memory_space<vmem>>, vector<16xi32>,
      %swap3A_252 = vector.shape_cast %swap3A_251 : vector<16xi32> to vector<16xi32>
      %swap3A_253 = vector.shape_cast %shift_right_logical3A_249 : vector<16xi32> to vector<16xi32>
      tpu.vector_store %arg7[%swap3A_250], %swap3A_253 {strides = array<i32>} : memref<256xi32, #tpu.memory_space<vmem>>, vector<16xi32>,
      %get3A_254 = arith.index_cast %add3A_23 : i32 to index
      %get3A_255 = arith.constant 208 : index
      %get3A_256 = tpu.vector_load %arg5[%get3A_254, %get3A_255] {strides = array<i32>} : memref<42x256xi32, #tpu.memory_space<vmem>>, vector<1x16xi32>,
      %get3A_257 = vector.shape_cast %get3A_256 : vector<1x16xi32> to vector<16xi32>
      %and3A_258 = arith.constant 65535 : i32
      %and3A_259 = vector.broadcast %and3A_258 : i32 to vector<16xi32>
      %and3A_260 = arith.andi %get3A_257, %and3A_259 : vector<16xi32>
      %swap3A_261 = arith.constant 208 : index
      %swap3A_262 = tpu.vector_load %arg6[%swap3A_261] {strides = array<i32>} : memref<256xi32, #tpu.memory_space<vmem>>, vector<16xi32>,
      %swap3A_263 = vector.shape_cast %swap3A_262 : vector<16xi32> to vector<16xi32>
      %swap3A_264 = vector.shape_cast %and3A_260 : vector<16xi32> to vector<16xi32>
      tpu.vector_store %arg6[%swap3A_261], %swap3A_264 {strides = array<i32>} : memref<256xi32, #tpu.memory_space<vmem>>, vector<16xi32>,
      %shift_right_logical3A_265 = arith.constant 16 : i32
      %shift_right_logical3A_266 = vector.broadcast %shift_right_logical3A_265 : i32 to vector<16xi32>
      %shift_right_logical3A_267 = arith.shrui %get3A_257, %shift_right_logical3A_266 : vector<16xi32>
      %swap3A_268 = arith.constant 208 : index
      %swap3A_269 = tpu.vector_load %arg7[%swap3A_268] {strides = array<i32>} : memref<256xi32, #tpu.memory_space<vmem>>, vector<16xi32>,
      %swap3A_270 = vector.shape_cast %swap3A_269 : vector<16xi32> to vector<16xi32>
      %swap3A_271 = vector.shape_cast %shift_right_logical3A_267 : vector<16xi32> to vector<16xi32>
      tpu.vector_store %arg7[%swap3A_268], %swap3A_271 {strides = array<i32>} : memref<256xi32, #tpu.memory_space<vmem>>, vector<16xi32>,
      %get3A_272 = arith.index_cast %add3A_23 : i32 to index
      %get3A_273 = arith.constant 224 : index
      %get3A_274 = tpu.vector_load %arg5[%get3A_272, %get3A_273] {strides = array<i32>} : memref<42x256xi32, #tpu.memory_space<vmem>>, vector<1x16xi32>,
      %get3A_275 = vector.shape_cast %get3A_274 : vector<1x16xi32> to vector<16xi32>
      %and3A_276 = arith.constant 65535 : i32
      %and3A_277 = vector.broadcast %and3A_276 : i32 to vector<16xi32>
      %and3A_278 = arith.andi %get3A_275, %and3A_277 : vector<16xi32>
      %swap3A_279 = arith.constant 224 : index
      %swap3A_280 = tpu.vector_load %arg6[%swap3A_279] {strides = array<i32>} : memref<256xi32, #tpu.memory_space<vmem>>, vector<16xi32>,
      %swap3A_281 = vector.shape_cast %swap3A_280 : vector<16xi32> to vector<16xi32>
      %swap3A_282 = vector.shape_cast %and3A_278 : vector<16xi32> to vector<16xi32>
      tpu.vector_store %arg6[%swap3A_279], %swap3A_282 {strides = array<i32>} : memref<256xi32, #tpu.memory_space<vmem>>, vector<16xi32>,
      %shift_right_logical3A_283 = arith.constant 16 : i32
      %shift_right_logical3A_284 = vector.broadcast %shift_right_logical3A_283 : i32 to vector<16xi32>
      %shift_right_logical3A_285 = arith.shrui %get3A_275, %shift_right_logical3A_284 : vector<16xi32>
      %swap3A_286 = arith.constant 224 : index
      %swap3A_287 = tpu.vector_load %arg7[%swap3A_286] {strides = array<i32>} : memref<256xi32, #tpu.memory_space<vmem>>, vector<16xi32>,
      %swap3A_288 = vector.shape_cast %swap3A_287 : vector<16xi32> to vector<16xi32>
      %swap3A_289 = vector.shape_cast %shift_right_logical3A_285 : vector<16xi32> to vector<16xi32>
      tpu.vector_store %arg7[%swap3A_286], %swap3A_289 {strides = array<i32>} : memref<256xi32, #tpu.memory_space<vmem>>, vector<16xi32>,
      %get3A_290 = arith.index_cast %add3A_23 : i32 to index
      %get3A_291 = arith.constant 240 : index
      %get3A_292 = tpu.vector_load %arg5[%get3A_290, %get3A_291] {strides = array<i32>} : memref<42x256xi32, #tpu.memory_space<vmem>>, vector<1x16xi32>,
      %get3A_293 = vector.shape_cast %get3A_292 : vector<1x16xi32> to vector<16xi32>
      %and3A_294 = arith.constant 65535 : i32
      %and3A_295 = vector.broadcast %and3A_294 : i32 to vector<16xi32>
      %and3A_296 = arith.andi %get3A_293, %and3A_295 : vector<16xi32>
      %swap3A_297 = arith.constant 240 : index
      %swap3A_298 = tpu.vector_load %arg6[%swap3A_297] {strides = array<i32>} : memref<256xi32, #tpu.memory_space<vmem>>, vector<16xi32>,
      %swap3A_299 = vector.shape_cast %swap3A_298 : vector<16xi32> to vector<16xi32>
      %swap3A_300 = vector.shape_cast %and3A_296 : vector<16xi32> to vector<16xi32>
      tpu.vector_store %arg6[%swap3A_297], %swap3A_300 {strides = array<i32>} : memref<256xi32, #tpu.memory_space<vmem>>, vector<16xi32>,
      %shift_right_logical3A_301 = arith.constant 16 : i32
      %shift_right_logical3A_302 = vector.broadcast %shift_right_logical3A_301 : i32 to vector<16xi32>
      %shift_right_logical3A_303 = arith.shrui %get3A_293, %shift_right_logical3A_302 : vector<16xi32>
      %swap3A_304 = arith.constant 240 : index
      %swap3A_305 = tpu.vector_load %arg7[%swap3A_304] {strides = array<i32>} : memref<256xi32, #tpu.memory_space<vmem>>, vector<16xi32>,
      %swap3A_306 = vector.shape_cast %swap3A_305 : vector<16xi32> to vector<16xi32>
      %swap3A_307 = vector.shape_cast %shift_right_logical3A_303 : vector<16xi32> to vector<16xi32>
      tpu.vector_store %arg7[%swap3A_304], %swap3A_307 {strides = array<i32>} : memref<256xi32, #tpu.memory_space<vmem>>, vector<16xi32>,
      %dma_start3A = arith.constant 0 : i32
      %dma_start3A_308 = arith.constant 0 : i32
      %dma_start3A_309 = tpu.memref_slice %arg2[%dma_start3A, %dma_start3A_308] : memref<10000x128xf32, #tpu.memory_space<hbm>> -> memref<10000x128xf32, #tpu.memory_space<hbm>>
      tpu.enqueue_indirect_dma source(%dma_start3A_309 : memref<10000x128xf32, #tpu.memory_space<hbm>>) target(%arg8 : memref<256x128xf32, #tpu.memory_space<vmem>>) offsets(%arg6 : memref<256xi32, #tpu.memory_space<vmem>>) semaphore(%arg10 : memref<!tpu.dma_semaphore, #tpu.memory_space<semaphore_mem>>)
      %dma_wait3A = arith.constant 0 : i32
      %dma_wait3A_310 = arith.constant 0 : i32
      %dma_wait3A_311 = tpu.memref_slice %arg2[%dma_wait3A, %dma_wait3A_310] : memref<10000x128xf32, #tpu.memory_space<hbm>> -> memref<10000x128xf32, #tpu.memory_space<hbm>>
      tpu.wait_indirect_dma semaphore(%arg10 : memref<!tpu.dma_semaphore, #tpu.memory_space<semaphore_mem>>) src(%dma_wait3A_311 : memref<10000x128xf32, #tpu.memory_space<hbm>>) dst(%arg8 : memref<256x128xf32, #tpu.memory_space<vmem>>)
      "tpu.region"() ({
        %run_scoped3A = tpu.sem_alloc : memref<!tpu.dma_semaphore, #tpu.memory_space<semaphore_mem>>
        %dma_start3A_312 = arith.constant 0 : i32
        %dma_start3A_313 = arith.constant 0 : i32
        %dma_start3A_314 = tpu.memref_slice %arg9[%dma_start3A_312, %dma_start3A_313] : memref<10112x128xf32, #tpu.memory_space<vmem_shared>> -> memref<10112x128xf32, #tpu.memory_space<vmem_shared>>
        tpu.enqueue_indirect_dma source(%arg8 : memref<256x128xf32, #tpu.memory_space<vmem>>) target(%dma_start3A_314 : memref<10112x128xf32, #tpu.memory_space<vmem_shared>>) offsets(%arg7 : memref<256xi32, #tpu.memory_space<vmem>>) semaphore(%run_scoped3A : memref<!tpu.dma_semaphore, #tpu.memory_space<semaphore_mem>>) {add = true}
        %dma_wait3A_315 = arith.constant 0 : i32
        %dma_wait3A_316 = arith.constant 0 : i32
        %dma_wait3A_317 = tpu.memref_slice %arg9[%dma_wait3A_315, %dma_wait3A_316] : memref<10112x128xf32, #tpu.memory_space<vmem_shared>> -> memref<10112x128xf32, #tpu.memory_space<vmem_shared>>
        tpu.wait_indirect_dma semaphore(%run_scoped3A : memref<!tpu.dma_semaphore, #tpu.memory_space<semaphore_mem>>) src(%arg8 : memref<256x128xf32, #tpu.memory_space<vmem>>) dst(%dma_wait3A_317 : memref<10112x128xf32, #tpu.memory_space<vmem_shared>>)
        tpu.yield
      }) : () -> ()
    }
    %scan3A_17 = arith.constant 40 : i32
    %barrier3A_18 = arith.constant 0 : index
    tpu.barrier barrier_id(%barrier3A_18)
    "tpu.region"() ({
      %run_scoped3A = tpu.sem_alloc : memref<!tpu.dma_semaphore, #tpu.memory_space<semaphore_mem>>
      %dma_start3A = arith.constant 0 : i32
      %dma_start3A_19 = tpu.memref_slice %arg4[%arg0, %mul3A_6, %dma_start3A] : memref<2x10112x128xf32, #tpu.memory_space<hbm>> -> memref<1x632x128xf32, #tpu.memory_space<hbm>>
      %dma_start3A_20 = tpu.memref_squeeze %dma_start3A_19 : memref<1x632x128xf32, #tpu.memory_space<hbm>> -> memref<632x128xf32, #tpu.memory_space<hbm>>
      %dma_start3A_21 = arith.constant 0 : i32
      %dma_start3A_22 = tpu.memref_slice %arg9[%mul3A_6, %dma_start3A_21] : memref<10112x128xf32, #tpu.memory_space<vmem_shared>> -> memref<632x128xf32, #tpu.memory_space<vmem_shared>>
      tpu.enqueue_dma source(%dma_start3A_22 : memref<632x128xf32, #tpu.memory_space<vmem_shared>>) target(%dma_start3A_20 : memref<632x128xf32, #tpu.memory_space<hbm>>) target_semaphore(%run_scoped3A : memref<!tpu.dma_semaphore, #tpu.memory_space<semaphore_mem>>)
      %dma_wait3A = arith.constant 0 : i32
      %dma_wait3A_23 = tpu.memref_slice %arg4[%arg0, %mul3A_6, %dma_wait3A] : memref<2x10112x128xf32, #tpu.memory_space<hbm>> -> memref<1x632x128xf32, #tpu.memory_space<hbm>>
      %dma_wait3A_24 = tpu.memref_squeeze %dma_wait3A_23 : memref<1x632x128xf32, #tpu.memory_space<hbm>> -> memref<632x128xf32, #tpu.memory_space<hbm>>
      %dma_wait3A_25 = arith.constant 0 : i32
      %dma_wait3A_26 = tpu.memref_slice %arg9[%mul3A_6, %dma_wait3A_25] : memref<10112x128xf32, #tpu.memory_space<vmem_shared>> -> memref<632x128xf32, #tpu.memory_space<vmem_shared>>
      tpu.wait_dma2 semaphore(%run_scoped3A : memref<!tpu.dma_semaphore, #tpu.memory_space<semaphore_mem>>) src(%dma_wait3A_26 : memref<632x128xf32, #tpu.memory_space<vmem_shared>>) dst(%dma_wait3A_24 : memref<632x128xf32, #tpu.memory_space<hbm>>)
      tpu.yield
    }) : () -> ()
    return
  }
}

#map = affine_map<(d0, d1) -> (0, 0, 0)>
module attributes {stable_mosaic.version = 14 : i64} {
  func.func @_deg_kernel(%arg0: i32, %arg1: i32, %arg2: memref<32x79x128xi32, #tpu.memory_space<hbm>>, %arg3: memref<2x10112x128xf32, #tpu.memory_space<hbm>>, %arg4: memref<81x128xi32, #tpu.memory_space<vmem>>, %arg5: memref<128x128xf32, #tpu.memory_space<vmem>>, %arg6: memref<10112x128xf32, #tpu.memory_space<vmem_shared>>) attributes {dimension_semantics = [#tpu.dimension_semantics<core_parallel>, #tpu.dimension_semantics<subcore_parallel>], iteration_bounds = array<i64: 2, 16>, scalar_prefetch = 0 : i64, scratch_operands = 3 : i64, tpu.core_type = #tpu.core_type<sc_vector_subcore>, window_params = [{transform_indices = #map}, {transform_indices = #map}]} {
    %mul3A = arith.constant 2 : i32
    %mul3A_0 = arith.muli %arg1, %mul3A : i32
    %add3A = arith.addi %mul3A_0, %arg0 : i32
    %scan3A = arith.constant 0 : i32
    %scan3A_1 = arith.constant 128 : i32
    %scan3A_2 = arith.addi %scan3A, %scan3A_1 : i32
    %scan3A_3 = arith.constant 1 : i32
    scf.for %scan3A_28 = %scan3A to %scan3A_2 step %scan3A_3  : i32 {
      %mul3A_29 = arith.constant 1 : i32
      %mul3A_30 = arith.muli %scan3A_28, %mul3A_29 : i32
      %add3A_31 = arith.constant 0 : i32
      %add3A_32 = arith.addi %add3A_31, %mul3A_30 : i32
      %broadcast_in_dim3A = arith.constant 0.000000e+00 : f32
      %broadcast_in_dim3A_33 = vector.broadcast %broadcast_in_dim3A : f32 to vector<16xf32>
      %swap3A = arith.index_cast %add3A_32 : i32 to index
      %swap3A_34 = arith.constant 0 : index
      %swap3A_35 = tpu.vector_load %arg5[%swap3A, %swap3A_34] {strides = array<i32>} : memref<128x128xf32, #tpu.memory_space<vmem>>, vector<1x16xf32>,
      %swap3A_36 = vector.shape_cast %swap3A_35 : vector<1x16xf32> to vector<16xf32>
      %swap3A_37 = vector.shape_cast %broadcast_in_dim3A_33 : vector<16xf32> to vector<1x16xf32>
      tpu.vector_store %arg5[%swap3A, %swap3A_34], %swap3A_37 {strides = array<i32>} : memref<128x128xf32, #tpu.memory_space<vmem>>, vector<1x16xf32>,
      %broadcast_in_dim3A_38 = arith.constant 0.000000e+00 : f32
      %broadcast_in_dim3A_39 = vector.broadcast %broadcast_in_dim3A_38 : f32 to vector<16xf32>
      %swap3A_40 = arith.index_cast %add3A_32 : i32 to index
      %swap3A_41 = arith.constant 16 : index
      %swap3A_42 = tpu.vector_load %arg5[%swap3A_40, %swap3A_41] {strides = array<i32>} : memref<128x128xf32, #tpu.memory_space<vmem>>, vector<1x16xf32>,
      %swap3A_43 = vector.shape_cast %swap3A_42 : vector<1x16xf32> to vector<16xf32>
      %swap3A_44 = vector.shape_cast %broadcast_in_dim3A_39 : vector<16xf32> to vector<1x16xf32>
      tpu.vector_store %arg5[%swap3A_40, %swap3A_41], %swap3A_44 {strides = array<i32>} : memref<128x128xf32, #tpu.memory_space<vmem>>, vector<1x16xf32>,
      %broadcast_in_dim3A_45 = arith.constant 0.000000e+00 : f32
      %broadcast_in_dim3A_46 = vector.broadcast %broadcast_in_dim3A_45 : f32 to vector<16xf32>
      %swap3A_47 = arith.index_cast %add3A_32 : i32 to index
      %swap3A_48 = arith.constant 32 : index
      %swap3A_49 = tpu.vector_load %arg5[%swap3A_47, %swap3A_48] {strides = array<i32>} : memref<128x128xf32, #tpu.memory_space<vmem>>, vector<1x16xf32>,
      %swap3A_50 = vector.shape_cast %swap3A_49 : vector<1x16xf32> to vector<16xf32>
      %swap3A_51 = vector.shape_cast %broadcast_in_dim3A_46 : vector<16xf32> to vector<1x16xf32>
      tpu.vector_store %arg5[%swap3A_47, %swap3A_48], %swap3A_51 {strides = array<i32>} : memref<128x128xf32, #tpu.memory_space<vmem>>, vector<1x16xf32>,
      %broadcast_in_dim3A_52 = arith.constant 0.000000e+00 : f32
      %broadcast_in_dim3A_53 = vector.broadcast %broadcast_in_dim3A_52 : f32 to vector<16xf32>
      %swap3A_54 = arith.index_cast %add3A_32 : i32 to index
      %swap3A_55 = arith.constant 48 : index
      %swap3A_56 = tpu.vector_load %arg5[%swap3A_54, %swap3A_55] {strides = array<i32>} : memref<128x128xf32, #tpu.memory_space<vmem>>, vector<1x16xf32>,
      %swap3A_57 = vector.shape_cast %swap3A_56 : vector<1x16xf32> to vector<16xf32>
      %swap3A_58 = vector.shape_cast %broadcast_in_dim3A_53 : vector<16xf32> to vector<1x16xf32>
      tpu.vector_store %arg5[%swap3A_54, %swap3A_55], %swap3A_58 {strides = array<i32>} : memref<128x128xf32, #tpu.memory_space<vmem>>, vector<1x16xf32>,
      %broadcast_in_dim3A_59 = arith.constant 0.000000e+00 : f32
      %broadcast_in_dim3A_60 = vector.broadcast %broadcast_in_dim3A_59 : f32 to vector<16xf32>
      %swap3A_61 = arith.index_cast %add3A_32 : i32 to index
      %swap3A_62 = arith.constant 64 : index
      %swap3A_63 = tpu.vector_load %arg5[%swap3A_61, %swap3A_62] {strides = array<i32>} : memref<128x128xf32, #tpu.memory_space<vmem>>, vector<1x16xf32>,
      %swap3A_64 = vector.shape_cast %swap3A_63 : vector<1x16xf32> to vector<16xf32>
      %swap3A_65 = vector.shape_cast %broadcast_in_dim3A_60 : vector<16xf32> to vector<1x16xf32>
      tpu.vector_store %arg5[%swap3A_61, %swap3A_62], %swap3A_65 {strides = array<i32>} : memref<128x128xf32, #tpu.memory_space<vmem>>, vector<1x16xf32>,
      %broadcast_in_dim3A_66 = arith.constant 0.000000e+00 : f32
      %broadcast_in_dim3A_67 = vector.broadcast %broadcast_in_dim3A_66 : f32 to vector<16xf32>
      %swap3A_68 = arith.index_cast %add3A_32 : i32 to index
      %swap3A_69 = arith.constant 80 : index
      %swap3A_70 = tpu.vector_load %arg5[%swap3A_68, %swap3A_69] {strides = array<i32>} : memref<128x128xf32, #tpu.memory_space<vmem>>, vector<1x16xf32>,
      %swap3A_71 = vector.shape_cast %swap3A_70 : vector<1x16xf32> to vector<16xf32>
      %swap3A_72 = vector.shape_cast %broadcast_in_dim3A_67 : vector<16xf32> to vector<1x16xf32>
      tpu.vector_store %arg5[%swap3A_68, %swap3A_69], %swap3A_72 {strides = array<i32>} : memref<128x128xf32, #tpu.memory_space<vmem>>, vector<1x16xf32>,
      %broadcast_in_dim3A_73 = arith.constant 0.000000e+00 : f32
      %broadcast_in_dim3A_74 = vector.broadcast %broadcast_in_dim3A_73 : f32 to vector<16xf32>
      %swap3A_75 = arith.index_cast %add3A_32 : i32 to index
      %swap3A_76 = arith.constant 96 : index
      %swap3A_77 = tpu.vector_load %arg5[%swap3A_75, %swap3A_76] {strides = array<i32>} : memref<128x128xf32, #tpu.memory_space<vmem>>, vector<1x16xf32>,
      %swap3A_78 = vector.shape_cast %swap3A_77 : vector<1x16xf32> to vector<16xf32>
      %swap3A_79 = vector.shape_cast %broadcast_in_dim3A_74 : vector<16xf32> to vector<1x16xf32>
      tpu.vector_store %arg5[%swap3A_75, %swap3A_76], %swap3A_79 {strides = array<i32>} : memref<128x128xf32, #tpu.memory_space<vmem>>, vector<1x16xf32>,
      %broadcast_in_dim3A_80 = arith.constant 0.000000e+00 : f32
      %broadcast_in_dim3A_81 = vector.broadcast %broadcast_in_dim3A_80 : f32 to vector<16xf32>
      %swap3A_82 = arith.index_cast %add3A_32 : i32 to index
      %swap3A_83 = arith.constant 112 : index
      %swap3A_84 = tpu.vector_load %arg5[%swap3A_82, %swap3A_83] {strides = array<i32>} : memref<128x128xf32, #tpu.memory_space<vmem>>, vector<1x16xf32>,
      %swap3A_85 = vector.shape_cast %swap3A_84 : vector<1x16xf32> to vector<16xf32>
      %swap3A_86 = vector.shape_cast %broadcast_in_dim3A_81 : vector<16xf32> to vector<1x16xf32>
      tpu.vector_store %arg5[%swap3A_82, %swap3A_83], %swap3A_86 {strides = array<i32>} : memref<128x128xf32, #tpu.memory_space<vmem>>, vector<1x16xf32>,
    }
    %scan3A_4 = arith.constant 128 : i32
    %mul3A_5 = arith.constant 632 : i32
    %mul3A_6 = arith.muli %arg1, %mul3A_5 : i32
    %add3A_7 = arith.constant 0 : i32
    %add3A_8 = arith.addi %mul3A_6, %add3A_7 : i32
    "tpu.region"() ({
      %run_scoped3A = tpu.sem_alloc : memref<!tpu.dma_semaphore, #tpu.memory_space<semaphore_mem>>
      %dma_start3A = arith.constant 0 : i32
      %dma_start3A_28 = tpu.memref_slice %arg6[%add3A_8, %dma_start3A] : memref<10112x128xf32, #tpu.memory_space<vmem_shared>> -> memref<128x128xf32, #tpu.memory_space<vmem_shared>>
      %dma_start3A_29 = arith.constant 0 : i32
      %dma_start3A_30 = tpu.memref_slice %arg6[%add3A_8, %dma_start3A_29] : memref<10112x128xf32, #tpu.memory_space<vmem_shared>> -> memref<128x128xf32, #tpu.memory_space<vmem_shared>>
      tpu.enqueue_dma source(%arg5 : memref<128x128xf32, #tpu.memory_space<vmem>>) target(%dma_start3A_30 : memref<128x128xf32, #tpu.memory_space<vmem_shared>>) target_semaphore(%run_scoped3A : memref<!tpu.dma_semaphore, #tpu.memory_space<semaphore_mem>>)
      %dma_wait3A = arith.constant 0 : i32
      %dma_wait3A_31 = tpu.memref_slice %arg6[%add3A_8, %dma_wait3A] : memref<10112x128xf32, #tpu.memory_space<vmem_shared>> -> memref<128x128xf32, #tpu.memory_space<vmem_shared>>
      %dma_wait3A_32 = arith.constant 0 : i32
      %dma_wait3A_33 = tpu.memref_slice %arg6[%add3A_8, %dma_wait3A_32] : memref<10112x128xf32, #tpu.memory_space<vmem_shared>> -> memref<128x128xf32, #tpu.memory_space<vmem_shared>>
      tpu.wait_dma2 semaphore(%run_scoped3A : memref<!tpu.dma_semaphore, #tpu.memory_space<semaphore_mem>>) src(%arg5 : memref<128x128xf32, #tpu.memory_space<vmem>>) dst(%dma_wait3A_33 : memref<128x128xf32, #tpu.memory_space<vmem_shared>>)
      tpu.yield
    }) : () -> ()
    %add3A_9 = arith.constant 128 : i32
    %add3A_10 = arith.addi %mul3A_6, %add3A_9 : i32
    "tpu.region"() ({
      %run_scoped3A = tpu.sem_alloc : memref<!tpu.dma_semaphore, #tpu.memory_space<semaphore_mem>>
      %dma_start3A = arith.constant 0 : i32
      %dma_start3A_28 = tpu.memref_slice %arg6[%add3A_10, %dma_start3A] : memref<10112x128xf32, #tpu.memory_space<vmem_shared>> -> memref<128x128xf32, #tpu.memory_space<vmem_shared>>
      %dma_start3A_29 = arith.constant 0 : i32
      %dma_start3A_30 = tpu.memref_slice %arg6[%add3A_10, %dma_start3A_29] : memref<10112x128xf32, #tpu.memory_space<vmem_shared>> -> memref<128x128xf32, #tpu.memory_space<vmem_shared>>
      tpu.enqueue_dma source(%arg5 : memref<128x128xf32, #tpu.memory_space<vmem>>) target(%dma_start3A_30 : memref<128x128xf32, #tpu.memory_space<vmem_shared>>) target_semaphore(%run_scoped3A : memref<!tpu.dma_semaphore, #tpu.memory_space<semaphore_mem>>)
      %dma_wait3A = arith.constant 0 : i32
      %dma_wait3A_31 = tpu.memref_slice %arg6[%add3A_10, %dma_wait3A] : memref<10112x128xf32, #tpu.memory_space<vmem_shared>> -> memref<128x128xf32, #tpu.memory_space<vmem_shared>>
      %dma_wait3A_32 = arith.constant 0 : i32
      %dma_wait3A_33 = tpu.memref_slice %arg6[%add3A_10, %dma_wait3A_32] : memref<10112x128xf32, #tpu.memory_space<vmem_shared>> -> memref<128x128xf32, #tpu.memory_space<vmem_shared>>
      tpu.wait_dma2 semaphore(%run_scoped3A : memref<!tpu.dma_semaphore, #tpu.memory_space<semaphore_mem>>) src(%arg5 : memref<128x128xf32, #tpu.memory_space<vmem>>) dst(%dma_wait3A_33 : memref<128x128xf32, #tpu.memory_space<vmem_shared>>)
      tpu.yield
    }) : () -> ()
    %add3A_11 = arith.constant 256 : i32
    %add3A_12 = arith.addi %mul3A_6, %add3A_11 : i32
    "tpu.region"() ({
      %run_scoped3A = tpu.sem_alloc : memref<!tpu.dma_semaphore, #tpu.memory_space<semaphore_mem>>
      %dma_start3A = arith.constant 0 : i32
      %dma_start3A_28 = tpu.memref_slice %arg6[%add3A_12, %dma_start3A] : memref<10112x128xf32, #tpu.memory_space<vmem_shared>> -> memref<128x128xf32, #tpu.memory_space<vmem_shared>>
      %dma_start3A_29 = arith.constant 0 : i32
      %dma_start3A_30 = tpu.memref_slice %arg6[%add3A_12, %dma_start3A_29] : memref<10112x128xf32, #tpu.memory_space<vmem_shared>> -> memref<128x128xf32, #tpu.memory_space<vmem_shared>>
      tpu.enqueue_dma source(%arg5 : memref<128x128xf32, #tpu.memory_space<vmem>>) target(%dma_start3A_30 : memref<128x128xf32, #tpu.memory_space<vmem_shared>>) target_semaphore(%run_scoped3A : memref<!tpu.dma_semaphore, #tpu.memory_space<semaphore_mem>>)
      %dma_wait3A = arith.constant 0 : i32
      %dma_wait3A_31 = tpu.memref_slice %arg6[%add3A_12, %dma_wait3A] : memref<10112x128xf32, #tpu.memory_space<vmem_shared>> -> memref<128x128xf32, #tpu.memory_space<vmem_shared>>
      %dma_wait3A_32 = arith.constant 0 : i32
      %dma_wait3A_33 = tpu.memref_slice %arg6[%add3A_12, %dma_wait3A_32] : memref<10112x128xf32, #tpu.memory_space<vmem_shared>> -> memref<128x128xf32, #tpu.memory_space<vmem_shared>>
      tpu.wait_dma2 semaphore(%run_scoped3A : memref<!tpu.dma_semaphore, #tpu.memory_space<semaphore_mem>>) src(%arg5 : memref<128x128xf32, #tpu.memory_space<vmem>>) dst(%dma_wait3A_33 : memref<128x128xf32, #tpu.memory_space<vmem_shared>>)
      tpu.yield
    }) : () -> ()
    %add3A_13 = arith.constant 384 : i32
    %add3A_14 = arith.addi %mul3A_6, %add3A_13 : i32
    "tpu.region"() ({
      %run_scoped3A = tpu.sem_alloc : memref<!tpu.dma_semaphore, #tpu.memory_space<semaphore_mem>>
      %dma_start3A = arith.constant 0 : i32
      %dma_start3A_28 = tpu.memref_slice %arg6[%add3A_14, %dma_start3A] : memref<10112x128xf32, #tpu.memory_space<vmem_shared>> -> memref<128x128xf32, #tpu.memory_space<vmem_shared>>
      %dma_start3A_29 = arith.constant 0 : i32
      %dma_start3A_30 = tpu.memref_slice %arg6[%add3A_14, %dma_start3A_29] : memref<10112x128xf32, #tpu.memory_space<vmem_shared>> -> memref<128x128xf32, #tpu.memory_space<vmem_shared>>
      tpu.enqueue_dma source(%arg5 : memref<128x128xf32, #tpu.memory_space<vmem>>) target(%dma_start3A_30 : memref<128x128xf32, #tpu.memory_space<vmem_shared>>) target_semaphore(%run_scoped3A : memref<!tpu.dma_semaphore, #tpu.memory_space<semaphore_mem>>)
      %dma_wait3A = arith.constant 0 : i32
      %dma_wait3A_31 = tpu.memref_slice %arg6[%add3A_14, %dma_wait3A] : memref<10112x128xf32, #tpu.memory_space<vmem_shared>> -> memref<128x128xf32, #tpu.memory_space<vmem_shared>>
      %dma_wait3A_32 = arith.constant 0 : i32
      %dma_wait3A_33 = tpu.memref_slice %arg6[%add3A_14, %dma_wait3A_32] : memref<10112x128xf32, #tpu.memory_space<vmem_shared>> -> memref<128x128xf32, #tpu.memory_space<vmem_shared>>
      tpu.wait_dma2 semaphore(%run_scoped3A : memref<!tpu.dma_semaphore, #tpu.memory_space<semaphore_mem>>) src(%arg5 : memref<128x128xf32, #tpu.memory_space<vmem>>) dst(%dma_wait3A_33 : memref<128x128xf32, #tpu.memory_space<vmem_shared>>)
      tpu.yield
    }) : () -> ()
    %add3A_15 = arith.constant 512 : i32
    %add3A_16 = arith.addi %mul3A_6, %add3A_15 : i32
    "tpu.region"() ({
      %run_scoped3A = tpu.sem_alloc : memref<!tpu.dma_semaphore, #tpu.memory_space<semaphore_mem>>
      %dma_start3A = arith.constant 0 : i32
      %dma_start3A_28 = arith.constant 0 : i32
      %dma_start3A_29 = tpu.memref_slice %arg5[%dma_start3A, %dma_start3A_28] : memref<128x128xf32, #tpu.memory_space<vmem>> -> memref<120x128xf32, #tpu.memory_space<vmem>>
      %dma_start3A_30 = arith.constant 0 : i32
      %dma_start3A_31 = tpu.memref_slice %arg6[%add3A_16, %dma_start3A_30] : memref<10112x128xf32, #tpu.memory_space<vmem_shared>> -> memref<120x128xf32, #tpu.memory_space<vmem_shared>>
      %dma_start3A_32 = arith.constant 0 : i32
      %dma_start3A_33 = tpu.memref_slice %arg6[%add3A_16, %dma_start3A_32] : memref<10112x128xf32, #tpu.memory_space<vmem_shared>> -> memref<120x128xf32, #tpu.memory_space<vmem_shared>>
      %dma_start3A_34 = arith.constant 0 : i32
      %dma_start3A_35 = arith.constant 0 : i32
      %dma_start3A_36 = tpu.memref_slice %arg5[%dma_start3A_34, %dma_start3A_35] : memref<128x128xf32, #tpu.memory_space<vmem>> -> memref<120x128xf32, #tpu.memory_space<vmem>>
      tpu.enqueue_dma source(%dma_start3A_36 : memref<120x128xf32, #tpu.memory_space<vmem>>) target(%dma_start3A_33 : memref<120x128xf32, #tpu.memory_space<vmem_shared>>) target_semaphore(%run_scoped3A : memref<!tpu.dma_semaphore, #tpu.memory_space<semaphore_mem>>)
      %dma_wait3A = arith.constant 0 : i32
      %dma_wait3A_37 = arith.constant 0 : i32
      %dma_wait3A_38 = tpu.memref_slice %arg5[%dma_wait3A, %dma_wait3A_37] : memref<128x128xf32, #tpu.memory_space<vmem>> -> memref<120x128xf32, #tpu.memory_space<vmem>>
      %dma_wait3A_39 = arith.constant 0 : i32
      %dma_wait3A_40 = tpu.memref_slice %arg6[%add3A_16, %dma_wait3A_39] : memref<10112x128xf32, #tpu.memory_space<vmem_shared>> -> memref<120x128xf32, #tpu.memory_space<vmem_shared>>
      %dma_wait3A_41 = arith.constant 0 : i32
      %dma_wait3A_42 = tpu.memref_slice %arg6[%add3A_16, %dma_wait3A_41] : memref<10112x128xf32, #tpu.memory_space<vmem_shared>> -> memref<120x128xf32, #tpu.memory_space<vmem_shared>>
      %dma_wait3A_43 = arith.constant 0 : i32
      %dma_wait3A_44 = arith.constant 0 : i32
      %dma_wait3A_45 = tpu.memref_slice %arg5[%dma_wait3A_43, %dma_wait3A_44] : memref<128x128xf32, #tpu.memory_space<vmem>> -> memref<120x128xf32, #tpu.memory_space<vmem>>
      tpu.wait_dma2 semaphore(%run_scoped3A : memref<!tpu.dma_semaphore, #tpu.memory_space<semaphore_mem>>) src(%dma_wait3A_45 : memref<120x128xf32, #tpu.memory_space<vmem>>) dst(%dma_wait3A_42 : memref<120x128xf32, #tpu.memory_space<vmem_shared>>)
      tpu.yield
    }) : () -> ()
    %scan3A_17 = arith.constant 0 : i32
    %scan3A_18 = arith.constant 128 : i32
    %scan3A_19 = arith.addi %scan3A_17, %scan3A_18 : i32
    %scan3A_20 = arith.constant 1 : i32
    scf.for %scan3A_28 = %scan3A_17 to %scan3A_19 step %scan3A_20  : i32 {
      %mul3A_29 = arith.constant 1 : i32
      %mul3A_30 = arith.muli %scan3A_28, %mul3A_29 : i32
      %add3A_31 = arith.constant 0 : i32
      %add3A_32 = arith.addi %add3A_31, %mul3A_30 : i32
      %broadcast_in_dim3A = arith.constant 1.000000e+00 : f32
      %broadcast_in_dim3A_33 = vector.broadcast %broadcast_in_dim3A : f32 to vector<16xf32>
      %swap3A = arith.index_cast %add3A_32 : i32 to index
      %swap3A_34 = arith.constant 0 : index
      %swap3A_35 = tpu.vector_load %arg5[%swap3A, %swap3A_34] {strides = array<i32>} : memref<128x128xf32, #tpu.memory_space<vmem>>, vector<1x16xf32>,
      %swap3A_36 = vector.shape_cast %swap3A_35 : vector<1x16xf32> to vector<16xf32>
      %swap3A_37 = vector.shape_cast %broadcast_in_dim3A_33 : vector<16xf32> to vector<1x16xf32>
      tpu.vector_store %arg5[%swap3A, %swap3A_34], %swap3A_37 {strides = array<i32>} : memref<128x128xf32, #tpu.memory_space<vmem>>, vector<1x16xf32>,
      %broadcast_in_dim3A_38 = arith.constant 1.000000e+00 : f32
      %broadcast_in_dim3A_39 = vector.broadcast %broadcast_in_dim3A_38 : f32 to vector<16xf32>
      %swap3A_40 = arith.index_cast %add3A_32 : i32 to index
      %swap3A_41 = arith.constant 16 : index
      %swap3A_42 = tpu.vector_load %arg5[%swap3A_40, %swap3A_41] {strides = array<i32>} : memref<128x128xf32, #tpu.memory_space<vmem>>, vector<1x16xf32>,
      %swap3A_43 = vector.shape_cast %swap3A_42 : vector<1x16xf32> to vector<16xf32>
      %swap3A_44 = vector.shape_cast %broadcast_in_dim3A_39 : vector<16xf32> to vector<1x16xf32>
      tpu.vector_store %arg5[%swap3A_40, %swap3A_41], %swap3A_44 {strides = array<i32>} : memref<128x128xf32, #tpu.memory_space<vmem>>, vector<1x16xf32>,
      %broadcast_in_dim3A_45 = arith.constant 1.000000e+00 : f32
      %broadcast_in_dim3A_46 = vector.broadcast %broadcast_in_dim3A_45 : f32 to vector<16xf32>
      %swap3A_47 = arith.index_cast %add3A_32 : i32 to index
      %swap3A_48 = arith.constant 32 : index
      %swap3A_49 = tpu.vector_load %arg5[%swap3A_47, %swap3A_48] {strides = array<i32>} : memref<128x128xf32, #tpu.memory_space<vmem>>, vector<1x16xf32>,
      %swap3A_50 = vector.shape_cast %swap3A_49 : vector<1x16xf32> to vector<16xf32>
      %swap3A_51 = vector.shape_cast %broadcast_in_dim3A_46 : vector<16xf32> to vector<1x16xf32>
      tpu.vector_store %arg5[%swap3A_47, %swap3A_48], %swap3A_51 {strides = array<i32>} : memref<128x128xf32, #tpu.memory_space<vmem>>, vector<1x16xf32>,
      %broadcast_in_dim3A_52 = arith.constant 1.000000e+00 : f32
      %broadcast_in_dim3A_53 = vector.broadcast %broadcast_in_dim3A_52 : f32 to vector<16xf32>
      %swap3A_54 = arith.index_cast %add3A_32 : i32 to index
      %swap3A_55 = arith.constant 48 : index
      %swap3A_56 = tpu.vector_load %arg5[%swap3A_54, %swap3A_55] {strides = array<i32>} : memref<128x128xf32, #tpu.memory_space<vmem>>, vector<1x16xf32>,
      %swap3A_57 = vector.shape_cast %swap3A_56 : vector<1x16xf32> to vector<16xf32>
      %swap3A_58 = vector.shape_cast %broadcast_in_dim3A_53 : vector<16xf32> to vector<1x16xf32>
      tpu.vector_store %arg5[%swap3A_54, %swap3A_55], %swap3A_58 {strides = array<i32>} : memref<128x128xf32, #tpu.memory_space<vmem>>, vector<1x16xf32>,
      %broadcast_in_dim3A_59 = arith.constant 1.000000e+00 : f32
      %broadcast_in_dim3A_60 = vector.broadcast %broadcast_in_dim3A_59 : f32 to vector<16xf32>
      %swap3A_61 = arith.index_cast %add3A_32 : i32 to index
      %swap3A_62 = arith.constant 64 : index
      %swap3A_63 = tpu.vector_load %arg5[%swap3A_61, %swap3A_62] {strides = array<i32>} : memref<128x128xf32, #tpu.memory_space<vmem>>, vector<1x16xf32>,
      %swap3A_64 = vector.shape_cast %swap3A_63 : vector<1x16xf32> to vector<16xf32>
      %swap3A_65 = vector.shape_cast %broadcast_in_dim3A_60 : vector<16xf32> to vector<1x16xf32>
      tpu.vector_store %arg5[%swap3A_61, %swap3A_62], %swap3A_65 {strides = array<i32>} : memref<128x128xf32, #tpu.memory_space<vmem>>, vector<1x16xf32>,
      %broadcast_in_dim3A_66 = arith.constant 1.000000e+00 : f32
      %broadcast_in_dim3A_67 = vector.broadcast %broadcast_in_dim3A_66 : f32 to vector<16xf32>
      %swap3A_68 = arith.index_cast %add3A_32 : i32 to index
      %swap3A_69 = arith.constant 80 : index
      %swap3A_70 = tpu.vector_load %arg5[%swap3A_68, %swap3A_69] {strides = array<i32>} : memref<128x128xf32, #tpu.memory_space<vmem>>, vector<1x16xf32>,
      %swap3A_71 = vector.shape_cast %swap3A_70 : vector<1x16xf32> to vector<16xf32>
      %swap3A_72 = vector.shape_cast %broadcast_in_dim3A_67 : vector<16xf32> to vector<1x16xf32>
      tpu.vector_store %arg5[%swap3A_68, %swap3A_69], %swap3A_72 {strides = array<i32>} : memref<128x128xf32, #tpu.memory_space<vmem>>, vector<1x16xf32>,
      %broadcast_in_dim3A_73 = arith.constant 1.000000e+00 : f32
      %broadcast_in_dim3A_74 = vector.broadcast %broadcast_in_dim3A_73 : f32 to vector<16xf32>
      %swap3A_75 = arith.index_cast %add3A_32 : i32 to index
      %swap3A_76 = arith.constant 96 : index
      %swap3A_77 = tpu.vector_load %arg5[%swap3A_75, %swap3A_76] {strides = array<i32>} : memref<128x128xf32, #tpu.memory_space<vmem>>, vector<1x16xf32>,
      %swap3A_78 = vector.shape_cast %swap3A_77 : vector<1x16xf32> to vector<16xf32>
      %swap3A_79 = vector.shape_cast %broadcast_in_dim3A_74 : vector<16xf32> to vector<1x16xf32>
      tpu.vector_store %arg5[%swap3A_75, %swap3A_76], %swap3A_79 {strides = array<i32>} : memref<128x128xf32, #tpu.memory_space<vmem>>, vector<1x16xf32>,
      %broadcast_in_dim3A_80 = arith.constant 1.000000e+00 : f32
      %broadcast_in_dim3A_81 = vector.broadcast %broadcast_in_dim3A_80 : f32 to vector<16xf32>
      %swap3A_82 = arith.index_cast %add3A_32 : i32 to index
      %swap3A_83 = arith.constant 112 : index
      %swap3A_84 = tpu.vector_load %arg5[%swap3A_82, %swap3A_83] {strides = array<i32>} : memref<128x128xf32, #tpu.memory_space<vmem>>, vector<1x16xf32>,
      %swap3A_85 = vector.shape_cast %swap3A_84 : vector<1x16xf32> to vector<16xf32>
      %swap3A_86 = vector.shape_cast %broadcast_in_dim3A_81 : vector<16xf32> to vector<1x16xf32>
      tpu.vector_store %arg5[%swap3A_82, %swap3A_83], %swap3A_86 {strides = array<i32>} : memref<128x128xf32, #tpu.memory_space<vmem>>, vector<1x16xf32>,
    }
    %scan3A_21 = arith.constant 128 : i32
    %barrier3A = arith.constant 0 : index
    tpu.barrier barrier_id(%barrier3A)
    "tpu.region"() ({
      %run_scoped3A = tpu.sem_alloc : memref<!tpu.dma_semaphore, #tpu.memory_space<semaphore_mem>>
      %dma_start3A = arith.constant 0 : i32
      %dma_start3A_28 = arith.constant 0 : i32
      %dma_start3A_29 = tpu.memref_slice %arg4[%dma_start3A, %dma_start3A_28] : memref<81x128xi32, #tpu.memory_space<vmem>> -> memref<79x128xi32, #tpu.memory_space<vmem>>
      %dma_start3A_30 = arith.constant 0 : i32
      %dma_start3A_31 = arith.constant 0 : i32
      %dma_start3A_32 = tpu.memref_slice %arg2[%add3A, %dma_start3A_30, %dma_start3A_31] : memref<32x79x128xi32, #tpu.memory_space<hbm>> -> memref<1x79x128xi32, #tpu.memory_space<hbm>>
      %dma_start3A_33 = tpu.memref_squeeze %dma_start3A_32 : memref<1x79x128xi32, #tpu.memory_space<hbm>> -> memref<79x128xi32, #tpu.memory_space<hbm>>
      %dma_start3A_34 = arith.constant 0 : i32
      %dma_start3A_35 = arith.constant 0 : i32
      %dma_start3A_36 = tpu.memref_slice %arg4[%dma_start3A_34, %dma_start3A_35] : memref<81x128xi32, #tpu.memory_space<vmem>> -> memref<79x128xi32, #tpu.memory_space<vmem>>
      %dma_start3A_37 = arith.constant 0 : i32
      %dma_start3A_38 = arith.constant 0 : i32
      %dma_start3A_39 = tpu.memref_slice %arg2[%add3A, %dma_start3A_37, %dma_start3A_38] : memref<32x79x128xi32, #tpu.memory_space<hbm>> -> memref<1x79x128xi32, #tpu.memory_space<hbm>>
      %dma_start3A_40 = tpu.memref_squeeze %dma_start3A_39 : memref<1x79x128xi32, #tpu.memory_space<hbm>> -> memref<79x128xi32, #tpu.memory_space<hbm>>
      tpu.enqueue_dma source(%dma_start3A_40 : memref<79x128xi32, #tpu.memory_space<hbm>>) target(%dma_start3A_36 : memref<79x128xi32, #tpu.memory_space<vmem>>) target_semaphore(%run_scoped3A : memref<!tpu.dma_semaphore, #tpu.memory_space<semaphore_mem>>)
      %dma_wait3A = arith.constant 0 : i32
      %dma_wait3A_41 = arith.constant 0 : i32
      %dma_wait3A_42 = tpu.memref_slice %arg4[%dma_wait3A, %dma_wait3A_41] : memref<81x128xi32, #tpu.memory_space<vmem>> -> memref<79x128xi32, #tpu.memory_space<vmem>>
      %dma_wait3A_43 = arith.constant 0 : i32
      %dma_wait3A_44 = arith.constant 0 : i32
      %dma_wait3A_45 = tpu.memref_slice %arg2[%add3A, %dma_wait3A_43, %dma_wait3A_44] : memref<32x79x128xi32, #tpu.memory_space<hbm>> -> memref<1x79x128xi32, #tpu.memory_space<hbm>>
      %dma_wait3A_46 = tpu.memref_squeeze %dma_wait3A_45 : memref<1x79x128xi32, #tpu.memory_space<hbm>> -> memref<79x128xi32, #tpu.memory_space<hbm>>
      %dma_wait3A_47 = arith.constant 0 : i32
      %dma_wait3A_48 = arith.constant 0 : i32
      %dma_wait3A_49 = tpu.memref_slice %arg4[%dma_wait3A_47, %dma_wait3A_48] : memref<81x128xi32, #tpu.memory_space<vmem>> -> memref<79x128xi32, #tpu.memory_space<vmem>>
      %dma_wait3A_50 = arith.constant 0 : i32
      %dma_wait3A_51 = arith.constant 0 : i32
      %dma_wait3A_52 = tpu.memref_slice %arg2[%add3A, %dma_wait3A_50, %dma_wait3A_51] : memref<32x79x128xi32, #tpu.memory_space<hbm>> -> memref<1x79x128xi32, #tpu.memory_space<hbm>>
      %dma_wait3A_53 = tpu.memref_squeeze %dma_wait3A_52 : memref<1x79x128xi32, #tpu.memory_space<hbm>> -> memref<79x128xi32, #tpu.memory_space<hbm>>
      tpu.wait_dma2 semaphore(%run_scoped3A : memref<!tpu.dma_semaphore, #tpu.memory_space<semaphore_mem>>) src(%dma_wait3A_53 : memref<79x128xi32, #tpu.memory_space<hbm>>) dst(%dma_wait3A_49 : memref<79x128xi32, #tpu.memory_space<vmem>>)
      tpu.yield
    }) : () -> ()
    %scan3A_22 = arith.constant 0 : i32
    %scan3A_23 = arith.constant 79 : i32
    %scan3A_24 = arith.addi %scan3A_22, %scan3A_23 : i32
    %scan3A_25 = arith.constant 1 : i32
    scf.for %scan3A_28 = %scan3A_22 to %scan3A_24 step %scan3A_25  : i32 {
      %mul3A_29 = arith.constant 1 : i32
      %mul3A_30 = arith.muli %scan3A_28, %mul3A_29 : i32
      %add3A_31 = arith.constant 0 : i32
      %add3A_32 = arith.addi %add3A_31, %mul3A_30 : i32
      "tpu.region"() ({
        %run_scoped3A = tpu.sem_alloc : memref<!tpu.dma_semaphore, #tpu.memory_space<semaphore_mem>>
        %dma_start3A = arith.constant 0 : i32
        %dma_start3A_33 = tpu.memref_slice %arg4[%add3A_32, %dma_start3A] : memref<81x128xi32, #tpu.memory_space<vmem>> -> memref<1x128xi32, #tpu.memory_space<vmem>>
        %dma_start3A_34 = tpu.memref_squeeze %dma_start3A_33 : memref<1x128xi32, #tpu.memory_space<vmem>> -> memref<128xi32, #tpu.memory_space<vmem>>
        %dma_start3A_35 = arith.constant 0 : i32
        %dma_start3A_36 = arith.constant 0 : i32
        %dma_start3A_37 = tpu.memref_slice %arg6[%dma_start3A_35, %dma_start3A_36] : memref<10112x128xf32, #tpu.memory_space<vmem_shared>> -> memref<10112x128xf32, #tpu.memory_space<vmem_shared>>
        tpu.enqueue_indirect_dma source(%arg5 : memref<128x128xf32, #tpu.memory_space<vmem>>) target(%dma_start3A_37 : memref<10112x128xf32, #tpu.memory_space<vmem_shared>>) offsets(%dma_start3A_34 : memref<128xi32, #tpu.memory_space<vmem>>) semaphore(%run_scoped3A : memref<!tpu.dma_semaphore, #tpu.memory_space<semaphore_mem>>) {add = true}
        %dma_wait3A = arith.constant 0 : i32
        %dma_wait3A_38 = tpu.memref_slice %arg4[%add3A_32, %dma_wait3A] : memref<81x128xi32, #tpu.memory_space<vmem>> -> memref<1x128xi32, #tpu.memory_space<vmem>>
        %dma_wait3A_39 = tpu.memref_squeeze %dma_wait3A_38 : memref<1x128xi32, #tpu.memory_space<vmem>> -> memref<128xi32, #tpu.memory_space<vmem>>
        %dma_wait3A_40 = arith.constant 0 : i32
        %dma_wait3A_41 = arith.constant 0 : i32
        %dma_wait3A_42 = tpu.memref_slice %arg6[%dma_wait3A_40, %dma_wait3A_41] : memref<10112x128xf32, #tpu.memory_space<vmem_shared>> -> memref<10112x128xf32, #tpu.memory_space<vmem_shared>>
        tpu.wait_indirect_dma semaphore(%run_scoped3A : memref<!tpu.dma_semaphore, #tpu.memory_space<semaphore_mem>>) src(%arg5 : memref<128x128xf32, #tpu.memory_space<vmem>>) dst(%dma_wait3A_42 : memref<10112x128xf32, #tpu.memory_space<vmem_shared>>)
        tpu.yield
      }) : () -> ()
    }
    %scan3A_26 = arith.constant 79 : i32
    %barrier3A_27 = arith.constant 0 : index
    tpu.barrier barrier_id(%barrier3A_27)
    "tpu.region"() ({
      %run_scoped3A = tpu.sem_alloc : memref<!tpu.dma_semaphore, #tpu.memory_space<semaphore_mem>>
      %dma_start3A = arith.constant 0 : i32
      %dma_start3A_28 = tpu.memref_slice %arg3[%arg0, %mul3A_6, %dma_start3A] : memref<2x10112x128xf32, #tpu.memory_space<hbm>> -> memref<1x632x128xf32, #tpu.memory_space<hbm>>
      %dma_start3A_29 = tpu.memref_squeeze %dma_start3A_28 : memref<1x632x128xf32, #tpu.memory_space<hbm>> -> memref<632x128xf32, #tpu.memory_space<hbm>>
      %dma_start3A_30 = arith.constant 0 : i32
      %dma_start3A_31 = tpu.memref_slice %arg6[%mul3A_6, %dma_start3A_30] : memref<10112x128xf32, #tpu.memory_space<vmem_shared>> -> memref<632x128xf32, #tpu.memory_space<vmem_shared>>
      tpu.enqueue_dma source(%dma_start3A_31 : memref<632x128xf32, #tpu.memory_space<vmem_shared>>) target(%dma_start3A_29 : memref<632x128xf32, #tpu.memory_space<hbm>>) target_semaphore(%run_scoped3A : memref<!tpu.dma_semaphore, #tpu.memory_space<semaphore_mem>>)
      %dma_wait3A = arith.constant 0 : i32
      %dma_wait3A_32 = tpu.memref_slice %arg3[%arg0, %mul3A_6, %dma_wait3A] : memref<2x10112x128xf32, #tpu.memory_space<hbm>> -> memref<1x632x128xf32, #tpu.memory_space<hbm>>
      %dma_wait3A_33 = tpu.memref_squeeze %dma_wait3A_32 : memref<1x632x128xf32, #tpu.memory_space<hbm>> -> memref<632x128xf32, #tpu.memory_space<hbm>>
      %dma_wait3A_34 = arith.constant 0 : i32
      %dma_wait3A_35 = tpu.memref_slice %arg6[%mul3A_6, %dma_wait3A_34] : memref<10112x128xf32, #tpu.memory_space<vmem_shared>> -> memref<632x128xf32, #tpu.memory_space<vmem_shared>>
      tpu.wait_dma2 semaphore(%run_scoped3A : memref<!tpu.dma_semaphore, #tpu.memory_space<semaphore_mem>>) src(%dma_wait3A_35 : memref<632x128xf32, #tpu.memory_space<vmem_shared>>) dst(%dma_wait3A_33 : memref<632x128xf32, #tpu.memory_space<hbm>>)
      tpu.yield
    }) : () -> ()
    return
  }
}

#map = affine_map<(d0, d1) -> (0, 0)>
#map1 = affine_map<(d0, d1) -> (0, 0, 0)>
module attributes {stable_mosaic.version = 14 : i64} {
  func.func @_mp_kernel(%arg0: i32, %arg1: i32, %arg2: memref<10000x128xf32, #tpu.memory_space<hbm>>, %arg3: memref<32x40x256xi32, #tpu.memory_space<hbm>>, %arg4: memref<2x10112x128xf32, #tpu.memory_space<hbm>>, %arg5: memref<42x256xi32, #tpu.memory_space<vmem>>, %arg6: memref<256xi32, #tpu.memory_space<vmem>>, %arg7: memref<256xi32, #tpu.memory_space<vmem>>, %arg8: memref<256x128xf32, #tpu.memory_space<vmem>>, %arg9: memref<10112x128xf32, #tpu.memory_space<vmem_shared>>, %arg10: memref<!tpu.dma_semaphore, #tpu.memory_space<semaphore_mem>>) attributes {dimension_semantics = [#tpu.dimension_semantics<core_parallel>, #tpu.dimension_semantics<subcore_parallel>], iteration_bounds = array<i64: 2, 16>, scalar_prefetch = 0 : i64, scratch_operands = 6 : i64, tpu.core_type = #tpu.core_type<sc_vector_subcore>, window_params = [{transform_indices = #map}, {transform_indices = #map1}, {transform_indices = #map1}]} {
    %mul3A = arith.constant 2 : i32
    %mul3A_0 = arith.muli %arg1, %mul3A : i32
    %add3A = arith.addi %mul3A_0, %arg0 : i32
    %scan3A = arith.constant 0 : i32
    %scan3A_1 = arith.constant 256 : i32
    %scan3A_2 = arith.addi %scan3A, %scan3A_1 : i32
    %scan3A_3 = arith.constant 1 : i32
    scf.for %scan3A_19 = %scan3A to %scan3A_2 step %scan3A_3  : i32 {
      %mul3A_20 = arith.constant 1 : i32
      %mul3A_21 = arith.muli %scan3A_19, %mul3A_20 : i32
      %add3A_22 = arith.constant 0 : i32
      %add3A_23 = arith.addi %add3A_22, %mul3A_21 : i32
      %broadcast_in_dim3A = arith.constant 0.000000e+00 : f32
      %broadcast_in_dim3A_24 = vector.broadcast %broadcast_in_dim3A : f32 to vector<16xf32>
      %swap3A = arith.index_cast %add3A_23 : i32 to index
      %swap3A_25 = arith.constant 0 : index
      %swap3A_26 = tpu.vector_load %arg8[%swap3A, %swap3A_25] {strides = array<i32>} : memref<256x128xf32, #tpu.memory_space<vmem>>, vector<1x16xf32>,
      %swap3A_27 = vector.shape_cast %swap3A_26 : vector<1x16xf32> to vector<16xf32>
      %swap3A_28 = vector.shape_cast %broadcast_in_dim3A_24 : vector<16xf32> to vector<1x16xf32>
      tpu.vector_store %arg8[%swap3A, %swap3A_25], %swap3A_28 {strides = array<i32>} : memref<256x128xf32, #tpu.memory_space<vmem>>, vector<1x16xf32>,
      %broadcast_in_dim3A_29 = arith.constant 0.000000e+00 : f32
      %broadcast_in_dim3A_30 = vector.broadcast %broadcast_in_dim3A_29 : f32 to vector<16xf32>
      %swap3A_31 = arith.index_cast %add3A_23 : i32 to index
      %swap3A_32 = arith.constant 16 : index
      %swap3A_33 = tpu.vector_load %arg8[%swap3A_31, %swap3A_32] {strides = array<i32>} : memref<256x128xf32, #tpu.memory_space<vmem>>, vector<1x16xf32>,
      %swap3A_34 = vector.shape_cast %swap3A_33 : vector<1x16xf32> to vector<16xf32>
      %swap3A_35 = vector.shape_cast %broadcast_in_dim3A_30 : vector<16xf32> to vector<1x16xf32>
      tpu.vector_store %arg8[%swap3A_31, %swap3A_32], %swap3A_35 {strides = array<i32>} : memref<256x128xf32, #tpu.memory_space<vmem>>, vector<1x16xf32>,
      %broadcast_in_dim3A_36 = arith.constant 0.000000e+00 : f32
      %broadcast_in_dim3A_37 = vector.broadcast %broadcast_in_dim3A_36 : f32 to vector<16xf32>
      %swap3A_38 = arith.index_cast %add3A_23 : i32 to index
      %swap3A_39 = arith.constant 32 : index
      %swap3A_40 = tpu.vector_load %arg8[%swap3A_38, %swap3A_39] {strides = array<i32>} : memref<256x128xf32, #tpu.memory_space<vmem>>, vector<1x16xf32>,
      %swap3A_41 = vector.shape_cast %swap3A_40 : vector<1x16xf32> to vector<16xf32>
      %swap3A_42 = vector.shape_cast %broadcast_in_dim3A_37 : vector<16xf32> to vector<1x16xf32>
      tpu.vector_store %arg8[%swap3A_38, %swap3A_39], %swap3A_42 {strides = array<i32>} : memref<256x128xf32, #tpu.memory_space<vmem>>, vector<1x16xf32>,
      %broadcast_in_dim3A_43 = arith.constant 0.000000e+00 : f32
      %broadcast_in_dim3A_44 = vector.broadcast %broadcast_in_dim3A_43 : f32 to vector<16xf32>
      %swap3A_45 = arith.index_cast %add3A_23 : i32 to index
      %swap3A_46 = arith.constant 48 : index
      %swap3A_47 = tpu.vector_load %arg8[%swap3A_45, %swap3A_46] {strides = array<i32>} : memref<256x128xf32, #tpu.memory_space<vmem>>, vector<1x16xf32>,
      %swap3A_48 = vector.shape_cast %swap3A_47 : vector<1x16xf32> to vector<16xf32>
      %swap3A_49 = vector.shape_cast %broadcast_in_dim3A_44 : vector<16xf32> to vector<1x16xf32>
      tpu.vector_store %arg8[%swap3A_45, %swap3A_46], %swap3A_49 {strides = array<i32>} : memref<256x128xf32, #tpu.memory_space<vmem>>, vector<1x16xf32>,
      %broadcast_in_dim3A_50 = arith.constant 0.000000e+00 : f32
      %broadcast_in_dim3A_51 = vector.broadcast %broadcast_in_dim3A_50 : f32 to vector<16xf32>
      %swap3A_52 = arith.index_cast %add3A_23 : i32 to index
      %swap3A_53 = arith.constant 64 : index
      %swap3A_54 = tpu.vector_load %arg8[%swap3A_52, %swap3A_53] {strides = array<i32>} : memref<256x128xf32, #tpu.memory_space<vmem>>, vector<1x16xf32>,
      %swap3A_55 = vector.shape_cast %swap3A_54 : vector<1x16xf32> to vector<16xf32>
      %swap3A_56 = vector.shape_cast %broadcast_in_dim3A_51 : vector<16xf32> to vector<1x16xf32>
      tpu.vector_store %arg8[%swap3A_52, %swap3A_53], %swap3A_56 {strides = array<i32>} : memref<256x128xf32, #tpu.memory_space<vmem>>, vector<1x16xf32>,
      %broadcast_in_dim3A_57 = arith.constant 0.000000e+00 : f32
      %broadcast_in_dim3A_58 = vector.broadcast %broadcast_in_dim3A_57 : f32 to vector<16xf32>
      %swap3A_59 = arith.index_cast %add3A_23 : i32 to index
      %swap3A_60 = arith.constant 80 : index
      %swap3A_61 = tpu.vector_load %arg8[%swap3A_59, %swap3A_60] {strides = array<i32>} : memref<256x128xf32, #tpu.memory_space<vmem>>, vector<1x16xf32>,
      %swap3A_62 = vector.shape_cast %swap3A_61 : vector<1x16xf32> to vector<16xf32>
      %swap3A_63 = vector.shape_cast %broadcast_in_dim3A_58 : vector<16xf32> to vector<1x16xf32>
      tpu.vector_store %arg8[%swap3A_59, %swap3A_60], %swap3A_63 {strides = array<i32>} : memref<256x128xf32, #tpu.memory_space<vmem>>, vector<1x16xf32>,
      %broadcast_in_dim3A_64 = arith.constant 0.000000e+00 : f32
      %broadcast_in_dim3A_65 = vector.broadcast %broadcast_in_dim3A_64 : f32 to vector<16xf32>
      %swap3A_66 = arith.index_cast %add3A_23 : i32 to index
      %swap3A_67 = arith.constant 96 : index
      %swap3A_68 = tpu.vector_load %arg8[%swap3A_66, %swap3A_67] {strides = array<i32>} : memref<256x128xf32, #tpu.memory_space<vmem>>, vector<1x16xf32>,
      %swap3A_69 = vector.shape_cast %swap3A_68 : vector<1x16xf32> to vector<16xf32>
      %swap3A_70 = vector.shape_cast %broadcast_in_dim3A_65 : vector<16xf32> to vector<1x16xf32>
      tpu.vector_store %arg8[%swap3A_66, %swap3A_67], %swap3A_70 {strides = array<i32>} : memref<256x128xf32, #tpu.memory_space<vmem>>, vector<1x16xf32>,
      %broadcast_in_dim3A_71 = arith.constant 0.000000e+00 : f32
      %broadcast_in_dim3A_72 = vector.broadcast %broadcast_in_dim3A_71 : f32 to vector<16xf32>
      %swap3A_73 = arith.index_cast %add3A_23 : i32 to index
      %swap3A_74 = arith.constant 112 : index
      %swap3A_75 = tpu.vector_load %arg8[%swap3A_73, %swap3A_74] {strides = array<i32>} : memref<256x128xf32, #tpu.memory_space<vmem>>, vector<1x16xf32>,
      %swap3A_76 = vector.shape_cast %swap3A_75 : vector<1x16xf32> to vector<16xf32>
      %swap3A_77 = vector.shape_cast %broadcast_in_dim3A_72 : vector<16xf32> to vector<1x16xf32>
      tpu.vector_store %arg8[%swap3A_73, %swap3A_74], %swap3A_77 {strides = array<i32>} : memref<256x128xf32, #tpu.memory_space<vmem>>, vector<1x16xf32>,
    }
    %scan3A_4 = arith.constant 256 : i32
    %mul3A_5 = arith.constant 632 : i32
    %mul3A_6 = arith.muli %arg1, %mul3A_5 : i32
    %add3A_7 = arith.constant 0 : i32
    %add3A_8 = arith.addi %mul3A_6, %add3A_7 : i32
    "tpu.region"() ({
      %run_scoped3A = tpu.sem_alloc : memref<!tpu.dma_semaphore, #tpu.memory_space<semaphore_mem>>
      %dma_start3A = arith.constant 0 : i32
      %dma_start3A_19 = tpu.memref_slice %arg9[%add3A_8, %dma_start3A] : memref<10112x128xf32, #tpu.memory_space<vmem_shared>> -> memref<256x128xf32, #tpu.memory_space<vmem_shared>>
      %dma_start3A_20 = arith.constant 0 : i32
      %dma_start3A_21 = tpu.memref_slice %arg9[%add3A_8, %dma_start3A_20] : memref<10112x128xf32, #tpu.memory_space<vmem_shared>> -> memref<256x128xf32, #tpu.memory_space<vmem_shared>>
      tpu.enqueue_dma source(%arg8 : memref<256x128xf32, #tpu.memory_space<vmem>>) target(%dma_start3A_21 : memref<256x128xf32, #tpu.memory_space<vmem_shared>>) target_semaphore(%run_scoped3A : memref<!tpu.dma_semaphore, #tpu.memory_space<semaphore_mem>>)
      %dma_wait3A = arith.constant 0 : i32
      %dma_wait3A_22 = tpu.memref_slice %arg9[%add3A_8, %dma_wait3A] : memref<10112x128xf32, #tpu.memory_space<vmem_shared>> -> memref<256x128xf32, #tpu.memory_space<vmem_shared>>
      %dma_wait3A_23 = arith.constant 0 : i32
      %dma_wait3A_24 = tpu.memref_slice %arg9[%add3A_8, %dma_wait3A_23] : memref<10112x128xf32, #tpu.memory_space<vmem_shared>> -> memref<256x128xf32, #tpu.memory_space<vmem_shared>>
      tpu.wait_dma2 semaphore(%run_scoped3A : memref<!tpu.dma_semaphore, #tpu.memory_space<semaphore_mem>>) src(%arg8 : memref<256x128xf32, #tpu.memory_space<vmem>>) dst(%dma_wait3A_24 : memref<256x128xf32, #tpu.memory_space<vmem_shared>>)
      tpu.yield
    }) : () -> ()
    %add3A_9 = arith.constant 256 : i32
    %add3A_10 = arith.addi %mul3A_6, %add3A_9 : i32
    "tpu.region"() ({
      %run_scoped3A = tpu.sem_alloc : memref<!tpu.dma_semaphore, #tpu.memory_space<semaphore_mem>>
      %dma_start3A = arith.constant 0 : i32
      %dma_start3A_19 = tpu.memref_slice %arg9[%add3A_10, %dma_start3A] : memref<10112x128xf32, #tpu.memory_space<vmem_shared>> -> memref<256x128xf32, #tpu.memory_space<vmem_shared>>
      %dma_start3A_20 = arith.constant 0 : i32
      %dma_start3A_21 = tpu.memref_slice %arg9[%add3A_10, %dma_start3A_20] : memref<10112x128xf32, #tpu.memory_space<vmem_shared>> -> memref<256x128xf32, #tpu.memory_space<vmem_shared>>
      tpu.enqueue_dma source(%arg8 : memref<256x128xf32, #tpu.memory_space<vmem>>) target(%dma_start3A_21 : memref<256x128xf32, #tpu.memory_space<vmem_shared>>) target_semaphore(%run_scoped3A : memref<!tpu.dma_semaphore, #tpu.memory_space<semaphore_mem>>)
      %dma_wait3A = arith.constant 0 : i32
      %dma_wait3A_22 = tpu.memref_slice %arg9[%add3A_10, %dma_wait3A] : memref<10112x128xf32, #tpu.memory_space<vmem_shared>> -> memref<256x128xf32, #tpu.memory_space<vmem_shared>>
      %dma_wait3A_23 = arith.constant 0 : i32
      %dma_wait3A_24 = tpu.memref_slice %arg9[%add3A_10, %dma_wait3A_23] : memref<10112x128xf32, #tpu.memory_space<vmem_shared>> -> memref<256x128xf32, #tpu.memory_space<vmem_shared>>
      tpu.wait_dma2 semaphore(%run_scoped3A : memref<!tpu.dma_semaphore, #tpu.memory_space<semaphore_mem>>) src(%arg8 : memref<256x128xf32, #tpu.memory_space<vmem>>) dst(%dma_wait3A_24 : memref<256x128xf32, #tpu.memory_space<vmem_shared>>)
      tpu.yield
    }) : () -> ()
    %add3A_11 = arith.constant 512 : i32
    %add3A_12 = arith.addi %mul3A_6, %add3A_11 : i32
    "tpu.region"() ({
      %run_scoped3A = tpu.sem_alloc : memref<!tpu.dma_semaphore, #tpu.memory_space<semaphore_mem>>
      %dma_start3A = arith.constant 0 : i32
      %dma_start3A_19 = arith.constant 0 : i32
      %dma_start3A_20 = tpu.memref_slice %arg8[%dma_start3A, %dma_start3A_19] : memref<256x128xf32, #tpu.memory_space<vmem>> -> memref<120x128xf32, #tpu.memory_space<vmem>>
      %dma_start3A_21 = arith.constant 0 : i32
      %dma_start3A_22 = tpu.memref_slice %arg9[%add3A_12, %dma_start3A_21] : memref<10112x128xf32, #tpu.memory_space<vmem_shared>> -> memref<120x128xf32, #tpu.memory_space<vmem_shared>>
      %dma_start3A_23 = arith.constant 0 : i32
      %dma_start3A_24 = tpu.memref_slice %arg9[%add3A_12, %dma_start3A_23] : memref<10112x128xf32, #tpu.memory_space<vmem_shared>> -> memref<120x128xf32, #tpu.memory_space<vmem_shared>>
      %dma_start3A_25 = arith.constant 0 : i32
      %dma_start3A_26 = arith.constant 0 : i32
      %dma_start3A_27 = tpu.memref_slice %arg8[%dma_start3A_25, %dma_start3A_26] : memref<256x128xf32, #tpu.memory_space<vmem>> -> memref<120x128xf32, #tpu.memory_space<vmem>>
      tpu.enqueue_dma source(%dma_start3A_27 : memref<120x128xf32, #tpu.memory_space<vmem>>) target(%dma_start3A_24 : memref<120x128xf32, #tpu.memory_space<vmem_shared>>) target_semaphore(%run_scoped3A : memref<!tpu.dma_semaphore, #tpu.memory_space<semaphore_mem>>)
      %dma_wait3A = arith.constant 0 : i32
      %dma_wait3A_28 = arith.constant 0 : i32
      %dma_wait3A_29 = tpu.memref_slice %arg8[%dma_wait3A, %dma_wait3A_28] : memref<256x128xf32, #tpu.memory_space<vmem>> -> memref<120x128xf32, #tpu.memory_space<vmem>>
      %dma_wait3A_30 = arith.constant 0 : i32
      %dma_wait3A_31 = tpu.memref_slice %arg9[%add3A_12, %dma_wait3A_30] : memref<10112x128xf32, #tpu.memory_space<vmem_shared>> -> memref<120x128xf32, #tpu.memory_space<vmem_shared>>
      %dma_wait3A_32 = arith.constant 0 : i32
      %dma_wait3A_33 = tpu.memref_slice %arg9[%add3A_12, %dma_wait3A_32] : memref<10112x128xf32, #tpu.memory_space<vmem_shared>> -> memref<120x128xf32, #tpu.memory_space<vmem_shared>>
      %dma_wait3A_34 = arith.constant 0 : i32
      %dma_wait3A_35 = arith.constant 0 : i32
      %dma_wait3A_36 = tpu.memref_slice %arg8[%dma_wait3A_34, %dma_wait3A_35] : memref<256x128xf32, #tpu.memory_space<vmem>> -> memref<120x128xf32, #tpu.memory_space<vmem>>
      tpu.wait_dma2 semaphore(%run_scoped3A : memref<!tpu.dma_semaphore, #tpu.memory_space<semaphore_mem>>) src(%dma_wait3A_36 : memref<120x128xf32, #tpu.memory_space<vmem>>) dst(%dma_wait3A_33 : memref<120x128xf32, #tpu.memory_space<vmem_shared>>)
      tpu.yield
    }) : () -> ()
    %barrier3A = arith.constant 0 : index
    tpu.barrier barrier_id(%barrier3A)
    "tpu.region"() ({
      %run_scoped3A = tpu.sem_alloc : memref<!tpu.dma_semaphore, #tpu.memory_space<semaphore_mem>>
      %dma_start3A = arith.constant 0 : i32
      %dma_start3A_19 = arith.constant 0 : i32
      %dma_start3A_20 = tpu.memref_slice %arg5[%dma_start3A, %dma_start3A_19] : memref<42x256xi32, #tpu.memory_space<vmem>> -> memref<40x256xi32, #tpu.memory_space<vmem>>
      %dma_start3A_21 = arith.constant 0 : i32
      %dma_start3A_22 = arith.constant 0 : i32
      %dma_start3A_23 = tpu.memref_slice %arg3[%add3A, %dma_start3A_21, %dma_start3A_22] : memref<32x40x256xi32, #tpu.memory_space<hbm>> -> memref<1x40x256xi32, #tpu.memory_space<hbm>>
      %dma_start3A_24 = tpu.memref_squeeze %dma_start3A_23 : memref<1x40x256xi32, #tpu.memory_space<hbm>> -> memref<40x256xi32, #tpu.memory_space<hbm>>
      %dma_start3A_25 = arith.constant 0 : i32
      %dma_start3A_26 = arith.constant 0 : i32
      %dma_start3A_27 = tpu.memref_slice %arg5[%dma_start3A_25, %dma_start3A_26] : memref<42x256xi32, #tpu.memory_space<vmem>> -> memref<40x256xi32, #tpu.memory_space<vmem>>
      %dma_start3A_28 = arith.constant 0 : i32
      %dma_start3A_29 = arith.constant 0 : i32
      %dma_start3A_30 = tpu.memref_slice %arg3[%add3A, %dma_start3A_28, %dma_start3A_29] : memref<32x40x256xi32, #tpu.memory_space<hbm>> -> memref<1x40x256xi32, #tpu.memory_space<hbm>>
      %dma_start3A_31 = tpu.memref_squeeze %dma_start3A_30 : memref<1x40x256xi32, #tpu.memory_space<hbm>> -> memref<40x256xi32, #tpu.memory_space<hbm>>
      tpu.enqueue_dma source(%dma_start3A_31 : memref<40x256xi32, #tpu.memory_space<hbm>>) target(%dma_start3A_27 : memref<40x256xi32, #tpu.memory_space<vmem>>) target_semaphore(%run_scoped3A : memref<!tpu.dma_semaphore, #tpu.memory_space<semaphore_mem>>)
      %dma_wait3A = arith.constant 0 : i32
      %dma_wait3A_32 = arith.constant 0 : i32
      %dma_wait3A_33 = tpu.memref_slice %arg5[%dma_wait3A, %dma_wait3A_32] : memref<42x256xi32, #tpu.memory_space<vmem>> -> memref<40x256xi32, #tpu.memory_space<vmem>>
      %dma_wait3A_34 = arith.constant 0 : i32
      %dma_wait3A_35 = arith.constant 0 : i32
      %dma_wait3A_36 = tpu.memref_slice %arg3[%add3A, %dma_wait3A_34, %dma_wait3A_35] : memref<32x40x256xi32, #tpu.memory_space<hbm>> -> memref<1x40x256xi32, #tpu.memory_space<hbm>>
      %dma_wait3A_37 = tpu.memref_squeeze %dma_wait3A_36 : memref<1x40x256xi32, #tpu.memory_space<hbm>> -> memref<40x256xi32, #tpu.memory_space<hbm>>
      %dma_wait3A_38 = arith.constant 0 : i32
      %dma_wait3A_39 = arith.constant 0 : i32
      %dma_wait3A_40 = tpu.memref_slice %arg5[%dma_wait3A_38, %dma_wait3A_39] : memref<42x256xi32, #tpu.memory_space<vmem>> -> memref<40x256xi32, #tpu.memory_space<vmem>>
      %dma_wait3A_41 = arith.constant 0 : i32
      %dma_wait3A_42 = arith.constant 0 : i32
      %dma_wait3A_43 = tpu.memref_slice %arg3[%add3A, %dma_wait3A_41, %dma_wait3A_42] : memref<32x40x256xi32, #tpu.memory_space<hbm>> -> memref<1x40x256xi32, #tpu.memory_space<hbm>>
      %dma_wait3A_44 = tpu.memref_squeeze %dma_wait3A_43 : memref<1x40x256xi32, #tpu.memory_space<hbm>> -> memref<40x256xi32, #tpu.memory_space<hbm>>
      tpu.wait_dma2 semaphore(%run_scoped3A : memref<!tpu.dma_semaphore, #tpu.memory_space<semaphore_mem>>) src(%dma_wait3A_44 : memref<40x256xi32, #tpu.memory_space<hbm>>) dst(%dma_wait3A_40 : memref<40x256xi32, #tpu.memory_space<vmem>>)
      tpu.yield
    }) : () -> ()
    %scan3A_13 = arith.constant 0 : i32
    %scan3A_14 = arith.constant 40 : i32
    %scan3A_15 = arith.addi %scan3A_13, %scan3A_14 : i32
    %scan3A_16 = arith.constant 1 : i32
    scf.for %scan3A_19 = %scan3A_13 to %scan3A_15 step %scan3A_16  : i32 {
      %mul3A_20 = arith.constant 1 : i32
      %mul3A_21 = arith.muli %scan3A_19, %mul3A_20 : i32
      %add3A_22 = arith.constant 0 : i32
      %add3A_23 = arith.addi %add3A_22, %mul3A_21 : i32
      %get3A = arith.index_cast %add3A_23 : i32 to index
      %get3A_24 = arith.constant 0 : index
      %get3A_25 = tpu.vector_load %arg5[%get3A, %get3A_24] {strides = array<i32>} : memref<42x256xi32, #tpu.memory_space<vmem>>, vector<1x16xi32>,
      %get3A_26 = vector.shape_cast %get3A_25 : vector<1x16xi32> to vector<16xi32>
      %and3A = arith.constant 65535 : i32
      %and3A_27 = vector.broadcast %and3A : i32 to vector<16xi32>
      %and3A_28 = arith.andi %get3A_26, %and3A_27 : vector<16xi32>
      %swap3A = arith.constant 0 : index
      %swap3A_29 = tpu.vector_load %arg6[%swap3A] {strides = array<i32>} : memref<256xi32, #tpu.memory_space<vmem>>, vector<16xi32>,
      %swap3A_30 = vector.shape_cast %swap3A_29 : vector<16xi32> to vector<16xi32>
      %swap3A_31 = vector.shape_cast %and3A_28 : vector<16xi32> to vector<16xi32>
      tpu.vector_store %arg6[%swap3A], %swap3A_31 {strides = array<i32>} : memref<256xi32, #tpu.memory_space<vmem>>, vector<16xi32>,
      %shift_right_logical3A = arith.constant 16 : i32
      %shift_right_logical3A_32 = vector.broadcast %shift_right_logical3A : i32 to vector<16xi32>
      %shift_right_logical3A_33 = arith.shrui %get3A_26, %shift_right_logical3A_32 : vector<16xi32>
      %swap3A_34 = arith.constant 0 : index
      %swap3A_35 = tpu.vector_load %arg7[%swap3A_34] {strides = array<i32>} : memref<256xi32, #tpu.memory_space<vmem>>, vector<16xi32>,
      %swap3A_36 = vector.shape_cast %swap3A_35 : vector<16xi32> to vector<16xi32>
      %swap3A_37 = vector.shape_cast %shift_right_logical3A_33 : vector<16xi32> to vector<16xi32>
      tpu.vector_store %arg7[%swap3A_34], %swap3A_37 {strides = array<i32>} : memref<256xi32, #tpu.memory_space<vmem>>, vector<16xi32>,
      %get3A_38 = arith.index_cast %add3A_23 : i32 to index
      %get3A_39 = arith.constant 16 : index
      %get3A_40 = tpu.vector_load %arg5[%get3A_38, %get3A_39] {strides = array<i32>} : memref<42x256xi32, #tpu.memory_space<vmem>>, vector<1x16xi32>,
      %get3A_41 = vector.shape_cast %get3A_40 : vector<1x16xi32> to vector<16xi32>
      %and3A_42 = arith.constant 65535 : i32
      %and3A_43 = vector.broadcast %and3A_42 : i32 to vector<16xi32>
      %and3A_44 = arith.andi %get3A_41, %and3A_43 : vector<16xi32>
      %swap3A_45 = arith.constant 16 : index
      %swap3A_46 = tpu.vector_load %arg6[%swap3A_45] {strides = array<i32>} : memref<256xi32, #tpu.memory_space<vmem>>, vector<16xi32>,
      %swap3A_47 = vector.shape_cast %swap3A_46 : vector<16xi32> to vector<16xi32>
      %swap3A_48 = vector.shape_cast %and3A_44 : vector<16xi32> to vector<16xi32>
      tpu.vector_store %arg6[%swap3A_45], %swap3A_48 {strides = array<i32>} : memref<256xi32, #tpu.memory_space<vmem>>, vector<16xi32>,
      %shift_right_logical3A_49 = arith.constant 16 : i32
      %shift_right_logical3A_50 = vector.broadcast %shift_right_logical3A_49 : i32 to vector<16xi32>
      %shift_right_logical3A_51 = arith.shrui %get3A_41, %shift_right_logical3A_50 : vector<16xi32>
      %swap3A_52 = arith.constant 16 : index
      %swap3A_53 = tpu.vector_load %arg7[%swap3A_52] {strides = array<i32>} : memref<256xi32, #tpu.memory_space<vmem>>, vector<16xi32>,
      %swap3A_54 = vector.shape_cast %swap3A_53 : vector<16xi32> to vector<16xi32>
      %swap3A_55 = vector.shape_cast %shift_right_logical3A_51 : vector<16xi32> to vector<16xi32>
      tpu.vector_store %arg7[%swap3A_52], %swap3A_55 {strides = array<i32>} : memref<256xi32, #tpu.memory_space<vmem>>, vector<16xi32>,
      %get3A_56 = arith.index_cast %add3A_23 : i32 to index
      %get3A_57 = arith.constant 32 : index
      %get3A_58 = tpu.vector_load %arg5[%get3A_56, %get3A_57] {strides = array<i32>} : memref<42x256xi32, #tpu.memory_space<vmem>>, vector<1x16xi32>,
      %get3A_59 = vector.shape_cast %get3A_58 : vector<1x16xi32> to vector<16xi32>
      %and3A_60 = arith.constant 65535 : i32
      %and3A_61 = vector.broadcast %and3A_60 : i32 to vector<16xi32>
      %and3A_62 = arith.andi %get3A_59, %and3A_61 : vector<16xi32>
      %swap3A_63 = arith.constant 32 : index
      %swap3A_64 = tpu.vector_load %arg6[%swap3A_63] {strides = array<i32>} : memref<256xi32, #tpu.memory_space<vmem>>, vector<16xi32>,
      %swap3A_65 = vector.shape_cast %swap3A_64 : vector<16xi32> to vector<16xi32>
      %swap3A_66 = vector.shape_cast %and3A_62 : vector<16xi32> to vector<16xi32>
      tpu.vector_store %arg6[%swap3A_63], %swap3A_66 {strides = array<i32>} : memref<256xi32, #tpu.memory_space<vmem>>, vector<16xi32>,
      %shift_right_logical3A_67 = arith.constant 16 : i32
      %shift_right_logical3A_68 = vector.broadcast %shift_right_logical3A_67 : i32 to vector<16xi32>
      %shift_right_logical3A_69 = arith.shrui %get3A_59, %shift_right_logical3A_68 : vector<16xi32>
      %swap3A_70 = arith.constant 32 : index
      %swap3A_71 = tpu.vector_load %arg7[%swap3A_70] {strides = array<i32>} : memref<256xi32, #tpu.memory_space<vmem>>, vector<16xi32>,
      %swap3A_72 = vector.shape_cast %swap3A_71 : vector<16xi32> to vector<16xi32>
      %swap3A_73 = vector.shape_cast %shift_right_logical3A_69 : vector<16xi32> to vector<16xi32>
      tpu.vector_store %arg7[%swap3A_70], %swap3A_73 {strides = array<i32>} : memref<256xi32, #tpu.memory_space<vmem>>, vector<16xi32>,
      %get3A_74 = arith.index_cast %add3A_23 : i32 to index
      %get3A_75 = arith.constant 48 : index
      %get3A_76 = tpu.vector_load %arg5[%get3A_74, %get3A_75] {strides = array<i32>} : memref<42x256xi32, #tpu.memory_space<vmem>>, vector<1x16xi32>,
      %get3A_77 = vector.shape_cast %get3A_76 : vector<1x16xi32> to vector<16xi32>
      %and3A_78 = arith.constant 65535 : i32
      %and3A_79 = vector.broadcast %and3A_78 : i32 to vector<16xi32>
      %and3A_80 = arith.andi %get3A_77, %and3A_79 : vector<16xi32>
      %swap3A_81 = arith.constant 48 : index
      %swap3A_82 = tpu.vector_load %arg6[%swap3A_81] {strides = array<i32>} : memref<256xi32, #tpu.memory_space<vmem>>, vector<16xi32>,
      %swap3A_83 = vector.shape_cast %swap3A_82 : vector<16xi32> to vector<16xi32>
      %swap3A_84 = vector.shape_cast %and3A_80 : vector<16xi32> to vector<16xi32>
      tpu.vector_store %arg6[%swap3A_81], %swap3A_84 {strides = array<i32>} : memref<256xi32, #tpu.memory_space<vmem>>, vector<16xi32>,
      %shift_right_logical3A_85 = arith.constant 16 : i32
      %shift_right_logical3A_86 = vector.broadcast %shift_right_logical3A_85 : i32 to vector<16xi32>
      %shift_right_logical3A_87 = arith.shrui %get3A_77, %shift_right_logical3A_86 : vector<16xi32>
      %swap3A_88 = arith.constant 48 : index
      %swap3A_89 = tpu.vector_load %arg7[%swap3A_88] {strides = array<i32>} : memref<256xi32, #tpu.memory_space<vmem>>, vector<16xi32>,
      %swap3A_90 = vector.shape_cast %swap3A_89 : vector<16xi32> to vector<16xi32>
      %swap3A_91 = vector.shape_cast %shift_right_logical3A_87 : vector<16xi32> to vector<16xi32>
      tpu.vector_store %arg7[%swap3A_88], %swap3A_91 {strides = array<i32>} : memref<256xi32, #tpu.memory_space<vmem>>, vector<16xi32>,
      %get3A_92 = arith.index_cast %add3A_23 : i32 to index
      %get3A_93 = arith.constant 64 : index
      %get3A_94 = tpu.vector_load %arg5[%get3A_92, %get3A_93] {strides = array<i32>} : memref<42x256xi32, #tpu.memory_space<vmem>>, vector<1x16xi32>,
      %get3A_95 = vector.shape_cast %get3A_94 : vector<1x16xi32> to vector<16xi32>
      %and3A_96 = arith.constant 65535 : i32
      %and3A_97 = vector.broadcast %and3A_96 : i32 to vector<16xi32>
      %and3A_98 = arith.andi %get3A_95, %and3A_97 : vector<16xi32>
      %swap3A_99 = arith.constant 64 : index
      %swap3A_100 = tpu.vector_load %arg6[%swap3A_99] {strides = array<i32>} : memref<256xi32, #tpu.memory_space<vmem>>, vector<16xi32>,
      %swap3A_101 = vector.shape_cast %swap3A_100 : vector<16xi32> to vector<16xi32>
      %swap3A_102 = vector.shape_cast %and3A_98 : vector<16xi32> to vector<16xi32>
      tpu.vector_store %arg6[%swap3A_99], %swap3A_102 {strides = array<i32>} : memref<256xi32, #tpu.memory_space<vmem>>, vector<16xi32>,
      %shift_right_logical3A_103 = arith.constant 16 : i32
      %shift_right_logical3A_104 = vector.broadcast %shift_right_logical3A_103 : i32 to vector<16xi32>
      %shift_right_logical3A_105 = arith.shrui %get3A_95, %shift_right_logical3A_104 : vector<16xi32>
      %swap3A_106 = arith.constant 64 : index
      %swap3A_107 = tpu.vector_load %arg7[%swap3A_106] {strides = array<i32>} : memref<256xi32, #tpu.memory_space<vmem>>, vector<16xi32>,
      %swap3A_108 = vector.shape_cast %swap3A_107 : vector<16xi32> to vector<16xi32>
      %swap3A_109 = vector.shape_cast %shift_right_logical3A_105 : vector<16xi32> to vector<16xi32>
      tpu.vector_store %arg7[%swap3A_106], %swap3A_109 {strides = array<i32>} : memref<256xi32, #tpu.memory_space<vmem>>, vector<16xi32>,
      %get3A_110 = arith.index_cast %add3A_23 : i32 to index
      %get3A_111 = arith.constant 80 : index
      %get3A_112 = tpu.vector_load %arg5[%get3A_110, %get3A_111] {strides = array<i32>} : memref<42x256xi32, #tpu.memory_space<vmem>>, vector<1x16xi32>,
      %get3A_113 = vector.shape_cast %get3A_112 : vector<1x16xi32> to vector<16xi32>
      %and3A_114 = arith.constant 65535 : i32
      %and3A_115 = vector.broadcast %and3A_114 : i32 to vector<16xi32>
      %and3A_116 = arith.andi %get3A_113, %and3A_115 : vector<16xi32>
      %swap3A_117 = arith.constant 80 : index
      %swap3A_118 = tpu.vector_load %arg6[%swap3A_117] {strides = array<i32>} : memref<256xi32, #tpu.memory_space<vmem>>, vector<16xi32>,
      %swap3A_119 = vector.shape_cast %swap3A_118 : vector<16xi32> to vector<16xi32>
      %swap3A_120 = vector.shape_cast %and3A_116 : vector<16xi32> to vector<16xi32>
      tpu.vector_store %arg6[%swap3A_117], %swap3A_120 {strides = array<i32>} : memref<256xi32, #tpu.memory_space<vmem>>, vector<16xi32>,
      %shift_right_logical3A_121 = arith.constant 16 : i32
      %shift_right_logical3A_122 = vector.broadcast %shift_right_logical3A_121 : i32 to vector<16xi32>
      %shift_right_logical3A_123 = arith.shrui %get3A_113, %shift_right_logical3A_122 : vector<16xi32>
      %swap3A_124 = arith.constant 80 : index
      %swap3A_125 = tpu.vector_load %arg7[%swap3A_124] {strides = array<i32>} : memref<256xi32, #tpu.memory_space<vmem>>, vector<16xi32>,
      %swap3A_126 = vector.shape_cast %swap3A_125 : vector<16xi32> to vector<16xi32>
      %swap3A_127 = vector.shape_cast %shift_right_logical3A_123 : vector<16xi32> to vector<16xi32>
      tpu.vector_store %arg7[%swap3A_124], %swap3A_127 {strides = array<i32>} : memref<256xi32, #tpu.memory_space<vmem>>, vector<16xi32>,
      %get3A_128 = arith.index_cast %add3A_23 : i32 to index
      %get3A_129 = arith.constant 96 : index
      %get3A_130 = tpu.vector_load %arg5[%get3A_128, %get3A_129] {strides = array<i32>} : memref<42x256xi32, #tpu.memory_space<vmem>>, vector<1x16xi32>,
      %get3A_131 = vector.shape_cast %get3A_130 : vector<1x16xi32> to vector<16xi32>
      %and3A_132 = arith.constant 65535 : i32
      %and3A_133 = vector.broadcast %and3A_132 : i32 to vector<16xi32>
      %and3A_134 = arith.andi %get3A_131, %and3A_133 : vector<16xi32>
      %swap3A_135 = arith.constant 96 : index
      %swap3A_136 = tpu.vector_load %arg6[%swap3A_135] {strides = array<i32>} : memref<256xi32, #tpu.memory_space<vmem>>, vector<16xi32>,
      %swap3A_137 = vector.shape_cast %swap3A_136 : vector<16xi32> to vector<16xi32>
      %swap3A_138 = vector.shape_cast %and3A_134 : vector<16xi32> to vector<16xi32>
      tpu.vector_store %arg6[%swap3A_135], %swap3A_138 {strides = array<i32>} : memref<256xi32, #tpu.memory_space<vmem>>, vector<16xi32>,
      %shift_right_logical3A_139 = arith.constant 16 : i32
      %shift_right_logical3A_140 = vector.broadcast %shift_right_logical3A_139 : i32 to vector<16xi32>
      %shift_right_logical3A_141 = arith.shrui %get3A_131, %shift_right_logical3A_140 : vector<16xi32>
      %swap3A_142 = arith.constant 96 : index
      %swap3A_143 = tpu.vector_load %arg7[%swap3A_142] {strides = array<i32>} : memref<256xi32, #tpu.memory_space<vmem>>, vector<16xi32>,
      %swap3A_144 = vector.shape_cast %swap3A_143 : vector<16xi32> to vector<16xi32>
      %swap3A_145 = vector.shape_cast %shift_right_logical3A_141 : vector<16xi32> to vector<16xi32>
      tpu.vector_store %arg7[%swap3A_142], %swap3A_145 {strides = array<i32>} : memref<256xi32, #tpu.memory_space<vmem>>, vector<16xi32>,
      %get3A_146 = arith.index_cast %add3A_23 : i32 to index
      %get3A_147 = arith.constant 112 : index
      %get3A_148 = tpu.vector_load %arg5[%get3A_146, %get3A_147] {strides = array<i32>} : memref<42x256xi32, #tpu.memory_space<vmem>>, vector<1x16xi32>,
      %get3A_149 = vector.shape_cast %get3A_148 : vector<1x16xi32> to vector<16xi32>
      %and3A_150 = arith.constant 65535 : i32
      %and3A_151 = vector.broadcast %and3A_150 : i32 to vector<16xi32>
      %and3A_152 = arith.andi %get3A_149, %and3A_151 : vector<16xi32>
      %swap3A_153 = arith.constant 112 : index
      %swap3A_154 = tpu.vector_load %arg6[%swap3A_153] {strides = array<i32>} : memref<256xi32, #tpu.memory_space<vmem>>, vector<16xi32>,
      %swap3A_155 = vector.shape_cast %swap3A_154 : vector<16xi32> to vector<16xi32>
      %swap3A_156 = vector.shape_cast %and3A_152 : vector<16xi32> to vector<16xi32>
      tpu.vector_store %arg6[%swap3A_153], %swap3A_156 {strides = array<i32>} : memref<256xi32, #tpu.memory_space<vmem>>, vector<16xi32>,
      %shift_right_logical3A_157 = arith.constant 16 : i32
      %shift_right_logical3A_158 = vector.broadcast %shift_right_logical3A_157 : i32 to vector<16xi32>
      %shift_right_logical3A_159 = arith.shrui %get3A_149, %shift_right_logical3A_158 : vector<16xi32>
      %swap3A_160 = arith.constant 112 : index
      %swap3A_161 = tpu.vector_load %arg7[%swap3A_160] {strides = array<i32>} : memref<256xi32, #tpu.memory_space<vmem>>, vector<16xi32>,
      %swap3A_162 = vector.shape_cast %swap3A_161 : vector<16xi32> to vector<16xi32>
      %swap3A_163 = vector.shape_cast %shift_right_logical3A_159 : vector<16xi32> to vector<16xi32>
      tpu.vector_store %arg7[%swap3A_160], %swap3A_163 {strides = array<i32>} : memref<256xi32, #tpu.memory_space<vmem>>, vector<16xi32>,
      %get3A_164 = arith.index_cast %add3A_23 : i32 to index
      %get3A_165 = arith.constant 128 : index
      %get3A_166 = tpu.vector_load %arg5[%get3A_164, %get3A_165] {strides = array<i32>} : memref<42x256xi32, #tpu.memory_space<vmem>>, vector<1x16xi32>,
      %get3A_167 = vector.shape_cast %get3A_166 : vector<1x16xi32> to vector<16xi32>
      %and3A_168 = arith.constant 65535 : i32
      %and3A_169 = vector.broadcast %and3A_168 : i32 to vector<16xi32>
      %and3A_170 = arith.andi %get3A_167, %and3A_169 : vector<16xi32>
      %swap3A_171 = arith.constant 128 : index
      %swap3A_172 = tpu.vector_load %arg6[%swap3A_171] {strides = array<i32>} : memref<256xi32, #tpu.memory_space<vmem>>, vector<16xi32>,
      %swap3A_173 = vector.shape_cast %swap3A_172 : vector<16xi32> to vector<16xi32>
      %swap3A_174 = vector.shape_cast %and3A_170 : vector<16xi32> to vector<16xi32>
      tpu.vector_store %arg6[%swap3A_171], %swap3A_174 {strides = array<i32>} : memref<256xi32, #tpu.memory_space<vmem>>, vector<16xi32>,
      %shift_right_logical3A_175 = arith.constant 16 : i32
      %shift_right_logical3A_176 = vector.broadcast %shift_right_logical3A_175 : i32 to vector<16xi32>
      %shift_right_logical3A_177 = arith.shrui %get3A_167, %shift_right_logical3A_176 : vector<16xi32>
      %swap3A_178 = arith.constant 128 : index
      %swap3A_179 = tpu.vector_load %arg7[%swap3A_178] {strides = array<i32>} : memref<256xi32, #tpu.memory_space<vmem>>, vector<16xi32>,
      %swap3A_180 = vector.shape_cast %swap3A_179 : vector<16xi32> to vector<16xi32>
      %swap3A_181 = vector.shape_cast %shift_right_logical3A_177 : vector<16xi32> to vector<16xi32>
      tpu.vector_store %arg7[%swap3A_178], %swap3A_181 {strides = array<i32>} : memref<256xi32, #tpu.memory_space<vmem>>, vector<16xi32>,
      %get3A_182 = arith.index_cast %add3A_23 : i32 to index
      %get3A_183 = arith.constant 144 : index
      %get3A_184 = tpu.vector_load %arg5[%get3A_182, %get3A_183] {strides = array<i32>} : memref<42x256xi32, #tpu.memory_space<vmem>>, vector<1x16xi32>,
      %get3A_185 = vector.shape_cast %get3A_184 : vector<1x16xi32> to vector<16xi32>
      %and3A_186 = arith.constant 65535 : i32
      %and3A_187 = vector.broadcast %and3A_186 : i32 to vector<16xi32>
      %and3A_188 = arith.andi %get3A_185, %and3A_187 : vector<16xi32>
      %swap3A_189 = arith.constant 144 : index
      %swap3A_190 = tpu.vector_load %arg6[%swap3A_189] {strides = array<i32>} : memref<256xi32, #tpu.memory_space<vmem>>, vector<16xi32>,
      %swap3A_191 = vector.shape_cast %swap3A_190 : vector<16xi32> to vector<16xi32>
      %swap3A_192 = vector.shape_cast %and3A_188 : vector<16xi32> to vector<16xi32>
      tpu.vector_store %arg6[%swap3A_189], %swap3A_192 {strides = array<i32>} : memref<256xi32, #tpu.memory_space<vmem>>, vector<16xi32>,
      %shift_right_logical3A_193 = arith.constant 16 : i32
      %shift_right_logical3A_194 = vector.broadcast %shift_right_logical3A_193 : i32 to vector<16xi32>
      %shift_right_logical3A_195 = arith.shrui %get3A_185, %shift_right_logical3A_194 : vector<16xi32>
      %swap3A_196 = arith.constant 144 : index
      %swap3A_197 = tpu.vector_load %arg7[%swap3A_196] {strides = array<i32>} : memref<256xi32, #tpu.memory_space<vmem>>, vector<16xi32>,
      %swap3A_198 = vector.shape_cast %swap3A_197 : vector<16xi32> to vector<16xi32>
      %swap3A_199 = vector.shape_cast %shift_right_logical3A_195 : vector<16xi32> to vector<16xi32>
      tpu.vector_store %arg7[%swap3A_196], %swap3A_199 {strides = array<i32>} : memref<256xi32, #tpu.memory_space<vmem>>, vector<16xi32>,
      %get3A_200 = arith.index_cast %add3A_23 : i32 to index
      %get3A_201 = arith.constant 160 : index
      %get3A_202 = tpu.vector_load %arg5[%get3A_200, %get3A_201] {strides = array<i32>} : memref<42x256xi32, #tpu.memory_space<vmem>>, vector<1x16xi32>,
      %get3A_203 = vector.shape_cast %get3A_202 : vector<1x16xi32> to vector<16xi32>
      %and3A_204 = arith.constant 65535 : i32
      %and3A_205 = vector.broadcast %and3A_204 : i32 to vector<16xi32>
      %and3A_206 = arith.andi %get3A_203, %and3A_205 : vector<16xi32>
      %swap3A_207 = arith.constant 160 : index
      %swap3A_208 = tpu.vector_load %arg6[%swap3A_207] {strides = array<i32>} : memref<256xi32, #tpu.memory_space<vmem>>, vector<16xi32>,
      %swap3A_209 = vector.shape_cast %swap3A_208 : vector<16xi32> to vector<16xi32>
      %swap3A_210 = vector.shape_cast %and3A_206 : vector<16xi32> to vector<16xi32>
      tpu.vector_store %arg6[%swap3A_207], %swap3A_210 {strides = array<i32>} : memref<256xi32, #tpu.memory_space<vmem>>, vector<16xi32>,
      %shift_right_logical3A_211 = arith.constant 16 : i32
      %shift_right_logical3A_212 = vector.broadcast %shift_right_logical3A_211 : i32 to vector<16xi32>
      %shift_right_logical3A_213 = arith.shrui %get3A_203, %shift_right_logical3A_212 : vector<16xi32>
      %swap3A_214 = arith.constant 160 : index
      %swap3A_215 = tpu.vector_load %arg7[%swap3A_214] {strides = array<i32>} : memref<256xi32, #tpu.memory_space<vmem>>, vector<16xi32>,
      %swap3A_216 = vector.shape_cast %swap3A_215 : vector<16xi32> to vector<16xi32>
      %swap3A_217 = vector.shape_cast %shift_right_logical3A_213 : vector<16xi32> to vector<16xi32>
      tpu.vector_store %arg7[%swap3A_214], %swap3A_217 {strides = array<i32>} : memref<256xi32, #tpu.memory_space<vmem>>, vector<16xi32>,
      %get3A_218 = arith.index_cast %add3A_23 : i32 to index
      %get3A_219 = arith.constant 176 : index
      %get3A_220 = tpu.vector_load %arg5[%get3A_218, %get3A_219] {strides = array<i32>} : memref<42x256xi32, #tpu.memory_space<vmem>>, vector<1x16xi32>,
      %get3A_221 = vector.shape_cast %get3A_220 : vector<1x16xi32> to vector<16xi32>
      %and3A_222 = arith.constant 65535 : i32
      %and3A_223 = vector.broadcast %and3A_222 : i32 to vector<16xi32>
      %and3A_224 = arith.andi %get3A_221, %and3A_223 : vector<16xi32>
      %swap3A_225 = arith.constant 176 : index
      %swap3A_226 = tpu.vector_load %arg6[%swap3A_225] {strides = array<i32>} : memref<256xi32, #tpu.memory_space<vmem>>, vector<16xi32>,
      %swap3A_227 = vector.shape_cast %swap3A_226 : vector<16xi32> to vector<16xi32>
      %swap3A_228 = vector.shape_cast %and3A_224 : vector<16xi32> to vector<16xi32>
      tpu.vector_store %arg6[%swap3A_225], %swap3A_228 {strides = array<i32>} : memref<256xi32, #tpu.memory_space<vmem>>, vector<16xi32>,
      %shift_right_logical3A_229 = arith.constant 16 : i32
      %shift_right_logical3A_230 = vector.broadcast %shift_right_logical3A_229 : i32 to vector<16xi32>
      %shift_right_logical3A_231 = arith.shrui %get3A_221, %shift_right_logical3A_230 : vector<16xi32>
      %swap3A_232 = arith.constant 176 : index
      %swap3A_233 = tpu.vector_load %arg7[%swap3A_232] {strides = array<i32>} : memref<256xi32, #tpu.memory_space<vmem>>, vector<16xi32>,
      %swap3A_234 = vector.shape_cast %swap3A_233 : vector<16xi32> to vector<16xi32>
      %swap3A_235 = vector.shape_cast %shift_right_logical3A_231 : vector<16xi32> to vector<16xi32>
      tpu.vector_store %arg7[%swap3A_232], %swap3A_235 {strides = array<i32>} : memref<256xi32, #tpu.memory_space<vmem>>, vector<16xi32>,
      %get3A_236 = arith.index_cast %add3A_23 : i32 to index
      %get3A_237 = arith.constant 192 : index
      %get3A_238 = tpu.vector_load %arg5[%get3A_236, %get3A_237] {strides = array<i32>} : memref<42x256xi32, #tpu.memory_space<vmem>>, vector<1x16xi32>,
      %get3A_239 = vector.shape_cast %get3A_238 : vector<1x16xi32> to vector<16xi32>
      %and3A_240 = arith.constant 65535 : i32
      %and3A_241 = vector.broadcast %and3A_240 : i32 to vector<16xi32>
      %and3A_242 = arith.andi %get3A_239, %and3A_241 : vector<16xi32>
      %swap3A_243 = arith.constant 192 : index
      %swap3A_244 = tpu.vector_load %arg6[%swap3A_243] {strides = array<i32>} : memref<256xi32, #tpu.memory_space<vmem>>, vector<16xi32>,
      %swap3A_245 = vector.shape_cast %swap3A_244 : vector<16xi32> to vector<16xi32>
      %swap3A_246 = vector.shape_cast %and3A_242 : vector<16xi32> to vector<16xi32>
      tpu.vector_store %arg6[%swap3A_243], %swap3A_246 {strides = array<i32>} : memref<256xi32, #tpu.memory_space<vmem>>, vector<16xi32>,
      %shift_right_logical3A_247 = arith.constant 16 : i32
      %shift_right_logical3A_248 = vector.broadcast %shift_right_logical3A_247 : i32 to vector<16xi32>
      %shift_right_logical3A_249 = arith.shrui %get3A_239, %shift_right_logical3A_248 : vector<16xi32>
      %swap3A_250 = arith.constant 192 : index
      %swap3A_251 = tpu.vector_load %arg7[%swap3A_250] {strides = array<i32>} : memref<256xi32, #tpu.memory_space<vmem>>, vector<16xi32>,
      %swap3A_252 = vector.shape_cast %swap3A_251 : vector<16xi32> to vector<16xi32>
      %swap3A_253 = vector.shape_cast %shift_right_logical3A_249 : vector<16xi32> to vector<16xi32>
      tpu.vector_store %arg7[%swap3A_250], %swap3A_253 {strides = array<i32>} : memref<256xi32, #tpu.memory_space<vmem>>, vector<16xi32>,
      %get3A_254 = arith.index_cast %add3A_23 : i32 to index
      %get3A_255 = arith.constant 208 : index
      %get3A_256 = tpu.vector_load %arg5[%get3A_254, %get3A_255] {strides = array<i32>} : memref<42x256xi32, #tpu.memory_space<vmem>>, vector<1x16xi32>,
      %get3A_257 = vector.shape_cast %get3A_256 : vector<1x16xi32> to vector<16xi32>
      %and3A_258 = arith.constant 65535 : i32
      %and3A_259 = vector.broadcast %and3A_258 : i32 to vector<16xi32>
      %and3A_260 = arith.andi %get3A_257, %and3A_259 : vector<16xi32>
      %swap3A_261 = arith.constant 208 : index
      %swap3A_262 = tpu.vector_load %arg6[%swap3A_261] {strides = array<i32>} : memref<256xi32, #tpu.memory_space<vmem>>, vector<16xi32>,
      %swap3A_263 = vector.shape_cast %swap3A_262 : vector<16xi32> to vector<16xi32>
      %swap3A_264 = vector.shape_cast %and3A_260 : vector<16xi32> to vector<16xi32>
      tpu.vector_store %arg6[%swap3A_261], %swap3A_264 {strides = array<i32>} : memref<256xi32, #tpu.memory_space<vmem>>, vector<16xi32>,
      %shift_right_logical3A_265 = arith.constant 16 : i32
      %shift_right_logical3A_266 = vector.broadcast %shift_right_logical3A_265 : i32 to vector<16xi32>
      %shift_right_logical3A_267 = arith.shrui %get3A_257, %shift_right_logical3A_266 : vector<16xi32>
      %swap3A_268 = arith.constant 208 : index
      %swap3A_269 = tpu.vector_load %arg7[%swap3A_268] {strides = array<i32>} : memref<256xi32, #tpu.memory_space<vmem>>, vector<16xi32>,
      %swap3A_270 = vector.shape_cast %swap3A_269 : vector<16xi32> to vector<16xi32>
      %swap3A_271 = vector.shape_cast %shift_right_logical3A_267 : vector<16xi32> to vector<16xi32>
      tpu.vector_store %arg7[%swap3A_268], %swap3A_271 {strides = array<i32>} : memref<256xi32, #tpu.memory_space<vmem>>, vector<16xi32>,
      %get3A_272 = arith.index_cast %add3A_23 : i32 to index
      %get3A_273 = arith.constant 224 : index
      %get3A_274 = tpu.vector_load %arg5[%get3A_272, %get3A_273] {strides = array<i32>} : memref<42x256xi32, #tpu.memory_space<vmem>>, vector<1x16xi32>,
      %get3A_275 = vector.shape_cast %get3A_274 : vector<1x16xi32> to vector<16xi32>
      %and3A_276 = arith.constant 65535 : i32
      %and3A_277 = vector.broadcast %and3A_276 : i32 to vector<16xi32>
      %and3A_278 = arith.andi %get3A_275, %and3A_277 : vector<16xi32>
      %swap3A_279 = arith.constant 224 : index
      %swap3A_280 = tpu.vector_load %arg6[%swap3A_279] {strides = array<i32>} : memref<256xi32, #tpu.memory_space<vmem>>, vector<16xi32>,
      %swap3A_281 = vector.shape_cast %swap3A_280 : vector<16xi32> to vector<16xi32>
      %swap3A_282 = vector.shape_cast %and3A_278 : vector<16xi32> to vector<16xi32>
      tpu.vector_store %arg6[%swap3A_279], %swap3A_282 {strides = array<i32>} : memref<256xi32, #tpu.memory_space<vmem>>, vector<16xi32>,
      %shift_right_logical3A_283 = arith.constant 16 : i32
      %shift_right_logical3A_284 = vector.broadcast %shift_right_logical3A_283 : i32 to vector<16xi32>
      %shift_right_logical3A_285 = arith.shrui %get3A_275, %shift_right_logical3A_284 : vector<16xi32>
      %swap3A_286 = arith.constant 224 : index
      %swap3A_287 = tpu.vector_load %arg7[%swap3A_286] {strides = array<i32>} : memref<256xi32, #tpu.memory_space<vmem>>, vector<16xi32>,
      %swap3A_288 = vector.shape_cast %swap3A_287 : vector<16xi32> to vector<16xi32>
      %swap3A_289 = vector.shape_cast %shift_right_logical3A_285 : vector<16xi32> to vector<16xi32>
      tpu.vector_store %arg7[%swap3A_286], %swap3A_289 {strides = array<i32>} : memref<256xi32, #tpu.memory_space<vmem>>, vector<16xi32>,
      %get3A_290 = arith.index_cast %add3A_23 : i32 to index
      %get3A_291 = arith.constant 240 : index
      %get3A_292 = tpu.vector_load %arg5[%get3A_290, %get3A_291] {strides = array<i32>} : memref<42x256xi32, #tpu.memory_space<vmem>>, vector<1x16xi32>,
      %get3A_293 = vector.shape_cast %get3A_292 : vector<1x16xi32> to vector<16xi32>
      %and3A_294 = arith.constant 65535 : i32
      %and3A_295 = vector.broadcast %and3A_294 : i32 to vector<16xi32>
      %and3A_296 = arith.andi %get3A_293, %and3A_295 : vector<16xi32>
      %swap3A_297 = arith.constant 240 : index
      %swap3A_298 = tpu.vector_load %arg6[%swap3A_297] {strides = array<i32>} : memref<256xi32, #tpu.memory_space<vmem>>, vector<16xi32>,
      %swap3A_299 = vector.shape_cast %swap3A_298 : vector<16xi32> to vector<16xi32>
      %swap3A_300 = vector.shape_cast %and3A_296 : vector<16xi32> to vector<16xi32>
      tpu.vector_store %arg6[%swap3A_297], %swap3A_300 {strides = array<i32>} : memref<256xi32, #tpu.memory_space<vmem>>, vector<16xi32>,
      %shift_right_logical3A_301 = arith.constant 16 : i32
      %shift_right_logical3A_302 = vector.broadcast %shift_right_logical3A_301 : i32 to vector<16xi32>
      %shift_right_logical3A_303 = arith.shrui %get3A_293, %shift_right_logical3A_302 : vector<16xi32>
      %swap3A_304 = arith.constant 240 : index
      %swap3A_305 = tpu.vector_load %arg7[%swap3A_304] {strides = array<i32>} : memref<256xi32, #tpu.memory_space<vmem>>, vector<16xi32>,
      %swap3A_306 = vector.shape_cast %swap3A_305 : vector<16xi32> to vector<16xi32>
      %swap3A_307 = vector.shape_cast %shift_right_logical3A_303 : vector<16xi32> to vector<16xi32>
      tpu.vector_store %arg7[%swap3A_304], %swap3A_307 {strides = array<i32>} : memref<256xi32, #tpu.memory_space<vmem>>, vector<16xi32>,
      %dma_start3A = arith.constant 0 : i32
      %dma_start3A_308 = arith.constant 0 : i32
      %dma_start3A_309 = tpu.memref_slice %arg2[%dma_start3A, %dma_start3A_308] : memref<10000x128xf32, #tpu.memory_space<hbm>> -> memref<10000x128xf32, #tpu.memory_space<hbm>>
      tpu.enqueue_indirect_dma source(%dma_start3A_309 : memref<10000x128xf32, #tpu.memory_space<hbm>>) target(%arg8 : memref<256x128xf32, #tpu.memory_space<vmem>>) offsets(%arg6 : memref<256xi32, #tpu.memory_space<vmem>>) semaphore(%arg10 : memref<!tpu.dma_semaphore, #tpu.memory_space<semaphore_mem>>)
      %dma_wait3A = arith.constant 0 : i32
      %dma_wait3A_310 = arith.constant 0 : i32
      %dma_wait3A_311 = tpu.memref_slice %arg2[%dma_wait3A, %dma_wait3A_310] : memref<10000x128xf32, #tpu.memory_space<hbm>> -> memref<10000x128xf32, #tpu.memory_space<hbm>>
      tpu.wait_indirect_dma semaphore(%arg10 : memref<!tpu.dma_semaphore, #tpu.memory_space<semaphore_mem>>) src(%dma_wait3A_311 : memref<10000x128xf32, #tpu.memory_space<hbm>>) dst(%arg8 : memref<256x128xf32, #tpu.memory_space<vmem>>)
      "tpu.region"() ({
        %run_scoped3A = tpu.sem_alloc : memref<!tpu.dma_semaphore, #tpu.memory_space<semaphore_mem>>
        %dma_start3A_312 = arith.constant 0 : i32
        %dma_start3A_313 = arith.constant 0 : i32
        %dma_start3A_314 = tpu.memref_slice %arg9[%dma_start3A_312, %dma_start3A_313] : memref<10112x128xf32, #tpu.memory_space<vmem_shared>> -> memref<10112x128xf32, #tpu.memory_space<vmem_shared>>
        tpu.enqueue_indirect_dma source(%arg8 : memref<256x128xf32, #tpu.memory_space<vmem>>) target(%dma_start3A_314 : memref<10112x128xf32, #tpu.memory_space<vmem_shared>>) offsets(%arg7 : memref<256xi32, #tpu.memory_space<vmem>>) semaphore(%run_scoped3A : memref<!tpu.dma_semaphore, #tpu.memory_space<semaphore_mem>>) {add = true}
        %dma_wait3A_315 = arith.constant 0 : i32
        %dma_wait3A_316 = arith.constant 0 : i32
        %dma_wait3A_317 = tpu.memref_slice %arg9[%dma_wait3A_315, %dma_wait3A_316] : memref<10112x128xf32, #tpu.memory_space<vmem_shared>> -> memref<10112x128xf32, #tpu.memory_space<vmem_shared>>
        tpu.wait_indirect_dma semaphore(%run_scoped3A : memref<!tpu.dma_semaphore, #tpu.memory_space<semaphore_mem>>) src(%arg8 : memref<256x128xf32, #tpu.memory_space<vmem>>) dst(%dma_wait3A_317 : memref<10112x128xf32, #tpu.memory_space<vmem_shared>>)
        tpu.yield
      }) : () -> ()
    }
    %scan3A_17 = arith.constant 40 : i32
    %barrier3A_18 = arith.constant 0 : index
    tpu.barrier barrier_id(%barrier3A_18)
    "tpu.region"() ({
      %run_scoped3A = tpu.sem_alloc : memref<!tpu.dma_semaphore, #tpu.memory_space<semaphore_mem>>
      %dma_start3A = arith.constant 0 : i32
      %dma_start3A_19 = tpu.memref_slice %arg4[%arg0, %mul3A_6, %dma_start3A] : memref<2x10112x128xf32, #tpu.memory_space<hbm>> -> memref<1x632x128xf32, #tpu.memory_space<hbm>>
      %dma_start3A_20 = tpu.memref_squeeze %dma_start3A_19 : memref<1x632x128xf32, #tpu.memory_space<hbm>> -> memref<632x128xf32, #tpu.memory_space<hbm>>
      %dma_start3A_21 = arith.constant 0 : i32
      %dma_start3A_22 = tpu.memref_slice %arg9[%mul3A_6, %dma_start3A_21] : memref<10112x128xf32, #tpu.memory_space<vmem_shared>> -> memref<632x128xf32, #tpu.memory_space<vmem_shared>>
      tpu.enqueue_dma source(%dma_start3A_22 : memref<632x128xf32, #tpu.memory_space<vmem_shared>>) target(%dma_start3A_20 : memref<632x128xf32, #tpu.memory_space<hbm>>) target_semaphore(%run_scoped3A : memref<!tpu.dma_semaphore, #tpu.memory_space<semaphore_mem>>)
      %dma_wait3A = arith.constant 0 : i32
      %dma_wait3A_23 = tpu.memref_slice %arg4[%arg0, %mul3A_6, %dma_wait3A] : memref<2x10112x128xf32, #tpu.memory_space<hbm>> -> memref<1x632x128xf32, #tpu.memory_space<hbm>>
      %dma_wait3A_24 = tpu.memref_squeeze %dma_wait3A_23 : memref<1x632x128xf32, #tpu.memory_space<hbm>> -> memref<632x128xf32, #tpu.memory_space<hbm>>
      %dma_wait3A_25 = arith.constant 0 : i32
      %dma_wait3A_26 = tpu.memref_slice %arg9[%mul3A_6, %dma_wait3A_25] : memref<10112x128xf32, #tpu.memory_space<vmem_shared>> -> memref<632x128xf32, #tpu.memory_space<vmem_shared>>
      tpu.wait_dma2 semaphore(%run_scoped3A : memref<!tpu.dma_semaphore, #tpu.memory_space<semaphore_mem>>) src(%dma_wait3A_26 : memref<632x128xf32, #tpu.memory_space<vmem_shared>>) dst(%dma_wait3A_24 : memref<632x128xf32, #tpu.memory_space<hbm>>)
      tpu.yield
    }) : () -> ()
    return
  }
}

#map = affine_map<(d0, d1) -> (0, 0)>
#map1 = affine_map<(d0, d1) -> (0, 0, 0)>
module attributes {stable_mosaic.version = 14 : i64} {
  func.func @_mp_kernel(%arg0: i32, %arg1: i32, %arg2: memref<10000x128xf32, #tpu.memory_space<hbm>>, %arg3: memref<32x40x256xi32, #tpu.memory_space<hbm>>, %arg4: memref<2x10112x128xf32, #tpu.memory_space<hbm>>, %arg5: memref<42x256xi32, #tpu.memory_space<vmem>>, %arg6: memref<256xi32, #tpu.memory_space<vmem>>, %arg7: memref<256xi32, #tpu.memory_space<vmem>>, %arg8: memref<256x128xf32, #tpu.memory_space<vmem>>, %arg9: memref<10112x128xf32, #tpu.memory_space<vmem_shared>>, %arg10: memref<!tpu.dma_semaphore, #tpu.memory_space<semaphore_mem>>) attributes {dimension_semantics = [#tpu.dimension_semantics<core_parallel>, #tpu.dimension_semantics<subcore_parallel>], iteration_bounds = array<i64: 2, 16>, scalar_prefetch = 0 : i64, scratch_operands = 6 : i64, tpu.core_type = #tpu.core_type<sc_vector_subcore>, window_params = [{transform_indices = #map}, {transform_indices = #map1}, {transform_indices = #map1}]} {
    %mul3A = arith.constant 2 : i32
    %mul3A_0 = arith.muli %arg1, %mul3A : i32
    %add3A = arith.addi %mul3A_0, %arg0 : i32
    %scan3A = arith.constant 0 : i32
    %scan3A_1 = arith.constant 256 : i32
    %scan3A_2 = arith.addi %scan3A, %scan3A_1 : i32
    %scan3A_3 = arith.constant 1 : i32
    scf.for %scan3A_19 = %scan3A to %scan3A_2 step %scan3A_3  : i32 {
      %mul3A_20 = arith.constant 1 : i32
      %mul3A_21 = arith.muli %scan3A_19, %mul3A_20 : i32
      %add3A_22 = arith.constant 0 : i32
      %add3A_23 = arith.addi %add3A_22, %mul3A_21 : i32
      %broadcast_in_dim3A = arith.constant 0.000000e+00 : f32
      %broadcast_in_dim3A_24 = vector.broadcast %broadcast_in_dim3A : f32 to vector<16xf32>
      %swap3A = arith.index_cast %add3A_23 : i32 to index
      %swap3A_25 = arith.constant 0 : index
      %swap3A_26 = tpu.vector_load %arg8[%swap3A, %swap3A_25] {strides = array<i32>} : memref<256x128xf32, #tpu.memory_space<vmem>>, vector<1x16xf32>,
      %swap3A_27 = vector.shape_cast %swap3A_26 : vector<1x16xf32> to vector<16xf32>
      %swap3A_28 = vector.shape_cast %broadcast_in_dim3A_24 : vector<16xf32> to vector<1x16xf32>
      tpu.vector_store %arg8[%swap3A, %swap3A_25], %swap3A_28 {strides = array<i32>} : memref<256x128xf32, #tpu.memory_space<vmem>>, vector<1x16xf32>,
      %broadcast_in_dim3A_29 = arith.constant 0.000000e+00 : f32
      %broadcast_in_dim3A_30 = vector.broadcast %broadcast_in_dim3A_29 : f32 to vector<16xf32>
      %swap3A_31 = arith.index_cast %add3A_23 : i32 to index
      %swap3A_32 = arith.constant 16 : index
      %swap3A_33 = tpu.vector_load %arg8[%swap3A_31, %swap3A_32] {strides = array<i32>} : memref<256x128xf32, #tpu.memory_space<vmem>>, vector<1x16xf32>,
      %swap3A_34 = vector.shape_cast %swap3A_33 : vector<1x16xf32> to vector<16xf32>
      %swap3A_35 = vector.shape_cast %broadcast_in_dim3A_30 : vector<16xf32> to vector<1x16xf32>
      tpu.vector_store %arg8[%swap3A_31, %swap3A_32], %swap3A_35 {strides = array<i32>} : memref<256x128xf32, #tpu.memory_space<vmem>>, vector<1x16xf32>,
      %broadcast_in_dim3A_36 = arith.constant 0.000000e+00 : f32
      %broadcast_in_dim3A_37 = vector.broadcast %broadcast_in_dim3A_36 : f32 to vector<16xf32>
      %swap3A_38 = arith.index_cast %add3A_23 : i32 to index
      %swap3A_39 = arith.constant 32 : index
      %swap3A_40 = tpu.vector_load %arg8[%swap3A_38, %swap3A_39] {strides = array<i32>} : memref<256x128xf32, #tpu.memory_space<vmem>>, vector<1x16xf32>,
      %swap3A_41 = vector.shape_cast %swap3A_40 : vector<1x16xf32> to vector<16xf32>
      %swap3A_42 = vector.shape_cast %broadcast_in_dim3A_37 : vector<16xf32> to vector<1x16xf32>
      tpu.vector_store %arg8[%swap3A_38, %swap3A_39], %swap3A_42 {strides = array<i32>} : memref<256x128xf32, #tpu.memory_space<vmem>>, vector<1x16xf32>,
      %broadcast_in_dim3A_43 = arith.constant 0.000000e+00 : f32
      %broadcast_in_dim3A_44 = vector.broadcast %broadcast_in_dim3A_43 : f32 to vector<16xf32>
      %swap3A_45 = arith.index_cast %add3A_23 : i32 to index
      %swap3A_46 = arith.constant 48 : index
      %swap3A_47 = tpu.vector_load %arg8[%swap3A_45, %swap3A_46] {strides = array<i32>} : memref<256x128xf32, #tpu.memory_space<vmem>>, vector<1x16xf32>,
      %swap3A_48 = vector.shape_cast %swap3A_47 : vector<1x16xf32> to vector<16xf32>
      %swap3A_49 = vector.shape_cast %broadcast_in_dim3A_44 : vector<16xf32> to vector<1x16xf32>
      tpu.vector_store %arg8[%swap3A_45, %swap3A_46], %swap3A_49 {strides = array<i32>} : memref<256x128xf32, #tpu.memory_space<vmem>>, vector<1x16xf32>,
      %broadcast_in_dim3A_50 = arith.constant 0.000000e+00 : f32
      %broadcast_in_dim3A_51 = vector.broadcast %broadcast_in_dim3A_50 : f32 to vector<16xf32>
      %swap3A_52 = arith.index_cast %add3A_23 : i32 to index
      %swap3A_53 = arith.constant 64 : index
      %swap3A_54 = tpu.vector_load %arg8[%swap3A_52, %swap3A_53] {strides = array<i32>} : memref<256x128xf32, #tpu.memory_space<vmem>>, vector<1x16xf32>,
      %swap3A_55 = vector.shape_cast %swap3A_54 : vector<1x16xf32> to vector<16xf32>
      %swap3A_56 = vector.shape_cast %broadcast_in_dim3A_51 : vector<16xf32> to vector<1x16xf32>
      tpu.vector_store %arg8[%swap3A_52, %swap3A_53], %swap3A_56 {strides = array<i32>} : memref<256x128xf32, #tpu.memory_space<vmem>>, vector<1x16xf32>,
      %broadcast_in_dim3A_57 = arith.constant 0.000000e+00 : f32
      %broadcast_in_dim3A_58 = vector.broadcast %broadcast_in_dim3A_57 : f32 to vector<16xf32>
      %swap3A_59 = arith.index_cast %add3A_23 : i32 to index
      %swap3A_60 = arith.constant 80 : index
      %swap3A_61 = tpu.vector_load %arg8[%swap3A_59, %swap3A_60] {strides = array<i32>} : memref<256x128xf32, #tpu.memory_space<vmem>>, vector<1x16xf32>,
      %swap3A_62 = vector.shape_cast %swap3A_61 : vector<1x16xf32> to vector<16xf32>
      %swap3A_63 = vector.shape_cast %broadcast_in_dim3A_58 : vector<16xf32> to vector<1x16xf32>
      tpu.vector_store %arg8[%swap3A_59, %swap3A_60], %swap3A_63 {strides = array<i32>} : memref<256x128xf32, #tpu.memory_space<vmem>>, vector<1x16xf32>,
      %broadcast_in_dim3A_64 = arith.constant 0.000000e+00 : f32
      %broadcast_in_dim3A_65 = vector.broadcast %broadcast_in_dim3A_64 : f32 to vector<16xf32>
      %swap3A_66 = arith.index_cast %add3A_23 : i32 to index
      %swap3A_67 = arith.constant 96 : index
      %swap3A_68 = tpu.vector_load %arg8[%swap3A_66, %swap3A_67] {strides = array<i32>} : memref<256x128xf32, #tpu.memory_space<vmem>>, vector<1x16xf32>,
      %swap3A_69 = vector.shape_cast %swap3A_68 : vector<1x16xf32> to vector<16xf32>
      %swap3A_70 = vector.shape_cast %broadcast_in_dim3A_65 : vector<16xf32> to vector<1x16xf32>
      tpu.vector_store %arg8[%swap3A_66, %swap3A_67], %swap3A_70 {strides = array<i32>} : memref<256x128xf32, #tpu.memory_space<vmem>>, vector<1x16xf32>,
      %broadcast_in_dim3A_71 = arith.constant 0.000000e+00 : f32
      %broadcast_in_dim3A_72 = vector.broadcast %broadcast_in_dim3A_71 : f32 to vector<16xf32>
      %swap3A_73 = arith.index_cast %add3A_23 : i32 to index
      %swap3A_74 = arith.constant 112 : index
      %swap3A_75 = tpu.vector_load %arg8[%swap3A_73, %swap3A_74] {strides = array<i32>} : memref<256x128xf32, #tpu.memory_space<vmem>>, vector<1x16xf32>,
      %swap3A_76 = vector.shape_cast %swap3A_75 : vector<1x16xf32> to vector<16xf32>
      %swap3A_77 = vector.shape_cast %broadcast_in_dim3A_72 : vector<16xf32> to vector<1x16xf32>
      tpu.vector_store %arg8[%swap3A_73, %swap3A_74], %swap3A_77 {strides = array<i32>} : memref<256x128xf32, #tpu.memory_space<vmem>>, vector<1x16xf32>,
    }
    %scan3A_4 = arith.constant 256 : i32
    %mul3A_5 = arith.constant 632 : i32
    %mul3A_6 = arith.muli %arg1, %mul3A_5 : i32
    %add3A_7 = arith.constant 0 : i32
    %add3A_8 = arith.addi %mul3A_6, %add3A_7 : i32
    "tpu.region"() ({
      %run_scoped3A = tpu.sem_alloc : memref<!tpu.dma_semaphore, #tpu.memory_space<semaphore_mem>>
      %dma_start3A = arith.constant 0 : i32
      %dma_start3A_19 = tpu.memref_slice %arg9[%add3A_8, %dma_start3A] : memref<10112x128xf32, #tpu.memory_space<vmem_shared>> -> memref<256x128xf32, #tpu.memory_space<vmem_shared>>
      %dma_start3A_20 = arith.constant 0 : i32
      %dma_start3A_21 = tpu.memref_slice %arg9[%add3A_8, %dma_start3A_20] : memref<10112x128xf32, #tpu.memory_space<vmem_shared>> -> memref<256x128xf32, #tpu.memory_space<vmem_shared>>
      tpu.enqueue_dma source(%arg8 : memref<256x128xf32, #tpu.memory_space<vmem>>) target(%dma_start3A_21 : memref<256x128xf32, #tpu.memory_space<vmem_shared>>) target_semaphore(%run_scoped3A : memref<!tpu.dma_semaphore, #tpu.memory_space<semaphore_mem>>)
      %dma_wait3A = arith.constant 0 : i32
      %dma_wait3A_22 = tpu.memref_slice %arg9[%add3A_8, %dma_wait3A] : memref<10112x128xf32, #tpu.memory_space<vmem_shared>> -> memref<256x128xf32, #tpu.memory_space<vmem_shared>>
      %dma_wait3A_23 = arith.constant 0 : i32
      %dma_wait3A_24 = tpu.memref_slice %arg9[%add3A_8, %dma_wait3A_23] : memref<10112x128xf32, #tpu.memory_space<vmem_shared>> -> memref<256x128xf32, #tpu.memory_space<vmem_shared>>
      tpu.wait_dma2 semaphore(%run_scoped3A : memref<!tpu.dma_semaphore, #tpu.memory_space<semaphore_mem>>) src(%arg8 : memref<256x128xf32, #tpu.memory_space<vmem>>) dst(%dma_wait3A_24 : memref<256x128xf32, #tpu.memory_space<vmem_shared>>)
      tpu.yield
    }) : () -> ()
    %add3A_9 = arith.constant 256 : i32
    %add3A_10 = arith.addi %mul3A_6, %add3A_9 : i32
    "tpu.region"() ({
      %run_scoped3A = tpu.sem_alloc : memref<!tpu.dma_semaphore, #tpu.memory_space<semaphore_mem>>
      %dma_start3A = arith.constant 0 : i32
      %dma_start3A_19 = tpu.memref_slice %arg9[%add3A_10, %dma_start3A] : memref<10112x128xf32, #tpu.memory_space<vmem_shared>> -> memref<256x128xf32, #tpu.memory_space<vmem_shared>>
      %dma_start3A_20 = arith.constant 0 : i32
      %dma_start3A_21 = tpu.memref_slice %arg9[%add3A_10, %dma_start3A_20] : memref<10112x128xf32, #tpu.memory_space<vmem_shared>> -> memref<256x128xf32, #tpu.memory_space<vmem_shared>>
      tpu.enqueue_dma source(%arg8 : memref<256x128xf32, #tpu.memory_space<vmem>>) target(%dma_start3A_21 : memref<256x128xf32, #tpu.memory_space<vmem_shared>>) target_semaphore(%run_scoped3A : memref<!tpu.dma_semaphore, #tpu.memory_space<semaphore_mem>>)
      %dma_wait3A = arith.constant 0 : i32
      %dma_wait3A_22 = tpu.memref_slice %arg9[%add3A_10, %dma_wait3A] : memref<10112x128xf32, #tpu.memory_space<vmem_shared>> -> memref<256x128xf32, #tpu.memory_space<vmem_shared>>
      %dma_wait3A_23 = arith.constant 0 : i32
      %dma_wait3A_24 = tpu.memref_slice %arg9[%add3A_10, %dma_wait3A_23] : memref<10112x128xf32, #tpu.memory_space<vmem_shared>> -> memref<256x128xf32, #tpu.memory_space<vmem_shared>>
      tpu.wait_dma2 semaphore(%run_scoped3A : memref<!tpu.dma_semaphore, #tpu.memory_space<semaphore_mem>>) src(%arg8 : memref<256x128xf32, #tpu.memory_space<vmem>>) dst(%dma_wait3A_24 : memref<256x128xf32, #tpu.memory_space<vmem_shared>>)
      tpu.yield
    }) : () -> ()
    %add3A_11 = arith.constant 512 : i32
    %add3A_12 = arith.addi %mul3A_6, %add3A_11 : i32
    "tpu.region"() ({
      %run_scoped3A = tpu.sem_alloc : memref<!tpu.dma_semaphore, #tpu.memory_space<semaphore_mem>>
      %dma_start3A = arith.constant 0 : i32
      %dma_start3A_19 = arith.constant 0 : i32
      %dma_start3A_20 = tpu.memref_slice %arg8[%dma_start3A, %dma_start3A_19] : memref<256x128xf32, #tpu.memory_space<vmem>> -> memref<120x128xf32, #tpu.memory_space<vmem>>
      %dma_start3A_21 = arith.constant 0 : i32
      %dma_start3A_22 = tpu.memref_slice %arg9[%add3A_12, %dma_start3A_21] : memref<10112x128xf32, #tpu.memory_space<vmem_shared>> -> memref<120x128xf32, #tpu.memory_space<vmem_shared>>
      %dma_start3A_23 = arith.constant 0 : i32
      %dma_start3A_24 = tpu.memref_slice %arg9[%add3A_12, %dma_start3A_23] : memref<10112x128xf32, #tpu.memory_space<vmem_shared>> -> memref<120x128xf32, #tpu.memory_space<vmem_shared>>
      %dma_start3A_25 = arith.constant 0 : i32
      %dma_start3A_26 = arith.constant 0 : i32
      %dma_start3A_27 = tpu.memref_slice %arg8[%dma_start3A_25, %dma_start3A_26] : memref<256x128xf32, #tpu.memory_space<vmem>> -> memref<120x128xf32, #tpu.memory_space<vmem>>
      tpu.enqueue_dma source(%dma_start3A_27 : memref<120x128xf32, #tpu.memory_space<vmem>>) target(%dma_start3A_24 : memref<120x128xf32, #tpu.memory_space<vmem_shared>>) target_semaphore(%run_scoped3A : memref<!tpu.dma_semaphore, #tpu.memory_space<semaphore_mem>>)
      %dma_wait3A = arith.constant 0 : i32
      %dma_wait3A_28 = arith.constant 0 : i32
      %dma_wait3A_29 = tpu.memref_slice %arg8[%dma_wait3A, %dma_wait3A_28] : memref<256x128xf32, #tpu.memory_space<vmem>> -> memref<120x128xf32, #tpu.memory_space<vmem>>
      %dma_wait3A_30 = arith.constant 0 : i32
      %dma_wait3A_31 = tpu.memref_slice %arg9[%add3A_12, %dma_wait3A_30] : memref<10112x128xf32, #tpu.memory_space<vmem_shared>> -> memref<120x128xf32, #tpu.memory_space<vmem_shared>>
      %dma_wait3A_32 = arith.constant 0 : i32
      %dma_wait3A_33 = tpu.memref_slice %arg9[%add3A_12, %dma_wait3A_32] : memref<10112x128xf32, #tpu.memory_space<vmem_shared>> -> memref<120x128xf32, #tpu.memory_space<vmem_shared>>
      %dma_wait3A_34 = arith.constant 0 : i32
      %dma_wait3A_35 = arith.constant 0 : i32
      %dma_wait3A_36 = tpu.memref_slice %arg8[%dma_wait3A_34, %dma_wait3A_35] : memref<256x128xf32, #tpu.memory_space<vmem>> -> memref<120x128xf32, #tpu.memory_space<vmem>>
      tpu.wait_dma2 semaphore(%run_scoped3A : memref<!tpu.dma_semaphore, #tpu.memory_space<semaphore_mem>>) src(%dma_wait3A_36 : memref<120x128xf32, #tpu.memory_space<vmem>>) dst(%dma_wait3A_33 : memref<120x128xf32, #tpu.memory_space<vmem_shared>>)
      tpu.yield
    }) : () -> ()
    %barrier3A = arith.constant 0 : index
    tpu.barrier barrier_id(%barrier3A)
    "tpu.region"() ({
      %run_scoped3A = tpu.sem_alloc : memref<!tpu.dma_semaphore, #tpu.memory_space<semaphore_mem>>
      %dma_start3A = arith.constant 0 : i32
      %dma_start3A_19 = arith.constant 0 : i32
      %dma_start3A_20 = tpu.memref_slice %arg5[%dma_start3A, %dma_start3A_19] : memref<42x256xi32, #tpu.memory_space<vmem>> -> memref<40x256xi32, #tpu.memory_space<vmem>>
      %dma_start3A_21 = arith.constant 0 : i32
      %dma_start3A_22 = arith.constant 0 : i32
      %dma_start3A_23 = tpu.memref_slice %arg3[%add3A, %dma_start3A_21, %dma_start3A_22] : memref<32x40x256xi32, #tpu.memory_space<hbm>> -> memref<1x40x256xi32, #tpu.memory_space<hbm>>
      %dma_start3A_24 = tpu.memref_squeeze %dma_start3A_23 : memref<1x40x256xi32, #tpu.memory_space<hbm>> -> memref<40x256xi32, #tpu.memory_space<hbm>>
      %dma_start3A_25 = arith.constant 0 : i32
      %dma_start3A_26 = arith.constant 0 : i32
      %dma_start3A_27 = tpu.memref_slice %arg5[%dma_start3A_25, %dma_start3A_26] : memref<42x256xi32, #tpu.memory_space<vmem>> -> memref<40x256xi32, #tpu.memory_space<vmem>>
      %dma_start3A_28 = arith.constant 0 : i32
      %dma_start3A_29 = arith.constant 0 : i32
      %dma_start3A_30 = tpu.memref_slice %arg3[%add3A, %dma_start3A_28, %dma_start3A_29] : memref<32x40x256xi32, #tpu.memory_space<hbm>> -> memref<1x40x256xi32, #tpu.memory_space<hbm>>
      %dma_start3A_31 = tpu.memref_squeeze %dma_start3A_30 : memref<1x40x256xi32, #tpu.memory_space<hbm>> -> memref<40x256xi32, #tpu.memory_space<hbm>>
      tpu.enqueue_dma source(%dma_start3A_31 : memref<40x256xi32, #tpu.memory_space<hbm>>) target(%dma_start3A_27 : memref<40x256xi32, #tpu.memory_space<vmem>>) target_semaphore(%run_scoped3A : memref<!tpu.dma_semaphore, #tpu.memory_space<semaphore_mem>>)
      %dma_wait3A = arith.constant 0 : i32
      %dma_wait3A_32 = arith.constant 0 : i32
      %dma_wait3A_33 = tpu.memref_slice %arg5[%dma_wait3A, %dma_wait3A_32] : memref<42x256xi32, #tpu.memory_space<vmem>> -> memref<40x256xi32, #tpu.memory_space<vmem>>
      %dma_wait3A_34 = arith.constant 0 : i32
      %dma_wait3A_35 = arith.constant 0 : i32
      %dma_wait3A_36 = tpu.memref_slice %arg3[%add3A, %dma_wait3A_34, %dma_wait3A_35] : memref<32x40x256xi32, #tpu.memory_space<hbm>> -> memref<1x40x256xi32, #tpu.memory_space<hbm>>
      %dma_wait3A_37 = tpu.memref_squeeze %dma_wait3A_36 : memref<1x40x256xi32, #tpu.memory_space<hbm>> -> memref<40x256xi32, #tpu.memory_space<hbm>>
      %dma_wait3A_38 = arith.constant 0 : i32
      %dma_wait3A_39 = arith.constant 0 : i32
      %dma_wait3A_40 = tpu.memref_slice %arg5[%dma_wait3A_38, %dma_wait3A_39] : memref<42x256xi32, #tpu.memory_space<vmem>> -> memref<40x256xi32, #tpu.memory_space<vmem>>
      %dma_wait3A_41 = arith.constant 0 : i32
      %dma_wait3A_42 = arith.constant 0 : i32
      %dma_wait3A_43 = tpu.memref_slice %arg3[%add3A, %dma_wait3A_41, %dma_wait3A_42] : memref<32x40x256xi32, #tpu.memory_space<hbm>> -> memref<1x40x256xi32, #tpu.memory_space<hbm>>
      %dma_wait3A_44 = tpu.memref_squeeze %dma_wait3A_43 : memref<1x40x256xi32, #tpu.memory_space<hbm>> -> memref<40x256xi32, #tpu.memory_space<hbm>>
      tpu.wait_dma2 semaphore(%run_scoped3A : memref<!tpu.dma_semaphore, #tpu.memory_space<semaphore_mem>>) src(%dma_wait3A_44 : memref<40x256xi32, #tpu.memory_space<hbm>>) dst(%dma_wait3A_40 : memref<40x256xi32, #tpu.memory_space<vmem>>)
      tpu.yield
    }) : () -> ()
    %scan3A_13 = arith.constant 0 : i32
    %scan3A_14 = arith.constant 40 : i32
    %scan3A_15 = arith.addi %scan3A_13, %scan3A_14 : i32
    %scan3A_16 = arith.constant 1 : i32
    scf.for %scan3A_19 = %scan3A_13 to %scan3A_15 step %scan3A_16  : i32 {
      %mul3A_20 = arith.constant 1 : i32
      %mul3A_21 = arith.muli %scan3A_19, %mul3A_20 : i32
      %add3A_22 = arith.constant 0 : i32
      %add3A_23 = arith.addi %add3A_22, %mul3A_21 : i32
      %get3A = arith.index_cast %add3A_23 : i32 to index
      %get3A_24 = arith.constant 0 : index
      %get3A_25 = tpu.vector_load %arg5[%get3A, %get3A_24] {strides = array<i32>} : memref<42x256xi32, #tpu.memory_space<vmem>>, vector<1x16xi32>,
      %get3A_26 = vector.shape_cast %get3A_25 : vector<1x16xi32> to vector<16xi32>
      %and3A = arith.constant 65535 : i32
      %and3A_27 = vector.broadcast %and3A : i32 to vector<16xi32>
      %and3A_28 = arith.andi %get3A_26, %and3A_27 : vector<16xi32>
      %swap3A = arith.constant 0 : index
      %swap3A_29 = tpu.vector_load %arg6[%swap3A] {strides = array<i32>} : memref<256xi32, #tpu.memory_space<vmem>>, vector<16xi32>,
      %swap3A_30 = vector.shape_cast %swap3A_29 : vector<16xi32> to vector<16xi32>
      %swap3A_31 = vector.shape_cast %and3A_28 : vector<16xi32> to vector<16xi32>
      tpu.vector_store %arg6[%swap3A], %swap3A_31 {strides = array<i32>} : memref<256xi32, #tpu.memory_space<vmem>>, vector<16xi32>,
      %shift_right_logical3A = arith.constant 16 : i32
      %shift_right_logical3A_32 = vector.broadcast %shift_right_logical3A : i32 to vector<16xi32>
      %shift_right_logical3A_33 = arith.shrui %get3A_26, %shift_right_logical3A_32 : vector<16xi32>
      %swap3A_34 = arith.constant 0 : index
      %swap3A_35 = tpu.vector_load %arg7[%swap3A_34] {strides = array<i32>} : memref<256xi32, #tpu.memory_space<vmem>>, vector<16xi32>,
      %swap3A_36 = vector.shape_cast %swap3A_35 : vector<16xi32> to vector<16xi32>
      %swap3A_37 = vector.shape_cast %shift_right_logical3A_33 : vector<16xi32> to vector<16xi32>
      tpu.vector_store %arg7[%swap3A_34], %swap3A_37 {strides = array<i32>} : memref<256xi32, #tpu.memory_space<vmem>>, vector<16xi32>,
      %get3A_38 = arith.index_cast %add3A_23 : i32 to index
      %get3A_39 = arith.constant 16 : index
      %get3A_40 = tpu.vector_load %arg5[%get3A_38, %get3A_39] {strides = array<i32>} : memref<42x256xi32, #tpu.memory_space<vmem>>, vector<1x16xi32>,
      %get3A_41 = vector.shape_cast %get3A_40 : vector<1x16xi32> to vector<16xi32>
      %and3A_42 = arith.constant 65535 : i32
      %and3A_43 = vector.broadcast %and3A_42 : i32 to vector<16xi32>
      %and3A_44 = arith.andi %get3A_41, %and3A_43 : vector<16xi32>
      %swap3A_45 = arith.constant 16 : index
      %swap3A_46 = tpu.vector_load %arg6[%swap3A_45] {strides = array<i32>} : memref<256xi32, #tpu.memory_space<vmem>>, vector<16xi32>,
      %swap3A_47 = vector.shape_cast %swap3A_46 : vector<16xi32> to vector<16xi32>
      %swap3A_48 = vector.shape_cast %and3A_44 : vector<16xi32> to vector<16xi32>
      tpu.vector_store %arg6[%swap3A_45], %swap3A_48 {strides = array<i32>} : memref<256xi32, #tpu.memory_space<vmem>>, vector<16xi32>,
      %shift_right_logical3A_49 = arith.constant 16 : i32
      %shift_right_logical3A_50 = vector.broadcast %shift_right_logical3A_49 : i32 to vector<16xi32>
      %shift_right_logical3A_51 = arith.shrui %get3A_41, %shift_right_logical3A_50 : vector<16xi32>
      %swap3A_52 = arith.constant 16 : index
      %swap3A_53 = tpu.vector_load %arg7[%swap3A_52] {strides = array<i32>} : memref<256xi32, #tpu.memory_space<vmem>>, vector<16xi32>,
      %swap3A_54 = vector.shape_cast %swap3A_53 : vector<16xi32> to vector<16xi32>
      %swap3A_55 = vector.shape_cast %shift_right_logical3A_51 : vector<16xi32> to vector<16xi32>
      tpu.vector_store %arg7[%swap3A_52], %swap3A_55 {strides = array<i32>} : memref<256xi32, #tpu.memory_space<vmem>>, vector<16xi32>,
      %get3A_56 = arith.index_cast %add3A_23 : i32 to index
      %get3A_57 = arith.constant 32 : index
      %get3A_58 = tpu.vector_load %arg5[%get3A_56, %get3A_57] {strides = array<i32>} : memref<42x256xi32, #tpu.memory_space<vmem>>, vector<1x16xi32>,
      %get3A_59 = vector.shape_cast %get3A_58 : vector<1x16xi32> to vector<16xi32>
      %and3A_60 = arith.constant 65535 : i32
      %and3A_61 = vector.broadcast %and3A_60 : i32 to vector<16xi32>
      %and3A_62 = arith.andi %get3A_59, %and3A_61 : vector<16xi32>
      %swap3A_63 = arith.constant 32 : index
      %swap3A_64 = tpu.vector_load %arg6[%swap3A_63] {strides = array<i32>} : memref<256xi32, #tpu.memory_space<vmem>>, vector<16xi32>,
      %swap3A_65 = vector.shape_cast %swap3A_64 : vector<16xi32> to vector<16xi32>
      %swap3A_66 = vector.shape_cast %and3A_62 : vector<16xi32> to vector<16xi32>
      tpu.vector_store %arg6[%swap3A_63], %swap3A_66 {strides = array<i32>} : memref<256xi32, #tpu.memory_space<vmem>>, vector<16xi32>,
      %shift_right_logical3A_67 = arith.constant 16 : i32
      %shift_right_logical3A_68 = vector.broadcast %shift_right_logical3A_67 : i32 to vector<16xi32>
      %shift_right_logical3A_69 = arith.shrui %get3A_59, %shift_right_logical3A_68 : vector<16xi32>
      %swap3A_70 = arith.constant 32 : index
      %swap3A_71 = tpu.vector_load %arg7[%swap3A_70] {strides = array<i32>} : memref<256xi32, #tpu.memory_space<vmem>>, vector<16xi32>,
      %swap3A_72 = vector.shape_cast %swap3A_71 : vector<16xi32> to vector<16xi32>
      %swap3A_73 = vector.shape_cast %shift_right_logical3A_69 : vector<16xi32> to vector<16xi32>
      tpu.vector_store %arg7[%swap3A_70], %swap3A_73 {strides = array<i32>} : memref<256xi32, #tpu.memory_space<vmem>>, vector<16xi32>,
      %get3A_74 = arith.index_cast %add3A_23 : i32 to index
      %get3A_75 = arith.constant 48 : index
      %get3A_76 = tpu.vector_load %arg5[%get3A_74, %get3A_75] {strides = array<i32>} : memref<42x256xi32, #tpu.memory_space<vmem>>, vector<1x16xi32>,
      %get3A_77 = vector.shape_cast %get3A_76 : vector<1x16xi32> to vector<16xi32>
      %and3A_78 = arith.constant 65535 : i32
      %and3A_79 = vector.broadcast %and3A_78 : i32 to vector<16xi32>
      %and3A_80 = arith.andi %get3A_77, %and3A_79 : vector<16xi32>
      %swap3A_81 = arith.constant 48 : index
      %swap3A_82 = tpu.vector_load %arg6[%swap3A_81] {strides = array<i32>} : memref<256xi32, #tpu.memory_space<vmem>>, vector<16xi32>,
      %swap3A_83 = vector.shape_cast %swap3A_82 : vector<16xi32> to vector<16xi32>
      %swap3A_84 = vector.shape_cast %and3A_80 : vector<16xi32> to vector<16xi32>
      tpu.vector_store %arg6[%swap3A_81], %swap3A_84 {strides = array<i32>} : memref<256xi32, #tpu.memory_space<vmem>>, vector<16xi32>,
      %shift_right_logical3A_85 = arith.constant 16 : i32
      %shift_right_logical3A_86 = vector.broadcast %shift_right_logical3A_85 : i32 to vector<16xi32>
      %shift_right_logical3A_87 = arith.shrui %get3A_77, %shift_right_logical3A_86 : vector<16xi32>
      %swap3A_88 = arith.constant 48 : index
      %swap3A_89 = tpu.vector_load %arg7[%swap3A_88] {strides = array<i32>} : memref<256xi32, #tpu.memory_space<vmem>>, vector<16xi32>,
      %swap3A_90 = vector.shape_cast %swap3A_89 : vector<16xi32> to vector<16xi32>
      %swap3A_91 = vector.shape_cast %shift_right_logical3A_87 : vector<16xi32> to vector<16xi32>
      tpu.vector_store %arg7[%swap3A_88], %swap3A_91 {strides = array<i32>} : memref<256xi32, #tpu.memory_space<vmem>>, vector<16xi32>,
      %get3A_92 = arith.index_cast %add3A_23 : i32 to index
      %get3A_93 = arith.constant 64 : index
      %get3A_94 = tpu.vector_load %arg5[%get3A_92, %get3A_93] {strides = array<i32>} : memref<42x256xi32, #tpu.memory_space<vmem>>, vector<1x16xi32>,
      %get3A_95 = vector.shape_cast %get3A_94 : vector<1x16xi32> to vector<16xi32>
      %and3A_96 = arith.constant 65535 : i32
      %and3A_97 = vector.broadcast %and3A_96 : i32 to vector<16xi32>
      %and3A_98 = arith.andi %get3A_95, %and3A_97 : vector<16xi32>
      %swap3A_99 = arith.constant 64 : index
      %swap3A_100 = tpu.vector_load %arg6[%swap3A_99] {strides = array<i32>} : memref<256xi32, #tpu.memory_space<vmem>>, vector<16xi32>,
      %swap3A_101 = vector.shape_cast %swap3A_100 : vector<16xi32> to vector<16xi32>
      %swap3A_102 = vector.shape_cast %and3A_98 : vector<16xi32> to vector<16xi32>
      tpu.vector_store %arg6[%swap3A_99], %swap3A_102 {strides = array<i32>} : memref<256xi32, #tpu.memory_space<vmem>>, vector<16xi32>,
      %shift_right_logical3A_103 = arith.constant 16 : i32
      %shift_right_logical3A_104 = vector.broadcast %shift_right_logical3A_103 : i32 to vector<16xi32>
      %shift_right_logical3A_105 = arith.shrui %get3A_95, %shift_right_logical3A_104 : vector<16xi32>
      %swap3A_106 = arith.constant 64 : index
      %swap3A_107 = tpu.vector_load %arg7[%swap3A_106] {strides = array<i32>} : memref<256xi32, #tpu.memory_space<vmem>>, vector<16xi32>,
      %swap3A_108 = vector.shape_cast %swap3A_107 : vector<16xi32> to vector<16xi32>
      %swap3A_109 = vector.shape_cast %shift_right_logical3A_105 : vector<16xi32> to vector<16xi32>
      tpu.vector_store %arg7[%swap3A_106], %swap3A_109 {strides = array<i32>} : memref<256xi32, #tpu.memory_space<vmem>>, vector<16xi32>,
      %get3A_110 = arith.index_cast %add3A_23 : i32 to index
      %get3A_111 = arith.constant 80 : index
      %get3A_112 = tpu.vector_load %arg5[%get3A_110, %get3A_111] {strides = array<i32>} : memref<42x256xi32, #tpu.memory_space<vmem>>, vector<1x16xi32>,
      %get3A_113 = vector.shape_cast %get3A_112 : vector<1x16xi32> to vector<16xi32>
      %and3A_114 = arith.constant 65535 : i32
      %and3A_115 = vector.broadcast %and3A_114 : i32 to vector<16xi32>
      %and3A_116 = arith.andi %get3A_113, %and3A_115 : vector<16xi32>
      %swap3A_117 = arith.constant 80 : index
      %swap3A_118 = tpu.vector_load %arg6[%swap3A_117] {strides = array<i32>} : memref<256xi32, #tpu.memory_space<vmem>>, vector<16xi32>,
      %swap3A_119 = vector.shape_cast %swap3A_118 : vector<16xi32> to vector<16xi32>
      %swap3A_120 = vector.shape_cast %and3A_116 : vector<16xi32> to vector<16xi32>
      tpu.vector_store %arg6[%swap3A_117], %swap3A_120 {strides = array<i32>} : memref<256xi32, #tpu.memory_space<vmem>>, vector<16xi32>,
      %shift_right_logical3A_121 = arith.constant 16 : i32
      %shift_right_logical3A_122 = vector.broadcast %shift_right_logical3A_121 : i32 to vector<16xi32>
      %shift_right_logical3A_123 = arith.shrui %get3A_113, %shift_right_logical3A_122 : vector<16xi32>
      %swap3A_124 = arith.constant 80 : index
      %swap3A_125 = tpu.vector_load %arg7[%swap3A_124] {strides = array<i32>} : memref<256xi32, #tpu.memory_space<vmem>>, vector<16xi32>,
      %swap3A_126 = vector.shape_cast %swap3A_125 : vector<16xi32> to vector<16xi32>
      %swap3A_127 = vector.shape_cast %shift_right_logical3A_123 : vector<16xi32> to vector<16xi32>
      tpu.vector_store %arg7[%swap3A_124], %swap3A_127 {strides = array<i32>} : memref<256xi32, #tpu.memory_space<vmem>>, vector<16xi32>,
      %get3A_128 = arith.index_cast %add3A_23 : i32 to index
      %get3A_129 = arith.constant 96 : index
      %get3A_130 = tpu.vector_load %arg5[%get3A_128, %get3A_129] {strides = array<i32>} : memref<42x256xi32, #tpu.memory_space<vmem>>, vector<1x16xi32>,
      %get3A_131 = vector.shape_cast %get3A_130 : vector<1x16xi32> to vector<16xi32>
      %and3A_132 = arith.constant 65535 : i32
      %and3A_133 = vector.broadcast %and3A_132 : i32 to vector<16xi32>
      %and3A_134 = arith.andi %get3A_131, %and3A_133 : vector<16xi32>
      %swap3A_135 = arith.constant 96 : index
      %swap3A_136 = tpu.vector_load %arg6[%swap3A_135] {strides = array<i32>} : memref<256xi32, #tpu.memory_space<vmem>>, vector<16xi32>,
      %swap3A_137 = vector.shape_cast %swap3A_136 : vector<16xi32> to vector<16xi32>
      %swap3A_138 = vector.shape_cast %and3A_134 : vector<16xi32> to vector<16xi32>
      tpu.vector_store %arg6[%swap3A_135], %swap3A_138 {strides = array<i32>} : memref<256xi32, #tpu.memory_space<vmem>>, vector<16xi32>,
      %shift_right_logical3A_139 = arith.constant 16 : i32
      %shift_right_logical3A_140 = vector.broadcast %shift_right_logical3A_139 : i32 to vector<16xi32>
      %shift_right_logical3A_141 = arith.shrui %get3A_131, %shift_right_logical3A_140 : vector<16xi32>
      %swap3A_142 = arith.constant 96 : index
      %swap3A_143 = tpu.vector_load %arg7[%swap3A_142] {strides = array<i32>} : memref<256xi32, #tpu.memory_space<vmem>>, vector<16xi32>,
      %swap3A_144 = vector.shape_cast %swap3A_143 : vector<16xi32> to vector<16xi32>
      %swap3A_145 = vector.shape_cast %shift_right_logical3A_141 : vector<16xi32> to vector<16xi32>
      tpu.vector_store %arg7[%swap3A_142], %swap3A_145 {strides = array<i32>} : memref<256xi32, #tpu.memory_space<vmem>>, vector<16xi32>,
      %get3A_146 = arith.index_cast %add3A_23 : i32 to index
      %get3A_147 = arith.constant 112 : index
      %get3A_148 = tpu.vector_load %arg5[%get3A_146, %get3A_147] {strides = array<i32>} : memref<42x256xi32, #tpu.memory_space<vmem>>, vector<1x16xi32>,
      %get3A_149 = vector.shape_cast %get3A_148 : vector<1x16xi32> to vector<16xi32>
      %and3A_150 = arith.constant 65535 : i32
      %and3A_151 = vector.broadcast %and3A_150 : i32 to vector<16xi32>
      %and3A_152 = arith.andi %get3A_149, %and3A_151 : vector<16xi32>
      %swap3A_153 = arith.constant 112 : index
      %swap3A_154 = tpu.vector_load %arg6[%swap3A_153] {strides = array<i32>} : memref<256xi32, #tpu.memory_space<vmem>>, vector<16xi32>,
      %swap3A_155 = vector.shape_cast %swap3A_154 : vector<16xi32> to vector<16xi32>
      %swap3A_156 = vector.shape_cast %and3A_152 : vector<16xi32> to vector<16xi32>
      tpu.vector_store %arg6[%swap3A_153], %swap3A_156 {strides = array<i32>} : memref<256xi32, #tpu.memory_space<vmem>>, vector<16xi32>,
      %shift_right_logical3A_157 = arith.constant 16 : i32
      %shift_right_logical3A_158 = vector.broadcast %shift_right_logical3A_157 : i32 to vector<16xi32>
      %shift_right_logical3A_159 = arith.shrui %get3A_149, %shift_right_logical3A_158 : vector<16xi32>
      %swap3A_160 = arith.constant 112 : index
      %swap3A_161 = tpu.vector_load %arg7[%swap3A_160] {strides = array<i32>} : memref<256xi32, #tpu.memory_space<vmem>>, vector<16xi32>,
      %swap3A_162 = vector.shape_cast %swap3A_161 : vector<16xi32> to vector<16xi32>
      %swap3A_163 = vector.shape_cast %shift_right_logical3A_159 : vector<16xi32> to vector<16xi32>
      tpu.vector_store %arg7[%swap3A_160], %swap3A_163 {strides = array<i32>} : memref<256xi32, #tpu.memory_space<vmem>>, vector<16xi32>,
      %get3A_164 = arith.index_cast %add3A_23 : i32 to index
      %get3A_165 = arith.constant 128 : index
      %get3A_166 = tpu.vector_load %arg5[%get3A_164, %get3A_165] {strides = array<i32>} : memref<42x256xi32, #tpu.memory_space<vmem>>, vector<1x16xi32>,
      %get3A_167 = vector.shape_cast %get3A_166 : vector<1x16xi32> to vector<16xi32>
      %and3A_168 = arith.constant 65535 : i32
      %and3A_169 = vector.broadcast %and3A_168 : i32 to vector<16xi32>
      %and3A_170 = arith.andi %get3A_167, %and3A_169 : vector<16xi32>
      %swap3A_171 = arith.constant 128 : index
      %swap3A_172 = tpu.vector_load %arg6[%swap3A_171] {strides = array<i32>} : memref<256xi32, #tpu.memory_space<vmem>>, vector<16xi32>,
      %swap3A_173 = vector.shape_cast %swap3A_172 : vector<16xi32> to vector<16xi32>
      %swap3A_174 = vector.shape_cast %and3A_170 : vector<16xi32> to vector<16xi32>
      tpu.vector_store %arg6[%swap3A_171], %swap3A_174 {strides = array<i32>} : memref<256xi32, #tpu.memory_space<vmem>>, vector<16xi32>,
      %shift_right_logical3A_175 = arith.constant 16 : i32
      %shift_right_logical3A_176 = vector.broadcast %shift_right_logical3A_175 : i32 to vector<16xi32>
      %shift_right_logical3A_177 = arith.shrui %get3A_167, %shift_right_logical3A_176 : vector<16xi32>
      %swap3A_178 = arith.constant 128 : index
      %swap3A_179 = tpu.vector_load %arg7[%swap3A_178] {strides = array<i32>} : memref<256xi32, #tpu.memory_space<vmem>>, vector<16xi32>,
      %swap3A_180 = vector.shape_cast %swap3A_179 : vector<16xi32> to vector<16xi32>
      %swap3A_181 = vector.shape_cast %shift_right_logical3A_177 : vector<16xi32> to vector<16xi32>
      tpu.vector_store %arg7[%swap3A_178], %swap3A_181 {strides = array<i32>} : memref<256xi32, #tpu.memory_space<vmem>>, vector<16xi32>,
      %get3A_182 = arith.index_cast %add3A_23 : i32 to index
      %get3A_183 = arith.constant 144 : index
      %get3A_184 = tpu.vector_load %arg5[%get3A_182, %get3A_183] {strides = array<i32>} : memref<42x256xi32, #tpu.memory_space<vmem>>, vector<1x16xi32>,
      %get3A_185 = vector.shape_cast %get3A_184 : vector<1x16xi32> to vector<16xi32>
      %and3A_186 = arith.constant 65535 : i32
      %and3A_187 = vector.broadcast %and3A_186 : i32 to vector<16xi32>
      %and3A_188 = arith.andi %get3A_185, %and3A_187 : vector<16xi32>
      %swap3A_189 = arith.constant 144 : index
      %swap3A_190 = tpu.vector_load %arg6[%swap3A_189] {strides = array<i32>} : memref<256xi32, #tpu.memory_space<vmem>>, vector<16xi32>,
      %swap3A_191 = vector.shape_cast %swap3A_190 : vector<16xi32> to vector<16xi32>
      %swap3A_192 = vector.shape_cast %and3A_188 : vector<16xi32> to vector<16xi32>
      tpu.vector_store %arg6[%swap3A_189], %swap3A_192 {strides = array<i32>} : memref<256xi32, #tpu.memory_space<vmem>>, vector<16xi32>,
      %shift_right_logical3A_193 = arith.constant 16 : i32
      %shift_right_logical3A_194 = vector.broadcast %shift_right_logical3A_193 : i32 to vector<16xi32>
      %shift_right_logical3A_195 = arith.shrui %get3A_185, %shift_right_logical3A_194 : vector<16xi32>
      %swap3A_196 = arith.constant 144 : index
      %swap3A_197 = tpu.vector_load %arg7[%swap3A_196] {strides = array<i32>} : memref<256xi32, #tpu.memory_space<vmem>>, vector<16xi32>,
      %swap3A_198 = vector.shape_cast %swap3A_197 : vector<16xi32> to vector<16xi32>
      %swap3A_199 = vector.shape_cast %shift_right_logical3A_195 : vector<16xi32> to vector<16xi32>
      tpu.vector_store %arg7[%swap3A_196], %swap3A_199 {strides = array<i32>} : memref<256xi32, #tpu.memory_space<vmem>>, vector<16xi32>,
      %get3A_200 = arith.index_cast %add3A_23 : i32 to index
      %get3A_201 = arith.constant 160 : index
      %get3A_202 = tpu.vector_load %arg5[%get3A_200, %get3A_201] {strides = array<i32>} : memref<42x256xi32, #tpu.memory_space<vmem>>, vector<1x16xi32>,
      %get3A_203 = vector.shape_cast %get3A_202 : vector<1x16xi32> to vector<16xi32>
      %and3A_204 = arith.constant 65535 : i32
      %and3A_205 = vector.broadcast %and3A_204 : i32 to vector<16xi32>
      %and3A_206 = arith.andi %get3A_203, %and3A_205 : vector<16xi32>
      %swap3A_207 = arith.constant 160 : index
      %swap3A_208 = tpu.vector_load %arg6[%swap3A_207] {strides = array<i32>} : memref<256xi32, #tpu.memory_space<vmem>>, vector<16xi32>,
      %swap3A_209 = vector.shape_cast %swap3A_208 : vector<16xi32> to vector<16xi32>
      %swap3A_210 = vector.shape_cast %and3A_206 : vector<16xi32> to vector<16xi32>
      tpu.vector_store %arg6[%swap3A_207], %swap3A_210 {strides = array<i32>} : memref<256xi32, #tpu.memory_space<vmem>>, vector<16xi32>,
      %shift_right_logical3A_211 = arith.constant 16 : i32
      %shift_right_logical3A_212 = vector.broadcast %shift_right_logical3A_211 : i32 to vector<16xi32>
      %shift_right_logical3A_213 = arith.shrui %get3A_203, %shift_right_logical3A_212 : vector<16xi32>
      %swap3A_214 = arith.constant 160 : index
      %swap3A_215 = tpu.vector_load %arg7[%swap3A_214] {strides = array<i32>} : memref<256xi32, #tpu.memory_space<vmem>>, vector<16xi32>,
      %swap3A_216 = vector.shape_cast %swap3A_215 : vector<16xi32> to vector<16xi32>
      %swap3A_217 = vector.shape_cast %shift_right_logical3A_213 : vector<16xi32> to vector<16xi32>
      tpu.vector_store %arg7[%swap3A_214], %swap3A_217 {strides = array<i32>} : memref<256xi32, #tpu.memory_space<vmem>>, vector<16xi32>,
      %get3A_218 = arith.index_cast %add3A_23 : i32 to index
      %get3A_219 = arith.constant 176 : index
      %get3A_220 = tpu.vector_load %arg5[%get3A_218, %get3A_219] {strides = array<i32>} : memref<42x256xi32, #tpu.memory_space<vmem>>, vector<1x16xi32>,
      %get3A_221 = vector.shape_cast %get3A_220 : vector<1x16xi32> to vector<16xi32>
      %and3A_222 = arith.constant 65535 : i32
      %and3A_223 = vector.broadcast %and3A_222 : i32 to vector<16xi32>
      %and3A_224 = arith.andi %get3A_221, %and3A_223 : vector<16xi32>
      %swap3A_225 = arith.constant 176 : index
      %swap3A_226 = tpu.vector_load %arg6[%swap3A_225] {strides = array<i32>} : memref<256xi32, #tpu.memory_space<vmem>>, vector<16xi32>,
      %swap3A_227 = vector.shape_cast %swap3A_226 : vector<16xi32> to vector<16xi32>
      %swap3A_228 = vector.shape_cast %and3A_224 : vector<16xi32> to vector<16xi32>
      tpu.vector_store %arg6[%swap3A_225], %swap3A_228 {strides = array<i32>} : memref<256xi32, #tpu.memory_space<vmem>>, vector<16xi32>,
      %shift_right_logical3A_229 = arith.constant 16 : i32
      %shift_right_logical3A_230 = vector.broadcast %shift_right_logical3A_229 : i32 to vector<16xi32>
      %shift_right_logical3A_231 = arith.shrui %get3A_221, %shift_right_logical3A_230 : vector<16xi32>
      %swap3A_232 = arith.constant 176 : index
      %swap3A_233 = tpu.vector_load %arg7[%swap3A_232] {strides = array<i32>} : memref<256xi32, #tpu.memory_space<vmem>>, vector<16xi32>,
      %swap3A_234 = vector.shape_cast %swap3A_233 : vector<16xi32> to vector<16xi32>
      %swap3A_235 = vector.shape_cast %shift_right_logical3A_231 : vector<16xi32> to vector<16xi32>
      tpu.vector_store %arg7[%swap3A_232], %swap3A_235 {strides = array<i32>} : memref<256xi32, #tpu.memory_space<vmem>>, vector<16xi32>,
      %get3A_236 = arith.index_cast %add3A_23 : i32 to index
      %get3A_237 = arith.constant 192 : index
      %get3A_238 = tpu.vector_load %arg5[%get3A_236, %get3A_237] {strides = array<i32>} : memref<42x256xi32, #tpu.memory_space<vmem>>, vector<1x16xi32>,
      %get3A_239 = vector.shape_cast %get3A_238 : vector<1x16xi32> to vector<16xi32>
      %and3A_240 = arith.constant 65535 : i32
      %and3A_241 = vector.broadcast %and3A_240 : i32 to vector<16xi32>
      %and3A_242 = arith.andi %get3A_239, %and3A_241 : vector<16xi32>
      %swap3A_243 = arith.constant 192 : index
      %swap3A_244 = tpu.vector_load %arg6[%swap3A_243] {strides = array<i32>} : memref<256xi32, #tpu.memory_space<vmem>>, vector<16xi32>,
      %swap3A_245 = vector.shape_cast %swap3A_244 : vector<16xi32> to vector<16xi32>
      %swap3A_246 = vector.shape_cast %and3A_242 : vector<16xi32> to vector<16xi32>
      tpu.vector_store %arg6[%swap3A_243], %swap3A_246 {strides = array<i32>} : memref<256xi32, #tpu.memory_space<vmem>>, vector<16xi32>,
      %shift_right_logical3A_247 = arith.constant 16 : i32
      %shift_right_logical3A_248 = vector.broadcast %shift_right_logical3A_247 : i32 to vector<16xi32>
      %shift_right_logical3A_249 = arith.shrui %get3A_239, %shift_right_logical3A_248 : vector<16xi32>
      %swap3A_250 = arith.constant 192 : index
      %swap3A_251 = tpu.vector_load %arg7[%swap3A_250] {strides = array<i32>} : memref<256xi32, #tpu.memory_space<vmem>>, vector<16xi32>,
      %swap3A_252 = vector.shape_cast %swap3A_251 : vector<16xi32> to vector<16xi32>
      %swap3A_253 = vector.shape_cast %shift_right_logical3A_249 : vector<16xi32> to vector<16xi32>
      tpu.vector_store %arg7[%swap3A_250], %swap3A_253 {strides = array<i32>} : memref<256xi32, #tpu.memory_space<vmem>>, vector<16xi32>,
      %get3A_254 = arith.index_cast %add3A_23 : i32 to index
      %get3A_255 = arith.constant 208 : index
      %get3A_256 = tpu.vector_load %arg5[%get3A_254, %get3A_255] {strides = array<i32>} : memref<42x256xi32, #tpu.memory_space<vmem>>, vector<1x16xi32>,
      %get3A_257 = vector.shape_cast %get3A_256 : vector<1x16xi32> to vector<16xi32>
      %and3A_258 = arith.constant 65535 : i32
      %and3A_259 = vector.broadcast %and3A_258 : i32 to vector<16xi32>
      %and3A_260 = arith.andi %get3A_257, %and3A_259 : vector<16xi32>
      %swap3A_261 = arith.constant 208 : index
      %swap3A_262 = tpu.vector_load %arg6[%swap3A_261] {strides = array<i32>} : memref<256xi32, #tpu.memory_space<vmem>>, vector<16xi32>,
      %swap3A_263 = vector.shape_cast %swap3A_262 : vector<16xi32> to vector<16xi32>
      %swap3A_264 = vector.shape_cast %and3A_260 : vector<16xi32> to vector<16xi32>
      tpu.vector_store %arg6[%swap3A_261], %swap3A_264 {strides = array<i32>} : memref<256xi32, #tpu.memory_space<vmem>>, vector<16xi32>,
      %shift_right_logical3A_265 = arith.constant 16 : i32
      %shift_right_logical3A_266 = vector.broadcast %shift_right_logical3A_265 : i32 to vector<16xi32>
      %shift_right_logical3A_267 = arith.shrui %get3A_257, %shift_right_logical3A_266 : vector<16xi32>
      %swap3A_268 = arith.constant 208 : index
      %swap3A_269 = tpu.vector_load %arg7[%swap3A_268] {strides = array<i32>} : memref<256xi32, #tpu.memory_space<vmem>>, vector<16xi32>,
      %swap3A_270 = vector.shape_cast %swap3A_269 : vector<16xi32> to vector<16xi32>
      %swap3A_271 = vector.shape_cast %shift_right_logical3A_267 : vector<16xi32> to vector<16xi32>
      tpu.vector_store %arg7[%swap3A_268], %swap3A_271 {strides = array<i32>} : memref<256xi32, #tpu.memory_space<vmem>>, vector<16xi32>,
      %get3A_272 = arith.index_cast %add3A_23 : i32 to index
      %get3A_273 = arith.constant 224 : index
      %get3A_274 = tpu.vector_load %arg5[%get3A_272, %get3A_273] {strides = array<i32>} : memref<42x256xi32, #tpu.memory_space<vmem>>, vector<1x16xi32>,
      %get3A_275 = vector.shape_cast %get3A_274 : vector<1x16xi32> to vector<16xi32>
      %and3A_276 = arith.constant 65535 : i32
      %and3A_277 = vector.broadcast %and3A_276 : i32 to vector<16xi32>
      %and3A_278 = arith.andi %get3A_275, %and3A_277 : vector<16xi32>
      %swap3A_279 = arith.constant 224 : index
      %swap3A_280 = tpu.vector_load %arg6[%swap3A_279] {strides = array<i32>} : memref<256xi32, #tpu.memory_space<vmem>>, vector<16xi32>,
      %swap3A_281 = vector.shape_cast %swap3A_280 : vector<16xi32> to vector<16xi32>
      %swap3A_282 = vector.shape_cast %and3A_278 : vector<16xi32> to vector<16xi32>
      tpu.vector_store %arg6[%swap3A_279], %swap3A_282 {strides = array<i32>} : memref<256xi32, #tpu.memory_space<vmem>>, vector<16xi32>,
      %shift_right_logical3A_283 = arith.constant 16 : i32
      %shift_right_logical3A_284 = vector.broadcast %shift_right_logical3A_283 : i32 to vector<16xi32>
      %shift_right_logical3A_285 = arith.shrui %get3A_275, %shift_right_logical3A_284 : vector<16xi32>
      %swap3A_286 = arith.constant 224 : index
      %swap3A_287 = tpu.vector_load %arg7[%swap3A_286] {strides = array<i32>} : memref<256xi32, #tpu.memory_space<vmem>>, vector<16xi32>,
      %swap3A_288 = vector.shape_cast %swap3A_287 : vector<16xi32> to vector<16xi32>
      %swap3A_289 = vector.shape_cast %shift_right_logical3A_285 : vector<16xi32> to vector<16xi32>
      tpu.vector_store %arg7[%swap3A_286], %swap3A_289 {strides = array<i32>} : memref<256xi32, #tpu.memory_space<vmem>>, vector<16xi32>,
      %get3A_290 = arith.index_cast %add3A_23 : i32 to index
      %get3A_291 = arith.constant 240 : index
      %get3A_292 = tpu.vector_load %arg5[%get3A_290, %get3A_291] {strides = array<i32>} : memref<42x256xi32, #tpu.memory_space<vmem>>, vector<1x16xi32>,
      %get3A_293 = vector.shape_cast %get3A_292 : vector<1x16xi32> to vector<16xi32>
      %and3A_294 = arith.constant 65535 : i32
      %and3A_295 = vector.broadcast %and3A_294 : i32 to vector<16xi32>
      %and3A_296 = arith.andi %get3A_293, %and3A_295 : vector<16xi32>
      %swap3A_297 = arith.constant 240 : index
      %swap3A_298 = tpu.vector_load %arg6[%swap3A_297] {strides = array<i32>} : memref<256xi32, #tpu.memory_space<vmem>>, vector<16xi32>,
      %swap3A_299 = vector.shape_cast %swap3A_298 : vector<16xi32> to vector<16xi32>
      %swap3A_300 = vector.shape_cast %and3A_296 : vector<16xi32> to vector<16xi32>
      tpu.vector_store %arg6[%swap3A_297], %swap3A_300 {strides = array<i32>} : memref<256xi32, #tpu.memory_space<vmem>>, vector<16xi32>,
      %shift_right_logical3A_301 = arith.constant 16 : i32
      %shift_right_logical3A_302 = vector.broadcast %shift_right_logical3A_301 : i32 to vector<16xi32>
      %shift_right_logical3A_303 = arith.shrui %get3A_293, %shift_right_logical3A_302 : vector<16xi32>
      %swap3A_304 = arith.constant 240 : index
      %swap3A_305 = tpu.vector_load %arg7[%swap3A_304] {strides = array<i32>} : memref<256xi32, #tpu.memory_space<vmem>>, vector<16xi32>,
      %swap3A_306 = vector.shape_cast %swap3A_305 : vector<16xi32> to vector<16xi32>
      %swap3A_307 = vector.shape_cast %shift_right_logical3A_303 : vector<16xi32> to vector<16xi32>
      tpu.vector_store %arg7[%swap3A_304], %swap3A_307 {strides = array<i32>} : memref<256xi32, #tpu.memory_space<vmem>>, vector<16xi32>,
      %dma_start3A = arith.constant 0 : i32
      %dma_start3A_308 = arith.constant 0 : i32
      %dma_start3A_309 = tpu.memref_slice %arg2[%dma_start3A, %dma_start3A_308] : memref<10000x128xf32, #tpu.memory_space<hbm>> -> memref<10000x128xf32, #tpu.memory_space<hbm>>
      tpu.enqueue_indirect_dma source(%dma_start3A_309 : memref<10000x128xf32, #tpu.memory_space<hbm>>) target(%arg8 : memref<256x128xf32, #tpu.memory_space<vmem>>) offsets(%arg6 : memref<256xi32, #tpu.memory_space<vmem>>) semaphore(%arg10 : memref<!tpu.dma_semaphore, #tpu.memory_space<semaphore_mem>>)
      %dma_wait3A = arith.constant 0 : i32
      %dma_wait3A_310 = arith.constant 0 : i32
      %dma_wait3A_311 = tpu.memref_slice %arg2[%dma_wait3A, %dma_wait3A_310] : memref<10000x128xf32, #tpu.memory_space<hbm>> -> memref<10000x128xf32, #tpu.memory_space<hbm>>
      tpu.wait_indirect_dma semaphore(%arg10 : memref<!tpu.dma_semaphore, #tpu.memory_space<semaphore_mem>>) src(%dma_wait3A_311 : memref<10000x128xf32, #tpu.memory_space<hbm>>) dst(%arg8 : memref<256x128xf32, #tpu.memory_space<vmem>>)
      "tpu.region"() ({
        %run_scoped3A = tpu.sem_alloc : memref<!tpu.dma_semaphore, #tpu.memory_space<semaphore_mem>>
        %dma_start3A_312 = arith.constant 0 : i32
        %dma_start3A_313 = arith.constant 0 : i32
        %dma_start3A_314 = tpu.memref_slice %arg9[%dma_start3A_312, %dma_start3A_313] : memref<10112x128xf32, #tpu.memory_space<vmem_shared>> -> memref<10112x128xf32, #tpu.memory_space<vmem_shared>>
        tpu.enqueue_indirect_dma source(%arg8 : memref<256x128xf32, #tpu.memory_space<vmem>>) target(%dma_start3A_314 : memref<10112x128xf32, #tpu.memory_space<vmem_shared>>) offsets(%arg7 : memref<256xi32, #tpu.memory_space<vmem>>) semaphore(%run_scoped3A : memref<!tpu.dma_semaphore, #tpu.memory_space<semaphore_mem>>) {add = true}
        %dma_wait3A_315 = arith.constant 0 : i32
        %dma_wait3A_316 = arith.constant 0 : i32
        %dma_wait3A_317 = tpu.memref_slice %arg9[%dma_wait3A_315, %dma_wait3A_316] : memref<10112x128xf32, #tpu.memory_space<vmem_shared>> -> memref<10112x128xf32, #tpu.memory_space<vmem_shared>>
        tpu.wait_indirect_dma semaphore(%run_scoped3A : memref<!tpu.dma_semaphore, #tpu.memory_space<semaphore_mem>>) src(%arg8 : memref<256x128xf32, #tpu.memory_space<vmem>>) dst(%dma_wait3A_317 : memref<10112x128xf32, #tpu.memory_space<vmem_shared>>)
        tpu.yield
      }) : () -> ()
    }
    %scan3A_17 = arith.constant 40 : i32
    %barrier3A_18 = arith.constant 0 : index
    tpu.barrier barrier_id(%barrier3A_18)
    "tpu.region"() ({
      %run_scoped3A = tpu.sem_alloc : memref<!tpu.dma_semaphore, #tpu.memory_space<semaphore_mem>>
      %dma_start3A = arith.constant 0 : i32
      %dma_start3A_19 = tpu.memref_slice %arg4[%arg0, %mul3A_6, %dma_start3A] : memref<2x10112x128xf32, #tpu.memory_space<hbm>> -> memref<1x632x128xf32, #tpu.memory_space<hbm>>
      %dma_start3A_20 = tpu.memref_squeeze %dma_start3A_19 : memref<1x632x128xf32, #tpu.memory_space<hbm>> -> memref<632x128xf32, #tpu.memory_space<hbm>>
      %dma_start3A_21 = arith.constant 0 : i32
      %dma_start3A_22 = tpu.memref_slice %arg9[%mul3A_6, %dma_start3A_21] : memref<10112x128xf32, #tpu.memory_space<vmem_shared>> -> memref<632x128xf32, #tpu.memory_space<vmem_shared>>
      tpu.enqueue_dma source(%dma_start3A_22 : memref<632x128xf32, #tpu.memory_space<vmem_shared>>) target(%dma_start3A_20 : memref<632x128xf32, #tpu.memory_space<hbm>>) target_semaphore(%run_scoped3A : memref<!tpu.dma_semaphore, #tpu.memory_space<semaphore_mem>>)
      %dma_wait3A = arith.constant 0 : i32
      %dma_wait3A_23 = tpu.memref_slice %arg4[%arg0, %mul3A_6, %dma_wait3A] : memref<2x10112x128xf32, #tpu.memory_space<hbm>> -> memref<1x632x128xf32, #tpu.memory_space<hbm>>
      %dma_wait3A_24 = tpu.memref_squeeze %dma_wait3A_23 : memref<1x632x128xf32, #tpu.memory_space<hbm>> -> memref<632x128xf32, #tpu.memory_space<hbm>>
      %dma_wait3A_25 = arith.constant 0 : i32
      %dma_wait3A_26 = tpu.memref_slice %arg9[%mul3A_6, %dma_wait3A_25] : memref<10112x128xf32, #tpu.memory_space<vmem_shared>> -> memref<632x128xf32, #tpu.memory_space<vmem_shared>>
      tpu.wait_dma2 semaphore(%run_scoped3A : memref<!tpu.dma_semaphore, #tpu.memory_space<semaphore_mem>>) src(%dma_wait3A_26 : memref<632x128xf32, #tpu.memory_space<vmem_shared>>) dst(%dma_wait3A_24 : memref<632x128xf32, #tpu.memory_space<hbm>>)
      tpu.yield
    }) : () -> ()
    return
  }
}

module attributes {stable_mosaic.version = 14 : i64} {
  func.func @_prep_body(%arg0: memref<10000x128xf32, #tpu.memory_space<vmem>>, %arg1: memref<2x10112x128xf32, #tpu.memory_space<vmem>>, %arg2: memref<2x10112x128xf32, #tpu.memory_space<vmem>>, %arg3: memref<10000x128xf32, #tpu.memory_space<vmem>>, %arg4: memref<10000x1xf32, #tpu.memory_space<vmem>>, %arg5: memref<10000x1xf32, #tpu.memory_space<vmem>>) attributes {dimension_semantics = [], scalar_prefetch = 0 : i64, scratch_operands = 0 : i64, tpu.core_type = #tpu.core_type<tc>} {
    %get3A = arith.constant 0 : index
    %get3A_0 = arith.constant 0 : index
    %get3A_1 = arith.constant 0 : index
    %get3A_2 = vector.load %arg1[%get3A, %get3A_0, %get3A_1] : memref<2x10112x128xf32, #tpu.memory_space<vmem>>, vector<1x10000x1xf32>
    %get3A_3 = vector.shape_cast %get3A_2 : vector<1x10000x1xf32> to vector<10000x1xf32>
    %get3A_4 = arith.constant 1 : index
    %get3A_5 = arith.constant 0 : index
    %get3A_6 = arith.constant 0 : index
    %get3A_7 = vector.load %arg1[%get3A_4, %get3A_5, %get3A_6] : memref<2x10112x128xf32, #tpu.memory_space<vmem>>, vector<1x10000x1xf32>
    %get3A_8 = vector.shape_cast %get3A_7 : vector<1x10000x1xf32> to vector<10000x1xf32>
    %add3A = arith.addf %get3A_3, %get3A_8 : vector<10000x1xf32>
    %get3A_9 = arith.constant 0 : index
    %get3A_10 = arith.constant 0 : index
    %get3A_11 = arith.constant 0 : index
    %get3A_12 = vector.load %arg2[%get3A_9, %get3A_10, %get3A_11] : memref<2x10112x128xf32, #tpu.memory_space<vmem>>, vector<1x10000x1xf32>
    %get3A_13 = vector.shape_cast %get3A_12 : vector<1x10000x1xf32> to vector<10000x1xf32>
    %get3A_14 = arith.constant 1 : index
    %get3A_15 = arith.constant 0 : index
    %get3A_16 = arith.constant 0 : index
    %get3A_17 = vector.load %arg2[%get3A_14, %get3A_15, %get3A_16] : memref<2x10112x128xf32, #tpu.memory_space<vmem>>, vector<1x10000x1xf32>
    %get3A_18 = vector.shape_cast %get3A_17 : vector<1x10000x1xf32> to vector<10000x1xf32>
    %add3A_19 = arith.addf %get3A_13, %get3A_18 : vector<10000x1xf32>
    %max3A = arith.constant 1.000000e+00 : f32
    %max3A_20 = vector.broadcast %max3A : f32 to vector<10000x1xf32>
    %max3A_21 = arith.maximumf %add3A, %max3A_20 : vector<10000x1xf32>
    %rsqrt3A = math.rsqrt %max3A_21 : vector<10000x1xf32>
    %max3A_22 = arith.constant 1.000000e+00 : f32
    %max3A_23 = vector.broadcast %max3A_22 : f32 to vector<10000x1xf32>
    %max3A_24 = arith.maximumf %add3A_19, %max3A_23 : vector<10000x1xf32>
    %rsqrt3A_25 = math.rsqrt %max3A_24 : vector<10000x1xf32>
    %swap3A = arith.constant 0 : index
    %swap3A_26 = arith.constant 0 : index
    %swap3A_27 = vector.load %arg5[%swap3A, %swap3A_26] : memref<10000x1xf32, #tpu.memory_space<vmem>>, vector<10000x1xf32>
    tpu.vector_store %arg5[%swap3A, %swap3A_26], %rsqrt3A {strides = array<i32>} : memref<10000x1xf32, #tpu.memory_space<vmem>>, vector<10000x1xf32>,
    %swap3A_28 = arith.constant 0 : index
    %swap3A_29 = arith.constant 0 : index
    %swap3A_30 = vector.load %arg4[%swap3A_28, %swap3A_29] : memref<10000x1xf32, #tpu.memory_space<vmem>>, vector<10000x1xf32>
    tpu.vector_store %arg4[%swap3A_28, %swap3A_29], %rsqrt3A_25 {strides = array<i32>} : memref<10000x1xf32, #tpu.memory_space<vmem>>, vector<10000x1xf32>,
    %get3A_31 = arith.constant 0 : index
    %get3A_32 = arith.constant 0 : index
    %get3A_33 = vector.load %arg0[%get3A_31, %get3A_32] : memref<10000x128xf32, #tpu.memory_space<vmem>>, vector<10000x128xf32>
    %mul3A = vector.broadcast %rsqrt3A : vector<10000x1xf32> to vector<10000x128xf32>
    %mul3A_34 = arith.mulf %get3A_33, %mul3A : vector<10000x128xf32>
    %swap3A_35 = arith.constant 0 : index
    %swap3A_36 = arith.constant 0 : index
    %swap3A_37 = vector.load %arg3[%swap3A_35, %swap3A_36] : memref<10000x128xf32, #tpu.memory_space<vmem>>, vector<10000x128xf32>
    tpu.vector_store %arg3[%swap3A_35, %swap3A_36], %mul3A_34 {strides = array<i32>} : memref<10000x128xf32, #tpu.memory_space<vmem>>, vector<10000x128xf32>,
    return
  }
}

module attributes {stable_mosaic.version = 14 : i64} {
  func.func @_layer0_body(%arg0: memref<2x10112x128xf32, #tpu.memory_space<vmem>>, %arg1: memref<10000x1xf32, #tpu.memory_space<vmem>>, %arg2: memref<10000x1xf32, #tpu.memory_space<vmem>>, %arg3: memref<128x128xf32, #tpu.memory_space<vmem>>, %arg4: memref<1x128xf32, #tpu.memory_space<vmem>>, %arg5: memref<1x128xf32, #tpu.memory_space<vmem>>, %arg6: memref<1x128xf32, #tpu.memory_space<vmem>>, %arg7: memref<10000x128xf32, #tpu.memory_space<vmem>>, %arg8: memref<10000x128xf32, #tpu.memory_space<vmem>>) attributes {dimension_semantics = [], scalar_prefetch = 0 : i64, scratch_operands = 0 : i64, tpu.core_type = #tpu.core_type<tc>} {
    %get3A = arith.constant 0 : index
    %get3A_0 = arith.constant 0 : index
    %get3A_1 = arith.constant 0 : index
    %get3A_2 = vector.load %arg0[%get3A, %get3A_0, %get3A_1] : memref<2x10112x128xf32, #tpu.memory_space<vmem>>, vector<1x10000x128xf32>
    %get3A_3 = vector.shape_cast %get3A_2 : vector<1x10000x128xf32> to vector<10000x128xf32>
    %get3A_4 = arith.constant 1 : index
    %get3A_5 = arith.constant 0 : index
    %get3A_6 = arith.constant 0 : index
    %get3A_7 = vector.load %arg0[%get3A_4, %get3A_5, %get3A_6] : memref<2x10112x128xf32, #tpu.memory_space<vmem>>, vector<1x10000x128xf32>
    %get3A_8 = vector.shape_cast %get3A_7 : vector<1x10000x128xf32> to vector<10000x128xf32>
    %add3A = arith.addf %get3A_3, %get3A_8 : vector<10000x128xf32>
    %get3A_9 = arith.constant 0 : index
    %get3A_10 = arith.constant 0 : index
    %get3A_11 = vector.load %arg1[%get3A_9, %get3A_10] : memref<10000x1xf32, #tpu.memory_space<vmem>>, vector<10000x1xf32>
    %mul3A = vector.broadcast %get3A_11 : vector<10000x1xf32> to vector<10000x128xf32>
    %mul3A_12 = arith.mulf %add3A, %mul3A : vector<10000x128xf32>
    %get3A_13 = arith.constant 0 : index
    %get3A_14 = arith.constant 0 : index
    %get3A_15 = vector.load %arg3[%get3A_13, %get3A_14] : memref<128x128xf32, #tpu.memory_space<vmem>>, vector<128x128xf32>
    %dot_general3A = arith.constant dense<0.000000e+00> : vector<10000x128xf32>
    %dot_general3A_16 = tpu.matmul %mul3A_12, %get3A_15, %dot_general3A {dimension_numbers = #tpu.dot_dimension_numbers<[1], [0], [0], [1], [0, 0, 1, 1], [], []>, transpose_lhs_hint = false} : vector<10000x128xf32>, vector<128x128xf32>, vector<10000x128xf32> -> vector<10000x128xf32>
    %get3A_17 = arith.constant 0 : index
    %get3A_18 = arith.constant 0 : index
    %get3A_19 = vector.load %arg4[%get3A_17, %get3A_18] : memref<1x128xf32, #tpu.memory_space<vmem>>, vector<1x128xf32>
    %add3A_20 = vector.broadcast %get3A_19 : vector<1x128xf32> to vector<10000x128xf32>
    %add3A_21 = arith.addf %dot_general3A_16, %add3A_20 : vector<10000x128xf32>
    %reduce_sum3A = arith.constant dense<0.000000e+00> : vector<128xf32>
    %reduce_sum3A_22 = vector.multi_reduction <add>, %add3A_21, %reduce_sum3A [0] : vector<10000x128xf32> to vector<128xf32>
    %broadcast_in_dim3A = vector.shape_cast %reduce_sum3A_22 : vector<128xf32> to vector<1x128xf32>
    %div3A = arith.constant 1.000000e+04 : f32
    %div3A_23 = vector.broadcast %div3A : f32 to vector<1x128xf32>
    %div3A_24 = arith.divf %broadcast_in_dim3A, %div3A_23 : vector<1x128xf32>
    %sub3A = vector.broadcast %div3A_24 : vector<1x128xf32> to vector<10000x128xf32>
    %sub3A_25 = arith.subf %add3A_21, %sub3A : vector<10000x128xf32>
    %mul3A_26 = arith.mulf %sub3A_25, %sub3A_25 : vector<10000x128xf32>
    %reduce_sum3A_27 = arith.constant dense<0.000000e+00> : vector<128xf32>
    %reduce_sum3A_28 = vector.multi_reduction <add>, %mul3A_26, %reduce_sum3A_27 [0] : vector<10000x128xf32> to vector<128xf32>
    %broadcast_in_dim3A_29 = vector.shape_cast %reduce_sum3A_28 : vector<128xf32> to vector<1x128xf32>
    %div3A_30 = arith.constant 1.000000e+04 : f32
    %div3A_31 = vector.broadcast %div3A_30 : f32 to vector<1x128xf32>
    %div3A_32 = arith.divf %broadcast_in_dim3A_29, %div3A_31 : vector<1x128xf32>
    %add3A_33 = arith.constant 9.99999974E-6 : f32
    %add3A_34 = vector.broadcast %add3A_33 : f32 to vector<1x128xf32>
    %add3A_35 = arith.addf %div3A_32, %add3A_34 : vector<1x128xf32>
    %rsqrt3A = math.rsqrt %add3A_35 : vector<1x128xf32>
    %mul3A_36 = vector.broadcast %rsqrt3A : vector<1x128xf32> to vector<10000x128xf32>
    %mul3A_37 = arith.mulf %sub3A_25, %mul3A_36 : vector<10000x128xf32>
    %get3A_38 = arith.constant 0 : index
    %get3A_39 = arith.constant 0 : index
    %get3A_40 = vector.load %arg5[%get3A_38, %get3A_39] : memref<1x128xf32, #tpu.memory_space<vmem>>, vector<1x128xf32>
    %mul3A_41 = vector.broadcast %get3A_40 : vector<1x128xf32> to vector<10000x128xf32>
    %mul3A_42 = arith.mulf %mul3A_37, %mul3A_41 : vector<10000x128xf32>
    %get3A_43 = arith.constant 0 : index
    %get3A_44 = arith.constant 0 : index
    %get3A_45 = vector.load %arg6[%get3A_43, %get3A_44] : memref<1x128xf32, #tpu.memory_space<vmem>>, vector<1x128xf32>
    %add3A_46 = vector.broadcast %get3A_45 : vector<1x128xf32> to vector<10000x128xf32>
    %add3A_47 = arith.addf %mul3A_42, %add3A_46 : vector<10000x128xf32>
    %max3A = arith.constant 0.000000e+00 : f32
    %max3A_48 = vector.broadcast %max3A : f32 to vector<10000x128xf32>
    %max3A_49 = arith.maximumf %add3A_47, %max3A_48 : vector<10000x128xf32>
    %swap3A = arith.constant 0 : index
    %swap3A_50 = arith.constant 0 : index
    %swap3A_51 = vector.load %arg7[%swap3A, %swap3A_50] : memref<10000x128xf32, #tpu.memory_space<vmem>>, vector<10000x128xf32>
    tpu.vector_store %arg7[%swap3A, %swap3A_50], %max3A_49 {strides = array<i32>} : memref<10000x128xf32, #tpu.memory_space<vmem>>, vector<10000x128xf32>,
    %get3A_52 = arith.constant 0 : index
    %get3A_53 = arith.constant 0 : index
    %get3A_54 = vector.load %arg2[%get3A_52, %get3A_53] : memref<10000x1xf32, #tpu.memory_space<vmem>>, vector<10000x1xf32>
    %mul3A_55 = vector.broadcast %get3A_54 : vector<10000x1xf32> to vector<10000x128xf32>
    %mul3A_56 = arith.mulf %max3A_49, %mul3A_55 : vector<10000x128xf32>
    %swap3A_57 = arith.constant 0 : index
    %swap3A_58 = arith.constant 0 : index
    %swap3A_59 = vector.load %arg8[%swap3A_57, %swap3A_58] : memref<10000x128xf32, #tpu.memory_space<vmem>>, vector<10000x128xf32>
    tpu.vector_store %arg8[%swap3A_57, %swap3A_58], %mul3A_56 {strides = array<i32>} : memref<10000x128xf32, #tpu.memory_space<vmem>>, vector<10000x128xf32>,
    return
  }
}

module attributes {stable_mosaic.version = 14 : i64} {
  func.func @_layer_body(%arg0: memref<2x10112x128xf32, #tpu.memory_space<vmem>>, %arg1: memref<10000x1xf32, #tpu.memory_space<vmem>>, %arg2: memref<10000x1xf32, #tpu.memory_space<vmem>>, %arg3: memref<128x128xf32, #tpu.memory_space<vmem>>, %arg4: memref<1x128xf32, #tpu.memory_space<vmem>>, %arg5: memref<1x128xf32, #tpu.memory_space<vmem>>, %arg6: memref<1x128xf32, #tpu.memory_space<vmem>>, %arg7: memref<10000x128xf32, #tpu.memory_space<vmem>>, %arg8: memref<10000x128xf32, #tpu.memory_space<vmem>>, %arg9: memref<10000x128xf32, #tpu.memory_space<vmem>>) attributes {dimension_semantics = [], scalar_prefetch = 0 : i64, scratch_operands = 0 : i64, tpu.core_type = #tpu.core_type<tc>} {
    %get3A = arith.constant 0 : index
    %get3A_0 = arith.constant 0 : index
    %get3A_1 = arith.constant 0 : index
    %get3A_2 = vector.load %arg0[%get3A, %get3A_0, %get3A_1] : memref<2x10112x128xf32, #tpu.memory_space<vmem>>, vector<1x10000x128xf32>
    %get3A_3 = vector.shape_cast %get3A_2 : vector<1x10000x128xf32> to vector<10000x128xf32>
    %get3A_4 = arith.constant 1 : index
    %get3A_5 = arith.constant 0 : index
    %get3A_6 = arith.constant 0 : index
    %get3A_7 = vector.load %arg0[%get3A_4, %get3A_5, %get3A_6] : memref<2x10112x128xf32, #tpu.memory_space<vmem>>, vector<1x10000x128xf32>
    %get3A_8 = vector.shape_cast %get3A_7 : vector<1x10000x128xf32> to vector<10000x128xf32>
    %add3A = arith.addf %get3A_3, %get3A_8 : vector<10000x128xf32>
    %get3A_9 = arith.constant 0 : index
    %get3A_10 = arith.constant 0 : index
    %get3A_11 = vector.load %arg1[%get3A_9, %get3A_10] : memref<10000x1xf32, #tpu.memory_space<vmem>>, vector<10000x1xf32>
    %mul3A = vector.broadcast %get3A_11 : vector<10000x1xf32> to vector<10000x128xf32>
    %mul3A_12 = arith.mulf %add3A, %mul3A : vector<10000x128xf32>
    %get3A_13 = arith.constant 0 : index
    %get3A_14 = arith.constant 0 : index
    %get3A_15 = vector.load %arg3[%get3A_13, %get3A_14] : memref<128x128xf32, #tpu.memory_space<vmem>>, vector<128x128xf32>
    %dot_general3A = arith.constant dense<0.000000e+00> : vector<10000x128xf32>
    %dot_general3A_16 = tpu.matmul %mul3A_12, %get3A_15, %dot_general3A {dimension_numbers = #tpu.dot_dimension_numbers<[1], [0], [0], [1], [0, 0, 1, 1], [], []>, transpose_lhs_hint = false} : vector<10000x128xf32>, vector<128x128xf32>, vector<10000x128xf32> -> vector<10000x128xf32>
    %get3A_17 = arith.constant 0 : index
    %get3A_18 = arith.constant 0 : index
    %get3A_19 = vector.load %arg4[%get3A_17, %get3A_18] : memref<1x128xf32, #tpu.memory_space<vmem>>, vector<1x128xf32>
    %add3A_20 = vector.broadcast %get3A_19 : vector<1x128xf32> to vector<10000x128xf32>
    %add3A_21 = arith.addf %dot_general3A_16, %add3A_20 : vector<10000x128xf32>
    %reduce_sum3A = arith.constant dense<0.000000e+00> : vector<128xf32>
    %reduce_sum3A_22 = vector.multi_reduction <add>, %add3A_21, %reduce_sum3A [0] : vector<10000x128xf32> to vector<128xf32>
    %broadcast_in_dim3A = vector.shape_cast %reduce_sum3A_22 : vector<128xf32> to vector<1x128xf32>
    %div3A = arith.constant 1.000000e+04 : f32
    %div3A_23 = vector.broadcast %div3A : f32 to vector<1x128xf32>
    %div3A_24 = arith.divf %broadcast_in_dim3A, %div3A_23 : vector<1x128xf32>
    %sub3A = vector.broadcast %div3A_24 : vector<1x128xf32> to vector<10000x128xf32>
    %sub3A_25 = arith.subf %add3A_21, %sub3A : vector<10000x128xf32>
    %mul3A_26 = arith.mulf %sub3A_25, %sub3A_25 : vector<10000x128xf32>
    %reduce_sum3A_27 = arith.constant dense<0.000000e+00> : vector<128xf32>
    %reduce_sum3A_28 = vector.multi_reduction <add>, %mul3A_26, %reduce_sum3A_27 [0] : vector<10000x128xf32> to vector<128xf32>
    %broadcast_in_dim3A_29 = vector.shape_cast %reduce_sum3A_28 : vector<128xf32> to vector<1x128xf32>
    %div3A_30 = arith.constant 1.000000e+04 : f32
    %div3A_31 = vector.broadcast %div3A_30 : f32 to vector<1x128xf32>
    %div3A_32 = arith.divf %broadcast_in_dim3A_29, %div3A_31 : vector<1x128xf32>
    %add3A_33 = arith.constant 9.99999974E-6 : f32
    %add3A_34 = vector.broadcast %add3A_33 : f32 to vector<1x128xf32>
    %add3A_35 = arith.addf %div3A_32, %add3A_34 : vector<1x128xf32>
    %rsqrt3A = math.rsqrt %add3A_35 : vector<1x128xf32>
    %mul3A_36 = vector.broadcast %rsqrt3A : vector<1x128xf32> to vector<10000x128xf32>
    %mul3A_37 = arith.mulf %sub3A_25, %mul3A_36 : vector<10000x128xf32>
    %get3A_38 = arith.constant 0 : index
    %get3A_39 = arith.constant 0 : index
    %get3A_40 = vector.load %arg5[%get3A_38, %get3A_39] : memref<1x128xf32, #tpu.memory_space<vmem>>, vector<1x128xf32>
    %mul3A_41 = vector.broadcast %get3A_40 : vector<1x128xf32> to vector<10000x128xf32>
    %mul3A_42 = arith.mulf %mul3A_37, %mul3A_41 : vector<10000x128xf32>
    %get3A_43 = arith.constant 0 : index
    %get3A_44 = arith.constant 0 : index
    %get3A_45 = vector.load %arg6[%get3A_43, %get3A_44] : memref<1x128xf32, #tpu.memory_space<vmem>>, vector<1x128xf32>
    %add3A_46 = vector.broadcast %get3A_45 : vector<1x128xf32> to vector<10000x128xf32>
    %add3A_47 = arith.addf %mul3A_42, %add3A_46 : vector<10000x128xf32>
    %get3A_48 = arith.constant 0 : index
    %get3A_49 = arith.constant 0 : index
    %get3A_50 = vector.load %arg7[%get3A_48, %get3A_49] : memref<10000x128xf32, #tpu.memory_space<vmem>>, vector<10000x128xf32>
    %add3A_51 = arith.addf %add3A_47, %get3A_50 : vector<10000x128xf32>
    %max3A = arith.constant 0.000000e+00 : f32
    %max3A_52 = vector.broadcast %max3A : f32 to vector<10000x128xf32>
    %max3A_53 = arith.maximumf %add3A_51, %max3A_52 : vector<10000x128xf32>
    %swap3A = arith.constant 0 : index
    %swap3A_54 = arith.constant 0 : index
    %swap3A_55 = vector.load %arg8[%swap3A, %swap3A_54] : memref<10000x128xf32, #tpu.memory_space<vmem>>, vector<10000x128xf32>
    tpu.vector_store %arg8[%swap3A, %swap3A_54], %max3A_53 {strides = array<i32>} : memref<10000x128xf32, #tpu.memory_space<vmem>>, vector<10000x128xf32>,
    %get3A_56 = arith.constant 0 : index
    %get3A_57 = arith.constant 0 : index
    %get3A_58 = vector.load %arg2[%get3A_56, %get3A_57] : memref<10000x1xf32, #tpu.memory_space<vmem>>, vector<10000x1xf32>
    %mul3A_59 = vector.broadcast %get3A_58 : vector<10000x1xf32> to vector<10000x128xf32>
    %mul3A_60 = arith.mulf %max3A_53, %mul3A_59 : vector<10000x128xf32>
    %swap3A_61 = arith.constant 0 : index
    %swap3A_62 = arith.constant 0 : index
    %swap3A_63 = vector.load %arg9[%swap3A_61, %swap3A_62] : memref<10000x128xf32, #tpu.memory_space<vmem>>, vector<10000x128xf32>
    tpu.vector_store %arg9[%swap3A_61, %swap3A_62], %mul3A_60 {strides = array<i32>} : memref<10000x128xf32, #tpu.memory_space<vmem>>, vector<10000x128xf32>,
    return
  }
}

module attributes {stable_mosaic.version = 14 : i64} {
  func.func @_final_body(%arg0: memref<2x10112x128xf32, #tpu.memory_space<vmem>>, %arg1: memref<10000x1xf32, #tpu.memory_space<vmem>>, %arg2: memref<128x128xf32, #tpu.memory_space<vmem>>, %arg3: memref<1x128xf32, #tpu.memory_space<vmem>>, %arg4: memref<1x128xf32, #tpu.memory_space<vmem>>, %arg5: memref<1x128xf32, #tpu.memory_space<vmem>>, %arg6: memref<10000x128xf32, #tpu.memory_space<vmem>>, %arg7: memref<128x64xf32, #tpu.memory_space<vmem>>, %arg8: memref<1x64xf32, #tpu.memory_space<vmem>>, %arg9: memref<10000x64xf32, #tpu.memory_space<vmem>>) attributes {dimension_semantics = [], scalar_prefetch = 0 : i64, scratch_operands = 0 : i64, tpu.core_type = #tpu.core_type<tc>} {
    %get3A = arith.constant 0 : index
    %get3A_0 = arith.constant 0 : index
    %get3A_1 = arith.constant 0 : index
    %get3A_2 = vector.load %arg0[%get3A, %get3A_0, %get3A_1] : memref<2x10112x128xf32, #tpu.memory_space<vmem>>, vector<1x10000x128xf32>
    %get3A_3 = vector.shape_cast %get3A_2 : vector<1x10000x128xf32> to vector<10000x128xf32>
    %get3A_4 = arith.constant 1 : index
    %get3A_5 = arith.constant 0 : index
    %get3A_6 = arith.constant 0 : index
    %get3A_7 = vector.load %arg0[%get3A_4, %get3A_5, %get3A_6] : memref<2x10112x128xf32, #tpu.memory_space<vmem>>, vector<1x10000x128xf32>
    %get3A_8 = vector.shape_cast %get3A_7 : vector<1x10000x128xf32> to vector<10000x128xf32>
    %add3A = arith.addf %get3A_3, %get3A_8 : vector<10000x128xf32>
    %get3A_9 = arith.constant 0 : index
    %get3A_10 = arith.constant 0 : index
    %get3A_11 = vector.load %arg1[%get3A_9, %get3A_10] : memref<10000x1xf32, #tpu.memory_space<vmem>>, vector<10000x1xf32>
    %mul3A = vector.broadcast %get3A_11 : vector<10000x1xf32> to vector<10000x128xf32>
    %mul3A_12 = arith.mulf %add3A, %mul3A : vector<10000x128xf32>
    %get3A_13 = arith.constant 0 : index
    %get3A_14 = arith.constant 0 : index
    %get3A_15 = vector.load %arg2[%get3A_13, %get3A_14] : memref<128x128xf32, #tpu.memory_space<vmem>>, vector<128x128xf32>
    %dot_general3A = arith.constant dense<0.000000e+00> : vector<10000x128xf32>
    %dot_general3A_16 = tpu.matmul %mul3A_12, %get3A_15, %dot_general3A {dimension_numbers = #tpu.dot_dimension_numbers<[1], [0], [0], [1], [0, 0, 1, 1], [], []>, transpose_lhs_hint = false} : vector<10000x128xf32>, vector<128x128xf32>, vector<10000x128xf32> -> vector<10000x128xf32>
    %get3A_17 = arith.constant 0 : index
    %get3A_18 = arith.constant 0 : index
    %get3A_19 = vector.load %arg3[%get3A_17, %get3A_18] : memref<1x128xf32, #tpu.memory_space<vmem>>, vector<1x128xf32>
    %add3A_20 = vector.broadcast %get3A_19 : vector<1x128xf32> to vector<10000x128xf32>
    %add3A_21 = arith.addf %dot_general3A_16, %add3A_20 : vector<10000x128xf32>
    %reduce_sum3A = arith.constant dense<0.000000e+00> : vector<128xf32>
    %reduce_sum3A_22 = vector.multi_reduction <add>, %add3A_21, %reduce_sum3A [0] : vector<10000x128xf32> to vector<128xf32>
    %broadcast_in_dim3A = vector.shape_cast %reduce_sum3A_22 : vector<128xf32> to vector<1x128xf32>
    %div3A = arith.constant 1.000000e+04 : f32
    %div3A_23 = vector.broadcast %div3A : f32 to vector<1x128xf32>
    %div3A_24 = arith.divf %broadcast_in_dim3A, %div3A_23 : vector<1x128xf32>
    %sub3A = vector.broadcast %div3A_24 : vector<1x128xf32> to vector<10000x128xf32>
    %sub3A_25 = arith.subf %add3A_21, %sub3A : vector<10000x128xf32>
    %mul3A_26 = arith.mulf %sub3A_25, %sub3A_25 : vector<10000x128xf32>
    %reduce_sum3A_27 = arith.constant dense<0.000000e+00> : vector<128xf32>
    %reduce_sum3A_28 = vector.multi_reduction <add>, %mul3A_26, %reduce_sum3A_27 [0] : vector<10000x128xf32> to vector<128xf32>
    %broadcast_in_dim3A_29 = vector.shape_cast %reduce_sum3A_28 : vector<128xf32> to vector<1x128xf32>
    %div3A_30 = arith.constant 1.000000e+04 : f32
    %div3A_31 = vector.broadcast %div3A_30 : f32 to vector<1x128xf32>
    %div3A_32 = arith.divf %broadcast_in_dim3A_29, %div3A_31 : vector<1x128xf32>
    %add3A_33 = arith.constant 9.99999974E-6 : f32
    %add3A_34 = vector.broadcast %add3A_33 : f32 to vector<1x128xf32>
    %add3A_35 = arith.addf %div3A_32, %add3A_34 : vector<1x128xf32>
    %rsqrt3A = math.rsqrt %add3A_35 : vector<1x128xf32>
    %mul3A_36 = vector.broadcast %rsqrt3A : vector<1x128xf32> to vector<10000x128xf32>
    %mul3A_37 = arith.mulf %sub3A_25, %mul3A_36 : vector<10000x128xf32>
    %get3A_38 = arith.constant 0 : index
    %get3A_39 = arith.constant 0 : index
    %get3A_40 = vector.load %arg4[%get3A_38, %get3A_39] : memref<1x128xf32, #tpu.memory_space<vmem>>, vector<1x128xf32>
    %mul3A_41 = vector.broadcast %get3A_40 : vector<1x128xf32> to vector<10000x128xf32>
    %mul3A_42 = arith.mulf %mul3A_37, %mul3A_41 : vector<10000x128xf32>
    %get3A_43 = arith.constant 0 : index
    %get3A_44 = arith.constant 0 : index
    %get3A_45 = vector.load %arg5[%get3A_43, %get3A_44] : memref<1x128xf32, #tpu.memory_space<vmem>>, vector<1x128xf32>
    %add3A_46 = vector.broadcast %get3A_45 : vector<1x128xf32> to vector<10000x128xf32>
    %add3A_47 = arith.addf %mul3A_42, %add3A_46 : vector<10000x128xf32>
    %get3A_48 = arith.constant 0 : index
    %get3A_49 = arith.constant 0 : index
    %get3A_50 = vector.load %arg6[%get3A_48, %get3A_49] : memref<10000x128xf32, #tpu.memory_space<vmem>>, vector<10000x128xf32>
    %add3A_51 = arith.addf %add3A_47, %get3A_50 : vector<10000x128xf32>
    %max3A = arith.constant 0.000000e+00 : f32
    %max3A_52 = vector.broadcast %max3A : f32 to vector<10000x128xf32>
    %max3A_53 = arith.maximumf %add3A_51, %max3A_52 : vector<10000x128xf32>
    %get3A_54 = arith.constant 0 : index
    %get3A_55 = arith.constant 0 : index
    %get3A_56 = vector.load %arg7[%get3A_54, %get3A_55] : memref<128x64xf32, #tpu.memory_space<vmem>>, vector<128x64xf32>
    %dot_general3A_57 = arith.constant dense<0.000000e+00> : vector<10000x64xf32>
    %dot_general3A_58 = tpu.matmul %max3A_53, %get3A_56, %dot_general3A_57 {dimension_numbers = #tpu.dot_dimension_numbers<[1], [0], [0], [1], [0, 0, 1, 1], [], []>, transpose_lhs_hint = false} : vector<10000x128xf32>, vector<128x64xf32>, vector<10000x64xf32> -> vector<10000x64xf32>
    %get3A_59 = arith.constant 0 : index
    %get3A_60 = arith.constant 0 : index
    %get3A_61 = vector.load %arg8[%get3A_59, %get3A_60] : memref<1x64xf32, #tpu.memory_space<vmem>>, vector<1x64xf32>
    %add3A_62 = vector.broadcast %get3A_61 : vector<1x64xf32> to vector<10000x64xf32>
    %add3A_63 = arith.addf %dot_general3A_58, %add3A_62 : vector<10000x64xf32>
    %swap3A = arith.constant 0 : index
    %swap3A_64 = arith.constant 0 : index
    %swap3A_65 = vector.load %arg9[%swap3A, %swap3A_64] : memref<10000x64xf32, #tpu.memory_space<vmem>>, vector<10000x64xf32>
    tpu.vector_store %arg9[%swap3A, %swap3A_64], %add3A_63 {strides = array<i32>} : memref<10000x64xf32, #tpu.memory_space<vmem>>, vector<10000x64xf32>,
    return
  }
}

</mosaic_0001>

<sc_bundles>
// kernel: kernel.13.cloned.1.call-start
scs
__scs_entry_jumppad:
0x0: {  	(pc) =	sbr.rel $0x88, $3  }
0x1: {  	(tag) =	ssettag $0x0;
	lr =	simm.s32 $0x1  }
0x2: {  	[smem:$0x3F99] =	sst lr;
	_ =	strace $0xD0000000  }
0x3: {  	_ = 	snop  }
0x4: {  	_ = 	snop  }
0x5: {  	_ = 	snop  }
0x6: {  	_ = 	snop  }
0x7: {  	_ = 	snop  }
__scs_overlays_trampoline_lowered:
0x8: {  	[smem:$0x3FA8] =	sst s0  }
0x9: {  	[smem:$0x3FA9] =	sst s1  }
0xa: {  	[smem:$0x3FAA] =	sst s2  }
0xb: {  	[smem:$0x3FAB] =	sst s3  }
0xc: {  	[smem:$0x3FAC] =	sst s4  }
0xd: {  	[smem:$0x3FAD] =	sst s5  }
0xe: {  	[smem:$0x3FAE] =	sst s6  }
0xf: {  	[smem:$0x3FAF] =	sst s7  }
0x10: {  	[smem:$0x3FB0] =	sst s8  }
0x11: {  	[smem:$0x3FB1] =	sst s9;
	s0 =	simm.s32 @!p0 $0x0  }
0x12: {  	s1 =	sld [smem:$0x3F97];
	s0 =	simm.s32 @p0 $0x1  }
0x13: {  	[smem:$0x3FB2] =	sst s0;
	s0 =	simm.s32 @!p1 $0x0  }
0x14: {  	s2 =	sld [smem:$0x3F96];
	s0 =	simm.s32 @p1 $0x1  }
0x15: {  	[smem:$0x3FB3] =	sst s0;
	s0 =	simm.s32 @!p2 $0x0  }
0x16: {  	s3 =	sld [smem:$0x3FDB];
	s0 =	simm.s32 @p2 $0x1  }
0x17: {  	s4 =	simm.s32 $0x1BF5;
	[smem:$0x3FB5] =	sst s0  }
0x18: {  	s0 =	sld [smem:$0x3F98];
	_ =	swait.ge [sflag:s4], $0x0  }
0x19: {  	s7 =	sld [smem:$0x3F99]  }
0x1a: {  	s8 =	sadd.s32 $0xFFFFE003, lr  }
0x1b: {  	s9 =	sadd.s32 $0xFFFFFEF7, lr;
	s5 =	simm.s32 $0xFFFFFFFF;
	p2 =	slt.u32 s8, $0xFFFFF086  }
0x1c: {  	p1 =	slt.u32 s9, $0xF7A;
	s5 =	simm.s32 @!p2 $0x0  }
0x1d: {  	s5 =	simm.s32 @p1 $0x1;
	p0 =	seq.s32 s7, s2  }
0x1e: {  	s7 =	smul.u32 @!p0 $0xF7A, s2;
	p2 =	seq.s32 @!p0 s5, $0x0  }
0x1f: {  	s9 =	smul.u32 $0xF7A, s1;
	s8 =	simm.s32 @!p0 $0x1BF5;
	p2 =	por !p2, p0  }
0x20: {  	[sflag:s8] =	ssyncset.s32 @!p0 $0xFFFFF086;
	s6 =	sadd.s32 @!p0 s3, s7;
	s7 =	simm.s32 @!p0 $0x108  }
0x21: {  	s3 =	sadd.s32 s3, s9;
	s6 =	sadd.s32 @!p0 $0x88, s6;
	s7 =	simm.s32 @p2 $0x1082  }
0x22: {  	[simem:s7], [sflag:s8] =	dma.local @!p0 [hbm:s6], $0xF7A  }
0x23: {  	s9 =	sor.u32 $0xD0000000, s2;
	s6 =	simm.s32 $0x108;
	_ =	swait.ge @!p0 [sflag:s8], $0x0  }
0x24: {  	s3 =	sadd.s32 $0x88, s3;
	s6 =	simm.s32 @!p1 $0x1082;
	[sflag:s4] =	ssyncset.s32 $0xFFFFF086  }
0x25: {  	[simem:s6], [sflag:s4] =	dma.local [hbm:s3], $0xF7A  }
0x26: {  	[smem:$0x3F99] =	sst s1;
	(tag) =	ssettag s2;
	_ =	strace s9  }
0x27: {  	s1 =	sld [smem:$0x3FA9]  }
0x28: {  	s2 =	sld [smem:$0x3FAA]  }
0x29: {  	s4 =	sld [smem:$0x3FAC]  }
0x2a: {  	p0 =	seq.s32 s5, $0x0;
	s5 =	sld [smem:$0x3FAD]  }
0x2b: {  	s6 =	sld [smem:$0x3FAE]  }
0x2c: {  	s7 =	sld [smem:$0x3FAF]  }
0x2d: {  	s3 =	simm.s32 $0x108;
	s8 =	sld [smem:$0x3FB0]  }
0x2e: {  	s3 =	simm.s32 @!p0 $0x1082;
	s9 =	sld [smem:$0x3FB1]  }
0x2f: {  	lr =	sadd.s32 s0, s3;
	s0 =	sld [smem:$0x3FA8]  }
0x30: {  	s3 =	sld [smem:$0x3FAB]  }
0x31: {  	[smem:$0x3FB4] =	sst s10  }
0x32: {  	s10 =	sld [smem:$0x3FB2];
	_ =	sdelay $0x3  }
0x33: {  	p0 =	seq.s32 s10, $0x1;
	s10 =	sld [smem:$0x3FB4];
	_ =	sdelay $0x3  }
0x34: {  	[smem:$0x3FB4] =	sst s10  }
0x35: {  	s10 =	sld [smem:$0x3FB3];
	_ =	sdelay $0x3  }
0x36: {  	p1 =	seq.s32 s10, $0x1;
	s10 =	sld [smem:$0x3FB4];
	_ =	sdelay $0x3  }
0x37: {  	[smem:$0x3FB4] =	sst s10  }
0x38: {  	s10 =	sld [smem:$0x3FB5]  }
0x39: {  	_ = 	snop;
	(pc) =	sbr.ind lr, $3  }
0x3a: {  	_ = 	snop  }
0x3b: {  	_ = 	snop  }
0x3c: {  	p2 =	seq.s32 s10, $0x1;
	s10 =	sld [smem:$0x3FB4]  }
0x3d: {  	_ =	shalt  }
0x3e: {  	_ =	shalt  }
0x3f: {  	_ =	shalt  }
0x40: {  	_ =	shalt  }
0x41: {  	_ =	shalt  }
0x42: {  	_ =	shalt  }
0x43: {  	_ =	shalt  }
0x44: {  	_ =	shalt  }
0x45: {  	_ =	shalt  }
0x46: {  	_ =	shalt  }
0x47: {  	_ =	shalt  }
0x48: {  	_ =	shalt  }
0x49: {  	_ =	shalt  }
0x4a: {  	_ =	shalt  }
0x4b: {  	_ =	shalt  }
0x4c: {  	_ =	shalt  }
0x4d: {  	_ =	shalt  }
0x4e: {  	_ =	shalt  }
0x4f: {  	_ =	shalt  }
0x50: {  	_ =	shalt  }
0x51: {  	_ =	shalt  }
0x52: {  	_ =	shalt  }
0x53: {  	_ =	shalt  }
0x54: {  	_ =	shalt  }
0x55: {  	_ =	shalt  }
0x56: {  	_ =	shalt  }
0x57: {  	_ =	shalt  }
0x58: {  	_ =	shalt  }
0x59: {  	_ =	shalt  }
0x5a: {  	_ =	shalt  }
0x5b: {  	_ =	shalt  }
0x5c: {  	_ =	shalt  }
0x5d: {  	_ =	shalt  }
0x5e: {  	_ =	shalt  }
0x5f: {  	_ =	shalt  }
0x60: {  	_ =	shalt  }
0x61: {  	_ =	shalt  }
0x62: {  	_ =	shalt  }
0x63: {  	_ =	shalt  }
0x64: {  	_ =	shalt  }
0x65: {  	_ =	shalt  }
0x66: {  	_ =	shalt  }
0x67: {  	_ =	shalt  }
0x68: {  	_ =	shalt  }
0x69: {  	_ =	shalt  }
0x6a: {  	_ =	shalt  }
0x6b: {  	_ =	shalt  }
0x6c: {  	_ =	shalt  }
0x6d: {  	_ =	shalt  }
0x6e: {  	_ =	shalt  }
0x6f: {  	_ =	shalt  }
0x70: {  	_ =	shalt  }
0x71: {  	_ =	shalt  }
0x72: {  	_ =	shalt  }
0x73: {  	_ =	shalt  }
0x74: {  	_ =	shalt  }
0x75: {  	_ =	shalt  }
0x76: {  	_ =	shalt  }
0x77: {  	_ =	shalt  }
0x78: {  	_ =	shalt  }
0x79: {  	_ =	shalt  }
0x7a: {  	_ =	shalt  }
0x7b: {  	_ =	shalt  }
0x7c: {  	_ =	shalt  }
0x7d: {  	_ =	shalt  }
0x7e: {  	_ =	shalt  }
0x7f: {  	_ =	shalt  }
0x80: {  	_ =	shalt  }
0x81: {  	_ =	shalt  }
0x82: {  	_ =	shalt  }
0x83: {  	_ =	shalt  }
0x84: {  	_ =	shalt  }
0x85: {  	_ =	shalt  }
0x86: {  	_ =	shalt  }
0x87: {  	_ =	shalt  }
.Lfunc_end0:
.L_simem_size_0:
called_computation_lowered:
.L_overlay_start_0:
0x88: {  	s2 =	sld [smem:$0x3FD9]  }
0x89: {  	s3 =	sld [smem:$0x3FFE];
	_ =	sdelay $0x1  }
0x8a: {  	s1 =	srdreg.scid  }
0x8b: {  	s0 =	sand.u32 $0x1, s1  }
0x8c: {  	s17 =	sshll.u32 s0, $0xA;
	s2 =	sadd.s32 s3, s2  }
0x8d: {  	s2 =	sadd.s32 s2, s17  }
0x8e: {  	[smem:$0x3FC0] =	sst s2  }
0x8f: {  	_ = 	snop  }
0x90: {  	s2 =	sld [smem:$0x3FD0];
	(tm) =	ssettm $0x1  }
0x91: {  	s18 =	sld [smem:$0x3FFB];
	_ =	sdelay $0x3  }
0x92: {  	_ =	strace s18  }
0x93: {  	s3 =	sld [smem:$0x3FFC];
	_ =	sdelay $0x3  }
0x94: {  	_ =	strace s3  }
0x95: {  	s3 =	sld [smem:$0x3FFD];
	_ =	sdelay $0x3  }
0x96: {  	_ =	strace s3  }
0x97: {  	_ =	strace $0x8FFFFFFF  }
0x98: {  	s19 =	sld [smem:$0x3FDB];
	_ =	sdelay $0x1  }
0x99: {  	s4 =	simm.s32 $_scs_section_size  }
0x9a: {  	s5 =	simm.s32 $_size__tile_overlayer_lowered;
	s6 =	simm.s32 $_tile_overlayer_lowered  }
0x9b: {  	s22 =	simm.s32 $0x1BFF;
	s21 =	sshll.u32 s6, $0x1;
	s3 =	sadd.s32 s4, s19  }
0x9c: {  	s7 =	simm.s32 $0x0;
	s20 =	sshll.u32 s5, $0x1;
	s5 =	sadd.s32 s21, s3  }
0x9d: {  	[timem:s7], [sflag:s22] =	dma.local [hbm:s5], s20  }
0x9e: {  	_ =	swait.ge [sflag:s22], s20  }
0x9f: {  	s4 =	ssub.s32 $0x0, s20;
	[sflag:s22] =	ssyncset.done $0x0  }
0xa0: {  	[sflag:s22] =	ssyncadd.s32 s4;
	_ =	sdelay $0x1  }
0xa1: {  	s23 =	simm.s32 $0x1B8B  }
0xa2: {  	_ =	swait.ge [sflag:s23], $0x1  }
0xa3: {  	[sflag:s23] =	ssyncset.done $0x0  }
0xa4: {  	s25 =	simm.s32 $0x1B8E;
	s24 =	sld [smem:$0x3FFE];
	[sflag:s23] =	ssyncadd.s32 $0xFFFFFFFF  }
0xa5: {  	s26 =	simm.s32 $execute0_lowered;
	[smem:$0x3FD2] =	sst s25  }
0xa6: {  	s5 =	sshll.u32 s26, $0x1;
	_ =	strace $0x80000046;
	[dreg:$0x1] =	wrdreg $0xFFFFFFFF  }
0xa7: {  	s28 =	simm.s32 $_size_execute0_lowered;
	s3 =	sadd.s32 s3, s5;
	[dreg:$0x0] =	wrdreg $0x0  }
0xa8: {  	s5 =	sshll.u32 s28, $0x1;
	[dreg:$0x2] =	wrdreg s3  }
0xa9: {  	[dreg:$0x3] =	wrdreg s5  }
0xaa: {  	[dreg:$0x4] =	wrdreg $0xC0  }
0xab: {  	_ =	task [dreg:s7], $0x5FFFF  }
0xac: {  	[dreg:$0x1] =	wrdreg $0xFFFFFFFF  }
0xad: {  	[dreg:$0x0] =	wrdreg $0x60  }
0xae: {  	[dreg:$0x2] =	wrdreg s2  }
0xaf: {  	[dreg:$0x3] =	wrdreg s24  }
0xb0: {  	[dreg:$0x4] =	wrdreg $0x6C000  }
0xb1: {  	[dreg:$0x5] =	wrdreg $0x9  }
0xb2: {  	_ =	task.clear_ibuf [dreg:s7], $0x6FFFF;
	_ =	strace $0x90000046  }
0xb3: {  	s29 =	simm.s32 $0x9;
	_ =	strace $0x80000048  }
0xb4: {  	_ =	swait.ge [sflag:s29], $0x1  }
0xb5: {  	[sflag:s29] =	ssyncadd.s32 $0xFFFFFFFF  }
0xb6: {  	_ =	strace $0x90000048  }
0xb7: {  	_ =	sfence  }
0xb8: {  	s30 =	sld [smem:$0x0];
	_ =	sdelay $0x2  }
0xb9: {  	s31 =	sshll.u32 s1, $0xD;
	s1 =	sshrl.u32 s1, $0x2  }
0xba: {  	s3 =	sand.u32 $0x4000, s31;
	s1 =	sadd.s32 s1, s30  }
0xbb: {  	s0 =	sor.u32 s3, s0;
	s1 =	sshll.u32 s1, $0x11  }
0xbc: {  	s0 =	sor.u32 s1, s0  }
0xbd: {  	s0 =	sadd.s32 $0x8F2B, s0  }
0xbe: {  	[sflag:s0] =	ssyncadd.remote.s32 $0x1  }
0xbf: {  	_ =	sfence.sel $0xFFFF  }
0xc0: {  	[dreg:$0x0] =	wrdreg $0xFFFFFFFF;
	(pc) =	sbr.abs _section_cstart, $3  }
0xc1: {  	[dreg:$0x1] =	wrdreg $0xFFFFFFFF  }
0xc2: {  	_ =	task.clear_ibuf [dreg:s7], $0x2FFFF;
	_ =	strace $0x9FFFFFFF  }
0xc3: {  	(tm) =	ssettm $0x7FFFFFFF  }
tec
execute0_lowered:
.L_overlay_start_1:
0x0: {  	(tag) =	ssettag $0x1  }
0x1: {  	s9 =	rddreg [dreg:$0x0]  }
0x2: {  	s6 =	rddreg [dreg:$0x1]  }
0x3: {  	s0 =	srdreg.scid;
	s2 =	rddreg [dreg:$0x2]  }
0x4: {  	s1 =	rddreg [dreg:$0x3];
	s3 =	simm.s32 $0x0;
	s4 =	sand.u32 $0x1, s0  }
0x5: {  	s13 =	simm.s32 $0x1;
	s0 =	stileid.u32;
	s5 =	smul.u32 $0x13C000, s4  }
0x6: {  	s14 =	simm.s32 $0x80;
	[smem:$0x7FF] =	sst s3;
	s7 =	smul.u32 $0x13C00, s0  }
0x7: {  	s29 =	smul.u32 $0x4F000, s0;
	_ =	strace $0x80000047;
	s30 =	ssub.s32 $0x2, s4  }
0x8: {  	s31 =	sshll.u32 s0, $0x1;
	s15 =	sshll.u32 s0, $0x6;
	s8 =	sshrl.u32 s30, $0x1  }
0x9: {  	s15 =	sor.u32 $0x1C01, s15;
	s5 =	sadd.s32 s7, s5;
	s11 =	ssub.s32 s30, s8  }
0xa: {  	s7 =	sshrl.u32 s29, $0x2;
	s5 =	sshrl.u32 s5, $0x3;
	s11 =	smax.u32 s11, $0x1  }
0xb: {  	s10 =	sadd.s32 s5, s6;
	s6 =	sor.u32 s4, s31;
	s4 =	sadd.s32 s7, s2  }
0xc: {  	s5 =	sadd.s32 $0x4000, s4;
	s12 =	smul.u32 $0x500, s6;
	s6 =	sadd.s32 $0x8000, s4  }
0xd: {  	s7 =	sadd.s32 $0xC000, s4;
	s8 =	sadd.s32 $0x10000, s4;
	s10 =	sadd.s32 $0x4200, s10  }
0xe: {  	v0 =	vimm.f32 $0.0e+00;
	v1 =	vimm.f32 $1.000000000e+00;
	s16 =	sshrl.u32 s4, $0x3;
	s9 =	sadd.s32 s9, s12;
	s12 =	simm.s32 $0x2C00  }
.LBB2_1:
0xf: {  	s17 =	simm.s32 $0x0;
	s18 =	simm.s32 $0x200  }
.LBB2_2:
0x10: {  	p0 =	sne.s32 s18, $0xFE00;
	[tilespmem:s17+$0x2C70] =	vst v0  }
0x11: {  	[tilespmem:s17+$0x2C00] =	vst v0  }
0x12: {  	[tilespmem:s17+$0x2C10] =	vst v0  }
.Ltmp0:
0x13: {  	[tilespmem:s17+$0x2C20] =	vst v0;
	(pc) =	sbr.rel @p0 .LBB2_2-.Ltmp0, $4  }
0x14: {  	[tilespmem:s17+$0x2C30] =	vst v0  }
0x15: {  	[tilespmem:s17+$0x2C40] =	vst v0  }
0x16: {  	[tilespmem:s17+$0x2C50] =	vst v0  }
0x17: {  	[tilespmem:s17+$0x2C60] =	vst v0;
	s17 =	sshra.s32 s18, $0x2;
	s18 =	sadd.s32 $0x200, s18  }
0x18: {  	[tilespmem:s17+$0x2C70] =	vst v0  }
0x19: {  	[tilespmem:s17+$0x2C00] =	vst v0  }
0x1a: {  	[tilespmem:s17+$0x2C10] =	vst v0  }
0x1b: {  	[tilespmem:s17+$0x2C20] =	vst v0  }
0x1c: {  	[tilespmem:s17+$0x2C30] =	vst v0  }
0x1d: {  	[tilespmem:s17+$0x2C40] =	vst v0  }
0x1e: {  	[tilespmem:s17+$0x2C50] =	vst v0  }
0x1f: {  	[tilespmem:s17+$0x2C60] =	vst v0  }
0x20: {  	[spmem:s4] =	stream.linear.scatter [tilespmem:s12], [sflag:$0x1], $0x4000, $0x38;
	[tilespmem:$0x1A800] =	vst v63  }
0x21: {  	_ =	swait.ge [sflag:s13], $0x4000  }
0x22: {  	[sflag:s13] =	ssyncset.done $0x0  }
0x23: {  	[sflag:s13] =	ssyncadd.s32 $0xFFFFC000  }
0x24: {  	[spmem:s5] =	stream.linear.scatter [tilespmem:s12], [sflag:$0x1], $0x4000, $0x38;
	[tilespmem:$0x1A800] =	vst v63  }
0x25: {  	_ =	swait.ge [sflag:s13], $0x4000  }
0x26: {  	[sflag:s13] =	ssyncset.done $0x0  }
0x27: {  	[sflag:s13] =	ssyncadd.s32 $0xFFFFC000  }
0x28: {  	[spmem:s6] =	stream.linear.scatter [tilespmem:s12], [sflag:$0x1], $0x4000, $0x38;
	[tilespmem:$0x1A800] =	vst v63  }
0x29: {  	_ =	swait.ge [sflag:s13], $0x4000  }
0x2a: {  	[sflag:s13] =	ssyncset.done $0x0  }
0x2b: {  	[sflag:s13] =	ssyncadd.s32 $0xFFFFC000  }
0x2c: {  	[spmem:s7] =	stream.linear.scatter [tilespmem:s12], [sflag:$0x1], $0x4000, $0x38;
	[tilespmem:$0x1A800] =	vst v63  }
0x2d: {  	_ =	swait.ge [sflag:s13], $0x4000  }
0x2e: {  	[sflag:s13] =	ssyncset.done $0x0  }
0x2f: {  	[sflag:s13] =	ssyncadd.s32 $0xFFFFC000  }
0x30: {  	[spmem:s8] =	stream.linear.scatter [tilespmem:s12], [sflag:$0x1], $0x3C00, $0x38;
	[tilespmem:$0x1A800] =	vst v63  }
0x31: {  	_ =	swait.ge [sflag:s13], $0x3C00  }
0x32: {  	[sflag:s13] =	ssyncset.done $0x0  }
0x33: {  	s17 =	simm.s32 $0x0;
	s18 =	simm.s32 $0x200;
	[sflag:s13] =	ssyncadd.s32 $0xFFFFC400  }
.LBB2_4:
0x34: {  	p0 =	sne.s32 s18, $0xFE00;
	[tilespmem:s17+$0x2C70] =	vst v1  }
0x35: {  	[tilespmem:s17+$0x2C00] =	vst v1  }
0x36: {  	[tilespmem:s17+$0x2C10] =	vst v1  }
.Ltmp1:
0x37: {  	[tilespmem:s17+$0x2C20] =	vst v1;
	(pc) =	sbr.rel @p0 .LBB2_4-.Ltmp1, $4  }
0x38: {  	[tilespmem:s17+$0x2C30] =	vst v1  }
0x39: {  	[tilespmem:s17+$0x2C40] =	vst v1  }
0x3a: {  	[tilespmem:s17+$0x2C50] =	vst v1  }
0x3b: {  	[tilespmem:s17+$0x2C60] =	vst v1;
	s17 =	sshra.s32 s18, $0x2;
	s18 =	sadd.s32 $0x200, s18  }
0x3c: {  	[tilespmem:s17+$0x2C70] =	vst v1  }
0x3d: {  	[tilespmem:s17+$0x2C00] =	vst v1  }
0x3e: {  	[tilespmem:s17+$0x2C10] =	vst v1  }
0x3f: {  	[tilespmem:s17+$0x2C20] =	vst v1  }
0x40: {  	[tilespmem:s17+$0x2C30] =	vst v1  }
0x41: {  	[tilespmem:s17+$0x2C40] =	vst v1  }
0x42: {  	[tilespmem:s17+$0x2C50] =	vst v1  }
0x43: {  	[tilespmem:s17+$0x2C60] =	vst v1  }
0x44: {  	s30 =	simm.s32 $0x0;
	[bflag:$0x0] =	sbarrier.arrive $0xFFFF  }
0x45: {  	[tilespmem:s30], [sflag:$0x1] =	stream.linear.gather [hbm4b:s9+s30], $0x2780, $0x38;
	[tilespmem:$0x1A800] =	vst v63  }
0x46: {  	_ =	swait.ge [sflag:s13], $0x2780  }
0x47: {  	[sflag:s13] =	ssyncset.done $0x0  }
0x48: {  	s31 =	simm.s32 $0x0;
	[sflag:s13] =	ssyncadd.s32 $0xFFFFD880  }
0x49: {  	[spmem:s2] =	stream.indirect.scatter.add.f32 [tilespmem:s12], [sflag:$0x1], $0x80, s31, s14, $0xb8;
	[tilespmem:$0x1A800] =	vst v63  }
0x4a: {  	_ =	swait.ge [sflag:s13], $0x4000  }
0x4b: {  	s17 =	simm.s32 $0x200;
	[sflag:s13] =	ssyncset.done $0x0  }
.LBB2_6:
0x4c: {  	s18 =	sshra.s32 s17, $0x2;
	[sflag:s13] =	ssyncadd.s32 $0xFFFFC000;
	p0 =	sne.s32 s17, $0x9C00  }
0x4d: {  	[spmem:s2] =	stream.indirect.scatter.add.f32 [tilespmem:s12], [sflag:$0x1], $0x80, s18, s14, $0xb8;
	[tilespmem:$0x1A800] =	vst v63  }
.Ltmp2:
0x4e: {  	_ = 	snop;
	(pc) =	sbr.rel @p0 .LBB2_6-.Ltmp2, $4  }
0x4f: {  	_ = 	snop  }
0x50: {  	s17 =	sadd.s32 $0x200, s17  }
0x51: {  	_ =	swait.ge [sflag:s13], $0x4000  }
0x52: {  	[sflag:s13] =	ssyncset.done $0x0  }
0x53: {  	s3 =	sadd.s32 $0x1, s3  }
0x54: {  	[sflag:s13] =	ssyncadd.s32 $0xFFFFC000;
	p0 =	sne.s32 s3, s11  }
.Ltmp3:
0x55: {  	[bflag:$0x0] =	sbarrier.arrive $0xFFFF;
	(pc) =	sbr.rel @p0 .LBB2_1-.Ltmp3, $4  }
0x56: {  	[hbm:s10], [sflag:s15] =	dma.local [spmem:s16], $0x2780  }
0x57: {  	_ =	swait.ge [sflag:s13], $0x2780  }
0x58: {  	[sflag:s13] =	ssyncset.done $0x0  }
0x59: {  	[sflag:s13] =	ssyncadd.s32 $0xFFFFD880  }
0x5a: {  	_ =	sfence.sel $0x180000  }
0x5b: {  	[bflag:$0x0] =	sbarrier.arrive $0xFFFF  }
0x5c: {  	p0 =	sne.s32 s0, $0x0;
	_ =	strace $0x90000047  }
0x5d: {  	s0 =	sadd.s32 @!p0 $0x100000, s1;
	[bflag:$0x2] =	sbarrier.arrive $0xFFFF  }
0x5e: {  	[sflag:s0] =	ssyncadd.tile.s32 @!p0 $0x1;
	_ =	shalt  }
.Lfunc_end2:
_tile_overlayer_lowered:
.L_overlay_start_2:
0x5f: {  	(tag) =	ssettag $0x2  }
0x60: {  	s0 =	rddreg [dreg:$0x0];
	s2 =	stileid.u32  }
0x61: {  	s1 =	rddreg [dreg:$0x1];
	p0 =	sne.s32 s2, $0x0  }
0x62: {  	s3 =	rddreg [dreg:$0x2];
	[bflag:$0x3] =	sbarrier.arrive $0xFFFF;
	s2 =	simm.s32 @!p0 $0x1C01  }
0x63: {  	[timem:s3], [sflag:s2] =	dma.local @!p0 [hbm:s0], s1  }
0x64: {  	s0 =	simm.s32 @!p0 $0x1  }
0x65: {  	_ =	swait.ge @!p0 [sflag:s0], s1  }
0x66: {  	s1 =	ssub.s32 @!p0 $0x0, s1;
	[sflag:s0] =	ssyncset.done @!p0 $0x0  }
0x67: {  	[sflag:s0] =	ssyncadd.s32 @!p0 s1  }
0x68: {  	[bflag:$0x3] =	sbarrier.arrive $0xFFFF  }
0x69: {  	_ =	shalt  }

// kernel: kernel.16.cloned.1.call-start
scs
__scs_entry_jumppad:
0x0: {  	(pc) =	sbr.rel $0x88, $3  }
0x1: {  	(tag) =	ssettag $0x0;
	lr =	simm.s32 $0x1  }
0x2: {  	[smem:$0x3F99] =	sst lr;
	_ =	strace $0xD0000000  }
0x3: {  	_ = 	snop  }
0x4: {  	_ = 	snop  }
0x5: {  	_ = 	snop  }
0x6: {  	_ = 	snop  }
0x7: {  	_ = 	snop  }
__scs_overlays_trampoline_lowered:
0x8: {  	[smem:$0x3FA8] =	sst s0  }
0x9: {  	[smem:$0x3FA9] =	sst s1  }
0xa: {  	[smem:$0x3FAA] =	sst s2  }
0xb: {  	[smem:$0x3FAB] =	sst s3  }
0xc: {  	[smem:$0x3FAC] =	sst s4  }
0xd: {  	[smem:$0x3FAD] =	sst s5  }
0xe: {  	[smem:$0x3FAE] =	sst s6  }
0xf: {  	[smem:$0x3FAF] =	sst s7  }
0x10: {  	[smem:$0x3FB0] =	sst s8  }
0x11: {  	[smem:$0x3FB1] =	sst s9;
	s0 =	simm.s32 @!p0 $0x0  }
0x12: {  	s1 =	sld [smem:$0x3F97];
	s0 =	simm.s32 @p0 $0x1  }
0x13: {  	[smem:$0x3FB2] =	sst s0;
	s0 =	simm.s32 @!p1 $0x0  }
0x14: {  	s2 =	sld [smem:$0x3F96];
	s0 =	simm.s32 @p1 $0x1  }
0x15: {  	[smem:$0x3FB3] =	sst s0;
	s0 =	simm.s32 @!p2 $0x0  }
0x16: {  	s3 =	sld [smem:$0x3FDB];
	s0 =	simm.s32 @p2 $0x1  }
0x17: {  	s4 =	simm.s32 $0x1BF5;
	[smem:$0x3FB5] =	sst s0  }
0x18: {  	s0 =	sld [smem:$0x3F98];
	_ =	swait.ge [sflag:s4], $0x0  }
0x19: {  	s7 =	sld [smem:$0x3F99]  }
0x1a: {  	s8 =	sadd.s32 $0xFFFFE003, lr  }
0x1b: {  	s9 =	sadd.s32 $0xFFFFFEF7, lr;
	s5 =	simm.s32 $0xFFFFFFFF;
	p2 =	slt.u32 s8, $0xFFFFF086  }
0x1c: {  	p1 =	slt.u32 s9, $0xF7A;
	s5 =	simm.s32 @!p2 $0x0  }
0x1d: {  	s5 =	simm.s32 @p1 $0x1;
	p0 =	seq.s32 s7, s2  }
0x1e: {  	s7 =	smul.u32 @!p0 $0xF7A, s2;
	p2 =	seq.s32 @!p0 s5, $0x0  }
0x1f: {  	s9 =	smul.u32 $0xF7A, s1;
	s8 =	simm.s32 @!p0 $0x1BF5;
	p2 =	por !p2, p0  }
0x20: {  	[sflag:s8] =	ssyncset.s32 @!p0 $0xFFFFF086;
	s6 =	sadd.s32 @!p0 s3, s7;
	s7 =	simm.s32 @!p0 $0x108  }
0x21: {  	s3 =	sadd.s32 s3, s9;
	s6 =	sadd.s32 @!p0 $0x88, s6;
	s7 =	simm.s32 @p2 $0x1082  }
0x22: {  	[simem:s7], [sflag:s8] =	dma.local @!p0 [hbm:s6], $0xF7A  }
0x23: {  	s9 =	sor.u32 $0xD0000000, s2;
	s6 =	simm.s32 $0x108;
	_ =	swait.ge @!p0 [sflag:s8], $0x0  }
0x24: {  	s3 =	sadd.s32 $0x88, s3;
	s6 =	simm.s32 @!p1 $0x1082;
	[sflag:s4] =	ssyncset.s32 $0xFFFFF086  }
0x25: {  	[simem:s6], [sflag:s4] =	dma.local [hbm:s3], $0xF7A  }
0x26: {  	[smem:$0x3F99] =	sst s1;
	(tag) =	ssettag s2;
	_ =	strace s9  }
0x27: {  	s1 =	sld [smem:$0x3FA9]  }
0x28: {  	s2 =	sld [smem:$0x3FAA]  }
0x29: {  	s4 =	sld [smem:$0x3FAC]  }
0x2a: {  	p0 =	seq.s32 s5, $0x0;
	s5 =	sld [smem:$0x3FAD]  }
0x2b: {  	s6 =	sld [smem:$0x3FAE]  }
0x2c: {  	s7 =	sld [smem:$0x3FAF]  }
0x2d: {  	s3 =	simm.s32 $0x108;
	s8 =	sld [smem:$0x3FB0]  }
0x2e: {  	s3 =	simm.s32 @!p0 $0x1082;
	s9 =	sld [smem:$0x3FB1]  }
0x2f: {  	lr =	sadd.s32 s0, s3;
	s0 =	sld [smem:$0x3FA8]  }
0x30: {  	s3 =	sld [smem:$0x3FAB]  }
0x31: {  	[smem:$0x3FB4] =	sst s10  }
0x32: {  	s10 =	sld [smem:$0x3FB2];
	_ =	sdelay $0x3  }
0x33: {  	p0 =	seq.s32 s10, $0x1;
	s10 =	sld [smem:$0x3FB4];
	_ =	sdelay $0x3  }
0x34: {  	[smem:$0x3FB4] =	sst s10  }
0x35: {  	s10 =	sld [smem:$0x3FB3];
	_ =	sdelay $0x3  }
0x36: {  	p1 =	seq.s32 s10, $0x1;
	s10 =	sld [smem:$0x3FB4];
	_ =	sdelay $0x3  }
0x37: {  	[smem:$0x3FB4] =	sst s10  }
0x38: {  	s10 =	sld [smem:$0x3FB5]  }
0x39: {  	_ = 	snop;
	(pc) =	sbr.ind lr, $3  }
0x3a: {  	_ = 	snop  }
0x3b: {  	_ = 	snop  }
0x3c: {  	p2 =	seq.s32 s10, $0x1;
	s10 =	sld [smem:$0x3FB4]  }
0x3d: {  	_ =	shalt  }
0x3e: {  	_ =	shalt  }
0x3f: {  	_ =	shalt  }
0x40: {  	_ =	shalt  }
0x41: {  	_ =	shalt  }
0x42: {  	_ =	shalt  }
0x43: {  	_ =	shalt  }
0x44: {  	_ =	shalt  }
0x45: {  	_ =	shalt  }
0x46: {  	_ =	shalt  }
0x47: {  	_ =	shalt  }
0x48: {  	_ =	shalt  }
0x49: {  	_ =	shalt  }
0x4a: {  	_ =	shalt  }
0x4b: {  	_ =	shalt  }
0x4c: {  	_ =	shalt  }
0x4d: {  	_ =	shalt  }
0x4e: {  	_ =	shalt  }
0x4f: {  	_ =	shalt  }
0x50: {  	_ =	shalt  }
0x51: {  	_ =	shalt  }
0x52: {  	_ =	shalt  }
0x53: {  	_ =	shalt  }
0x54: {  	_ =	shalt  }
0x55: {  	_ =	shalt  }
0x56: {  	_ =	shalt  }
0x57: {  	_ =	shalt  }
0x58: {  	_ =	shalt  }
0x59: {  	_ =	shalt  }
0x5a: {  	_ =	shalt  }
0x5b: {  	_ =	shalt  }
0x5c: {  	_ =	shalt  }
0x5d: {  	_ =	shalt  }
0x5e: {  	_ =	shalt  }
0x5f: {  	_ =	shalt  }
0x60: {  	_ =	shalt  }
0x61: {  	_ =	shalt  }
0x62: {  	_ =	shalt  }
0x63: {  	_ =	shalt  }
0x64: {  	_ =	shalt  }
0x65: {  	_ =	shalt  }
0x66: {  	_ =	shalt  }
0x67: {  	_ =	shalt  }
0x68: {  	_ =	shalt  }
0x69: {  	_ =	shalt  }
0x6a: {  	_ =	shalt  }
0x6b: {  	_ =	shalt  }
0x6c: {  	_ =	shalt  }
0x6d: {  	_ =	shalt  }
0x6e: {  	_ =	shalt  }
0x6f: {  	_ =	shalt  }
0x70: {  	_ =	shalt  }
0x71: {  	_ =	shalt  }
0x72: {  	_ =	shalt  }
0x73: {  	_ =	shalt  }
0x74: {  	_ =	shalt  }
0x75: {  	_ =	shalt  }
0x76: {  	_ =	shalt  }
0x77: {  	_ =	shalt  }
0x78: {  	_ =	shalt  }
0x79: {  	_ =	shalt  }
0x7a: {  	_ =	shalt  }
0x7b: {  	_ =	shalt  }
0x7c: {  	_ =	shalt  }
0x7d: {  	_ =	shalt  }
0x7e: {  	_ =	shalt  }
0x7f: {  	_ =	shalt  }
0x80: {  	_ =	shalt  }
0x81: {  	_ =	shalt  }
0x82: {  	_ =	shalt  }
0x83: {  	_ =	shalt  }
0x84: {  	_ =	shalt  }
0x85: {  	_ =	shalt  }
0x86: {  	_ =	shalt  }
0x87: {  	_ =	shalt  }
.Lfunc_end0:
.L_simem_size_0:
called_computation.1_lowered:
.L_overlay_start_0:
0x88: {  	s2 =	sld [smem:$0x3FD9]  }
0x89: {  	s3 =	sld [smem:$0x3FFE];
	_ =	sdelay $0x1  }
0x8a: {  	s1 =	srdreg.scid  }
0x8b: {  	s0 =	sand.u32 $0x1, s1  }
0x8c: {  	s17 =	sshll.u32 s0, $0xA;
	s2 =	sadd.s32 s3, s2  }
0x8d: {  	s2 =	sadd.s32 s2, s17  }
0x8e: {  	[smem:$0x3FC0] =	sst s2  }
0x8f: {  	_ = 	snop  }
0x90: {  	(tm) =	ssettm $0x1  }
0x91: {  	s18 =	sld [smem:$0x3FFB];
	_ =	sdelay $0x3  }
0x92: {  	_ =	strace s18  }
0x93: {  	s2 =	sld [smem:$0x3FFC];
	_ =	sdelay $0x3  }
0x94: {  	_ =	strace s2  }
0x95: {  	s2 =	sld [smem:$0x3FFD];
	_ =	sdelay $0x3  }
0x96: {  	_ =	strace s2  }
0x97: {  	_ =	strace $0x8FFFFFFF  }
0x98: {  	s19 =	sld [smem:$0x3FDB];
	_ =	sdelay $0x1  }
0x99: {  	s20 =	simm.s32 $_scs_section_size  }
0x9a: {  	s4 =	simm.s32 $_size__tile_overlayer_lowered;
	s5 =	simm.s32 $_tile_overlayer_lowered  }
0x9b: {  	s6 =	simm.s32 $0x1BFF;
	s21 =	sshll.u32 s5, $0x1;
	s3 =	sadd.s32 s20, s19  }
0x9c: {  	s22 =	simm.s32 $0x0;
	s4 =	sshll.u32 s4, $0x1;
	s5 =	sadd.s32 s21, s3  }
0x9d: {  	[timem:s22], [sflag:s6] =	dma.local [hbm:s5], s4  }
0x9e: {  	_ =	swait.ge [sflag:s6], s4  }
0x9f: {  	s4 =	ssub.s32 $0x0, s4;
	[sflag:s6] =	ssyncset.done $0x0  }
0xa0: {  	[sflag:s6] =	ssyncadd.s32 s4;
	_ =	sdelay $0x1  }
0xa1: {  	s23 =	simm.s32 $0x1B8B  }
0xa2: {  	_ =	swait.ge [sflag:s23], $0x1  }
0xa3: {  	[sflag:s23] =	ssyncset.done $0x0  }
0xa4: {  	[sflag:s23] =	ssyncadd.s32 $0xFFFFFFFF  }
0xa5: {  	s4 =	sld [smem:$0x0]  }
0xa6: {  	s5 =	sand.u32 $0xFFFFFFFE, s1  }
0xa7: {  	p0 =	sne.s32 s1, s5  }
0xa8: {  	s5 =	sshll.u32 @p0 s5, $0xE  }
0xa9: {  	s5 =	sadd.s32 @p0 $0x11B8D, s5;
	s6 =	sshll.u32 @p0 s4, $0x11  }
0xaa: {  	s5 =	sor.u32 @p0 s6, s5  }
0xab: {  	[sflag:s5] =	ssyncadd.remote.s32 @p0 $0x1;
	_ =	sdelay $0x1  }
0xac: {  	s5 =	simm.s32 @p0 $0x1B8D  }
0xad: {  	_ =	swait.eq @p0 [sflag:s5], $0x1  }
0xae: {  	[sflag:s5] =	ssyncadd.s32 @p0 $0xFFFFFFFF  }
0xaf: {  	s6 =	sshll.u32 @!p0 s1, $0xE  }
0xb0: {  	s6 =	sor.u32 @!p0 $0x4000, s6;
	s5 =	simm.s32 @!p0 $0x1B8D  }
0xb1: {  	s4 =	sshll.u32 @!p0 s4, $0x11;
	s6 =	sadd.s32 @!p0 $0x11B8D, s6;
	_ =	swait.eq @!p0 [sflag:s5], $0x1  }
0xb2: {  	s4 =	sor.u32 @!p0 s4, s6;
	[sflag:s5] =	ssyncadd.s32 @!p0 $0xFFFFFFFF  }
0xb3: {  	s25 =	simm.s32 $0x1B8E;
	s24 =	sld [smem:$0x3FFE];
	[sflag:s4] =	ssyncadd.remote.s32 @!p0 $0x1  }
0xb4: {  	s26 =	simm.s32 $execute0_lowered;
	[smem:$0x3FD2] =	sst s25  }
0xb5: {  	s5 =	sshll.u32 s26, $0x1;
	_ =	strace $0x80000049;
	[dreg:$0x1] =	wrdreg $0xFFFFFFFF  }
0xb6: {  	s28 =	simm.s32 $_size_execute0_lowered;
	s3 =	sadd.s32 s3, s5;
	[dreg:$0x0] =	wrdreg $0x0  }
0xb7: {  	s5 =	sshll.u32 s28, $0x1;
	[dreg:$0x2] =	wrdreg s3  }
0xb8: {  	[dreg:$0x3] =	wrdreg s5  }
0xb9: {  	[dreg:$0x4] =	wrdreg $0xC0  }
0xba: {  	_ =	task [dreg:s22], $0x5FFFF  }
0xbb: {  	[dreg:$0x1] =	wrdreg $0xFFFFFFFF  }
0xbc: {  	[dreg:$0x0] =	wrdreg $0x60  }
0xbd: {  	[dreg:$0x2] =	wrdreg s24  }
0xbe: {  	[dreg:$0x3] =	wrdreg $0x6C000  }
0xbf: {  	[dreg:$0x4] =	wrdreg $0xA  }
0xc0: {  	_ =	task.clear_ibuf [dreg:s22], $0x5FFFF;
	_ =	strace $0x90000049  }
0xc1: {  	s29 =	simm.s32 $0xA;
	_ =	strace $0x8000004B  }
0xc2: {  	_ =	swait.ge [sflag:s29], $0x1  }
0xc3: {  	[sflag:s29] =	ssyncadd.s32 $0xFFFFFFFF  }
0xc4: {  	_ =	strace $0x9000004B  }
0xc5: {  	_ =	sfence  }
0xc6: {  	s30 =	sld [smem:$0x0];
	_ =	sdelay $0x2  }
0xc7: {  	s31 =	sshll.u32 s1, $0xD;
	s1 =	sshrl.u32 s1, $0x2  }
0xc8: {  	s4 =	sand.u32 $0x4000, s31;
	s1 =	sadd.s32 s1, s30  }
0xc9: {  	s0 =	sor.u32 s4, s0;
	s1 =	sshll.u32 s1, $0x11  }
0xca: {  	s0 =	sor.u32 s1, s0  }
0xcb: {  	s0 =	sadd.s32 $0x8F2B, s0  }
0xcc: {  	[sflag:s0] =	ssyncadd.remote.s32 $0x1  }
0xcd: {  	_ =	sfence.sel $0xFFFF  }
0xce: {  	[dreg:$0x0] =	wrdreg $0xFFFFFFFF;
	(pc) =	sbr.abs _section_cstart, $3  }
0xcf: {  	[dreg:$0x1] =	wrdreg $0xFFFFFFFF  }
0xd0: {  	_ =	task.clear_ibuf [dreg:s22], $0x2FFFF;
	_ =	strace $0x9FFFFFFF  }
0xd1: {  	(tm) =	ssettm $0x7FFFFFFF  }
tec
execute0_lowered:
.L_overlay_start_1:
0x0: {  	(tag) =	ssettag $0x1  }
0x1: {  	s1 =	srdreg.scid;
	s5 =	rddreg [dreg:$0x0]  }
0x2: {  	s0 =	stileid.u32;
	s2 =	rddreg [dreg:$0x1]  }
0x3: {  	s3 =	simm.s32 $0x0;
	s13 =	simm.s32 $0x1;
	s14 =	simm.s32 $0x80  }
0x4: {  	s4 =	sand.u32 $0x1, s1;
	s26 =	sshll.u32 s0, $0x1;
	s8 =	smul.u32 $0x13C00, s0  }
0x5: {  	[smem:$0x7FF] =	sst s3;
	s9 =	smul.u32 $0x4F000, s0;
	s15 =	sshll.u32 s0, $0x6  }
0x6: {  	s1 =	sor.u32 s4, s26;
	s7 =	smul.u32 $0x13C000, s4;
	s29 =	ssub.s32 $0x2, s4  }
0x7: {  	s15 =	sor.u32 $0x1C01, s15;
	s6 =	smul.u32 $0x500, s1;
	s1 =	rddreg [dreg:$0x2]  }
0x8: {  	_ =	strace $0x8000004A;
	s30 =	sshrl.u32 s9, $0x2;
	s31 =	sshrl.u32 s29, $0x1  }
0x9: {  	s28 =	sadd.s32 s8, s7;
	s4 =	sadd.s32 s30, s2;
	s12 =	ssub.s32 s29, s31  }
0xa: {  	s10 =	sadd.s32 s6, s5;
	s6 =	sshrl.u32 s28, $0x3;
	s7 =	sadd.s32 $0xC000, s4  }
0xb: {  	s8 =	sadd.s32 $0x10000, s4;
	s16 =	sshrl.u32 s4, $0x3;
	s11 =	sadd.s32 s6, s5  }
0xc: {  	s5 =	sadd.s32 $0x4000, s4;
	s6 =	sadd.s32 $0x8000, s4;
	s9 =	sadd.s32 $0x53200, s10  }
0xd: {  	v0 =	vimm.f32 $0.0e+00;
	v1 =	vimm.f32 $1.000000000e+00;
	s10 =	sadd.s32 $0x5D200, s11;
	s11 =	smax.u32 s12, $0x1;
	s12 =	simm.s32 $0x2C00  }
.LBB2_1:
0xe: {  	s17 =	simm.s32 $0x0;
	s18 =	simm.s32 $0x200  }
.LBB2_2:
0xf: {  	p0 =	sne.s32 s18, $0xFE00;
	[tilespmem:s17+$0x2C70] =	vst v0  }
0x10: {  	[tilespmem:s17+$0x2C00] =	vst v0  }
0x11: {  	[tilespmem:s17+$0x2C10] =	vst v0  }
.Ltmp0:
0x12: {  	[tilespmem:s17+$0x2C20] =	vst v0;
	(pc) =	sbr.rel @p0 .LBB2_2-.Ltmp0, $4  }
0x13: {  	[tilespmem:s17+$0x2C30] =	vst v0  }
0x14: {  	[tilespmem:s17+$0x2C40] =	vst v0  }
0x15: {  	[tilespmem:s17+$0x2C50] =	vst v0  }
0x16: {  	[tilespmem:s17+$0x2C60] =	vst v0;
	s17 =	sshra.s32 s18, $0x2;
	s18 =	sadd.s32 $0x200, s18  }
0x17: {  	[tilespmem:s17+$0x2C70] =	vst v0  }
0x18: {  	[tilespmem:s17+$0x2C00] =	vst v0  }
0x19: {  	[tilespmem:s17+$0x2C10] =	vst v0  }
0x1a: {  	[tilespmem:s17+$0x2C20] =	vst v0  }
0x1b: {  	[tilespmem:s17+$0x2C30] =	vst v0  }
0x1c: {  	[tilespmem:s17+$0x2C40] =	vst v0  }
0x1d: {  	[tilespmem:s17+$0x2C50] =	vst v0  }
0x1e: {  	[tilespmem:s17+$0x2C60] =	vst v0  }
0x1f: {  	[spmem:s4] =	stream.linear.scatter [tilespmem:s12], [sflag:$0x1], $0x4000, $0x38;
	[tilespmem:$0x1A800] =	vst v63  }
0x20: {  	_ =	swait.ge [sflag:s13], $0x4000  }
0x21: {  	[sflag:s13] =	ssyncset.done $0x0  }
0x22: {  	[sflag:s13] =	ssyncadd.s32 $0xFFFFC000  }
0x23: {  	[spmem:s5] =	stream.linear.scatter [tilespmem:s12], [sflag:$0x1], $0x4000, $0x38;
	[tilespmem:$0x1A800] =	vst v63  }
0x24: {  	_ =	swait.ge [sflag:s13], $0x4000  }
0x25: {  	[sflag:s13] =	ssyncset.done $0x0  }
0x26: {  	[sflag:s13] =	ssyncadd.s32 $0xFFFFC000  }
0x27: {  	[spmem:s6] =	stream.linear.scatter [tilespmem:s12], [sflag:$0x1], $0x4000, $0x38;
	[tilespmem:$0x1A800] =	vst v63  }
0x28: {  	_ =	swait.ge [sflag:s13], $0x4000  }
0x29: {  	[sflag:s13] =	ssyncset.done $0x0  }
0x2a: {  	[sflag:s13] =	ssyncadd.s32 $0xFFFFC000  }
0x2b: {  	[spmem:s7] =	stream.linear.scatter [tilespmem:s12], [sflag:$0x1], $0x4000, $0x38;
	[tilespmem:$0x1A800] =	vst v63  }
0x2c: {  	_ =	swait.ge [sflag:s13], $0x4000  }
0x2d: {  	[sflag:s13] =	ssyncset.done $0x0  }
0x2e: {  	[sflag:s13] =	ssyncadd.s32 $0xFFFFC000  }
0x2f: {  	[spmem:s8] =	stream.linear.scatter [tilespmem:s12], [sflag:$0x1], $0x3C00, $0x38;
	[tilespmem:$0x1A800] =	vst v63  }
0x30: {  	_ =	swait.ge [sflag:s13], $0x3C00  }
0x31: {  	[sflag:s13] =	ssyncset.done $0x0  }
0x32: {  	s17 =	simm.s32 $0x0;
	s18 =	simm.s32 $0x200;
	[sflag:s13] =	ssyncadd.s32 $0xFFFFC400  }
.LBB2_4:
0x33: {  	p0 =	sne.s32 s18, $0xFE00;
	[tilespmem:s17+$0x2C70] =	vst v1  }
0x34: {  	[tilespmem:s17+$0x2C00] =	vst v1  }
0x35: {  	[tilespmem:s17+$0x2C10] =	vst v1  }
.Ltmp1:
0x36: {  	[tilespmem:s17+$0x2C20] =	vst v1;
	(pc) =	sbr.rel @p0 .LBB2_4-.Ltmp1, $4  }
0x37: {  	[tilespmem:s17+$0x2C30] =	vst v1  }
0x38: {  	[tilespmem:s17+$0x2C40] =	vst v1  }
0x39: {  	[tilespmem:s17+$0x2C50] =	vst v1  }
0x3a: {  	[tilespmem:s17+$0x2C60] =	vst v1;
	s17 =	sshra.s32 s18, $0x2;
	s18 =	sadd.s32 $0x200, s18  }
0x3b: {  	[tilespmem:s17+$0x2C70] =	vst v1  }
0x3c: {  	[tilespmem:s17+$0x2C00] =	vst v1  }
0x3d: {  	[tilespmem:s17+$0x2C10] =	vst v1  }
0x3e: {  	[tilespmem:s17+$0x2C20] =	vst v1  }
0x3f: {  	[tilespmem:s17+$0x2C30] =	vst v1  }
0x40: {  	[tilespmem:s17+$0x2C40] =	vst v1  }
0x41: {  	[tilespmem:s17+$0x2C50] =	vst v1  }
0x42: {  	[tilespmem:s17+$0x2C60] =	vst v1  }
0x43: {  	s30 =	simm.s32 $0x0;
	[bflag:$0x0] =	sbarrier.arrive $0xFFFF  }
0x44: {  	[tilespmem:s30], [sflag:$0x1] =	stream.linear.gather [hbm4b:s9+s30], $0x2780, $0x38;
	[tilespmem:$0x1A800] =	vst v63  }
0x45: {  	_ =	swait.ge [sflag:s13], $0x2780  }
0x46: {  	[sflag:s13] =	ssyncset.done $0x0  }
0x47: {  	s31 =	simm.s32 $0x0;
	[sflag:s13] =	ssyncadd.s32 $0xFFFFD880  }
0x48: {  	[spmem:s2] =	stream.indirect.scatter.add.f32 [tilespmem:s12], [sflag:$0x1], $0x80, s31, s14, $0xb8;
	[tilespmem:$0x1A800] =	vst v63  }
0x49: {  	_ =	swait.ge [sflag:s13], $0x4000  }
0x4a: {  	s17 =	simm.s32 $0x200;
	[sflag:s13] =	ssyncset.done $0x0  }
.LBB2_6:
0x4b: {  	s18 =	sshra.s32 s17, $0x2;
	[sflag:s13] =	ssyncadd.s32 $0xFFFFC000;
	p0 =	sne.s32 s17, $0x9C00  }
0x4c: {  	[spmem:s2] =	stream.indirect.scatter.add.f32 [tilespmem:s12], [sflag:$0x1], $0x80, s18, s14, $0xb8;
	[tilespmem:$0x1A800] =	vst v63  }
.Ltmp2:
0x4d: {  	_ = 	snop;
	(pc) =	sbr.rel @p0 .LBB2_6-.Ltmp2, $4  }
0x4e: {  	_ = 	snop  }
0x4f: {  	s17 =	sadd.s32 $0x200, s17  }
0x50: {  	_ =	swait.ge [sflag:s13], $0x4000  }
0x51: {  	[sflag:s13] =	ssyncset.done $0x0  }
0x52: {  	s3 =	sadd.s32 $0x1, s3  }
0x53: {  	[sflag:s13] =	ssyncadd.s32 $0xFFFFC000;
	p0 =	sne.s32 s3, s11  }
.Ltmp3:
0x54: {  	[bflag:$0x0] =	sbarrier.arrive $0xFFFF;
	(pc) =	sbr.rel @p0 .LBB2_1-.Ltmp3, $4  }
0x55: {  	[hbm:s10], [sflag:s15] =	dma.local [spmem:s16], $0x2780  }
0x56: {  	_ =	swait.ge [sflag:s13], $0x2780  }
0x57: {  	[sflag:s13] =	ssyncset.done $0x0  }
0x58: {  	[sflag:s13] =	ssyncadd.s32 $0xFFFFD880  }
0x59: {  	_ =	sfence.sel $0x180000  }
0x5a: {  	[bflag:$0x0] =	sbarrier.arrive $0xFFFF  }
0x5b: {  	p0 =	sne.s32 s0, $0x0;
	_ =	strace $0x9000004A  }
0x5c: {  	s0 =	sadd.s32 @!p0 $0x100000, s1;
	[bflag:$0x2] =	sbarrier.arrive $0xFFFF  }
0x5d: {  	[sflag:s0] =	ssyncadd.tile.s32 @!p0 $0x1;
	_ =	shalt  }
.Lfunc_end2:
_tile_overlayer_lowered:
.L_overlay_start_2:
0x5e: {  	(tag) =	ssettag $0x2  }
0x5f: {  	s0 =	rddreg [dreg:$0x0];
	s2 =	stileid.u32  }
0x60: {  	s1 =	rddreg [dreg:$0x1];
	p0 =	sne.s32 s2, $0x0  }
0x61: {  	s3 =	rddreg [dreg:$0x2];
	[bflag:$0x3] =	sbarrier.arrive $0xFFFF;
	s2 =	simm.s32 @!p0 $0x1C01  }
0x62: {  	[timem:s3], [sflag:s2] =	dma.local @!p0 [hbm:s0], s1  }
0x63: {  	s0 =	simm.s32 @!p0 $0x1  }
0x64: {  	_ =	swait.ge @!p0 [sflag:s0], s1  }
0x65: {  	s1 =	ssub.s32 @!p0 $0x0, s1;
	[sflag:s0] =	ssyncset.done @!p0 $0x0  }
0x66: {  	[sflag:s0] =	ssyncadd.s32 @!p0 s1  }
0x67: {  	[bflag:$0x3] =	sbarrier.arrive $0xFFFF  }
0x68: {  	_ =	shalt  }

// kernel: kernel.19.cloned.1.call-start
scs
__scs_entry_jumppad:
0x0: {  	(pc) =	sbr.rel $0x88, $3  }
0x1: {  	(tag) =	ssettag $0x0;
	lr =	simm.s32 $0x1  }
0x2: {  	[smem:$0x3F99] =	sst lr;
	_ =	strace $0xD0000000  }
0x3: {  	_ = 	snop  }
0x4: {  	_ = 	snop  }
0x5: {  	_ = 	snop  }
0x6: {  	_ = 	snop  }
0x7: {  	_ = 	snop  }
__scs_overlays_trampoline_lowered:
0x8: {  	[smem:$0x3FA8] =	sst s0  }
0x9: {  	[smem:$0x3FA9] =	sst s1  }
0xa: {  	[smem:$0x3FAA] =	sst s2  }
0xb: {  	[smem:$0x3FAB] =	sst s3  }
0xc: {  	[smem:$0x3FAC] =	sst s4  }
0xd: {  	[smem:$0x3FAD] =	sst s5  }
0xe: {  	[smem:$0x3FAE] =	sst s6  }
0xf: {  	[smem:$0x3FAF] =	sst s7  }
0x10: {  	[smem:$0x3FB0] =	sst s8  }
0x11: {  	[smem:$0x3FB1] =	sst s9;
	s0 =	simm.s32 @!p0 $0x0  }
0x12: {  	s1 =	sld [smem:$0x3F97];
	s0 =	simm.s32 @p0 $0x1  }
0x13: {  	[smem:$0x3FB2] =	sst s0;
	s0 =	simm.s32 @!p1 $0x0  }
0x14: {  	s2 =	sld [smem:$0x3F96];
	s0 =	simm.s32 @p1 $0x1  }
0x15: {  	[smem:$0x3FB3] =	sst s0;
	s0 =	simm.s32 @!p2 $0x0  }
0x16: {  	s3 =	sld [smem:$0x3FDB];
	s0 =	simm.s32 @p2 $0x1  }
0x17: {  	s4 =	simm.s32 $0x1BF5;
	[smem:$0x3FB5] =	sst s0  }
0x18: {  	s0 =	sld [smem:$0x3F98];
	_ =	swait.ge [sflag:s4], $0x0  }
0x19: {  	s7 =	sld [smem:$0x3F99]  }
0x1a: {  	s8 =	sadd.s32 $0xFFFFE003, lr  }
0x1b: {  	s9 =	sadd.s32 $0xFFFFFEF7, lr;
	s5 =	simm.s32 $0xFFFFFFFF;
	p2 =	slt.u32 s8, $0xFFFFF086  }
0x1c: {  	p1 =	slt.u32 s9, $0xF7A;
	s5 =	simm.s32 @!p2 $0x0  }
0x1d: {  	s5 =	simm.s32 @p1 $0x1;
	p0 =	seq.s32 s7, s2  }
0x1e: {  	s7 =	smul.u32 @!p0 $0xF7A, s2;
	p2 =	seq.s32 @!p0 s5, $0x0  }
0x1f: {  	s9 =	smul.u32 $0xF7A, s1;
	s8 =	simm.s32 @!p0 $0x1BF5;
	p2 =	por !p2, p0  }
0x20: {  	[sflag:s8] =	ssyncset.s32 @!p0 $0xFFFFF086;
	s6 =	sadd.s32 @!p0 s3, s7;
	s7 =	simm.s32 @!p0 $0x108  }
0x21: {  	s3 =	sadd.s32 s3, s9;
	s6 =	sadd.s32 @!p0 $0x88, s6;
	s7 =	simm.s32 @p2 $0x1082  }
0x22: {  	[simem:s7], [sflag:s8] =	dma.local @!p0 [hbm:s6], $0xF7A  }
0x23: {  	s9 =	sor.u32 $0xD0000000, s2;
	s6 =	simm.s32 $0x108;
	_ =	swait.ge @!p0 [sflag:s8], $0x0  }
0x24: {  	s3 =	sadd.s32 $0x88, s3;
	s6 =	simm.s32 @!p1 $0x1082;
	[sflag:s4] =	ssyncset.s32 $0xFFFFF086  }
0x25: {  	[simem:s6], [sflag:s4] =	dma.local [hbm:s3], $0xF7A  }
0x26: {  	[smem:$0x3F99] =	sst s1;
	(tag) =	ssettag s2;
	_ =	strace s9  }
0x27: {  	s1 =	sld [smem:$0x3FA9]  }
0x28: {  	s2 =	sld [smem:$0x3FAA]  }
0x29: {  	s4 =	sld [smem:$0x3FAC]  }
0x2a: {  	p0 =	seq.s32 s5, $0x0;
	s5 =	sld [smem:$0x3FAD]  }
0x2b: {  	s6 =	sld [smem:$0x3FAE]  }
0x2c: {  	s7 =	sld [smem:$0x3FAF]  }
0x2d: {  	s3 =	simm.s32 $0x108;
	s8 =	sld [smem:$0x3FB0]  }
0x2e: {  	s3 =	simm.s32 @!p0 $0x1082;
	s9 =	sld [smem:$0x3FB1]  }
0x2f: {  	lr =	sadd.s32 s0, s3;
	s0 =	sld [smem:$0x3FA8]  }
0x30: {  	s3 =	sld [smem:$0x3FAB]  }
0x31: {  	[smem:$0x3FB4] =	sst s10  }
0x32: {  	s10 =	sld [smem:$0x3FB2];
	_ =	sdelay $0x3  }
0x33: {  	p0 =	seq.s32 s10, $0x1;
	s10 =	sld [smem:$0x3FB4];
	_ =	sdelay $0x3  }
0x34: {  	[smem:$0x3FB4] =	sst s10  }
0x35: {  	s10 =	sld [smem:$0x3FB3];
	_ =	sdelay $0x3  }
0x36: {  	p1 =	seq.s32 s10, $0x1;
	s10 =	sld [smem:$0x3FB4];
	_ =	sdelay $0x3  }
0x37: {  	[smem:$0x3FB4] =	sst s10  }
0x38: {  	s10 =	sld [smem:$0x3FB5]  }
0x39: {  	_ = 	snop;
	(pc) =	sbr.ind lr, $3  }
0x3a: {  	_ = 	snop  }
0x3b: {  	_ = 	snop  }
0x3c: {  	p2 =	seq.s32 s10, $0x1;
	s10 =	sld [smem:$0x3FB4]  }
0x3d: {  	_ =	shalt  }
0x3e: {  	_ =	shalt  }
0x3f: {  	_ =	shalt  }
0x40: {  	_ =	shalt  }
0x41: {  	_ =	shalt  }
0x42: {  	_ =	shalt  }
0x43: {  	_ =	shalt  }
0x44: {  	_ =	shalt  }
0x45: {  	_ =	shalt  }
0x46: {  	_ =	shalt  }
0x47: {  	_ =	shalt  }
0x48: {  	_ =	shalt  }
0x49: {  	_ =	shalt  }
0x4a: {  	_ =	shalt  }
0x4b: {  	_ =	shalt  }
0x4c: {  	_ =	shalt  }
0x4d: {  	_ =	shalt  }
0x4e: {  	_ =	shalt  }
0x4f: {  	_ =	shalt  }
0x50: {  	_ =	shalt  }
0x51: {  	_ =	shalt  }
0x52: {  	_ =	shalt  }
0x53: {  	_ =	shalt  }
0x54: {  	_ =	shalt  }
0x55: {  	_ =	shalt  }
0x56: {  	_ =	shalt  }
0x57: {  	_ =	shalt  }
0x58: {  	_ =	shalt  }
0x59: {  	_ =	shalt  }
0x5a: {  	_ =	shalt  }
0x5b: {  	_ =	shalt  }
0x5c: {  	_ =	shalt  }
0x5d: {  	_ =	shalt  }
0x5e: {  	_ =	shalt  }
0x5f: {  	_ =	shalt  }
0x60: {  	_ =	shalt  }
0x61: {  	_ =	shalt  }
0x62: {  	_ =	shalt  }
0x63: {  	_ =	shalt  }
0x64: {  	_ =	shalt  }
0x65: {  	_ =	shalt  }
0x66: {  	_ =	shalt  }
0x67: {  	_ =	shalt  }
0x68: {  	_ =	shalt  }
0x69: {  	_ =	shalt  }
0x6a: {  	_ =	shalt  }
0x6b: {  	_ =	shalt  }
0x6c: {  	_ =	shalt  }
0x6d: {  	_ =	shalt  }
0x6e: {  	_ =	shalt  }
0x6f: {  	_ =	shalt  }
0x70: {  	_ =	shalt  }
0x71: {  	_ =	shalt  }
0x72: {  	_ =	shalt  }
0x73: {  	_ =	shalt  }
0x74: {  	_ =	shalt  }
0x75: {  	_ =	shalt  }
0x76: {  	_ =	shalt  }
0x77: {  	_ =	shalt  }
0x78: {  	_ =	shalt  }
0x79: {  	_ =	shalt  }
0x7a: {  	_ =	shalt  }
0x7b: {  	_ =	shalt  }
0x7c: {  	_ =	shalt  }
0x7d: {  	_ =	shalt  }
0x7e: {  	_ =	shalt  }
0x7f: {  	_ =	shalt  }
0x80: {  	_ =	shalt  }
0x81: {  	_ =	shalt  }
0x82: {  	_ =	shalt  }
0x83: {  	_ =	shalt  }
0x84: {  	_ =	shalt  }
0x85: {  	_ =	shalt  }
0x86: {  	_ =	shalt  }
0x87: {  	_ =	shalt  }
.Lfunc_end0:
.L_simem_size_0:
called_computation.2_lowered:
.L_overlay_start_0:
0x88: {  	s2 =	sld [smem:$0x3FD9]  }
0x89: {  	s3 =	sld [smem:$0x3FFE];
	_ =	sdelay $0x1  }
0x8a: {  	s1 =	srdreg.scid  }
0x8b: {  	s0 =	sand.u32 $0x1, s1  }
0x8c: {  	s16 =	sshll.u32 s0, $0xA;
	s2 =	sadd.s32 s3, s2  }
0x8d: {  	s2 =	sadd.s32 s2, s16  }
0x8e: {  	[smem:$0x3FC0] =	sst s2  }
0x8f: {  	_ = 	snop  }
0x90: {  	(tm) =	ssettm $0x1  }
0x91: {  	s17 =	sld [smem:$0x3FFB];
	_ =	sdelay $0x3  }
0x92: {  	_ =	strace s17  }
0x93: {  	s2 =	sld [smem:$0x3FFC];
	_ =	sdelay $0x3  }
0x94: {  	_ =	strace s2  }
0x95: {  	s2 =	sld [smem:$0x3FFD];
	_ =	sdelay $0x3  }
0x96: {  	_ =	strace s2  }
0x97: {  	_ =	strace $0x8FFFFFFF  }
0x98: {  	s18 =	sld [smem:$0x3FDB];
	_ =	sdelay $0x1  }
0x99: {  	s19 =	simm.s32 $_scs_section_size  }
0x9a: {  	s4 =	simm.s32 $_size__tile_overlayer_lowered;
	s5 =	simm.s32 $_tile_overlayer_lowered  }
0x9b: {  	s22 =	simm.s32 $0x1BFF;
	s21 =	sshll.u32 s5, $0x1;
	s2 =	sadd.s32 s19, s18  }
0x9c: {  	s6 =	simm.s32 $0x0;
	s20 =	sshll.u32 s4, $0x1;
	s4 =	sadd.s32 s21, s2  }
0x9d: {  	[timem:s6], [sflag:s22] =	dma.local [hbm:s4], s20  }
0x9e: {  	_ =	swait.ge [sflag:s22], s20  }
0x9f: {  	s3 =	ssub.s32 $0x0, s20;
	[sflag:s22] =	ssyncset.done $0x0  }
0xa0: {  	[sflag:s22] =	ssyncadd.s32 s3;
	_ =	sdelay $0x1  }
0xa1: {  	s23 =	simm.s32 $0x1B8B  }
0xa2: {  	_ =	swait.ge [sflag:s23], $0x1  }
0xa3: {  	[sflag:s23] =	ssyncset.done $0x0  }
0xa4: {  	s25 =	simm.s32 $0x1B8E;
	s24 =	sld [smem:$0x3FFE];
	[sflag:s23] =	ssyncadd.s32 $0xFFFFFFFF  }
0xa5: {  	s26 =	simm.s32 $execute0_lowered;
	[smem:$0x3FD2] =	sst s25  }
0xa6: {  	s4 =	sshll.u32 s26, $0x1;
	_ =	strace $0x8000004C;
	[dreg:$0x1] =	wrdreg $0xFFFFFFFF  }
0xa7: {  	s28 =	simm.s32 $_size_execute0_lowered;
	s2 =	sadd.s32 s2, s4;
	[dreg:$0x0] =	wrdreg $0x0  }
0xa8: {  	s4 =	sshll.u32 s28, $0x1;
	[dreg:$0x2] =	wrdreg s2  }
0xa9: {  	[dreg:$0x3] =	wrdreg s4  }
0xaa: {  	[dreg:$0x4] =	wrdreg $0xC0  }
0xab: {  	_ =	task [dreg:s6], $0x5FFFF  }
0xac: {  	[dreg:$0x1] =	wrdreg $0xFFFFFFFF  }
0xad: {  	[dreg:$0x0] =	wrdreg $0x60  }
0xae: {  	[dreg:$0x2] =	wrdreg s24  }
0xaf: {  	[dreg:$0x3] =	wrdreg $0xB2000  }
0xb0: {  	[dreg:$0x4] =	wrdreg $0x9  }
0xb1: {  	_ =	task.clear_ibuf [dreg:s6], $0x5FFFF;
	_ =	strace $0x9000004C  }
0xb2: {  	s29 =	simm.s32 $0x9;
	_ =	strace $0x8000004E  }
0xb3: {  	_ =	swait.ge [sflag:s29], $0x1  }
0xb4: {  	[sflag:s29] =	ssyncadd.s32 $0xFFFFFFFF  }
0xb5: {  	_ =	strace $0x9000004E  }
0xb6: {  	_ =	sfence  }
0xb7: {  	s30 =	sld [smem:$0x0];
	_ =	sdelay $0x2  }
0xb8: {  	s31 =	sshll.u32 s1, $0xD;
	s1 =	sshrl.u32 s1, $0x2  }
0xb9: {  	s3 =	sand.u32 $0x4000, s31;
	s1 =	sadd.s32 s1, s30  }
0xba: {  	s0 =	sor.u32 s3, s0;
	s1 =	sshll.u32 s1, $0x11  }
0xbb: {  	s0 =	sor.u32 s1, s0  }
0xbc: {  	s0 =	sadd.s32 $0x8F2B, s0  }
0xbd: {  	[sflag:s0] =	ssyncadd.remote.s32 $0x1  }
0xbe: {  	_ =	sfence.sel $0xFFFF  }
0xbf: {  	[dreg:$0x0] =	wrdreg $0xFFFFFFFF;
	(pc) =	sbr.abs _section_cstart, $3  }
0xc0: {  	[dreg:$0x1] =	wrdreg $0xFFFFFFFF  }
0xc1: {  	_ =	task.clear_ibuf [dreg:s6], $0x2FFFF;
	_ =	strace $0x9FFFFFFF  }
0xc2: {  	(tm) =	ssettm $0x7FFFFFFF  }
0xc3: {  	_ =	shalt  }
tec
execute0_lowered:
.L_overlay_start_1:
0x0: {  	(tag) =	ssettag $0x1  }
0x1: {  	s1 =	srdreg.scid  }
0x2: {  	s0 =	stileid.u32;
	s6 =	rddreg [dreg:$0x0]  }
0x3: {  	s2 =	rddreg [dreg:$0x1];
	s3 =	simm.s32 $0x0;
	s12 =	simm.s32 $0x2  }
0x4: {  	s13 =	simm.s32 $0x100;
	s14 =	simm.s32 $0x3000;
	s15 =	simm.s32 $0x1  }
0x5: {  	s16 =	simm.s32 $0x3100;
	s5 =	sand.u32 $0x1, s1;
	s9 =	smul.u32 $0x13C00, s0  }
0x6: {  	s24 =	sshll.u32 s0, $0x1;
	[smem:$0x7FF] =	sst s3;
	s10 =	smul.u32 $0x4F000, s0  }
0x7: {  	s4 =	sadd.s32 $0x4200, s6;
	s17 =	sshll.u32 s0, $0x6;
	s1 =	sor.u32 s5, s24  }
0x8: {  	s8 =	smul.u32 $0x13C000, s5;
	s26 =	ssub.s32 $0x2, s5;
	s17 =	sor.u32 $0x1C02, s17  }
0x9: {  	s7 =	smul.u32 $0x500, s1;
	s1 =	rddreg [dreg:$0x2];
	_ =	strace $0x8000004D  }
0xa: {  	s28 =	sshrl.u32 s10, $0x2;
	s30 =	sshrl.u32 s26, $0x1;
	s25 =	sadd.s32 s9, s8  }
0xb: {  	s5 =	sadd.s32 s28, s2;
	s31 =	ssub.s32 s26, s30;
	s11 =	sadd.s32 s7, s6  }
0xc: {  	s7 =	sshrl.u32 s25, $0x3;
	s10 =	smax.u32 s31, $0x1;
	s18 =	sshrl.u32 s5, $0x3  }
0xd: {  	s29 =	sadd.s32 s7, s6;
	s6 =	sadd.s32 $0x8000, s5;
	s7 =	sadd.s32 $0x10000, s5  }
0xe: {  	v0 =	vimm.f32 $0.0e+00;
	s8 =	sadd.s32 $0xAC200, s11;
	s11 =	simm.s32 $0x3200;
	s9 =	sadd.s32 $0x2B400, s29  }
.LBB2_1:
0xf: {  	s19 =	simm.s32 $0x0;
	s20 =	simm.s32 $0x200  }
.LBB2_2:
0x10: {  	p0 =	sne.s32 s20, $0x1FE00;
	[tilespmem:s19+$0x3270] =	vst v0  }
0x11: {  	[tilespmem:s19+$0x3200] =	vst v0  }
0x12: {  	[tilespmem:s19+$0x3210] =	vst v0  }
.Ltmp0:
0x13: {  	[tilespmem:s19+$0x3220] =	vst v0;
	(pc) =	sbr.rel @p0 .LBB2_2-.Ltmp0, $4  }
0x14: {  	[tilespmem:s19+$0x3230] =	vst v0  }
0x15: {  	[tilespmem:s19+$0x3240] =	vst v0  }
0x16: {  	[tilespmem:s19+$0x3250] =	vst v0  }
0x17: {  	[tilespmem:s19+$0x3260] =	vst v0;
	s19 =	sshra.s32 s20, $0x2;
	s20 =	sadd.s32 $0x200, s20  }
0x18: {  	[tilespmem:s19+$0x3270] =	vst v0  }
0x19: {  	[tilespmem:s19+$0x3200] =	vst v0  }
0x1a: {  	[tilespmem:s19+$0x3210] =	vst v0  }
0x1b: {  	[tilespmem:s19+$0x3220] =	vst v0  }
0x1c: {  	[tilespmem:s19+$0x3230] =	vst v0  }
0x1d: {  	[tilespmem:s19+$0x3240] =	vst v0  }
0x1e: {  	[tilespmem:s19+$0x3250] =	vst v0  }
0x1f: {  	[tilespmem:s19+$0x3260] =	vst v0  }
0x20: {  	[spmem:s5] =	stream.linear.scatter [tilespmem:s11], [sflag:$0x2], $0x8000, $0x38;
	[tilespmem:$0x1EE00] =	vst v63  }
0x21: {  	_ =	swait.ge [sflag:s12], $0x8000  }
0x22: {  	[sflag:s12] =	ssyncset.done $0x0  }
0x23: {  	[sflag:s12] =	ssyncadd.s32 $0xFFFF8000  }
0x24: {  	[spmem:s6] =	stream.linear.scatter [tilespmem:s11], [sflag:$0x2], $0x8000, $0x38;
	[tilespmem:$0x1EE00] =	vst v63  }
0x25: {  	_ =	swait.ge [sflag:s12], $0x8000  }
0x26: {  	[sflag:s12] =	ssyncset.done $0x0  }
0x27: {  	[sflag:s12] =	ssyncadd.s32 $0xFFFF8000  }
0x28: {  	[spmem:s7] =	stream.linear.scatter [tilespmem:s11], [sflag:$0x2], $0x3C00, $0x38;
	[tilespmem:$0x1EE00] =	vst v63  }
0x29: {  	_ =	swait.ge [sflag:s12], $0x3C00  }
0x2a: {  	[sflag:s12] =	ssyncset.done $0x0  }
0x2b: {  	[sflag:s12] =	ssyncadd.s32 $0xFFFFC400  }
0x2c: {  	s19 =	simm.s32 $0x0;
	[bflag:$0x0] =	sbarrier.arrive $0xFFFF  }
0x2d: {  	[tilespmem:s19], [sflag:$0x2] =	stream.linear.gather [hbm4b:s8+s19], $0x2800, $0x38;
	[tilespmem:$0x1EE00] =	vst v63  }
0x2e: {  	_ =	swait.ge [sflag:s12], $0x2800  }
0x2f: {  	s20 =	sand.u32 $0x3800, s19;
	s21 =	sand.u32 $0x380, s19;
	[sflag:s12] =	ssyncset.done $0x0  }
0x30: {  	s20 =	sor.u32 s21, s20;
	[sflag:s12] =	ssyncadd.s32 $0xFFFFD800  }
0x31: {  	v1 =	vld [tilespmem:s20+$0x0];
	_ =	sdelay $0x4  }
0x32: {  	v2 =	vand.u32 $0xFFFF, v1  }
0x33: {  	v1 =	vshrl.u32 v1, $0x10;
	[tilespmem:$0x3000] =	vst v2  }
0x34: {  	[tilespmem:$0x3100] =	vst v1  }
0x35: {  	v1 =	vld [tilespmem:s20+$0x10];
	_ =	sdelay $0x4  }
0x36: {  	v2 =	vand.u32 $0xFFFF, v1  }
0x37: {  	v1 =	vshrl.u32 v1, $0x10;
	[tilespmem:$0x3010] =	vst v2  }
0x38: {  	[tilespmem:$0x3110] =	vst v1  }
0x39: {  	v1 =	vld [tilespmem:s20+$0x20];
	_ =	sdelay $0x4  }
0x3a: {  	v2 =	vand.u32 $0xFFFF, v1  }
0x3b: {  	v1 =	vshrl.u32 v1, $0x10;
	[tilespmem:$0x3020] =	vst v2  }
0x3c: {  	[tilespmem:$0x3120] =	vst v1  }
0x3d: {  	v1 =	vld [tilespmem:s20+$0x30];
	_ =	sdelay $0x4  }
0x3e: {  	v2 =	vand.u32 $0xFFFF, v1  }
0x3f: {  	v1 =	vshrl.u32 v1, $0x10;
	[tilespmem:$0x3030] =	vst v2  }
0x40: {  	[tilespmem:$0x3130] =	vst v1  }
0x41: {  	v1 =	vld [tilespmem:s20+$0x40];
	_ =	sdelay $0x4  }
0x42: {  	v2 =	vand.u32 $0xFFFF, v1  }
0x43: {  	v1 =	vshrl.u32 v1, $0x10;
	[tilespmem:$0x3040] =	vst v2  }
0x44: {  	[tilespmem:$0x3140] =	vst v1  }
0x45: {  	v1 =	vld [tilespmem:s20+$0x50];
	_ =	sdelay $0x4  }
0x46: {  	v2 =	vand.u32 $0xFFFF, v1  }
0x47: {  	v1 =	vshrl.u32 v1, $0x10;
	[tilespmem:$0x3050] =	vst v2  }
0x48: {  	[tilespmem:$0x3150] =	vst v1  }
0x49: {  	v1 =	vld [tilespmem:s20+$0x60];
	_ =	sdelay $0x4  }
0x4a: {  	v2 =	vand.u32 $0xFFFF, v1  }
0x4b: {  	v1 =	vshrl.u32 v1, $0x10;
	[tilespmem:$0x3060] =	vst v2  }
0x4c: {  	[tilespmem:$0x3160] =	vst v1  }
0x4d: {  	v1 =	vld [tilespmem:s20+$0x70];
	_ =	sdelay $0x4  }
0x4e: {  	v2 =	vand.u32 $0xFFFF, v1  }
0x4f: {  	v1 =	vshrl.u32 v1, $0x10;
	[tilespmem:$0x3070] =	vst v2  }
0x50: {  	[tilespmem:$0x3170] =	vst v1  }
0x51: {  	v1 =	vld [tilespmem:s20+$0x400];
	_ =	sdelay $0x4  }
0x52: {  	v2 =	vand.u32 $0xFFFF, v1  }
0x53: {  	v1 =	vshrl.u32 v1, $0x10;
	[tilespmem:$0x3080] =	vst v2  }
0x54: {  	[tilespmem:$0x3180] =	vst v1  }
0x55: {  	v1 =	vld [tilespmem:s20+$0x410];
	_ =	sdelay $0x4  }
0x56: {  	v2 =	vand.u32 $0xFFFF, v1  }
0x57: {  	v1 =	vshrl.u32 v1, $0x10;
	[tilespmem:$0x3090] =	vst v2  }
0x58: {  	[tilespmem:$0x3190] =	vst v1  }
0x59: {  	v1 =	vld [tilespmem:s20+$0x420];
	_ =	sdelay $0x4  }
0x5a: {  	v2 =	vand.u32 $0xFFFF, v1  }
0x5b: {  	v1 =	vshrl.u32 v1, $0x10;
	[tilespmem:$0x30A0] =	vst v2  }
0x5c: {  	[tilespmem:$0x31A0] =	vst v1  }
0x5d: {  	v1 =	vld [tilespmem:s20+$0x430];
	_ =	sdelay $0x4  }
0x5e: {  	v2 =	vand.u32 $0xFFFF, v1  }
0x5f: {  	v1 =	vshrl.u32 v1, $0x10;
	[tilespmem:$0x30B0] =	vst v2  }
0x60: {  	[tilespmem:$0x31B0] =	vst v1  }
0x61: {  	v1 =	vld [tilespmem:s20+$0x440];
	_ =	sdelay $0x4  }
0x62: {  	v2 =	vand.u32 $0xFFFF, v1  }
0x63: {  	v1 =	vshrl.u32 v1, $0x10;
	[tilespmem:$0x30C0] =	vst v2  }
0x64: {  	[tilespmem:$0x31C0] =	vst v1  }
0x65: {  	v1 =	vld [tilespmem:s20+$0x450];
	_ =	sdelay $0x4  }
0x66: {  	v2 =	vand.u32 $0xFFFF, v1  }
0x67: {  	v1 =	vshrl.u32 v1, $0x10;
	[tilespmem:$0x30D0] =	vst v2  }
0x68: {  	[tilespmem:$0x31D0] =	vst v1  }
0x69: {  	v1 =	vld [tilespmem:s20+$0x460];
	_ =	sdelay $0x4  }
0x6a: {  	v2 =	vand.u32 $0xFFFF, v1  }
0x6b: {  	s21 =	simm.s32 $0x100;
	v1 =	vshrl.u32 v1, $0x10;
	[tilespmem:$0x30E0] =	vst v2  }
.LBB2_4:
0x6c: {  	p0 =	sne.s32 s21, $0x2700  }
0x6d: {  	[tilespmem:$0x31E0] =	vst v1;
	s19 =	sadd.s32 $0x80, s19;
	s22 =	smov.u32 s21;
	s21 =	sadd.s32 $0x100, s21  }
0x6e: {  	v1 =	vld [tilespmem:s20+$0x470];
	_ =	sdelay $0x4  }
0x6f: {  	v2 =	vand.u32 $0xFFFF, v1;
	v1 =	vshrl.u32 v1, $0x10  }
0x70: {  	[tilespmem:$0x30F0] =	vst v2  }
0x71: {  	[tilespmem:$0x31F0] =	vst v1  }
0x72: {  	[tilespmem:s11], [sflag:$0x1] =	stream.indirect.gather [hbm4b:s4+s13], $0x80, s14, s13, $0xb8;
	[tilespmem:$0x1EE00] =	vst v63  }
0x73: {  	_ =	swait.ge [sflag:s15], $0x8000  }
0x74: {  	[sflag:s15] =	ssyncset.done $0x0  }
0x75: {  	[sflag:s15] =	ssyncadd.s32 $0xFFFF8000  }
0x76: {  	[spmem:s2] =	stream.indirect.scatter.add.f32 [tilespmem:s11], [sflag:$0x2], $0x80, s16, s13, $0xb8;
	[tilespmem:$0x1EE00] =	vst v63  }
0x77: {  	_ =	swait.ge [sflag:s12], $0x8000  }
0x78: {  	s20 =	sand.u32 $0x3800, s22;
	s22 =	sand.u32 $0x380, s19;
	[sflag:s12] =	ssyncset.done $0x0  }
0x79: {  	s20 =	sor.u32 s22, s20;
	[sflag:s12] =	ssyncadd.s32 $0xFFFF8000  }
0x7a: {  	v1 =	vld [tilespmem:s20+$0x0];
	_ =	sdelay $0x4  }
0x7b: {  	v2 =	vand.u32 $0xFFFF, v1;
	v1 =	vshrl.u32 v1, $0x10  }
0x7c: {  	[tilespmem:$0x3000] =	vst v2  }
0x7d: {  	[tilespmem:$0x3100] =	vst v1  }
0x7e: {  	v1 =	vld [tilespmem:s20+$0x10];
	_ =	sdelay $0x4  }
0x7f: {  	v2 =	vand.u32 $0xFFFF, v1;
	v1 =	vshrl.u32 v1, $0x10  }
0x80: {  	[tilespmem:$0x3010] =	vst v2  }
0x81: {  	[tilespmem:$0x3110] =	vst v1  }
0x82: {  	v1 =	vld [tilespmem:s20+$0x20];
	_ =	sdelay $0x4  }
0x83: {  	v2 =	vand.u32 $0xFFFF, v1;
	v1 =	vshrl.u32 v1, $0x10  }
0x84: {  	[tilespmem:$0x3020] =	vst v2  }
0x85: {  	[tilespmem:$0x3120] =	vst v1  }
0x86: {  	v1 =	vld [tilespmem:s20+$0x30];
	_ =	sdelay $0x4  }
0x87: {  	v2 =	vand.u32 $0xFFFF, v1;
	v1 =	vshrl.u32 v1, $0x10  }
0x88: {  	[tilespmem:$0x3030] =	vst v2  }
0x89: {  	[tilespmem:$0x3130] =	vst v1  }
0x8a: {  	v1 =	vld [tilespmem:s20+$0x40];
	_ =	sdelay $0x4  }
0x8b: {  	v2 =	vand.u32 $0xFFFF, v1;
	v1 =	vshrl.u32 v1, $0x10  }
0x8c: {  	[tilespmem:$0x3040] =	vst v2  }
0x8d: {  	[tilespmem:$0x3140] =	vst v1  }
0x8e: {  	v1 =	vld [tilespmem:s20+$0x50];
	_ =	sdelay $0x4  }
0x8f: {  	v2 =	vand.u32 $0xFFFF, v1;
	v1 =	vshrl.u32 v1, $0x10  }
0x90: {  	[tilespmem:$0x3050] =	vst v2  }
0x91: {  	[tilespmem:$0x3150] =	vst v1  }
0x92: {  	v1 =	vld [tilespmem:s20+$0x60];
	_ =	sdelay $0x4  }
0x93: {  	v2 =	vand.u32 $0xFFFF, v1;
	v1 =	vshrl.u32 v1, $0x10  }
0x94: {  	[tilespmem:$0x3060] =	vst v2  }
0x95: {  	[tilespmem:$0x3160] =	vst v1  }
0x96: {  	v1 =	vld [tilespmem:s20+$0x70];
	_ =	sdelay $0x4  }
0x97: {  	v2 =	vand.u32 $0xFFFF, v1;
	v1 =	vshrl.u32 v1, $0x10  }
0x98: {  	[tilespmem:$0x3070] =	vst v2  }
0x99: {  	[tilespmem:$0x3170] =	vst v1  }
0x9a: {  	v1 =	vld [tilespmem:s20+$0x400];
	_ =	sdelay $0x4  }
0x9b: {  	v2 =	vand.u32 $0xFFFF, v1;
	v1 =	vshrl.u32 v1, $0x10  }
0x9c: {  	[tilespmem:$0x3080] =	vst v2  }
0x9d: {  	[tilespmem:$0x3180] =	vst v1  }
0x9e: {  	v1 =	vld [tilespmem:s20+$0x410];
	_ =	sdelay $0x4  }
0x9f: {  	v2 =	vand.u32 $0xFFFF, v1;
	v1 =	vshrl.u32 v1, $0x10  }
0xa0: {  	[tilespmem:$0x3090] =	vst v2  }
0xa1: {  	[tilespmem:$0x3190] =	vst v1  }
0xa2: {  	v1 =	vld [tilespmem:s20+$0x420];
	_ =	sdelay $0x4  }
0xa3: {  	v2 =	vand.u32 $0xFFFF, v1;
	v1 =	vshrl.u32 v1, $0x10  }
0xa4: {  	[tilespmem:$0x30A0] =	vst v2  }
0xa5: {  	[tilespmem:$0x31A0] =	vst v1  }
0xa6: {  	v1 =	vld [tilespmem:s20+$0x430];
	_ =	sdelay $0x4  }
0xa7: {  	v2 =	vand.u32 $0xFFFF, v1;
	v1 =	vshrl.u32 v1, $0x10  }
0xa8: {  	[tilespmem:$0x30B0] =	vst v2  }
0xa9: {  	[tilespmem:$0x31B0] =	vst v1  }
0xaa: {  	v1 =	vld [tilespmem:s20+$0x440];
	_ =	sdelay $0x4  }
0xab: {  	v2 =	vand.u32 $0xFFFF, v1;
	v1 =	vshrl.u32 v1, $0x10  }
0xac: {  	[tilespmem:$0x30C0] =	vst v2  }
0xad: {  	[tilespmem:$0x31C0] =	vst v1  }
0xae: {  	v1 =	vld [tilespmem:s20+$0x450];
	_ =	sdelay $0x4  }
0xaf: {  	v2 =	vand.u32 $0xFFFF, v1;
	v1 =	vshrl.u32 v1, $0x10  }
0xb0: {  	[tilespmem:$0x30D0] =	vst v2  }
0xb1: {  	[tilespmem:$0x31D0] =	vst v1  }
0xb2: {  	v1 =	vld [tilespmem:s20+$0x460];
	_ =	sdelay $0x1  }
.Ltmp1:
0xb3: {  	(pc) =	sbr.rel @p0 .LBB2_4-.Ltmp1, $3  }
0xb4: {  	_ =	sdelay $0x1  }
0xb5: {  	v2 =	vand.u32 $0xFFFF, v1;
	v1 =	vshrl.u32 v1, $0x10  }
0xb6: {  	[tilespmem:$0x30E0] =	vst v2  }
0xb7: {  	[tilespmem:$0x31E0] =	vst v1  }
0xb8: {  	v1 =	vld [tilespmem:s20+$0x470];
	_ =	sdelay $0x4  }
0xb9: {  	v2 =	vand.u32 $0xFFFF, v1  }
0xba: {  	v1 =	vshrl.u32 v1, $0x10;
	[tilespmem:$0x30F0] =	vst v2  }
0xbb: {  	[tilespmem:$0x31F0] =	vst v1  }
0xbc: {  	[tilespmem:s11], [sflag:$0x1] =	stream.indirect.gather [hbm4b:s4+s13], $0x80, s14, s13, $0xb8;
	[tilespmem:$0x1EE00] =	vst v63  }
0xbd: {  	_ =	swait.ge [sflag:s15], $0x8000  }
0xbe: {  	[sflag:s15] =	ssyncset.done $0x0  }
0xbf: {  	[sflag:s15] =	ssyncadd.s32 $0xFFFF8000  }
0xc0: {  	[spmem:s2] =	stream.indirect.scatter.add.f32 [tilespmem:s11], [sflag:$0x2], $0x80, s16, s13, $0xb8;
	[tilespmem:$0x1EE00] =	vst v63  }
0xc1: {  	_ =	swait.ge [sflag:s12], $0x8000  }
0xc2: {  	s3 =	sadd.s32 $0x1, s3;
	[sflag:s12] =	ssyncset.done $0x0  }
0xc3: {  	p0 =	sne.s32 s3, s10;
	[sflag:s12] =	ssyncadd.s32 $0xFFFF8000  }
.Ltmp2:
0xc4: {  	[bflag:$0x0] =	sbarrier.arrive $0xFFFF;
	(pc) =	sbr.rel @p0 .LBB2_1-.Ltmp2, $4  }
0xc5: {  	[hbm:s9], [sflag:s17] =	dma.local [spmem:s18], $0x2780  }
0xc6: {  	_ =	swait.ge [sflag:s12], $0x2780  }
0xc7: {  	[sflag:s12] =	ssyncset.done $0x0  }
0xc8: {  	[sflag:s12] =	ssyncadd.s32 $0xFFFFD880  }
0xc9: {  	_ =	sfence.sel $0x180000  }
0xca: {  	[bflag:$0x0] =	sbarrier.arrive $0xFFFF  }
0xcb: {  	p0 =	sne.s32 s0, $0x0;
	_ =	strace $0x9000004D  }
0xcc: {  	s0 =	sadd.s32 @!p0 $0x100000, s1;
	[bflag:$0x2] =	sbarrier.arrive $0xFFFF  }
0xcd: {  	[sflag:s0] =	ssyncadd.tile.s32 @!p0 $0x1;
	_ =	shalt  }
.Lfunc_end2:
_tile_overlayer_lowered:
.L_overlay_start_2:
0xce: {  	(tag) =	ssettag $0x2  }
0xcf: {  	s0 =	rddreg [dreg:$0x0];
	s2 =	stileid.u32  }
0xd0: {  	s1 =	rddreg [dreg:$0x1];
	p0 =	sne.s32 s2, $0x0  }
0xd1: {  	s3 =	rddreg [dreg:$0x2];
	[bflag:$0x3] =	sbarrier.arrive $0xFFFF;
	s2 =	simm.s32 @!p0 $0x1C02  }
0xd2: {  	[timem:s3], [sflag:s2] =	dma.local @!p0 [hbm:s0], s1  }
0xd3: {  	s0 =	simm.s32 @!p0 $0x2  }
0xd4: {  	_ =	swait.ge @!p0 [sflag:s0], s1  }
0xd5: {  	s1 =	ssub.s32 @!p0 $0x0, s1;
	[sflag:s0] =	ssyncset.done @!p0 $0x0  }
0xd6: {  	[sflag:s0] =	ssyncadd.s32 @!p0 s1  }
0xd7: {  	[bflag:$0x3] =	sbarrier.arrive $0xFFFF  }
0xd8: {  	_ =	shalt  }

// kernel: kernel.22.cloned.1.call-start
scs
__scs_entry_jumppad:
0x0: {  	(pc) =	sbr.rel $0x88, $3  }
0x1: {  	(tag) =	ssettag $0x0;
	lr =	simm.s32 $0x1  }
0x2: {  	[smem:$0x3F99] =	sst lr;
	_ =	strace $0xD0000000  }
0x3: {  	_ = 	snop  }
0x4: {  	_ = 	snop  }
0x5: {  	_ = 	snop  }
0x6: {  	_ = 	snop  }
0x7: {  	_ = 	snop  }
__scs_overlays_trampoline_lowered:
0x8: {  	[smem:$0x3FA8] =	sst s0  }
0x9: {  	[smem:$0x3FA9] =	sst s1  }
0xa: {  	[smem:$0x3FAA] =	sst s2  }
0xb: {  	[smem:$0x3FAB] =	sst s3  }
0xc: {  	[smem:$0x3FAC] =	sst s4  }
0xd: {  	[smem:$0x3FAD] =	sst s5  }
0xe: {  	[smem:$0x3FAE] =	sst s6  }
0xf: {  	[smem:$0x3FAF] =	sst s7  }
0x10: {  	[smem:$0x3FB0] =	sst s8  }
0x11: {  	[smem:$0x3FB1] =	sst s9;
	s0 =	simm.s32 @!p0 $0x0  }
0x12: {  	s1 =	sld [smem:$0x3F97];
	s0 =	simm.s32 @p0 $0x1  }
0x13: {  	[smem:$0x3FB2] =	sst s0;
	s0 =	simm.s32 @!p1 $0x0  }
0x14: {  	s2 =	sld [smem:$0x3F96];
	s0 =	simm.s32 @p1 $0x1  }
0x15: {  	[smem:$0x3FB3] =	sst s0;
	s0 =	simm.s32 @!p2 $0x0  }
0x16: {  	s3 =	sld [smem:$0x3FDB];
	s0 =	simm.s32 @p2 $0x1  }
0x17: {  	s4 =	simm.s32 $0x1BF5;
	[smem:$0x3FB5] =	sst s0  }
0x18: {  	s0 =	sld [smem:$0x3F98];
	_ =	swait.ge [sflag:s4], $0x0  }
0x19: {  	s7 =	sld [smem:$0x3F99]  }
0x1a: {  	s8 =	sadd.s32 $0xFFFFE003, lr  }
0x1b: {  	s9 =	sadd.s32 $0xFFFFFEF7, lr;
	s5 =	simm.s32 $0xFFFFFFFF;
	p2 =	slt.u32 s8, $0xFFFFF086  }
0x1c: {  	p1 =	slt.u32 s9, $0xF7A;
	s5 =	simm.s32 @!p2 $0x0  }
0x1d: {  	s5 =	simm.s32 @p1 $0x1;
	p0 =	seq.s32 s7, s2  }
0x1e: {  	s7 =	smul.u32 @!p0 $0xF7A, s2;
	p2 =	seq.s32 @!p0 s5, $0x0  }
0x1f: {  	s9 =	smul.u32 $0xF7A, s1;
	s8 =	simm.s32 @!p0 $0x1BF5;
	p2 =	por !p2, p0  }
0x20: {  	[sflag:s8] =	ssyncset.s32 @!p0 $0xFFFFF086;
	s6 =	sadd.s32 @!p0 s3, s7;
	s7 =	simm.s32 @!p0 $0x108  }
0x21: {  	s3 =	sadd.s32 s3, s9;
	s6 =	sadd.s32 @!p0 $0x88, s6;
	s7 =	simm.s32 @p2 $0x1082  }
0x22: {  	[simem:s7], [sflag:s8] =	dma.local @!p0 [hbm:s6], $0xF7A  }
0x23: {  	s9 =	sor.u32 $0xD0000000, s2;
	s6 =	simm.s32 $0x108;
	_ =	swait.ge @!p0 [sflag:s8], $0x0  }
0x24: {  	s3 =	sadd.s32 $0x88, s3;
	s6 =	simm.s32 @!p1 $0x1082;
	[sflag:s4] =	ssyncset.s32 $0xFFFFF086  }
0x25: {  	[simem:s6], [sflag:s4] =	dma.local [hbm:s3], $0xF7A  }
0x26: {  	[smem:$0x3F99] =	sst s1;
	(tag) =	ssettag s2;
	_ =	strace s9  }
0x27: {  	s1 =	sld [smem:$0x3FA9]  }
0x28: {  	s2 =	sld [smem:$0x3FAA]  }
0x29: {  	s4 =	sld [smem:$0x3FAC]  }
0x2a: {  	p0 =	seq.s32 s5, $0x0;
	s5 =	sld [smem:$0x3FAD]  }
0x2b: {  	s6 =	sld [smem:$0x3FAE]  }
0x2c: {  	s7 =	sld [smem:$0x3FAF]  }
0x2d: {  	s3 =	simm.s32 $0x108;
	s8 =	sld [smem:$0x3FB0]  }
0x2e: {  	s3 =	simm.s32 @!p0 $0x1082;
	s9 =	sld [smem:$0x3FB1]  }
0x2f: {  	lr =	sadd.s32 s0, s3;
	s0 =	sld [smem:$0x3FA8]  }
0x30: {  	s3 =	sld [smem:$0x3FAB]  }
0x31: {  	[smem:$0x3FB4] =	sst s10  }
0x32: {  	s10 =	sld [smem:$0x3FB2];
	_ =	sdelay $0x3  }
0x33: {  	p0 =	seq.s32 s10, $0x1;
	s10 =	sld [smem:$0x3FB4];
	_ =	sdelay $0x3  }
0x34: {  	[smem:$0x3FB4] =	sst s10  }
0x35: {  	s10 =	sld [smem:$0x3FB3];
	_ =	sdelay $0x3  }
0x36: {  	p1 =	seq.s32 s10, $0x1;
	s10 =	sld [smem:$0x3FB4];
	_ =	sdelay $0x3  }
0x37: {  	[smem:$0x3FB4] =	sst s10  }
0x38: {  	s10 =	sld [smem:$0x3FB5]  }
0x39: {  	_ = 	snop;
	(pc) =	sbr.ind lr, $3  }
0x3a: {  	_ = 	snop  }
0x3b: {  	_ = 	snop  }
0x3c: {  	p2 =	seq.s32 s10, $0x1;
	s10 =	sld [smem:$0x3FB4]  }
0x3d: {  	_ =	shalt  }
0x3e: {  	_ =	shalt  }
0x3f: {  	_ =	shalt  }
0x40: {  	_ =	shalt  }
0x41: {  	_ =	shalt  }
0x42: {  	_ =	shalt  }
0x43: {  	_ =	shalt  }
0x44: {  	_ =	shalt  }
0x45: {  	_ =	shalt  }
0x46: {  	_ =	shalt  }
0x47: {  	_ =	shalt  }
0x48: {  	_ =	shalt  }
0x49: {  	_ =	shalt  }
0x4a: {  	_ =	shalt  }
0x4b: {  	_ =	shalt  }
0x4c: {  	_ =	shalt  }
0x4d: {  	_ =	shalt  }
0x4e: {  	_ =	shalt  }
0x4f: {  	_ =	shalt  }
0x50: {  	_ =	shalt  }
0x51: {  	_ =	shalt  }
0x52: {  	_ =	shalt  }
0x53: {  	_ =	shalt  }
0x54: {  	_ =	shalt  }
0x55: {  	_ =	shalt  }
0x56: {  	_ =	shalt  }
0x57: {  	_ =	shalt  }
0x58: {  	_ =	shalt  }
0x59: {  	_ =	shalt  }
0x5a: {  	_ =	shalt  }
0x5b: {  	_ =	shalt  }
0x5c: {  	_ =	shalt  }
0x5d: {  	_ =	shalt  }
0x5e: {  	_ =	shalt  }
0x5f: {  	_ =	shalt  }
0x60: {  	_ =	shalt  }
0x61: {  	_ =	shalt  }
0x62: {  	_ =	shalt  }
0x63: {  	_ =	shalt  }
0x64: {  	_ =	shalt  }
0x65: {  	_ =	shalt  }
0x66: {  	_ =	shalt  }
0x67: {  	_ =	shalt  }
0x68: {  	_ =	shalt  }
0x69: {  	_ =	shalt  }
0x6a: {  	_ =	shalt  }
0x6b: {  	_ =	shalt  }
0x6c: {  	_ =	shalt  }
0x6d: {  	_ =	shalt  }
0x6e: {  	_ =	shalt  }
0x6f: {  	_ =	shalt  }
0x70: {  	_ =	shalt  }
0x71: {  	_ =	shalt  }
0x72: {  	_ =	shalt  }
0x73: {  	_ =	shalt  }
0x74: {  	_ =	shalt  }
0x75: {  	_ =	shalt  }
0x76: {  	_ =	shalt  }
0x77: {  	_ =	shalt  }
0x78: {  	_ =	shalt  }
0x79: {  	_ =	shalt  }
0x7a: {  	_ =	shalt  }
0x7b: {  	_ =	shalt  }
0x7c: {  	_ =	shalt  }
0x7d: {  	_ =	shalt  }
0x7e: {  	_ =	shalt  }
0x7f: {  	_ =	shalt  }
0x80: {  	_ =	shalt  }
0x81: {  	_ =	shalt  }
0x82: {  	_ =	shalt  }
0x83: {  	_ =	shalt  }
0x84: {  	_ =	shalt  }
0x85: {  	_ =	shalt  }
0x86: {  	_ =	shalt  }
0x87: {  	_ =	shalt  }
.Lfunc_end0:
.L_simem_size_0:
called_computation.3_lowered:
.L_overlay_start_0:
0x88: {  	s2 =	sld [smem:$0x3FD9]  }
0x89: {  	s3 =	sld [smem:$0x3FFE];
	_ =	sdelay $0x1  }
0x8a: {  	s1 =	srdreg.scid  }
0x8b: {  	s0 =	sand.u32 $0x1, s1  }
0x8c: {  	s16 =	sshll.u32 s0, $0xA;
	s2 =	sadd.s32 s3, s2  }
0x8d: {  	s2 =	sadd.s32 s2, s16  }
0x8e: {  	[smem:$0x3FC0] =	sst s2  }
0x8f: {  	_ = 	snop  }
0x90: {  	(tm) =	ssettm $0x1  }
0x91: {  	s17 =	sld [smem:$0x3FFB];
	_ =	sdelay $0x3  }
0x92: {  	_ =	strace s17  }
0x93: {  	s2 =	sld [smem:$0x3FFC];
	_ =	sdelay $0x3  }
0x94: {  	_ =	strace s2  }
0x95: {  	s2 =	sld [smem:$0x3FFD];
	_ =	sdelay $0x3  }
0x96: {  	_ =	strace s2  }
0x97: {  	_ =	strace $0x8FFFFFFF  }
0x98: {  	s18 =	sld [smem:$0x3FDB];
	_ =	sdelay $0x1  }
0x99: {  	s19 =	simm.s32 $_scs_section_size  }
0x9a: {  	s4 =	simm.s32 $_size__tile_overlayer_lowered;
	s5 =	simm.s32 $_tile_overlayer_lowered  }
0x9b: {  	s22 =	simm.s32 $0x1BFF;
	s21 =	sshll.u32 s5, $0x1;
	s2 =	sadd.s32 s19, s18  }
0x9c: {  	s6 =	simm.s32 $0x0;
	s20 =	sshll.u32 s4, $0x1;
	s4 =	sadd.s32 s21, s2  }
0x9d: {  	[timem:s6], [sflag:s22] =	dma.local [hbm:s4], s20  }
0x9e: {  	_ =	swait.ge [sflag:s22], s20  }
0x9f: {  	s3 =	ssub.s32 $0x0, s20;
	[sflag:s22] =	ssyncset.done $0x0  }
0xa0: {  	[sflag:s22] =	ssyncadd.s32 s3;
	_ =	sdelay $0x1  }
0xa1: {  	s23 =	simm.s32 $0x1B8B  }
0xa2: {  	_ =	swait.ge [sflag:s23], $0x1  }
0xa3: {  	[sflag:s23] =	ssyncset.done $0x0  }
0xa4: {  	s25 =	simm.s32 $0x1B8E;
	s24 =	sld [smem:$0x3FFE];
	[sflag:s23] =	ssyncadd.s32 $0xFFFFFFFF  }
0xa5: {  	s26 =	simm.s32 $execute0_lowered;
	[smem:$0x3FD2] =	sst s25  }
0xa6: {  	s4 =	sshll.u32 s26, $0x1;
	_ =	strace $0x8000004F;
	[dreg:$0x1] =	wrdreg $0xFFFFFFFF  }
0xa7: {  	s28 =	simm.s32 $_size_execute0_lowered;
	s2 =	sadd.s32 s2, s4;
	[dreg:$0x0] =	wrdreg $0x0  }
0xa8: {  	s4 =	sshll.u32 s28, $0x1;
	[dreg:$0x2] =	wrdreg s2  }
0xa9: {  	[dreg:$0x3] =	wrdreg s4  }
0xaa: {  	[dreg:$0x4] =	wrdreg $0xC0  }
0xab: {  	_ =	task [dreg:s6], $0x5FFFF  }
0xac: {  	[dreg:$0x1] =	wrdreg $0xFFFFFFFF  }
0xad: {  	[dreg:$0x0] =	wrdreg $0x60  }
0xae: {  	[dreg:$0x2] =	wrdreg s24  }
0xaf: {  	[dreg:$0x3] =	wrdreg $0xB2000  }
0xb0: {  	[dreg:$0x4] =	wrdreg $0x9  }
0xb1: {  	_ =	task.clear_ibuf [dreg:s6], $0x5FFFF;
	_ =	strace $0x9000004F  }
0xb2: {  	s29 =	simm.s32 $0x9;
	_ =	strace $0x80000051  }
0xb3: {  	_ =	swait.ge [sflag:s29], $0x1  }
0xb4: {  	[sflag:s29] =	ssyncadd.s32 $0xFFFFFFFF  }
0xb5: {  	_ =	strace $0x90000051  }
0xb6: {  	_ =	sfence  }
0xb7: {  	s30 =	sld [smem:$0x0];
	_ =	sdelay $0x2  }
0xb8: {  	s31 =	sshll.u32 s1, $0xD;
	s1 =	sshrl.u32 s1, $0x2  }
0xb9: {  	s3 =	sand.u32 $0x4000, s31;
	s1 =	sadd.s32 s1, s30  }
0xba: {  	s0 =	sor.u32 s3, s0;
	s1 =	sshll.u32 s1, $0x11  }
0xbb: {  	s0 =	sor.u32 s1, s0  }
0xbc: {  	s0 =	sadd.s32 $0x8F2B, s0  }
0xbd: {  	[sflag:s0] =	ssyncadd.remote.s32 $0x1  }
0xbe: {  	_ =	sfence.sel $0xFFFF  }
0xbf: {  	[dreg:$0x0] =	wrdreg $0xFFFFFFFF;
	(pc) =	sbr.abs _section_cstart, $3  }
0xc0: {  	[dreg:$0x1] =	wrdreg $0xFFFFFFFF  }
0xc1: {  	_ =	task.clear_ibuf [dreg:s6], $0x2FFFF;
	_ =	strace $0x9FFFFFFF  }
0xc2: {  	(tm) =	ssettm $0x7FFFFFFF  }
0xc3: {  	_ =	shalt  }
tec
execute0_lowered:
.L_overlay_start_1:
0x0: {  	(tag) =	ssettag $0x1  }
0x1: {  	s1 =	srdreg.scid  }
0x2: {  	s0 =	stileid.u32;
	s6 =	rddreg [dreg:$0x0]  }
0x3: {  	s2 =	rddreg [dreg:$0x1];
	s3 =	simm.s32 $0x0;
	s12 =	simm.s32 $0x2  }
0x4: {  	s13 =	simm.s32 $0x100;
	s14 =	simm.s32 $0x3000;
	s15 =	simm.s32 $0x1  }
0x5: {  	s16 =	simm.s32 $0x3100;
	s5 =	sand.u32 $0x1, s1;
	s9 =	smul.u32 $0x13C00, s0  }
0x6: {  	s24 =	sshll.u32 s0, $0x1;
	[smem:$0x7FF] =	sst s3;
	s10 =	smul.u32 $0x4F000, s0  }
0x7: {  	s4 =	sadd.s32 $0x4200, s6;
	s17 =	sshll.u32 s0, $0x6;
	s1 =	sor.u32 s5, s24  }
0x8: {  	s8 =	smul.u32 $0x13C000, s5;
	s26 =	ssub.s32 $0x2, s5;
	s17 =	sor.u32 $0x1C02, s17  }
0x9: {  	s7 =	smul.u32 $0x500, s1;
	s1 =	rddreg [dreg:$0x2];
	_ =	strace $0x80000050  }
0xa: {  	s28 =	sshrl.u32 s10, $0x2;
	s30 =	sshrl.u32 s26, $0x1;
	s25 =	sadd.s32 s9, s8  }
0xb: {  	s5 =	sadd.s32 s28, s2;
	s31 =	ssub.s32 s26, s30;
	s11 =	sadd.s32 s7, s6  }
0xc: {  	s7 =	sshrl.u32 s25, $0x3;
	s10 =	smax.u32 s31, $0x1;
	s18 =	sshrl.u32 s5, $0x3  }
0xd: {  	s29 =	sadd.s32 s7, s6;
	s6 =	sadd.s32 $0x8000, s5;
	s7 =	sadd.s32 $0x10000, s5  }
0xe: {  	v0 =	vimm.f32 $0.0e+00;
	s8 =	sadd.s32 $0xAC200, s11;
	s11 =	simm.s32 $0x3200;
	s9 =	sadd.s32 $0x52600, s29  }
.LBB2_1:
0xf: {  	s19 =	simm.s32 $0x0;
	s20 =	simm.s32 $0x200  }
.LBB2_2:
0x10: {  	p0 =	sne.s32 s20, $0x1FE00;
	[tilespmem:s19+$0x3270] =	vst v0  }
0x11: {  	[tilespmem:s19+$0x3200] =	vst v0  }
0x12: {  	[tilespmem:s19+$0x3210] =	vst v0  }
.Ltmp0:
0x13: {  	[tilespmem:s19+$0x3220] =	vst v0;
	(pc) =	sbr.rel @p0 .LBB2_2-.Ltmp0, $4  }
0x14: {  	[tilespmem:s19+$0x3230] =	vst v0  }
0x15: {  	[tilespmem:s19+$0x3240] =	vst v0  }
0x16: {  	[tilespmem:s19+$0x3250] =	vst v0  }
0x17: {  	[tilespmem:s19+$0x3260] =	vst v0;
	s19 =	sshra.s32 s20, $0x2;
	s20 =	sadd.s32 $0x200, s20  }
0x18: {  	[tilespmem:s19+$0x3270] =	vst v0  }
0x19: {  	[tilespmem:s19+$0x3200] =	vst v0  }
0x1a: {  	[tilespmem:s19+$0x3210] =	vst v0  }
0x1b: {  	[tilespmem:s19+$0x3220] =	vst v0  }
0x1c: {  	[tilespmem:s19+$0x3230] =	vst v0  }
0x1d: {  	[tilespmem:s19+$0x3240] =	vst v0  }
0x1e: {  	[tilespmem:s19+$0x3250] =	vst v0  }
0x1f: {  	[tilespmem:s19+$0x3260] =	vst v0  }
0x20: {  	[spmem:s5] =	stream.linear.scatter [tilespmem:s11], [sflag:$0x2], $0x8000, $0x38;
	[tilespmem:$0x1EE00] =	vst v63  }
0x21: {  	_ =	swait.ge [sflag:s12], $0x8000  }
0x22: {  	[sflag:s12] =	ssyncset.done $0x0  }
0x23: {  	[sflag:s12] =	ssyncadd.s32 $0xFFFF8000  }
0x24: {  	[spmem:s6] =	stream.linear.scatter [tilespmem:s11], [sflag:$0x2], $0x8000, $0x38;
	[tilespmem:$0x1EE00] =	vst v63  }
0x25: {  	_ =	swait.ge [sflag:s12], $0x8000  }
0x26: {  	[sflag:s12] =	ssyncset.done $0x0  }
0x27: {  	[sflag:s12] =	ssyncadd.s32 $0xFFFF8000  }
0x28: {  	[spmem:s7] =	stream.linear.scatter [tilespmem:s11], [sflag:$0x2], $0x3C00, $0x38;
	[tilespmem:$0x1EE00] =	vst v63  }
0x29: {  	_ =	swait.ge [sflag:s12], $0x3C00  }
0x2a: {  	[sflag:s12] =	ssyncset.done $0x0  }
0x2b: {  	[sflag:s12] =	ssyncadd.s32 $0xFFFFC400  }
0x2c: {  	s19 =	simm.s32 $0x0;
	[bflag:$0x0] =	sbarrier.arrive $0xFFFF  }
0x2d: {  	[tilespmem:s19], [sflag:$0x2] =	stream.linear.gather [hbm4b:s8+s19], $0x2800, $0x38;
	[tilespmem:$0x1EE00] =	vst v63  }
0x2e: {  	_ =	swait.ge [sflag:s12], $0x2800  }
0x2f: {  	s20 =	sand.u32 $0x3800, s19;
	s21 =	sand.u32 $0x380, s19;
	[sflag:s12] =	ssyncset.done $0x0  }
0x30: {  	s20 =	sor.u32 s21, s20;
	[sflag:s12] =	ssyncadd.s32 $0xFFFFD800  }
0x31: {  	v1 =	vld [tilespmem:s20+$0x0];
	_ =	sdelay $0x4  }
0x32: {  	v2 =	vand.u32 $0xFFFF, v1  }
0x33: {  	v1 =	vshrl.u32 v1, $0x10;
	[tilespmem:$0x3000] =	vst v2  }
0x34: {  	[tilespmem:$0x3100] =	vst v1  }
0x35: {  	v1 =	vld [tilespmem:s20+$0x10];
	_ =	sdelay $0x4  }
0x36: {  	v2 =	vand.u32 $0xFFFF, v1  }
0x37: {  	v1 =	vshrl.u32 v1, $0x10;
	[tilespmem:$0x3010] =	vst v2  }
0x38: {  	[tilespmem:$0x3110] =	vst v1  }
0x39: {  	v1 =	vld [tilespmem:s20+$0x20];
	_ =	sdelay $0x4  }
0x3a: {  	v2 =	vand.u32 $0xFFFF, v1  }
0x3b: {  	v1 =	vshrl.u32 v1, $0x10;
	[tilespmem:$0x3020] =	vst v2  }
0x3c: {  	[tilespmem:$0x3120] =	vst v1  }
0x3d: {  	v1 =	vld [tilespmem:s20+$0x30];
	_ =	sdelay $0x4  }
0x3e: {  	v2 =	vand.u32 $0xFFFF, v1  }
0x3f: {  	v1 =	vshrl.u32 v1, $0x10;
	[tilespmem:$0x3030] =	vst v2  }
0x40: {  	[tilespmem:$0x3130] =	vst v1  }
0x41: {  	v1 =	vld [tilespmem:s20+$0x40];
	_ =	sdelay $0x4  }
0x42: {  	v2 =	vand.u32 $0xFFFF, v1  }
0x43: {  	v1 =	vshrl.u32 v1, $0x10;
	[tilespmem:$0x3040] =	vst v2  }
0x44: {  	[tilespmem:$0x3140] =	vst v1  }
0x45: {  	v1 =	vld [tilespmem:s20+$0x50];
	_ =	sdelay $0x4  }
0x46: {  	v2 =	vand.u32 $0xFFFF, v1  }
0x47: {  	v1 =	vshrl.u32 v1, $0x10;
	[tilespmem:$0x3050] =	vst v2  }
0x48: {  	[tilespmem:$0x3150] =	vst v1  }
0x49: {  	v1 =	vld [tilespmem:s20+$0x60];
	_ =	sdelay $0x4  }
0x4a: {  	v2 =	vand.u32 $0xFFFF, v1  }
0x4b: {  	v1 =	vshrl.u32 v1, $0x10;
	[tilespmem:$0x3060] =	vst v2  }
0x4c: {  	[tilespmem:$0x3160] =	vst v1  }
0x4d: {  	v1 =	vld [tilespmem:s20+$0x70];
	_ =	sdelay $0x4  }
0x4e: {  	v2 =	vand.u32 $0xFFFF, v1  }
0x4f: {  	v1 =	vshrl.u32 v1, $0x10;
	[tilespmem:$0x3070] =	vst v2  }
0x50: {  	[tilespmem:$0x3170] =	vst v1  }
0x51: {  	v1 =	vld [tilespmem:s20+$0x400];
	_ =	sdelay $0x4  }
0x52: {  	v2 =	vand.u32 $0xFFFF, v1  }
0x53: {  	v1 =	vshrl.u32 v1, $0x10;
	[tilespmem:$0x3080] =	vst v2  }
0x54: {  	[tilespmem:$0x3180] =	vst v1  }
0x55: {  	v1 =	vld [tilespmem:s20+$0x410];
	_ =	sdelay $0x4  }
0x56: {  	v2 =	vand.u32 $0xFFFF, v1  }
0x57: {  	v1 =	vshrl.u32 v1, $0x10;
	[tilespmem:$0x3090] =	vst v2  }
0x58: {  	[tilespmem:$0x3190] =	vst v1  }
0x59: {  	v1 =	vld [tilespmem:s20+$0x420];
	_ =	sdelay $0x4  }
0x5a: {  	v2 =	vand.u32 $0xFFFF, v1  }
0x5b: {  	v1 =	vshrl.u32 v1, $0x10;
	[tilespmem:$0x30A0] =	vst v2  }
0x5c: {  	[tilespmem:$0x31A0] =	vst v1  }
0x5d: {  	v1 =	vld [tilespmem:s20+$0x430];
	_ =	sdelay $0x4  }
0x5e: {  	v2 =	vand.u32 $0xFFFF, v1  }
0x5f: {  	v1 =	vshrl.u32 v1, $0x10;
	[tilespmem:$0x30B0] =	vst v2  }
0x60: {  	[tilespmem:$0x31B0] =	vst v1  }
0x61: {  	v1 =	vld [tilespmem:s20+$0x440];
	_ =	sdelay $0x4  }
0x62: {  	v2 =	vand.u32 $0xFFFF, v1  }
0x63: {  	v1 =	vshrl.u32 v1, $0x10;
	[tilespmem:$0x30C0] =	vst v2  }
0x64: {  	[tilespmem:$0x31C0] =	vst v1  }
0x65: {  	v1 =	vld [tilespmem:s20+$0x450];
	_ =	sdelay $0x4  }
0x66: {  	v2 =	vand.u32 $0xFFFF, v1  }
0x67: {  	v1 =	vshrl.u32 v1, $0x10;
	[tilespmem:$0x30D0] =	vst v2  }
0x68: {  	[tilespmem:$0x31D0] =	vst v1  }
0x69: {  	v1 =	vld [tilespmem:s20+$0x460];
	_ =	sdelay $0x4  }
0x6a: {  	v2 =	vand.u32 $0xFFFF, v1  }
0x6b: {  	s21 =	simm.s32 $0x100;
	v1 =	vshrl.u32 v1, $0x10;
	[tilespmem:$0x30E0] =	vst v2  }
.LBB2_4:
0x6c: {  	p0 =	sne.s32 s21, $0x2700  }
0x6d: {  	[tilespmem:$0x31E0] =	vst v1;
	s19 =	sadd.s32 $0x80, s19;
	s22 =	smov.u32 s21;
	s21 =	sadd.s32 $0x100, s21  }
0x6e: {  	v1 =	vld [tilespmem:s20+$0x470];
	_ =	sdelay $0x4  }
0x6f: {  	v2 =	vand.u32 $0xFFFF, v1;
	v1 =	vshrl.u32 v1, $0x10  }
0x70: {  	[tilespmem:$0x30F0] =	vst v2  }
0x71: {  	[tilespmem:$0x31F0] =	vst v1  }
0x72: {  	[tilespmem:s11], [sflag:$0x1] =	stream.indirect.gather [hbm4b:s4+s13], $0x80, s14, s13, $0xb8;
	[tilespmem:$0x1EE00] =	vst v63  }
0x73: {  	_ =	swait.ge [sflag:s15], $0x8000  }
0x74: {  	[sflag:s15] =	ssyncset.done $0x0  }
0x75: {  	[sflag:s15] =	ssyncadd.s32 $0xFFFF8000  }
0x76: {  	[spmem:s2] =	stream.indirect.scatter.add.f32 [tilespmem:s11], [sflag:$0x2], $0x80, s16, s13, $0xb8;
	[tilespmem:$0x1EE00] =	vst v63  }
0x77: {  	_ =	swait.ge [sflag:s12], $0x8000  }
0x78: {  	s20 =	sand.u32 $0x3800, s22;
	s22 =	sand.u32 $0x380, s19;
	[sflag:s12] =	ssyncset.done $0x0  }
0x79: {  	s20 =	sor.u32 s22, s20;
	[sflag:s12] =	ssyncadd.s32 $0xFFFF8000  }
0x7a: {  	v1 =	vld [tilespmem:s20+$0x0];
	_ =	sdelay $0x4  }
0x7b: {  	v2 =	vand.u32 $0xFFFF, v1;
	v1 =	vshrl.u32 v1, $0x10  }
0x7c: {  	[tilespmem:$0x3000] =	vst v2  }
0x7d: {  	[tilespmem:$0x3100] =	vst v1  }
0x7e: {  	v1 =	vld [tilespmem:s20+$0x10];
	_ =	sdelay $0x4  }
0x7f: {  	v2 =	vand.u32 $0xFFFF, v1;
	v1 =	vshrl.u32 v1, $0x10  }
0x80: {  	[tilespmem:$0x3010] =	vst v2  }
0x81: {  	[tilespmem:$0x3110] =	vst v1  }
0x82: {  	v1 =	vld [tilespmem:s20+$0x20];
	_ =	sdelay $0x4  }
0x83: {  	v2 =	vand.u32 $0xFFFF, v1;
	v1 =	vshrl.u32 v1, $0x10  }
0x84: {  	[tilespmem:$0x3020] =	vst v2  }
0x85: {  	[tilespmem:$0x3120] =	vst v1  }
0x86: {  	v1 =	vld [tilespmem:s20+$0x30];
	_ =	sdelay $0x4  }
0x87: {  	v2 =	vand.u32 $0xFFFF, v1;
	v1 =	vshrl.u32 v1, $0x10  }
0x88: {  	[tilespmem:$0x3030] =	vst v2  }
0x89: {  	[tilespmem:$0x3130] =	vst v1  }
0x8a: {  	v1 =	vld [tilespmem:s20+$0x40];
	_ =	sdelay $0x4  }
0x8b: {  	v2 =	vand.u32 $0xFFFF, v1;
	v1 =	vshrl.u32 v1, $0x10  }
0x8c: {  	[tilespmem:$0x3040] =	vst v2  }
0x8d: {  	[tilespmem:$0x3140] =	vst v1  }
0x8e: {  	v1 =	vld [tilespmem:s20+$0x50];
	_ =	sdelay $0x4  }
0x8f: {  	v2 =	vand.u32 $0xFFFF, v1;
	v1 =	vshrl.u32 v1, $0x10  }
0x90: {  	[tilespmem:$0x3050] =	vst v2  }
0x91: {  	[tilespmem:$0x3150] =	vst v1  }
0x92: {  	v1 =	vld [tilespmem:s20+$0x60];
	_ =	sdelay $0x4  }
0x93: {  	v2 =	vand.u32 $0xFFFF, v1;
	v1 =	vshrl.u32 v1, $0x10  }
0x94: {  	[tilespmem:$0x3060] =	vst v2  }
0x95: {  	[tilespmem:$0x3160] =	vst v1  }
0x96: {  	v1 =	vld [tilespmem:s20+$0x70];
	_ =	sdelay $0x4  }
0x97: {  	v2 =	vand.u32 $0xFFFF, v1;
	v1 =	vshrl.u32 v1, $0x10  }
0x98: {  	[tilespmem:$0x3070] =	vst v2  }
0x99: {  	[tilespmem:$0x3170] =	vst v1  }
0x9a: {  	v1 =	vld [tilespmem:s20+$0x400];
	_ =	sdelay $0x4  }
0x9b: {  	v2 =	vand.u32 $0xFFFF, v1;
	v1 =	vshrl.u32 v1, $0x10  }
0x9c: {  	[tilespmem:$0x3080] =	vst v2  }
0x9d: {  	[tilespmem:$0x3180] =	vst v1  }
0x9e: {  	v1 =	vld [tilespmem:s20+$0x410];
	_ =	sdelay $0x4  }
0x9f: {  	v2 =	vand.u32 $0xFFFF, v1;
	v1 =	vshrl.u32 v1, $0x10  }
0xa0: {  	[tilespmem:$0x3090] =	vst v2  }
0xa1: {  	[tilespmem:$0x3190] =	vst v1  }
0xa2: {  	v1 =	vld [tilespmem:s20+$0x420];
	_ =	sdelay $0x4  }
0xa3: {  	v2 =	vand.u32 $0xFFFF, v1;
	v1 =	vshrl.u32 v1, $0x10  }
0xa4: {  	[tilespmem:$0x30A0] =	vst v2  }
0xa5: {  	[tilespmem:$0x31A0] =	vst v1  }
0xa6: {  	v1 =	vld [tilespmem:s20+$0x430];
	_ =	sdelay $0x4  }
0xa7: {  	v2 =	vand.u32 $0xFFFF, v1;
	v1 =	vshrl.u32 v1, $0x10  }
0xa8: {  	[tilespmem:$0x30B0] =	vst v2  }
0xa9: {  	[tilespmem:$0x31B0] =	vst v1  }
0xaa: {  	v1 =	vld [tilespmem:s20+$0x440];
	_ =	sdelay $0x4  }
0xab: {  	v2 =	vand.u32 $0xFFFF, v1;
	v1 =	vshrl.u32 v1, $0x10  }
0xac: {  	[tilespmem:$0x30C0] =	vst v2  }
0xad: {  	[tilespmem:$0x31C0] =	vst v1  }
0xae: {  	v1 =	vld [tilespmem:s20+$0x450];
	_ =	sdelay $0x4  }
0xaf: {  	v2 =	vand.u32 $0xFFFF, v1;
	v1 =	vshrl.u32 v1, $0x10  }
0xb0: {  	[tilespmem:$0x30D0] =	vst v2  }
0xb1: {  	[tilespmem:$0x31D0] =	vst v1  }
0xb2: {  	v1 =	vld [tilespmem:s20+$0x460];
	_ =	sdelay $0x1  }
.Ltmp1:
0xb3: {  	(pc) =	sbr.rel @p0 .LBB2_4-.Ltmp1, $3  }
0xb4: {  	_ =	sdelay $0x1  }
0xb5: {  	v2 =	vand.u32 $0xFFFF, v1;
	v1 =	vshrl.u32 v1, $0x10  }
0xb6: {  	[tilespmem:$0x30E0] =	vst v2  }
0xb7: {  	[tilespmem:$0x31E0] =	vst v1  }
0xb8: {  	v1 =	vld [tilespmem:s20+$0x470];
	_ =	sdelay $0x4  }
0xb9: {  	v2 =	vand.u32 $0xFFFF, v1  }
0xba: {  	v1 =	vshrl.u32 v1, $0x10;
	[tilespmem:$0x30F0] =	vst v2  }
0xbb: {  	[tilespmem:$0x31F0] =	vst v1  }
0xbc: {  	[tilespmem:s11], [sflag:$0x1] =	stream.indirect.gather [hbm4b:s4+s13], $0x80, s14, s13, $0xb8;
	[tilespmem:$0x1EE00] =	vst v63  }
0xbd: {  	_ =	swait.ge [sflag:s15], $0x8000  }
0xbe: {  	[sflag:s15] =	ssyncset.done $0x0  }
0xbf: {  	[sflag:s15] =	ssyncadd.s32 $0xFFFF8000  }
0xc0: {  	[spmem:s2] =	stream.indirect.scatter.add.f32 [tilespmem:s11], [sflag:$0x2], $0x80, s16, s13, $0xb8;
	[tilespmem:$0x1EE00] =	vst v63  }
0xc1: {  	_ =	swait.ge [sflag:s12], $0x8000  }
0xc2: {  	s3 =	sadd.s32 $0x1, s3;
	[sflag:s12] =	ssyncset.done $0x0  }
0xc3: {  	p0 =	sne.s32 s3, s10;
	[sflag:s12] =	ssyncadd.s32 $0xFFFF8000  }
.Ltmp2:
0xc4: {  	[bflag:$0x0] =	sbarrier.arrive $0xFFFF;
	(pc) =	sbr.rel @p0 .LBB2_1-.Ltmp2, $4  }
0xc5: {  	[hbm:s9], [sflag:s17] =	dma.local [spmem:s18], $0x2780  }
0xc6: {  	_ =	swait.ge [sflag:s12], $0x2780  }
0xc7: {  	[sflag:s12] =	ssyncset.done $0x0  }
0xc8: {  	[sflag:s12] =	ssyncadd.s32 $0xFFFFD880  }
0xc9: {  	_ =	sfence.sel $0x180000  }
0xca: {  	[bflag:$0x0] =	sbarrier.arrive $0xFFFF  }
0xcb: {  	p0 =	sne.s32 s0, $0x0;
	_ =	strace $0x90000050  }
0xcc: {  	s0 =	sadd.s32 @!p0 $0x100000, s1;
	[bflag:$0x2] =	sbarrier.arrive $0xFFFF  }
0xcd: {  	[sflag:s0] =	ssyncadd.tile.s32 @!p0 $0x1;
	_ =	shalt  }
.Lfunc_end2:
_tile_overlayer_lowered:
.L_overlay_start_2:
0xce: {  	(tag) =	ssettag $0x2  }
0xcf: {  	s0 =	rddreg [dreg:$0x0];
	s2 =	stileid.u32  }
0xd0: {  	s1 =	rddreg [dreg:$0x1];
	p0 =	sne.s32 s2, $0x0  }
0xd1: {  	s3 =	rddreg [dreg:$0x2];
	[bflag:$0x3] =	sbarrier.arrive $0xFFFF;
	s2 =	simm.s32 @!p0 $0x1C02  }
0xd2: {  	[timem:s3], [sflag:s2] =	dma.local @!p0 [hbm:s0], s1  }
0xd3: {  	s0 =	simm.s32 @!p0 $0x2  }
0xd4: {  	_ =	swait.ge @!p0 [sflag:s0], s1  }
0xd5: {  	s1 =	ssub.s32 @!p0 $0x0, s1;
	[sflag:s0] =	ssyncset.done @!p0 $0x0  }
0xd6: {  	[sflag:s0] =	ssyncadd.s32 @!p0 s1  }
0xd7: {  	[bflag:$0x3] =	sbarrier.arrive $0xFFFF  }
0xd8: {  	_ =	shalt  }

// kernel: kernel.25.cloned.1.call-start
scs
__scs_entry_jumppad:
0x0: {  	(pc) =	sbr.rel $0x88, $3  }
0x1: {  	(tag) =	ssettag $0x0;
	lr =	simm.s32 $0x1  }
0x2: {  	[smem:$0x3F99] =	sst lr;
	_ =	strace $0xD0000000  }
0x3: {  	_ = 	snop  }
0x4: {  	_ = 	snop  }
0x5: {  	_ = 	snop  }
0x6: {  	_ = 	snop  }
0x7: {  	_ = 	snop  }
__scs_overlays_trampoline_lowered:
0x8: {  	[smem:$0x3FA8] =	sst s0  }
0x9: {  	[smem:$0x3FA9] =	sst s1  }
0xa: {  	[smem:$0x3FAA] =	sst s2  }
0xb: {  	[smem:$0x3FAB] =	sst s3  }
0xc: {  	[smem:$0x3FAC] =	sst s4  }
0xd: {  	[smem:$0x3FAD] =	sst s5  }
0xe: {  	[smem:$0x3FAE] =	sst s6  }
0xf: {  	[smem:$0x3FAF] =	sst s7  }
0x10: {  	[smem:$0x3FB0] =	sst s8  }
0x11: {  	[smem:$0x3FB1] =	sst s9;
	s0 =	simm.s32 @!p0 $0x0  }
0x12: {  	s1 =	sld [smem:$0x3F97];
	s0 =	simm.s32 @p0 $0x1  }
0x13: {  	[smem:$0x3FB2] =	sst s0;
	s0 =	simm.s32 @!p1 $0x0  }
0x14: {  	s2 =	sld [smem:$0x3F96];
	s0 =	simm.s32 @p1 $0x1  }
0x15: {  	[smem:$0x3FB3] =	sst s0;
	s0 =	simm.s32 @!p2 $0x0  }
0x16: {  	s3 =	sld [smem:$0x3FDB];
	s0 =	simm.s32 @p2 $0x1  }
0x17: {  	s4 =	simm.s32 $0x1BF5;
	[smem:$0x3FB5] =	sst s0  }
0x18: {  	s0 =	sld [smem:$0x3F98];
	_ =	swait.ge [sflag:s4], $0x0  }
0x19: {  	s7 =	sld [smem:$0x3F99]  }
0x1a: {  	s8 =	sadd.s32 $0xFFFFE003, lr  }
0x1b: {  	s9 =	sadd.s32 $0xFFFFFEF7, lr;
	s5 =	simm.s32 $0xFFFFFFFF;
	p2 =	slt.u32 s8, $0xFFFFF086  }
0x1c: {  	p1 =	slt.u32 s9, $0xF7A;
	s5 =	simm.s32 @!p2 $0x0  }
0x1d: {  	s5 =	simm.s32 @p1 $0x1;
	p0 =	seq.s32 s7, s2  }
0x1e: {  	s7 =	smul.u32 @!p0 $0xF7A, s2;
	p2 =	seq.s32 @!p0 s5, $0x0  }
0x1f: {  	s9 =	smul.u32 $0xF7A, s1;
	s8 =	simm.s32 @!p0 $0x1BF5;
	p2 =	por !p2, p0  }
0x20: {  	[sflag:s8] =	ssyncset.s32 @!p0 $0xFFFFF086;
	s6 =	sadd.s32 @!p0 s3, s7;
	s7 =	simm.s32 @!p0 $0x108  }
0x21: {  	s3 =	sadd.s32 s3, s9;
	s6 =	sadd.s32 @!p0 $0x88, s6;
	s7 =	simm.s32 @p2 $0x1082  }
0x22: {  	[simem:s7], [sflag:s8] =	dma.local @!p0 [hbm:s6], $0xF7A  }
0x23: {  	s9 =	sor.u32 $0xD0000000, s2;
	s6 =	simm.s32 $0x108;
	_ =	swait.ge @!p0 [sflag:s8], $0x0  }
0x24: {  	s3 =	sadd.s32 $0x88, s3;
	s6 =	simm.s32 @!p1 $0x1082;
	[sflag:s4] =	ssyncset.s32 $0xFFFFF086  }
0x25: {  	[simem:s6], [sflag:s4] =	dma.local [hbm:s3], $0xF7A  }
0x26: {  	[smem:$0x3F99] =	sst s1;
	(tag) =	ssettag s2;
	_ =	strace s9  }
0x27: {  	s1 =	sld [smem:$0x3FA9]  }
0x28: {  	s2 =	sld [smem:$0x3FAA]  }
0x29: {  	s4 =	sld [smem:$0x3FAC]  }
0x2a: {  	p0 =	seq.s32 s5, $0x0;
	s5 =	sld [smem:$0x3FAD]  }
0x2b: {  	s6 =	sld [smem:$0x3FAE]  }
0x2c: {  	s7 =	sld [smem:$0x3FAF]  }
0x2d: {  	s3 =	simm.s32 $0x108;
	s8 =	sld [smem:$0x3FB0]  }
0x2e: {  	s3 =	simm.s32 @!p0 $0x1082;
	s9 =	sld [smem:$0x3FB1]  }
0x2f: {  	lr =	sadd.s32 s0, s3;
	s0 =	sld [smem:$0x3FA8]  }
0x30: {  	s3 =	sld [smem:$0x3FAB]  }
0x31: {  	[smem:$0x3FB4] =	sst s10  }
0x32: {  	s10 =	sld [smem:$0x3FB2];
	_ =	sdelay $0x3  }
0x33: {  	p0 =	seq.s32 s10, $0x1;
	s10 =	sld [smem:$0x3FB4];
	_ =	sdelay $0x3  }
0x34: {  	[smem:$0x3FB4] =	sst s10  }
0x35: {  	s10 =	sld [smem:$0x3FB3];
	_ =	sdelay $0x3  }
0x36: {  	p1 =	seq.s32 s10, $0x1;
	s10 =	sld [smem:$0x3FB4];
	_ =	sdelay $0x3  }
0x37: {  	[smem:$0x3FB4] =	sst s10  }
0x38: {  	s10 =	sld [smem:$0x3FB5]  }
0x39: {  	_ = 	snop;
	(pc) =	sbr.ind lr, $3  }
0x3a: {  	_ = 	snop  }
0x3b: {  	_ = 	snop  }
0x3c: {  	p2 =	seq.s32 s10, $0x1;
	s10 =	sld [smem:$0x3FB4]  }
0x3d: {  	_ =	shalt  }
0x3e: {  	_ =	shalt  }
0x3f: {  	_ =	shalt  }
0x40: {  	_ =	shalt  }
0x41: {  	_ =	shalt  }
0x42: {  	_ =	shalt  }
0x43: {  	_ =	shalt  }
0x44: {  	_ =	shalt  }
0x45: {  	_ =	shalt  }
0x46: {  	_ =	shalt  }
0x47: {  	_ =	shalt  }
0x48: {  	_ =	shalt  }
0x49: {  	_ =	shalt  }
0x4a: {  	_ =	shalt  }
0x4b: {  	_ =	shalt  }
0x4c: {  	_ =	shalt  }
0x4d: {  	_ =	shalt  }
0x4e: {  	_ =	shalt  }
0x4f: {  	_ =	shalt  }
0x50: {  	_ =	shalt  }
0x51: {  	_ =	shalt  }
0x52: {  	_ =	shalt  }
0x53: {  	_ =	shalt  }
0x54: {  	_ =	shalt  }
0x55: {  	_ =	shalt  }
0x56: {  	_ =	shalt  }
0x57: {  	_ =	shalt  }
0x58: {  	_ =	shalt  }
0x59: {  	_ =	shalt  }
0x5a: {  	_ =	shalt  }
0x5b: {  	_ =	shalt  }
0x5c: {  	_ =	shalt  }
0x5d: {  	_ =	shalt  }
0x5e: {  	_ =	shalt  }
0x5f: {  	_ =	shalt  }
0x60: {  	_ =	shalt  }
0x61: {  	_ =	shalt  }
0x62: {  	_ =	shalt  }
0x63: {  	_ =	shalt  }
0x64: {  	_ =	shalt  }
0x65: {  	_ =	shalt  }
0x66: {  	_ =	shalt  }
0x67: {  	_ =	shalt  }
0x68: {  	_ =	shalt  }
0x69: {  	_ =	shalt  }
0x6a: {  	_ =	shalt  }
0x6b: {  	_ =	shalt  }
0x6c: {  	_ =	shalt  }
0x6d: {  	_ =	shalt  }
0x6e: {  	_ =	shalt  }
0x6f: {  	_ =	shalt  }
0x70: {  	_ =	shalt  }
0x71: {  	_ =	shalt  }
0x72: {  	_ =	shalt  }
0x73: {  	_ =	shalt  }
0x74: {  	_ =	shalt  }
0x75: {  	_ =	shalt  }
0x76: {  	_ =	shalt  }
0x77: {  	_ =	shalt  }
0x78: {  	_ =	shalt  }
0x79: {  	_ =	shalt  }
0x7a: {  	_ =	shalt  }
0x7b: {  	_ =	shalt  }
0x7c: {  	_ =	shalt  }
0x7d: {  	_ =	shalt  }
0x7e: {  	_ =	shalt  }
0x7f: {  	_ =	shalt  }
0x80: {  	_ =	shalt  }
0x81: {  	_ =	shalt  }
0x82: {  	_ =	shalt  }
0x83: {  	_ =	shalt  }
0x84: {  	_ =	shalt  }
0x85: {  	_ =	shalt  }
0x86: {  	_ =	shalt  }
0x87: {  	_ =	shalt  }
.Lfunc_end0:
.L_simem_size_0:
called_computation.4_lowered:
.L_overlay_start_0:
0x88: {  	s2 =	sld [smem:$0x3FD9]  }
0x89: {  	s3 =	sld [smem:$0x3FFE];
	_ =	sdelay $0x1  }
0x8a: {  	s1 =	srdreg.scid  }
0x8b: {  	s0 =	sand.u32 $0x1, s1  }
0x8c: {  	s16 =	sshll.u32 s0, $0xA;
	s2 =	sadd.s32 s3, s2  }
0x8d: {  	s2 =	sadd.s32 s2, s16  }
0x8e: {  	[smem:$0x3FC0] =	sst s2  }
0x8f: {  	_ = 	snop  }
0x90: {  	(tm) =	ssettm $0x1  }
0x91: {  	s17 =	sld [smem:$0x3FFB];
	_ =	sdelay $0x3  }
0x92: {  	_ =	strace s17  }
0x93: {  	s2 =	sld [smem:$0x3FFC];
	_ =	sdelay $0x3  }
0x94: {  	_ =	strace s2  }
0x95: {  	s2 =	sld [smem:$0x3FFD];
	_ =	sdelay $0x3  }
0x96: {  	_ =	strace s2  }
0x97: {  	_ =	strace $0x8FFFFFFF  }
0x98: {  	s18 =	sld [smem:$0x3FDB];
	_ =	sdelay $0x1  }
0x99: {  	s19 =	simm.s32 $_scs_section_size  }
0x9a: {  	s4 =	simm.s32 $_size__tile_overlayer_lowered;
	s5 =	simm.s32 $_tile_overlayer_lowered  }
0x9b: {  	s22 =	simm.s32 $0x1BFF;
	s21 =	sshll.u32 s5, $0x1;
	s2 =	sadd.s32 s19, s18  }
0x9c: {  	s6 =	simm.s32 $0x0;
	s20 =	sshll.u32 s4, $0x1;
	s4 =	sadd.s32 s21, s2  }
0x9d: {  	[timem:s6], [sflag:s22] =	dma.local [hbm:s4], s20  }
0x9e: {  	_ =	swait.ge [sflag:s22], s20  }
0x9f: {  	s3 =	ssub.s32 $0x0, s20;
	[sflag:s22] =	ssyncset.done $0x0  }
0xa0: {  	[sflag:s22] =	ssyncadd.s32 s3;
	_ =	sdelay $0x1  }
0xa1: {  	s23 =	simm.s32 $0x1B8B  }
0xa2: {  	_ =	swait.ge [sflag:s23], $0x1  }
0xa3: {  	[sflag:s23] =	ssyncset.done $0x0  }
0xa4: {  	s25 =	simm.s32 $0x1B8E;
	s24 =	sld [smem:$0x3FFE];
	[sflag:s23] =	ssyncadd.s32 $0xFFFFFFFF  }
0xa5: {  	s26 =	simm.s32 $execute0_lowered;
	[smem:$0x3FD2] =	sst s25  }
0xa6: {  	s4 =	sshll.u32 s26, $0x1;
	_ =	strace $0x80000052;
	[dreg:$0x1] =	wrdreg $0xFFFFFFFF  }
0xa7: {  	s28 =	simm.s32 $_size_execute0_lowered;
	s2 =	sadd.s32 s2, s4;
	[dreg:$0x0] =	wrdreg $0x0  }
0xa8: {  	s4 =	sshll.u32 s28, $0x1;
	[dreg:$0x2] =	wrdreg s2  }
0xa9: {  	[dreg:$0x3] =	wrdreg s4  }
0xaa: {  	[dreg:$0x4] =	wrdreg $0xC0  }
0xab: {  	_ =	task [dreg:s6], $0x5FFFF  }
0xac: {  	[dreg:$0x1] =	wrdreg $0xFFFFFFFF  }
0xad: {  	[dreg:$0x0] =	wrdreg $0x60  }
0xae: {  	[dreg:$0x2] =	wrdreg s24  }
0xaf: {  	[dreg:$0x3] =	wrdreg $0xB2000  }
0xb0: {  	[dreg:$0x4] =	wrdreg $0x9  }
0xb1: {  	_ =	task.clear_ibuf [dreg:s6], $0x5FFFF;
	_ =	strace $0x90000052  }
0xb2: {  	s29 =	simm.s32 $0x9;
	_ =	strace $0x80000054  }
0xb3: {  	_ =	swait.ge [sflag:s29], $0x1  }
0xb4: {  	[sflag:s29] =	ssyncadd.s32 $0xFFFFFFFF  }
0xb5: {  	_ =	strace $0x90000054  }
0xb6: {  	_ =	sfence  }
0xb7: {  	s30 =	sld [smem:$0x0];
	_ =	sdelay $0x2  }
0xb8: {  	s31 =	sshll.u32 s1, $0xD;
	s1 =	sshrl.u32 s1, $0x2  }
0xb9: {  	s3 =	sand.u32 $0x4000, s31;
	s1 =	sadd.s32 s1, s30  }
0xba: {  	s0 =	sor.u32 s3, s0;
	s1 =	sshll.u32 s1, $0x11  }
0xbb: {  	s0 =	sor.u32 s1, s0  }
0xbc: {  	s0 =	sadd.s32 $0x8F2B, s0  }
0xbd: {  	[sflag:s0] =	ssyncadd.remote.s32 $0x1  }
0xbe: {  	_ =	sfence.sel $0xFFFF  }
0xbf: {  	[dreg:$0x0] =	wrdreg $0xFFFFFFFF;
	(pc) =	sbr.abs _section_cstart, $3  }
0xc0: {  	[dreg:$0x1] =	wrdreg $0xFFFFFFFF  }
0xc1: {  	_ =	task.clear_ibuf [dreg:s6], $0x2FFFF;
	_ =	strace $0x9FFFFFFF  }
0xc2: {  	(tm) =	ssettm $0x7FFFFFFF  }
0xc3: {  	_ =	shalt  }
tec
execute0_lowered:
.L_overlay_start_1:
0x0: {  	(tag) =	ssettag $0x1  }
0x1: {  	s1 =	srdreg.scid  }
0x2: {  	s0 =	stileid.u32;
	s6 =	rddreg [dreg:$0x0]  }
0x3: {  	s2 =	rddreg [dreg:$0x1];
	s3 =	simm.s32 $0x0;
	s12 =	simm.s32 $0x2  }
0x4: {  	s13 =	simm.s32 $0x100;
	s14 =	simm.s32 $0x3000;
	s15 =	simm.s32 $0x1  }
0x5: {  	s16 =	simm.s32 $0x3100;
	s5 =	sand.u32 $0x1, s1;
	s9 =	smul.u32 $0x13C00, s0  }
0x6: {  	s24 =	sshll.u32 s0, $0x1;
	[smem:$0x7FF] =	sst s3;
	s10 =	smul.u32 $0x4F000, s0  }
0x7: {  	s4 =	sadd.s32 $0x4200, s6;
	s17 =	sshll.u32 s0, $0x6;
	s1 =	sor.u32 s5, s24  }
0x8: {  	s8 =	smul.u32 $0x13C000, s5;
	s26 =	ssub.s32 $0x2, s5;
	s17 =	sor.u32 $0x1C02, s17  }
0x9: {  	s7 =	smul.u32 $0x500, s1;
	s1 =	rddreg [dreg:$0x2];
	_ =	strace $0x80000053  }
0xa: {  	s28 =	sshrl.u32 s10, $0x2;
	s30 =	sshrl.u32 s26, $0x1;
	s25 =	sadd.s32 s9, s8  }
0xb: {  	s5 =	sadd.s32 s28, s2;
	s31 =	ssub.s32 s26, s30;
	s11 =	sadd.s32 s7, s6  }
0xc: {  	s7 =	sshrl.u32 s25, $0x3;
	s10 =	smax.u32 s31, $0x1;
	s18 =	sshrl.u32 s5, $0x3  }
0xd: {  	s29 =	sadd.s32 s7, s6;
	s6 =	sadd.s32 $0x8000, s5;
	s7 =	sadd.s32 $0x10000, s5  }
0xe: {  	v0 =	vimm.f32 $0.0e+00;
	s8 =	sadd.s32 $0xAC200, s11;
	s11 =	simm.s32 $0x3200;
	s9 =	sadd.s32 $0x52600, s29  }
.LBB2_1:
0xf: {  	s19 =	simm.s32 $0x0;
	s20 =	simm.s32 $0x200  }
.LBB2_2:
0x10: {  	p0 =	sne.s32 s20, $0x1FE00;
	[tilespmem:s19+$0x3270] =	vst v0  }
0x11: {  	[tilespmem:s19+$0x3200] =	vst v0  }
0x12: {  	[tilespmem:s19+$0x3210] =	vst v0  }
.Ltmp0:
0x13: {  	[tilespmem:s19+$0x3220] =	vst v0;
	(pc) =	sbr.rel @p0 .LBB2_2-.Ltmp0, $4  }
0x14: {  	[tilespmem:s19+$0x3230] =	vst v0  }
0x15: {  	[tilespmem:s19+$0x3240] =	vst v0  }
0x16: {  	[tilespmem:s19+$0x3250] =	vst v0  }
0x17: {  	[tilespmem:s19+$0x3260] =	vst v0;
	s19 =	sshra.s32 s20, $0x2;
	s20 =	sadd.s32 $0x200, s20  }
0x18: {  	[tilespmem:s19+$0x3270] =	vst v0  }
0x19: {  	[tilespmem:s19+$0x3200] =	vst v0  }
0x1a: {  	[tilespmem:s19+$0x3210] =	vst v0  }
0x1b: {  	[tilespmem:s19+$0x3220] =	vst v0  }
0x1c: {  	[tilespmem:s19+$0x3230] =	vst v0  }
0x1d: {  	[tilespmem:s19+$0x3240] =	vst v0  }
0x1e: {  	[tilespmem:s19+$0x3250] =	vst v0  }
0x1f: {  	[tilespmem:s19+$0x3260] =	vst v0  }
0x20: {  	[spmem:s5] =	stream.linear.scatter [tilespmem:s11], [sflag:$0x2], $0x8000, $0x38;
	[tilespmem:$0x1EE00] =	vst v63  }
0x21: {  	_ =	swait.ge [sflag:s12], $0x8000  }
0x22: {  	[sflag:s12] =	ssyncset.done $0x0  }
0x23: {  	[sflag:s12] =	ssyncadd.s32 $0xFFFF8000  }
0x24: {  	[spmem:s6] =	stream.linear.scatter [tilespmem:s11], [sflag:$0x2], $0x8000, $0x38;
	[tilespmem:$0x1EE00] =	vst v63  }
0x25: {  	_ =	swait.ge [sflag:s12], $0x8000  }
0x26: {  	[sflag:s12] =	ssyncset.done $0x0  }
0x27: {  	[sflag:s12] =	ssyncadd.s32 $0xFFFF8000  }
0x28: {  	[spmem:s7] =	stream.linear.scatter [tilespmem:s11], [sflag:$0x2], $0x3C00, $0x38;
	[tilespmem:$0x1EE00] =	vst v63  }
0x29: {  	_ =	swait.ge [sflag:s12], $0x3C00  }
0x2a: {  	[sflag:s12] =	ssyncset.done $0x0  }
0x2b: {  	[sflag:s12] =	ssyncadd.s32 $0xFFFFC400  }
0x2c: {  	s19 =	simm.s32 $0x0;
	[bflag:$0x0] =	sbarrier.arrive $0xFFFF  }
0x2d: {  	[tilespmem:s19], [sflag:$0x2] =	stream.linear.gather [hbm4b:s8+s19], $0x2800, $0x38;
	[tilespmem:$0x1EE00] =	vst v63  }
0x2e: {  	_ =	swait.ge [sflag:s12], $0x2800  }
0x2f: {  	s20 =	sand.u32 $0x3800, s19;
	s21 =	sand.u32 $0x380, s19;
	[sflag:s12] =	ssyncset.done $0x0  }
0x30: {  	s20 =	sor.u32 s21, s20;
	[sflag:s12] =	ssyncadd.s32 $0xFFFFD800  }
0x31: {  	v1 =	vld [tilespmem:s20+$0x0];
	_ =	sdelay $0x4  }
0x32: {  	v2 =	vand.u32 $0xFFFF, v1  }
0x33: {  	v1 =	vshrl.u32 v1, $0x10;
	[tilespmem:$0x3000] =	vst v2  }
0x34: {  	[tilespmem:$0x3100] =	vst v1  }
0x35: {  	v1 =	vld [tilespmem:s20+$0x10];
	_ =	sdelay $0x4  }
0x36: {  	v2 =	vand.u32 $0xFFFF, v1  }
0x37: {  	v1 =	vshrl.u32 v1, $0x10;
	[tilespmem:$0x3010] =	vst v2  }
0x38: {  	[tilespmem:$0x3110] =	vst v1  }
0x39: {  	v1 =	vld [tilespmem:s20+$0x20];
	_ =	sdelay $0x4  }
0x3a: {  	v2 =	vand.u32 $0xFFFF, v1  }
0x3b: {  	v1 =	vshrl.u32 v1, $0x10;
	[tilespmem:$0x3020] =	vst v2  }
0x3c: {  	[tilespmem:$0x3120] =	vst v1  }
0x3d: {  	v1 =	vld [tilespmem:s20+$0x30];
	_ =	sdelay $0x4  }
0x3e: {  	v2 =	vand.u32 $0xFFFF, v1  }
0x3f: {  	v1 =	vshrl.u32 v1, $0x10;
	[tilespmem:$0x3030] =	vst v2  }
0x40: {  	[tilespmem:$0x3130] =	vst v1  }
0x41: {  	v1 =	vld [tilespmem:s20+$0x40];
	_ =	sdelay $0x4  }
0x42: {  	v2 =	vand.u32 $0xFFFF, v1  }
0x43: {  	v1 =	vshrl.u32 v1, $0x10;
	[tilespmem:$0x3040] =	vst v2  }
0x44: {  	[tilespmem:$0x3140] =	vst v1  }
0x45: {  	v1 =	vld [tilespmem:s20+$0x50];
	_ =	sdelay $0x4  }
0x46: {  	v2 =	vand.u32 $0xFFFF, v1  }
0x47: {  	v1 =	vshrl.u32 v1, $0x10;
	[tilespmem:$0x3050] =	vst v2  }
0x48: {  	[tilespmem:$0x3150] =	vst v1  }
0x49: {  	v1 =	vld [tilespmem:s20+$0x60];
	_ =	sdelay $0x4  }
0x4a: {  	v2 =	vand.u32 $0xFFFF, v1  }
0x4b: {  	v1 =	vshrl.u32 v1, $0x10;
	[tilespmem:$0x3060] =	vst v2  }
0x4c: {  	[tilespmem:$0x3160] =	vst v1  }
0x4d: {  	v1 =	vld [tilespmem:s20+$0x70];
	_ =	sdelay $0x4  }
0x4e: {  	v2 =	vand.u32 $0xFFFF, v1  }
0x4f: {  	v1 =	vshrl.u32 v1, $0x10;
	[tilespmem:$0x3070] =	vst v2  }
0x50: {  	[tilespmem:$0x3170] =	vst v1  }
0x51: {  	v1 =	vld [tilespmem:s20+$0x400];
	_ =	sdelay $0x4  }
0x52: {  	v2 =	vand.u32 $0xFFFF, v1  }
0x53: {  	v1 =	vshrl.u32 v1, $0x10;
	[tilespmem:$0x3080] =	vst v2  }
0x54: {  	[tilespmem:$0x3180] =	vst v1  }
0x55: {  	v1 =	vld [tilespmem:s20+$0x410];
	_ =	sdelay $0x4  }
0x56: {  	v2 =	vand.u32 $0xFFFF, v1  }
0x57: {  	v1 =	vshrl.u32 v1, $0x10;
	[tilespmem:$0x3090] =	vst v2  }
0x58: {  	[tilespmem:$0x3190] =	vst v1  }
0x59: {  	v1 =	vld [tilespmem:s20+$0x420];
	_ =	sdelay $0x4  }
0x5a: {  	v2 =	vand.u32 $0xFFFF, v1  }
0x5b: {  	v1 =	vshrl.u32 v1, $0x10;
	[tilespmem:$0x30A0] =	vst v2  }
0x5c: {  	[tilespmem:$0x31A0] =	vst v1  }
0x5d: {  	v1 =	vld [tilespmem:s20+$0x430];
	_ =	sdelay $0x4  }
0x5e: {  	v2 =	vand.u32 $0xFFFF, v1  }
0x5f: {  	v1 =	vshrl.u32 v1, $0x10;
	[tilespmem:$0x30B0] =	vst v2  }
0x60: {  	[tilespmem:$0x31B0] =	vst v1  }
0x61: {  	v1 =	vld [tilespmem:s20+$0x440];
	_ =	sdelay $0x4  }
0x62: {  	v2 =	vand.u32 $0xFFFF, v1  }
0x63: {  	v1 =	vshrl.u32 v1, $0x10;
	[tilespmem:$0x30C0] =	vst v2  }
0x64: {  	[tilespmem:$0x31C0] =	vst v1  }
0x65: {  	v1 =	vld [tilespmem:s20+$0x450];
	_ =	sdelay $0x4  }
0x66: {  	v2 =	vand.u32 $0xFFFF, v1  }
0x67: {  	v1 =	vshrl.u32 v1, $0x10;
	[tilespmem:$0x30D0] =	vst v2  }
0x68: {  	[tilespmem:$0x31D0] =	vst v1  }
0x69: {  	v1 =	vld [tilespmem:s20+$0x460];
	_ =	sdelay $0x4  }
0x6a: {  	v2 =	vand.u32 $0xFFFF, v1  }
0x6b: {  	s21 =	simm.s32 $0x100;
	v1 =	vshrl.u32 v1, $0x10;
	[tilespmem:$0x30E0] =	vst v2  }
.LBB2_4:
0x6c: {  	p0 =	sne.s32 s21, $0x2700  }
0x6d: {  	[tilespmem:$0x31E0] =	vst v1;
	s19 =	sadd.s32 $0x80, s19;
	s22 =	smov.u32 s21;
	s21 =	sadd.s32 $0x100, s21  }
0x6e: {  	v1 =	vld [tilespmem:s20+$0x470];
	_ =	sdelay $0x4  }
0x6f: {  	v2 =	vand.u32 $0xFFFF, v1;
	v1 =	vshrl.u32 v1, $0x10  }
0x70: {  	[tilespmem:$0x30F0] =	vst v2  }
0x71: {  	[tilespmem:$0x31F0] =	vst v1  }
0x72: {  	[tilespmem:s11], [sflag:$0x1] =	stream.indirect.gather [hbm4b:s4+s13], $0x80, s14, s13, $0xb8;
	[tilespmem:$0x1EE00] =	vst v63  }
0x73: {  	_ =	swait.ge [sflag:s15], $0x8000  }
0x74: {  	[sflag:s15] =	ssyncset.done $0x0  }
0x75: {  	[sflag:s15] =	ssyncadd.s32 $0xFFFF8000  }
0x76: {  	[spmem:s2] =	stream.indirect.scatter.add.f32 [tilespmem:s11], [sflag:$0x2], $0x80, s16, s13, $0xb8;
	[tilespmem:$0x1EE00] =	vst v63  }
0x77: {  	_ =	swait.ge [sflag:s12], $0x8000  }
0x78: {  	s20 =	sand.u32 $0x3800, s22;
	s22 =	sand.u32 $0x380, s19;
	[sflag:s12] =	ssyncset.done $0x0  }
0x79: {  	s20 =	sor.u32 s22, s20;
	[sflag:s12] =	ssyncadd.s32 $0xFFFF8000  }
0x7a: {  	v1 =	vld [tilespmem:s20+$0x0];
	_ =	sdelay $0x4  }
0x7b: {  	v2 =	vand.u32 $0xFFFF, v1;
	v1 =	vshrl.u32 v1, $0x10  }
0x7c: {  	[tilespmem:$0x3000] =	vst v2  }
0x7d: {  	[tilespmem:$0x3100] =	vst v1  }
0x7e: {  	v1 =	vld [tilespmem:s20+$0x10];
	_ =	sdelay $0x4  }
0x7f: {  	v2 =	vand.u32 $0xFFFF, v1;
	v1 =	vshrl.u32 v1, $0x10  }
0x80: {  	[tilespmem:$0x3010] =	vst v2  }
0x81: {  	[tilespmem:$0x3110] =	vst v1  }
0x82: {  	v1 =	vld [tilespmem:s20+$0x20];
	_ =	sdelay $0x4  }
0x83: {  	v2 =	vand.u32 $0xFFFF, v1;
	v1 =	vshrl.u32 v1, $0x10  }
0x84: {  	[tilespmem:$0x3020] =	vst v2  }
0x85: {  	[tilespmem:$0x3120] =	vst v1  }
0x86: {  	v1 =	vld [tilespmem:s20+$0x30];
	_ =	sdelay $0x4  }
0x87: {  	v2 =	vand.u32 $0xFFFF, v1;
	v1 =	vshrl.u32 v1, $0x10  }
0x88: {  	[tilespmem:$0x3030] =	vst v2  }
0x89: {  	[tilespmem:$0x3130] =	vst v1  }
0x8a: {  	v1 =	vld [tilespmem:s20+$0x40];
	_ =	sdelay $0x4  }
0x8b: {  	v2 =	vand.u32 $0xFFFF, v1;
	v1 =	vshrl.u32 v1, $0x10  }
0x8c: {  	[tilespmem:$0x3040] =	vst v2  }
0x8d: {  	[tilespmem:$0x3140] =	vst v1  }
0x8e: {  	v1 =	vld [tilespmem:s20+$0x50];
	_ =	sdelay $0x4  }
0x8f: {  	v2 =	vand.u32 $0xFFFF, v1;
	v1 =	vshrl.u32 v1, $0x10  }
0x90: {  	[tilespmem:$0x3050] =	vst v2  }
0x91: {  	[tilespmem:$0x3150] =	vst v1  }
0x92: {  	v1 =	vld [tilespmem:s20+$0x60];
	_ =	sdelay $0x4  }
0x93: {  	v2 =	vand.u32 $0xFFFF, v1;
	v1 =	vshrl.u32 v1, $0x10  }
0x94: {  	[tilespmem:$0x3060] =	vst v2  }
0x95: {  	[tilespmem:$0x3160] =	vst v1  }
0x96: {  	v1 =	vld [tilespmem:s20+$0x70];
	_ =	sdelay $0x4  }
0x97: {  	v2 =	vand.u32 $0xFFFF, v1;
	v1 =	vshrl.u32 v1, $0x10  }
0x98: {  	[tilespmem:$0x3070] =	vst v2  }
0x99: {  	[tilespmem:$0x3170] =	vst v1  }
0x9a: {  	v1 =	vld [tilespmem:s20+$0x400];
	_ =	sdelay $0x4  }
0x9b: {  	v2 =	vand.u32 $0xFFFF, v1;
	v1 =	vshrl.u32 v1, $0x10  }
0x9c: {  	[tilespmem:$0x3080] =	vst v2  }
0x9d: {  	[tilespmem:$0x3180] =	vst v1  }
0x9e: {  	v1 =	vld [tilespmem:s20+$0x410];
	_ =	sdelay $0x4  }
0x9f: {  	v2 =	vand.u32 $0xFFFF, v1;
	v1 =	vshrl.u32 v1, $0x10  }
0xa0: {  	[tilespmem:$0x3090] =	vst v2  }
0xa1: {  	[tilespmem:$0x3190] =	vst v1  }
0xa2: {  	v1 =	vld [tilespmem:s20+$0x420];
	_ =	sdelay $0x4  }
0xa3: {  	v2 =	vand.u32 $0xFFFF, v1;
	v1 =	vshrl.u32 v1, $0x10  }
0xa4: {  	[tilespmem:$0x30A0] =	vst v2  }
0xa5: {  	[tilespmem:$0x31A0] =	vst v1  }
0xa6: {  	v1 =	vld [tilespmem:s20+$0x430];
	_ =	sdelay $0x4  }
0xa7: {  	v2 =	vand.u32 $0xFFFF, v1;
	v1 =	vshrl.u32 v1, $0x10  }
0xa8: {  	[tilespmem:$0x30B0] =	vst v2  }
0xa9: {  	[tilespmem:$0x31B0] =	vst v1  }
0xaa: {  	v1 =	vld [tilespmem:s20+$0x440];
	_ =	sdelay $0x4  }
0xab: {  	v2 =	vand.u32 $0xFFFF, v1;
	v1 =	vshrl.u32 v1, $0x10  }
0xac: {  	[tilespmem:$0x30C0] =	vst v2  }
0xad: {  	[tilespmem:$0x31C0] =	vst v1  }
0xae: {  	v1 =	vld [tilespmem:s20+$0x450];
	_ =	sdelay $0x4  }
0xaf: {  	v2 =	vand.u32 $0xFFFF, v1;
	v1 =	vshrl.u32 v1, $0x10  }
0xb0: {  	[tilespmem:$0x30D0] =	vst v2  }
0xb1: {  	[tilespmem:$0x31D0] =	vst v1  }
0xb2: {  	v1 =	vld [tilespmem:s20+$0x460];
	_ =	sdelay $0x1  }
.Ltmp1:
0xb3: {  	(pc) =	sbr.rel @p0 .LBB2_4-.Ltmp1, $3  }
0xb4: {  	_ =	sdelay $0x1  }
0xb5: {  	v2 =	vand.u32 $0xFFFF, v1;
	v1 =	vshrl.u32 v1, $0x10  }
0xb6: {  	[tilespmem:$0x30E0] =	vst v2  }
0xb7: {  	[tilespmem:$0x31E0] =	vst v1  }
0xb8: {  	v1 =	vld [tilespmem:s20+$0x470];
	_ =	sdelay $0x4  }
0xb9: {  	v2 =	vand.u32 $0xFFFF, v1  }
0xba: {  	v1 =	vshrl.u32 v1, $0x10;
	[tilespmem:$0x30F0] =	vst v2  }
0xbb: {  	[tilespmem:$0x31F0] =	vst v1  }
0xbc: {  	[tilespmem:s11], [sflag:$0x1] =	stream.indirect.gather [hbm4b:s4+s13], $0x80, s14, s13, $0xb8;
	[tilespmem:$0x1EE00] =	vst v63  }
0xbd: {  	_ =	swait.ge [sflag:s15], $0x8000  }
0xbe: {  	[sflag:s15] =	ssyncset.done $0x0  }
0xbf: {  	[sflag:s15] =	ssyncadd.s32 $0xFFFF8000  }
0xc0: {  	[spmem:s2] =	stream.indirect.scatter.add.f32 [tilespmem:s11], [sflag:$0x2], $0x80, s16, s13, $0xb8;
	[tilespmem:$0x1EE00] =	vst v63  }
0xc1: {  	_ =	swait.ge [sflag:s12], $0x8000  }
0xc2: {  	s3 =	sadd.s32 $0x1, s3;
	[sflag:s12] =	ssyncset.done $0x0  }
0xc3: {  	p0 =	sne.s32 s3, s10;
	[sflag:s12] =	ssyncadd.s32 $0xFFFF8000  }
.Ltmp2:
0xc4: {  	[bflag:$0x0] =	sbarrier.arrive $0xFFFF;
	(pc) =	sbr.rel @p0 .LBB2_1-.Ltmp2, $4  }
0xc5: {  	[hbm:s9], [sflag:s17] =	dma.local [spmem:s18], $0x2780  }
0xc6: {  	_ =	swait.ge [sflag:s12], $0x2780  }
0xc7: {  	[sflag:s12] =	ssyncset.done $0x0  }
0xc8: {  	[sflag:s12] =	ssyncadd.s32 $0xFFFFD880  }
0xc9: {  	_ =	sfence.sel $0x180000  }
0xca: {  	[bflag:$0x0] =	sbarrier.arrive $0xFFFF  }
0xcb: {  	p0 =	sne.s32 s0, $0x0;
	_ =	strace $0x90000053  }
0xcc: {  	s0 =	sadd.s32 @!p0 $0x100000, s1;
	[bflag:$0x2] =	sbarrier.arrive $0xFFFF  }
0xcd: {  	[sflag:s0] =	ssyncadd.tile.s32 @!p0 $0x1;
	_ =	shalt  }
.Lfunc_end2:
_tile_overlayer_lowered:
.L_overlay_start_2:
0xce: {  	(tag) =	ssettag $0x2  }
0xcf: {  	s0 =	rddreg [dreg:$0x0];
	s2 =	stileid.u32  }
0xd0: {  	s1 =	rddreg [dreg:$0x1];
	p0 =	sne.s32 s2, $0x0  }
0xd1: {  	s3 =	rddreg [dreg:$0x2];
	[bflag:$0x3] =	sbarrier.arrive $0xFFFF;
	s2 =	simm.s32 @!p0 $0x1C02  }
0xd2: {  	[timem:s3], [sflag:s2] =	dma.local @!p0 [hbm:s0], s1  }
0xd3: {  	s0 =	simm.s32 @!p0 $0x2  }
0xd4: {  	_ =	swait.ge @!p0 [sflag:s0], s1  }
0xd5: {  	s1 =	ssub.s32 @!p0 $0x0, s1;
	[sflag:s0] =	ssyncset.done @!p0 $0x0  }
0xd6: {  	[sflag:s0] =	ssyncadd.s32 @!p0 s1  }
0xd7: {  	[bflag:$0x3] =	sbarrier.arrive $0xFFFF  }
0xd8: {  	_ =	shalt  }

// kernel: kernel.28.cloned.1.call-start
scs
__scs_entry_jumppad:
0x0: {  	(pc) =	sbr.rel $0x88, $3  }
0x1: {  	(tag) =	ssettag $0x0;
	lr =	simm.s32 $0x1  }
0x2: {  	[smem:$0x3F99] =	sst lr;
	_ =	strace $0xD0000000  }
0x3: {  	_ = 	snop  }
0x4: {  	_ = 	snop  }
0x5: {  	_ = 	snop  }
0x6: {  	_ = 	snop  }
0x7: {  	_ = 	snop  }
__scs_overlays_trampoline_lowered:
0x8: {  	[smem:$0x3FA8] =	sst s0  }
0x9: {  	[smem:$0x3FA9] =	sst s1  }
0xa: {  	[smem:$0x3FAA] =	sst s2  }
0xb: {  	[smem:$0x3FAB] =	sst s3  }
0xc: {  	[smem:$0x3FAC] =	sst s4  }
0xd: {  	[smem:$0x3FAD] =	sst s5  }
0xe: {  	[smem:$0x3FAE] =	sst s6  }
0xf: {  	[smem:$0x3FAF] =	sst s7  }
0x10: {  	[smem:$0x3FB0] =	sst s8  }
0x11: {  	[smem:$0x3FB1] =	sst s9;
	s0 =	simm.s32 @!p0 $0x0  }
0x12: {  	s1 =	sld [smem:$0x3F97];
	s0 =	simm.s32 @p0 $0x1  }
0x13: {  	[smem:$0x3FB2] =	sst s0;
	s0 =	simm.s32 @!p1 $0x0  }
0x14: {  	s2 =	sld [smem:$0x3F96];
	s0 =	simm.s32 @p1 $0x1  }
0x15: {  	[smem:$0x3FB3] =	sst s0;
	s0 =	simm.s32 @!p2 $0x0  }
0x16: {  	s3 =	sld [smem:$0x3FDB];
	s0 =	simm.s32 @p2 $0x1  }
0x17: {  	s4 =	simm.s32 $0x1BF5;
	[smem:$0x3FB5] =	sst s0  }
0x18: {  	s0 =	sld [smem:$0x3F98];
	_ =	swait.ge [sflag:s4], $0x0  }
0x19: {  	s7 =	sld [smem:$0x3F99]  }
0x1a: {  	s8 =	sadd.s32 $0xFFFFE003, lr  }
0x1b: {  	s9 =	sadd.s32 $0xFFFFFEF7, lr;
	s5 =	simm.s32 $0xFFFFFFFF;
	p2 =	slt.u32 s8, $0xFFFFF086  }
0x1c: {  	p1 =	slt.u32 s9, $0xF7A;
	s5 =	simm.s32 @!p2 $0x0  }
0x1d: {  	s5 =	simm.s32 @p1 $0x1;
	p0 =	seq.s32 s7, s2  }
0x1e: {  	s7 =	smul.u32 @!p0 $0xF7A, s2;
	p2 =	seq.s32 @!p0 s5, $0x0  }
0x1f: {  	s9 =	smul.u32 $0xF7A, s1;
	s8 =	simm.s32 @!p0 $0x1BF5;
	p2 =	por !p2, p0  }
0x20: {  	[sflag:s8] =	ssyncset.s32 @!p0 $0xFFFFF086;
	s6 =	sadd.s32 @!p0 s3, s7;
	s7 =	simm.s32 @!p0 $0x108  }
0x21: {  	s3 =	sadd.s32 s3, s9;
	s6 =	sadd.s32 @!p0 $0x88, s6;
	s7 =	simm.s32 @p2 $0x1082  }
0x22: {  	[simem:s7], [sflag:s8] =	dma.local @!p0 [hbm:s6], $0xF7A  }
0x23: {  	s9 =	sor.u32 $0xD0000000, s2;
	s6 =	simm.s32 $0x108;
	_ =	swait.ge @!p0 [sflag:s8], $0x0  }
0x24: {  	s3 =	sadd.s32 $0x88, s3;
	s6 =	simm.s32 @!p1 $0x1082;
	[sflag:s4] =	ssyncset.s32 $0xFFFFF086  }
0x25: {  	[simem:s6], [sflag:s4] =	dma.local [hbm:s3], $0xF7A  }
0x26: {  	[smem:$0x3F99] =	sst s1;
	(tag) =	ssettag s2;
	_ =	strace s9  }
0x27: {  	s1 =	sld [smem:$0x3FA9]  }
0x28: {  	s2 =	sld [smem:$0x3FAA]  }
0x29: {  	s4 =	sld [smem:$0x3FAC]  }
0x2a: {  	p0 =	seq.s32 s5, $0x0;
	s5 =	sld [smem:$0x3FAD]  }
0x2b: {  	s6 =	sld [smem:$0x3FAE]  }
0x2c: {  	s7 =	sld [smem:$0x3FAF]  }
0x2d: {  	s3 =	simm.s32 $0x108;
	s8 =	sld [smem:$0x3FB0]  }
0x2e: {  	s3 =	simm.s32 @!p0 $0x1082;
	s9 =	sld [smem:$0x3FB1]  }
0x2f: {  	lr =	sadd.s32 s0, s3;
	s0 =	sld [smem:$0x3FA8]  }
0x30: {  	s3 =	sld [smem:$0x3FAB]  }
0x31: {  	[smem:$0x3FB4] =	sst s10  }
0x32: {  	s10 =	sld [smem:$0x3FB2];
	_ =	sdelay $0x3  }
0x33: {  	p0 =	seq.s32 s10, $0x1;
	s10 =	sld [smem:$0x3FB4];
	_ =	sdelay $0x3  }
0x34: {  	[smem:$0x3FB4] =	sst s10  }
0x35: {  	s10 =	sld [smem:$0x3FB3];
	_ =	sdelay $0x3  }
0x36: {  	p1 =	seq.s32 s10, $0x1;
	s10 =	sld [smem:$0x3FB4];
	_ =	sdelay $0x3  }
0x37: {  	[smem:$0x3FB4] =	sst s10  }
0x38: {  	s10 =	sld [smem:$0x3FB5]  }
0x39: {  	_ = 	snop;
	(pc) =	sbr.ind lr, $3  }
0x3a: {  	_ = 	snop  }
0x3b: {  	_ = 	snop  }
0x3c: {  	p2 =	seq.s32 s10, $0x1;
	s10 =	sld [smem:$0x3FB4]  }
0x3d: {  	_ =	shalt  }
0x3e: {  	_ =	shalt  }
0x3f: {  	_ =	shalt  }
0x40: {  	_ =	shalt  }
0x41: {  	_ =	shalt  }
0x42: {  	_ =	shalt  }
0x43: {  	_ =	shalt  }
0x44: {  	_ =	shalt  }
0x45: {  	_ =	shalt  }
0x46: {  	_ =	shalt  }
0x47: {  	_ =	shalt  }
0x48: {  	_ =	shalt  }
0x49: {  	_ =	shalt  }
0x4a: {  	_ =	shalt  }
0x4b: {  	_ =	shalt  }
0x4c: {  	_ =	shalt  }
0x4d: {  	_ =	shalt  }
0x4e: {  	_ =	shalt  }
0x4f: {  	_ =	shalt  }
0x50: {  	_ =	shalt  }
0x51: {  	_ =	shalt  }
0x52: {  	_ =	shalt  }
0x53: {  	_ =	shalt  }
0x54: {  	_ =	shalt  }
0x55: {  	_ =	shalt  }
0x56: {  	_ =	shalt  }
0x57: {  	_ =	shalt  }
0x58: {  	_ =	shalt  }
0x59: {  	_ =	shalt  }
0x5a: {  	_ =	shalt  }
0x5b: {  	_ =	shalt  }
0x5c: {  	_ =	shalt  }
0x5d: {  	_ =	shalt  }
0x5e: {  	_ =	shalt  }
0x5f: {  	_ =	shalt  }
0x60: {  	_ =	shalt  }
0x61: {  	_ =	shalt  }
0x62: {  	_ =	shalt  }
0x63: {  	_ =	shalt  }
0x64: {  	_ =	shalt  }
0x65: {  	_ =	shalt  }
0x66: {  	_ =	shalt  }
0x67: {  	_ =	shalt  }
0x68: {  	_ =	shalt  }
0x69: {  	_ =	shalt  }
0x6a: {  	_ =	shalt  }
0x6b: {  	_ =	shalt  }
0x6c: {  	_ =	shalt  }
0x6d: {  	_ =	shalt  }
0x6e: {  	_ =	shalt  }
0x6f: {  	_ =	shalt  }
0x70: {  	_ =	shalt  }
0x71: {  	_ =	shalt  }
0x72: {  	_ =	shalt  }
0x73: {  	_ =	shalt  }
0x74: {  	_ =	shalt  }
0x75: {  	_ =	shalt  }
0x76: {  	_ =	shalt  }
0x77: {  	_ =	shalt  }
0x78: {  	_ =	shalt  }
0x79: {  	_ =	shalt  }
0x7a: {  	_ =	shalt  }
0x7b: {  	_ =	shalt  }
0x7c: {  	_ =	shalt  }
0x7d: {  	_ =	shalt  }
0x7e: {  	_ =	shalt  }
0x7f: {  	_ =	shalt  }
0x80: {  	_ =	shalt  }
0x81: {  	_ =	shalt  }
0x82: {  	_ =	shalt  }
0x83: {  	_ =	shalt  }
0x84: {  	_ =	shalt  }
0x85: {  	_ =	shalt  }
0x86: {  	_ =	shalt  }
0x87: {  	_ =	shalt  }
.Lfunc_end0:
.L_simem_size_0:
called_computation.5_lowered:
.L_overlay_start_0:
0x88: {  	s2 =	sld [smem:$0x3FD9]  }
0x89: {  	s3 =	sld [smem:$0x3FFE];
	_ =	sdelay $0x1  }
0x8a: {  	s1 =	srdreg.scid  }
0x8b: {  	s0 =	sand.u32 $0x1, s1  }
0x8c: {  	s16 =	sshll.u32 s0, $0xA;
	s2 =	sadd.s32 s3, s2  }
0x8d: {  	s2 =	sadd.s32 s2, s16  }
0x8e: {  	[smem:$0x3FC0] =	sst s2  }
0x8f: {  	_ = 	snop  }
0x90: {  	(tm) =	ssettm $0x1  }
0x91: {  	s17 =	sld [smem:$0x3FFB];
	_ =	sdelay $0x3  }
0x92: {  	_ =	strace s17  }
0x93: {  	s2 =	sld [smem:$0x3FFC];
	_ =	sdelay $0x3  }
0x94: {  	_ =	strace s2  }
0x95: {  	s2 =	sld [smem:$0x3FFD];
	_ =	sdelay $0x3  }
0x96: {  	_ =	strace s2  }
0x97: {  	_ =	strace $0x8FFFFFFF  }
0x98: {  	s18 =	sld [smem:$0x3FDB];
	_ =	sdelay $0x1  }
0x99: {  	s19 =	simm.s32 $_scs_section_size  }
0x9a: {  	s4 =	simm.s32 $_size__tile_overlayer_lowered;
	s5 =	simm.s32 $_tile_overlayer_lowered  }
0x9b: {  	s22 =	simm.s32 $0x1BFF;
	s21 =	sshll.u32 s5, $0x1;
	s2 =	sadd.s32 s19, s18  }
0x9c: {  	s6 =	simm.s32 $0x0;
	s20 =	sshll.u32 s4, $0x1;
	s4 =	sadd.s32 s21, s2  }
0x9d: {  	[timem:s6], [sflag:s22] =	dma.local [hbm:s4], s20  }
0x9e: {  	_ =	swait.ge [sflag:s22], s20  }
0x9f: {  	s3 =	ssub.s32 $0x0, s20;
	[sflag:s22] =	ssyncset.done $0x0  }
0xa0: {  	[sflag:s22] =	ssyncadd.s32 s3;
	_ =	sdelay $0x1  }
0xa1: {  	s23 =	simm.s32 $0x1B8B  }
0xa2: {  	_ =	swait.ge [sflag:s23], $0x1  }
0xa3: {  	[sflag:s23] =	ssyncset.done $0x0  }
0xa4: {  	s25 =	simm.s32 $0x1B8E;
	s24 =	sld [smem:$0x3FFE];
	[sflag:s23] =	ssyncadd.s32 $0xFFFFFFFF  }
0xa5: {  	s26 =	simm.s32 $execute0_lowered;
	[smem:$0x3FD2] =	sst s25  }
0xa6: {  	s4 =	sshll.u32 s26, $0x1;
	_ =	strace $0x80000055;
	[dreg:$0x1] =	wrdreg $0xFFFFFFFF  }
0xa7: {  	s28 =	simm.s32 $_size_execute0_lowered;
	s2 =	sadd.s32 s2, s4;
	[dreg:$0x0] =	wrdreg $0x0  }
0xa8: {  	s4 =	sshll.u32 s28, $0x1;
	[dreg:$0x2] =	wrdreg s2  }
0xa9: {  	[dreg:$0x3] =	wrdreg s4  }
0xaa: {  	[dreg:$0x4] =	wrdreg $0xC0  }
0xab: {  	_ =	task [dreg:s6], $0x5FFFF  }
0xac: {  	[dreg:$0x1] =	wrdreg $0xFFFFFFFF  }
0xad: {  	[dreg:$0x0] =	wrdreg $0x60  }
0xae: {  	[dreg:$0x2] =	wrdreg s24  }
0xaf: {  	[dreg:$0x3] =	wrdreg $0xB2000  }
0xb0: {  	[dreg:$0x4] =	wrdreg $0x9  }
0xb1: {  	_ =	task.clear_ibuf [dreg:s6], $0x5FFFF;
	_ =	strace $0x90000055  }
0xb2: {  	s29 =	simm.s32 $0x9;
	_ =	strace $0x80000057  }
0xb3: {  	_ =	swait.ge [sflag:s29], $0x1  }
0xb4: {  	[sflag:s29] =	ssyncadd.s32 $0xFFFFFFFF  }
0xb5: {  	_ =	strace $0x90000057  }
0xb6: {  	_ =	sfence  }
0xb7: {  	s30 =	sld [smem:$0x0];
	_ =	sdelay $0x2  }
0xb8: {  	s31 =	sshll.u32 s1, $0xD;
	s1 =	sshrl.u32 s1, $0x2  }
0xb9: {  	s3 =	sand.u32 $0x4000, s31;
	s1 =	sadd.s32 s1, s30  }
0xba: {  	s0 =	sor.u32 s3, s0;
	s1 =	sshll.u32 s1, $0x11  }
0xbb: {  	s0 =	sor.u32 s1, s0  }
0xbc: {  	s0 =	sadd.s32 $0x8F2B, s0  }
0xbd: {  	[sflag:s0] =	ssyncadd.remote.s32 $0x1  }
0xbe: {  	_ =	sfence.sel $0xFFFF  }
0xbf: {  	[dreg:$0x0] =	wrdreg $0xFFFFFFFF;
	(pc) =	sbr.abs _section_cstart, $3  }
0xc0: {  	[dreg:$0x1] =	wrdreg $0xFFFFFFFF  }
0xc1: {  	_ =	task.clear_ibuf [dreg:s6], $0x2FFFF;
	_ =	strace $0x9FFFFFFF  }
0xc2: {  	(tm) =	ssettm $0x7FFFFFFF  }
0xc3: {  	_ =	shalt  }
tec
execute0_lowered:
.L_overlay_start_1:
0x0: {  	(tag) =	ssettag $0x1  }
0x1: {  	s1 =	srdreg.scid  }
0x2: {  	s0 =	stileid.u32;
	s6 =	rddreg [dreg:$0x0]  }
0x3: {  	s2 =	rddreg [dreg:$0x1];
	s3 =	simm.s32 $0x0;
	s12 =	simm.s32 $0x2  }
0x4: {  	s13 =	simm.s32 $0x100;
	s14 =	simm.s32 $0x3000;
	s15 =	simm.s32 $0x1  }
0x5: {  	s16 =	simm.s32 $0x3100;
	s5 =	sand.u32 $0x1, s1;
	s9 =	smul.u32 $0x13C00, s0  }
0x6: {  	s24 =	sshll.u32 s0, $0x1;
	[smem:$0x7FF] =	sst s3;
	s10 =	smul.u32 $0x4F000, s0  }
0x7: {  	s4 =	sadd.s32 $0x4200, s6;
	s17 =	sshll.u32 s0, $0x6;
	s1 =	sor.u32 s5, s24  }
0x8: {  	s8 =	smul.u32 $0x13C000, s5;
	s26 =	ssub.s32 $0x2, s5;
	s17 =	sor.u32 $0x1C02, s17  }
0x9: {  	s7 =	smul.u32 $0x500, s1;
	s1 =	rddreg [dreg:$0x2];
	_ =	strace $0x80000056  }
0xa: {  	s28 =	sshrl.u32 s10, $0x2;
	s30 =	sshrl.u32 s26, $0x1;
	s25 =	sadd.s32 s9, s8  }
0xb: {  	s5 =	sadd.s32 s28, s2;
	s31 =	ssub.s32 s26, s30;
	s11 =	sadd.s32 s7, s6  }
0xc: {  	s7 =	sshrl.u32 s25, $0x3;
	s10 =	smax.u32 s31, $0x1;
	s18 =	sshrl.u32 s5, $0x3  }
0xd: {  	s29 =	sadd.s32 s7, s6;
	s6 =	sadd.s32 $0x8000, s5;
	s7 =	sadd.s32 $0x10000, s5  }
0xe: {  	v0 =	vimm.f32 $0.0e+00;
	s8 =	sadd.s32 $0xAC200, s11;
	s11 =	simm.s32 $0x3200;
	s9 =	sadd.s32 $0x2B400, s29  }
.LBB2_1:
0xf: {  	s19 =	simm.s32 $0x0;
	s20 =	simm.s32 $0x200  }
.LBB2_2:
0x10: {  	p0 =	sne.s32 s20, $0x1FE00;
	[tilespmem:s19+$0x3270] =	vst v0  }
0x11: {  	[tilespmem:s19+$0x3200] =	vst v0  }
0x12: {  	[tilespmem:s19+$0x3210] =	vst v0  }
.Ltmp0:
0x13: {  	[tilespmem:s19+$0x3220] =	vst v0;
	(pc) =	sbr.rel @p0 .LBB2_2-.Ltmp0, $4  }
0x14: {  	[tilespmem:s19+$0x3230] =	vst v0  }
0x15: {  	[tilespmem:s19+$0x3240] =	vst v0  }
0x16: {  	[tilespmem:s19+$0x3250] =	vst v0  }
0x17: {  	[tilespmem:s19+$0x3260] =	vst v0;
	s19 =	sshra.s32 s20, $0x2;
	s20 =	sadd.s32 $0x200, s20  }
0x18: {  	[tilespmem:s19+$0x3270] =	vst v0  }
0x19: {  	[tilespmem:s19+$0x3200] =	vst v0  }
0x1a: {  	[tilespmem:s19+$0x3210] =	vst v0  }
0x1b: {  	[tilespmem:s19+$0x3220] =	vst v0  }
0x1c: {  	[tilespmem:s19+$0x3230] =	vst v0  }
0x1d: {  	[tilespmem:s19+$0x3240] =	vst v0  }
0x1e: {  	[tilespmem:s19+$0x3250] =	vst v0  }
0x1f: {  	[tilespmem:s19+$0x3260] =	vst v0  }
0x20: {  	[spmem:s5] =	stream.linear.scatter [tilespmem:s11], [sflag:$0x2], $0x8000, $0x38;
	[tilespmem:$0x1EE00] =	vst v63  }
0x21: {  	_ =	swait.ge [sflag:s12], $0x8000  }
0x22: {  	[sflag:s12] =	ssyncset.done $0x0  }
0x23: {  	[sflag:s12] =	ssyncadd.s32 $0xFFFF8000  }
0x24: {  	[spmem:s6] =	stream.linear.scatter [tilespmem:s11], [sflag:$0x2], $0x8000, $0x38;
	[tilespmem:$0x1EE00] =	vst v63  }
0x25: {  	_ =	swait.ge [sflag:s12], $0x8000  }
0x26: {  	[sflag:s12] =	ssyncset.done $0x0  }
0x27: {  	[sflag:s12] =	ssyncadd.s32 $0xFFFF8000  }
0x28: {  	[spmem:s7] =	stream.linear.scatter [tilespmem:s11], [sflag:$0x2], $0x3C00, $0x38;
	[tilespmem:$0x1EE00] =	vst v63  }
0x29: {  	_ =	swait.ge [sflag:s12], $0x3C00  }
0x2a: {  	[sflag:s12] =	ssyncset.done $0x0  }
0x2b: {  	[sflag:s12] =	ssyncadd.s32 $0xFFFFC400  }
0x2c: {  	s19 =	simm.s32 $0x0;
	[bflag:$0x0] =	sbarrier.arrive $0xFFFF  }
0x2d: {  	[tilespmem:s19], [sflag:$0x2] =	stream.linear.gather [hbm4b:s8+s19], $0x2800, $0x38;
	[tilespmem:$0x1EE00] =	vst v63  }
0x2e: {  	_ =	swait.ge [sflag:s12], $0x2800  }
0x2f: {  	s20 =	sand.u32 $0x3800, s19;
	s21 =	sand.u32 $0x380, s19;
	[sflag:s12] =	ssyncset.done $0x0  }
0x30: {  	s20 =	sor.u32 s21, s20;
	[sflag:s12] =	ssyncadd.s32 $0xFFFFD800  }
0x31: {  	v1 =	vld [tilespmem:s20+$0x0];
	_ =	sdelay $0x4  }
0x32: {  	v2 =	vand.u32 $0xFFFF, v1  }
0x33: {  	v1 =	vshrl.u32 v1, $0x10;
	[tilespmem:$0x3000] =	vst v2  }
0x34: {  	[tilespmem:$0x3100] =	vst v1  }
0x35: {  	v1 =	vld [tilespmem:s20+$0x10];
	_ =	sdelay $0x4  }
0x36: {  	v2 =	vand.u32 $0xFFFF, v1  }
0x37: {  	v1 =	vshrl.u32 v1, $0x10;
	[tilespmem:$0x3010] =	vst v2  }
0x38: {  	[tilespmem:$0x3110] =	vst v1  }
0x39: {  	v1 =	vld [tilespmem:s20+$0x20];
	_ =	sdelay $0x4  }
0x3a: {  	v2 =	vand.u32 $0xFFFF, v1  }
0x3b: {  	v1 =	vshrl.u32 v1, $0x10;
	[tilespmem:$0x3020] =	vst v2  }
0x3c: {  	[tilespmem:$0x3120] =	vst v1  }
0x3d: {  	v1 =	vld [tilespmem:s20+$0x30];
	_ =	sdelay $0x4  }
0x3e: {  	v2 =	vand.u32 $0xFFFF, v1  }
0x3f: {  	v1 =	vshrl.u32 v1, $0x10;
	[tilespmem:$0x3030] =	vst v2  }
0x40: {  	[tilespmem:$0x3130] =	vst v1  }
0x41: {  	v1 =	vld [tilespmem:s20+$0x40];
	_ =	sdelay $0x4  }
0x42: {  	v2 =	vand.u32 $0xFFFF, v1  }
0x43: {  	v1 =	vshrl.u32 v1, $0x10;
	[tilespmem:$0x3040] =	vst v2  }
0x44: {  	[tilespmem:$0x3140] =	vst v1  }
0x45: {  	v1 =	vld [tilespmem:s20+$0x50];
	_ =	sdelay $0x4  }
0x46: {  	v2 =	vand.u32 $0xFFFF, v1  }
0x47: {  	v1 =	vshrl.u32 v1, $0x10;
	[tilespmem:$0x3050] =	vst v2  }
0x48: {  	[tilespmem:$0x3150] =	vst v1  }
0x49: {  	v1 =	vld [tilespmem:s20+$0x60];
	_ =	sdelay $0x4  }
0x4a: {  	v2 =	vand.u32 $0xFFFF, v1  }
0x4b: {  	v1 =	vshrl.u32 v1, $0x10;
	[tilespmem:$0x3060] =	vst v2  }
0x4c: {  	[tilespmem:$0x3160] =	vst v1  }
0x4d: {  	v1 =	vld [tilespmem:s20+$0x70];
	_ =	sdelay $0x4  }
0x4e: {  	v2 =	vand.u32 $0xFFFF, v1  }
0x4f: {  	v1 =	vshrl.u32 v1, $0x10;
	[tilespmem:$0x3070] =	vst v2  }
0x50: {  	[tilespmem:$0x3170] =	vst v1  }
0x51: {  	v1 =	vld [tilespmem:s20+$0x400];
	_ =	sdelay $0x4  }
0x52: {  	v2 =	vand.u32 $0xFFFF, v1  }
0x53: {  	v1 =	vshrl.u32 v1, $0x10;
	[tilespmem:$0x3080] =	vst v2  }
0x54: {  	[tilespmem:$0x3180] =	vst v1  }
0x55: {  	v1 =	vld [tilespmem:s20+$0x410];
	_ =	sdelay $0x4  }
0x56: {  	v2 =	vand.u32 $0xFFFF, v1  }
0x57: {  	v1 =	vshrl.u32 v1, $0x10;
	[tilespmem:$0x3090] =	vst v2  }
0x58: {  	[tilespmem:$0x3190] =	vst v1  }
0x59: {  	v1 =	vld [tilespmem:s20+$0x420];
	_ =	sdelay $0x4  }
0x5a: {  	v2 =	vand.u32 $0xFFFF, v1  }
0x5b: {  	v1 =	vshrl.u32 v1, $0x10;
	[tilespmem:$0x30A0] =	vst v2  }
0x5c: {  	[tilespmem:$0x31A0] =	vst v1  }
0x5d: {  	v1 =	vld [tilespmem:s20+$0x430];
	_ =	sdelay $0x4  }
0x5e: {  	v2 =	vand.u32 $0xFFFF, v1  }
0x5f: {  	v1 =	vshrl.u32 v1, $0x10;
	[tilespmem:$0x30B0] =	vst v2  }
0x60: {  	[tilespmem:$0x31B0] =	vst v1  }
0x61: {  	v1 =	vld [tilespmem:s20+$0x440];
	_ =	sdelay $0x4  }
0x62: {  	v2 =	vand.u32 $0xFFFF, v1  }
0x63: {  	v1 =	vshrl.u32 v1, $0x10;
	[tilespmem:$0x30C0] =	vst v2  }
0x64: {  	[tilespmem:$0x31C0] =	vst v1  }
0x65: {  	v1 =	vld [tilespmem:s20+$0x450];
	_ =	sdelay $0x4  }
0x66: {  	v2 =	vand.u32 $0xFFFF, v1  }
0x67: {  	v1 =	vshrl.u32 v1, $0x10;
	[tilespmem:$0x30D0] =	vst v2  }
0x68: {  	[tilespmem:$0x31D0] =	vst v1  }
0x69: {  	v1 =	vld [tilespmem:s20+$0x460];
	_ =	sdelay $0x4  }
0x6a: {  	v2 =	vand.u32 $0xFFFF, v1  }
0x6b: {  	s21 =	simm.s32 $0x100;
	v1 =	vshrl.u32 v1, $0x10;
	[tilespmem:$0x30E0] =	vst v2  }
.LBB2_4:
0x6c: {  	p0 =	sne.s32 s21, $0x2700  }
0x6d: {  	[tilespmem:$0x31E0] =	vst v1;
	s19 =	sadd.s32 $0x80, s19;
	s22 =	smov.u32 s21;
	s21 =	sadd.s32 $0x100, s21  }
0x6e: {  	v1 =	vld [tilespmem:s20+$0x470];
	_ =	sdelay $0x4  }
0x6f: {  	v2 =	vand.u32 $0xFFFF, v1;
	v1 =	vshrl.u32 v1, $0x10  }
0x70: {  	[tilespmem:$0x30F0] =	vst v2  }
0x71: {  	[tilespmem:$0x31F0] =	vst v1  }
0x72: {  	[tilespmem:s11], [sflag:$0x1] =	stream.indirect.gather [hbm4b:s4+s13], $0x80, s14, s13, $0xb8;
	[tilespmem:$0x1EE00] =	vst v63  }
0x73: {  	_ =	swait.ge [sflag:s15], $0x8000  }
0x74: {  	[sflag:s15] =	ssyncset.done $0x0  }
0x75: {  	[sflag:s15] =	ssyncadd.s32 $0xFFFF8000  }
0x76: {  	[spmem:s2] =	stream.indirect.scatter.add.f32 [tilespmem:s11], [sflag:$0x2], $0x80, s16, s13, $0xb8;
	[tilespmem:$0x1EE00] =	vst v63  }
0x77: {  	_ =	swait.ge [sflag:s12], $0x8000  }
0x78: {  	s20 =	sand.u32 $0x3800, s22;
	s22 =	sand.u32 $0x380, s19;
	[sflag:s12] =	ssyncset.done $0x0  }
0x79: {  	s20 =	sor.u32 s22, s20;
	[sflag:s12] =	ssyncadd.s32 $0xFFFF8000  }
0x7a: {  	v1 =	vld [tilespmem:s20+$0x0];
	_ =	sdelay $0x4  }
0x7b: {  	v2 =	vand.u32 $0xFFFF, v1;
	v1 =	vshrl.u32 v1, $0x10  }
0x7c: {  	[tilespmem:$0x3000] =	vst v2  }
0x7d: {  	[tilespmem:$0x3100] =	vst v1  }
0x7e: {  	v1 =	vld [tilespmem:s20+$0x10];
	_ =	sdelay $0x4  }
0x7f: {  	v2 =	vand.u32 $0xFFFF, v1;
	v1 =	vshrl.u32 v1, $0x10  }
0x80: {  	[tilespmem:$0x3010] =	vst v2  }
0x81: {  	[tilespmem:$0x3110] =	vst v1  }
0x82: {  	v1 =	vld [tilespmem:s20+$0x20];
	_ =	sdelay $0x4  }
0x83: {  	v2 =	vand.u32 $0xFFFF, v1;
	v1 =	vshrl.u32 v1, $0x10  }
0x84: {  	[tilespmem:$0x3020] =	vst v2  }
0x85: {  	[tilespmem:$0x3120] =	vst v1  }
0x86: {  	v1 =	vld [tilespmem:s20+$0x30];
	_ =	sdelay $0x4  }
0x87: {  	v2 =	vand.u32 $0xFFFF, v1;
	v1 =	vshrl.u32 v1, $0x10  }
0x88: {  	[tilespmem:$0x3030] =	vst v2  }
0x89: {  	[tilespmem:$0x3130] =	vst v1  }
0x8a: {  	v1 =	vld [tilespmem:s20+$0x40];
	_ =	sdelay $0x4  }
0x8b: {  	v2 =	vand.u32 $0xFFFF, v1;
	v1 =	vshrl.u32 v1, $0x10  }
0x8c: {  	[tilespmem:$0x3040] =	vst v2  }
0x8d: {  	[tilespmem:$0x3140] =	vst v1  }
0x8e: {  	v1 =	vld [tilespmem:s20+$0x50];
	_ =	sdelay $0x4  }
0x8f: {  	v2 =	vand.u32 $0xFFFF, v1;
	v1 =	vshrl.u32 v1, $0x10  }
0x90: {  	[tilespmem:$0x3050] =	vst v2  }
0x91: {  	[tilespmem:$0x3150] =	vst v1  }
0x92: {  	v1 =	vld [tilespmem:s20+$0x60];
	_ =	sdelay $0x4  }
0x93: {  	v2 =	vand.u32 $0xFFFF, v1;
	v1 =	vshrl.u32 v1, $0x10  }
0x94: {  	[tilespmem:$0x3060] =	vst v2  }
0x95: {  	[tilespmem:$0x3160] =	vst v1  }
0x96: {  	v1 =	vld [tilespmem:s20+$0x70];
	_ =	sdelay $0x4  }
0x97: {  	v2 =	vand.u32 $0xFFFF, v1;
	v1 =	vshrl.u32 v1, $0x10  }
0x98: {  	[tilespmem:$0x3070] =	vst v2  }
0x99: {  	[tilespmem:$0x3170] =	vst v1  }
0x9a: {  	v1 =	vld [tilespmem:s20+$0x400];
	_ =	sdelay $0x4  }
0x9b: {  	v2 =	vand.u32 $0xFFFF, v1;
	v1 =	vshrl.u32 v1, $0x10  }
0x9c: {  	[tilespmem:$0x3080] =	vst v2  }
0x9d: {  	[tilespmem:$0x3180] =	vst v1  }
0x9e: {  	v1 =	vld [tilespmem:s20+$0x410];
	_ =	sdelay $0x4  }
0x9f: {  	v2 =	vand.u32 $0xFFFF, v1;
	v1 =	vshrl.u32 v1, $0x10  }
0xa0: {  	[tilespmem:$0x3090] =	vst v2  }
0xa1: {  	[tilespmem:$0x3190] =	vst v1  }
0xa2: {  	v1 =	vld [tilespmem:s20+$0x420];
	_ =	sdelay $0x4  }
0xa3: {  	v2 =	vand.u32 $0xFFFF, v1;
	v1 =	vshrl.u32 v1, $0x10  }
0xa4: {  	[tilespmem:$0x30A0] =	vst v2  }
0xa5: {  	[tilespmem:$0x31A0] =	vst v1  }
0xa6: {  	v1 =	vld [tilespmem:s20+$0x430];
	_ =	sdelay $0x4  }
0xa7: {  	v2 =	vand.u32 $0xFFFF, v1;
	v1 =	vshrl.u32 v1, $0x10  }
0xa8: {  	[tilespmem:$0x30B0] =	vst v2  }
0xa9: {  	[tilespmem:$0x31B0] =	vst v1  }
0xaa: {  	v1 =	vld [tilespmem:s20+$0x440];
	_ =	sdelay $0x4  }
0xab: {  	v2 =	vand.u32 $0xFFFF, v1;
	v1 =	vshrl.u32 v1, $0x10  }
0xac: {  	[tilespmem:$0x30C0] =	vst v2  }
0xad: {  	[tilespmem:$0x31C0] =	vst v1  }
0xae: {  	v1 =	vld [tilespmem:s20+$0x450];
	_ =	sdelay $0x4  }
0xaf: {  	v2 =	vand.u32 $0xFFFF, v1;
	v1 =	vshrl.u32 v1, $0x10  }
0xb0: {  	[tilespmem:$0x30D0] =	vst v2  }
0xb1: {  	[tilespmem:$0x31D0] =	vst v1  }
0xb2: {  	v1 =	vld [tilespmem:s20+$0x460];
	_ =	sdelay $0x1  }
.Ltmp1:
0xb3: {  	(pc) =	sbr.rel @p0 .LBB2_4-.Ltmp1, $3  }
0xb4: {  	_ =	sdelay $0x1  }
0xb5: {  	v2 =	vand.u32 $0xFFFF, v1;
	v1 =	vshrl.u32 v1, $0x10  }
0xb6: {  	[tilespmem:$0x30E0] =	vst v2  }
0xb7: {  	[tilespmem:$0x31E0] =	vst v1  }
0xb8: {  	v1 =	vld [tilespmem:s20+$0x470];
	_ =	sdelay $0x4  }
0xb9: {  	v2 =	vand.u32 $0xFFFF, v1  }
0xba: {  	v1 =	vshrl.u32 v1, $0x10;
	[tilespmem:$0x30F0] =	vst v2  }
0xbb: {  	[tilespmem:$0x31F0] =	vst v1  }
0xbc: {  	[tilespmem:s11], [sflag:$0x1] =	stream.indirect.gather [hbm4b:s4+s13], $0x80, s14, s13, $0xb8;
	[tilespmem:$0x1EE00] =	vst v63  }
0xbd: {  	_ =	swait.ge [sflag:s15], $0x8000  }
0xbe: {  	[sflag:s15] =	ssyncset.done $0x0  }
0xbf: {  	[sflag:s15] =	ssyncadd.s32 $0xFFFF8000  }
0xc0: {  	[spmem:s2] =	stream.indirect.scatter.add.f32 [tilespmem:s11], [sflag:$0x2], $0x80, s16, s13, $0xb8;
	[tilespmem:$0x1EE00] =	vst v63  }
0xc1: {  	_ =	swait.ge [sflag:s12], $0x8000  }
0xc2: {  	s3 =	sadd.s32 $0x1, s3;
	[sflag:s12] =	ssyncset.done $0x0  }
0xc3: {  	p0 =	sne.s32 s3, s10;
	[sflag:s12] =	ssyncadd.s32 $0xFFFF8000  }
.Ltmp2:
0xc4: {  	[bflag:$0x0] =	sbarrier.arrive $0xFFFF;
	(pc) =	sbr.rel @p0 .LBB2_1-.Ltmp2, $4  }
0xc5: {  	[hbm:s9], [sflag:s17] =	dma.local [spmem:s18], $0x2780  }
0xc6: {  	_ =	swait.ge [sflag:s12], $0x2780  }
0xc7: {  	[sflag:s12] =	ssyncset.done $0x0  }
0xc8: {  	[sflag:s12] =	ssyncadd.s32 $0xFFFFD880  }
0xc9: {  	_ =	sfence.sel $0x180000  }
0xca: {  	[bflag:$0x0] =	sbarrier.arrive $0xFFFF  }
0xcb: {  	p0 =	sne.s32 s0, $0x0;
	_ =	strace $0x90000056  }
0xcc: {  	s0 =	sadd.s32 @!p0 $0x100000, s1;
	[bflag:$0x2] =	sbarrier.arrive $0xFFFF  }
0xcd: {  	[sflag:s0] =	ssyncadd.tile.s32 @!p0 $0x1;
	_ =	shalt  }
.Lfunc_end2:
_tile_overlayer_lowered:
.L_overlay_start_2:
0xce: {  	(tag) =	ssettag $0x2  }
0xcf: {  	s0 =	rddreg [dreg:$0x0];
	s2 =	stileid.u32  }
0xd0: {  	s1 =	rddreg [dreg:$0x1];
	p0 =	sne.s32 s2, $0x0  }
0xd1: {  	s3 =	rddreg [dreg:$0x2];
	[bflag:$0x3] =	sbarrier.arrive $0xFFFF;
	s2 =	simm.s32 @!p0 $0x1C02  }
0xd2: {  	[timem:s3], [sflag:s2] =	dma.local @!p0 [hbm:s0], s1  }
0xd3: {  	s0 =	simm.s32 @!p0 $0x2  }
0xd4: {  	_ =	swait.ge @!p0 [sflag:s0], s1  }
0xd5: {  	s1 =	ssub.s32 @!p0 $0x0, s1;
	[sflag:s0] =	ssyncset.done @!p0 $0x0  }
0xd6: {  	[sflag:s0] =	ssyncadd.s32 @!p0 s1  }
0xd7: {  	[bflag:$0x3] =	sbarrier.arrive $0xFFFF  }
0xd8: {  	_ =	shalt  }

</sc_bundles>
